<compile_context>
chip_gen: v7x
topology: tpu7x:2x2x1
jax: 0.10.2.dev20260603
libtpu: 0.0.44.dev20260713+nightly
codegen_flags: <defaults>
</compile_context>

<pallas_src>
import functools

import jax
import jax.numpy as jnp
from jax import lax
from jax.experimental import pallas as pl
from jax.experimental.pallas import tpu as pltpu
from jax.experimental.pallas import tpu_sc as plsc

_B, _T, _Z = 4096, 65, 128
_NW = 32
_RPW = _B // _NW
_L = 16
_CH = 32
_NCH = _RPW // _CH


def _rsqrt_fast(x):
    i = lax.bitcast_convert_type(x, jnp.int32)
    i = jnp.int32(0x5F3759DF) - (i >> 1)
    return lax.bitcast_convert_type(i, jnp.float32)


def _sc_body(dist_hbm, rx_hbm, ry_hbm, rz_hbm, zv_hbm, out_hbm,
             dist_v, rx_v, ry_v, rz_v, zv_v, out_v,
             s0, s1, s2, s3, so):
    c = lax.axis_index("c")
    s = lax.axis_index("s")
    wid = s * 2 + c
    base = wid * _RPW
    sems = (s0, s1, s2, s3)
    in_cps = []
    for g in range(_NCH):
        hsl = pl.ds(base + g * _CH, _CH)
        vsl = pl.ds(g * _CH, _CH)
        in_cps.append([
            pltpu.async_copy(src.at[hsl], dst.at[vsl], sems[g])
            for src, dst in ((dist_hbm, dist_v), (rx_hbm, rx_v),
                             (ry_hbm, ry_v), (rz_hbm, rz_v), (zv_hbm, zv_v))])

    nz = _Z // _L

    k16 = jnp.full((_L,), 16, jnp.int32)
    k32 = jnp.full((_L,), 32, jnp.int32)
    k48 = jnp.full((_L,), 48, jnp.int32)

    def ray(r, carry):
        r_s = jnp.full((_L,), r, jnp.int32)
        z = [zv_v[r, pl.ds(zi * _L, _L)] for zi in range(nz)]
        d32 = plsc.load_gather(dist_v, [r_s, k32])
        d16 = plsc.load_gather(dist_v, [r_s, k16])
        d48 = plsc.load_gather(dist_v, [r_s, k48])
        lo = [None] * nz
        for zi in range(nz):
            m1 = d32 <= z[zi]
            l1 = jnp.where(m1, 32, 0)
            dv = jnp.where(m1, d48, d16)
            lo[zi] = l1 + jnp.where(dv <= z[zi], 16, 0)
        for step in (8, 4, 2, 1):
            dp = [plsc.load_gather(dist_v, [r_s, lo[zi] + step])
                  for zi in range(nz)]
            for zi in range(nz):
                lo[zi] = jnp.where(dp[zi] <= z[zi], lo[zi] + step, lo[zi])
        for zi in range(nz):
            d0 = plsc.load_gather(dist_v, [r_s, lo[zi]])
            vpos = z[zi] - d0
            hi = lo[zi] + 1
            c0 = [plsc.load_gather(pv, [r_s, lo[zi]])
                  for pv in (rx_v, ry_v, rz_v)]
            c1 = [plsc.load_gather(pv, [r_s, hi])
                  for pv in (rx_v, ry_v, rz_v)]
            m = [c1[k] - c0[k] for k in range(3)]
            n2 = m[0] * m[0] + m[1] * m[1] + m[2] * m[2]
            scale = vpos * _rsqrt_fast(n2)
            for k in range(3):
                out_v[k, r, pl.ds(zi * _L, _L)] = c0[k] + scale * m[k]
        return carry

    out_cps = []
    for g in range(_NCH):
        for cp in in_cps[g]:
            cp.wait()
        lax.fori_loop(g * _CH, (g + 1) * _CH, ray, 0)
        hsl = pl.ds(base + g * _CH, _CH)
        vsl = pl.ds(g * _CH, _CH)
        out_cps.extend(
            pltpu.async_copy(out_v.at[k, vsl], out_hbm.at[k, hsl], so)
            for k in range(3))
    for cp in out_cps:
        cp.wait()


@functools.partial(
    pl.kernel,
    out_type=jax.ShapeDtypeStruct((3, _B, _Z), jnp.float32),
    mesh=plsc.VectorSubcoreMesh(core_axis_name="c", subcore_axis_name="s"),
    compiler_params=pltpu.CompilerParams(needs_layout_passes=False),
    scratch_types=[
        pltpu.VMEM((_RPW, _T), jnp.float32),
        pltpu.VMEM((_RPW, _T), jnp.float32),
        pltpu.VMEM((_RPW, _T), jnp.float32),
        pltpu.VMEM((_RPW, _T), jnp.float32),
        pltpu.VMEM((_RPW, _Z), jnp.float32),
        pltpu.VMEM((3, _RPW, _Z), jnp.float32),
        pltpu.SemaphoreType.DMA,
        pltpu.SemaphoreType.DMA,
        pltpu.SemaphoreType.DMA,
        pltpu.SemaphoreType.DMA,
        pltpu.SemaphoreType.DMA,
    ],
)
def _evolution_sc(dist_hbm, rx_hbm, ry_hbm, rz_hbm, zv_hbm, out_hbm,
                  dist_v, rx_v, ry_v, rz_v, zv_v, out_v, s0, s1, s2, s3, so):
    _sc_body(dist_hbm, rx_hbm, ry_hbm, rz_hbm, zv_hbm, out_hbm,
             dist_v, rx_v, ry_v, rz_v, zv_v, out_v, s0, s1, s2, s3, so)


def kernel(r_hist, distances, z_vals):
    zv = z_vals.reshape(_B, _Z)
    rx = r_hist[:, :, 0]
    ry = r_hist[:, :, 1]
    rz = r_hist[:, :, 2]
    out = _evolution_sc(distances, rx, ry, rz, zv)
    return out.transpose(1, 2, 0)

# --- scband reference (transcript-rebuilt; emitter-appended) ---
"""Pipeline reference for scband-evolution-model-57947698757730 (READ-ONLY COPY).

The authoritative reference and input builder live on the scoring server;
editing this copy changes nothing except your own understanding.
"""

import jax, jax.numpy as jnp
import numpy as np

B, T, Z = 4096, 65, 128

def setup_inputs(seed: int = 0) -> dict:
    key = jax.random.key(seed)
    k1, k2, k3 = jax.random.split(key, 3)
    r_hist = jax.random.normal(k1, (B, T, 3), dtype=jnp.float32)
    steps = jax.random.uniform(k2, (B, T), dtype=jnp.float32, minval=0.01, maxval=0.1)
    distances = jnp.cumsum(steps, axis=1) - steps[:, :1]  # cumulative arc length, starts at 0
    z_vals = jnp.sort(jax.random.uniform(k3, (B, Z, 1), dtype=jnp.float32, minval=0.001, maxval=0.5), axis=1)
    return {"r_hist": r_hist, "distances": distances, "z_vals": z_vals}

def reference(r_hist, distances, z_vals):
    # EvolutionModel.sample_rays: locate bracketing ray-history points for each depth sample
    tminusd = z_vals - distances[:, None, :]                       # [B, Z, T]
    tminusd_pos = jnp.where(tminusd < 0, 10.0, tminusd)
    tminusd_neg = jnp.where(tminusd > 0, -10.0, tminusd)
    # torch.topk(k=1, largest=False) == smallest value; largest=True == largest value
    neg_vals_pos, idx_pos = jax.lax.top_k(-tminusd_pos, 1)         # smallest non-negative residual
    vals_pos = -neg_vals_pos
    vals_neg, idx_neg = jax.lax.top_k(tminusd_neg, 1)              # largest non-positive residual
    indices = jnp.concatenate([idx_pos, idx_neg], axis=-1)        # [B, Z, 2]
    values = jnp.concatenate([vals_pos, vals_neg], axis=-1)       # [B, Z, 2]
    # gather_batch: coords[b, z, j] = r_hist[b, indices[b, z, j]]
    b_idx = jnp.arange(r_hist.shape[0])[:, None, None]
    coords = r_hist[b_idx, indices]                               # [B, Z, 2, 3]
    m = (coords[:, :, 1] - coords[:, :, 0]) / z_vals              # [B, Z, 3]
    m = m / jnp.linalg.norm(m, axis=-1, keepdims=True)
    final_coords = coords[:, :, 0] + jnp.repeat(values[..., :1], 3, axis=-1) * m
    return final_coords

if __name__ == "__main__":
    import jax
    _d = setup_inputs()
    print(jax.jit(kernel)(*tuple(_d.values())))

</pallas_src>

<mosaic_0001>
#map = affine_map<(d0, d1) -> (0, 0)>
#map1 = affine_map<(d0, d1) -> (0, 0, 0)>
module attributes {stable_mosaic.version = 14 : i64} {
  func.func @_evolution_sc(%arg0: i32, %arg1: i32, %arg2: memref<4096x65xf32, #tpu.memory_space<hbm>>, %arg3: memref<4096x65xf32, #tpu.memory_space<hbm>>, %arg4: memref<4096x65xf32, #tpu.memory_space<hbm>>, %arg5: memref<4096x65xf32, #tpu.memory_space<hbm>>, %arg6: memref<4096x128xf32, #tpu.memory_space<hbm>>, %arg7: memref<3x4096x128xf32, #tpu.memory_space<hbm>>, %arg8: memref<128x65xf32, #tpu.memory_space<vmem>>, %arg9: memref<128x65xf32, #tpu.memory_space<vmem>>, %arg10: memref<128x65xf32, #tpu.memory_space<vmem>>, %arg11: memref<128x65xf32, #tpu.memory_space<vmem>>, %arg12: memref<128x128xf32, #tpu.memory_space<vmem>>, %arg13: memref<3x128x128xf32, #tpu.memory_space<vmem>>, %arg14: memref<!tpu.dma_semaphore, #tpu.memory_space<semaphore_mem>>, %arg15: memref<!tpu.dma_semaphore, #tpu.memory_space<semaphore_mem>>, %arg16: memref<!tpu.dma_semaphore, #tpu.memory_space<semaphore_mem>>, %arg17: memref<!tpu.dma_semaphore, #tpu.memory_space<semaphore_mem>>, %arg18: memref<!tpu.dma_semaphore, #tpu.memory_space<semaphore_mem>>) attributes {dimension_semantics = [#tpu.dimension_semantics<core_parallel>, #tpu.dimension_semantics<subcore_parallel>], iteration_bounds = array<i64: 2, 16>, scalar_prefetch = 0 : i64, scratch_operands = 11 : i64, tpu.core_type = #tpu.core_type<sc_vector_subcore>, window_params = [{transform_indices = #map}, {transform_indices = #map}, {transform_indices = #map}, {transform_indices = #map}, {transform_indices = #map}, {transform_indices = #map1}]} {
    %mul3A = arith.constant 2 : i32
    %mul3A_0 = arith.muli %arg1, %mul3A : i32
    %add3A = arith.addi %mul3A_0, %arg0 : i32
    %mul3A_1 = arith.constant 128 : i32
    %mul3A_2 = arith.muli %add3A, %mul3A_1 : i32
    %add3A_3 = arith.constant 0 : i32
    %add3A_4 = arith.addi %mul3A_2, %add3A_3 : i32
    %dma_start3A = arith.constant 0 : i32
    %dma_start3A_5 = arith.constant 0 : i32
    %dma_start3A_6 = tpu.memref_slice %arg8[%dma_start3A, %dma_start3A_5] : memref<128x65xf32, #tpu.memory_space<vmem>> -> memref<32x65xf32, #tpu.memory_space<vmem>>
    %dma_start3A_7 = arith.constant 0 : i32
    %dma_start3A_8 = tpu.memref_slice %arg2[%add3A_4, %dma_start3A_7] : memref<4096x65xf32, #tpu.memory_space<hbm>> -> memref<32x65xf32, #tpu.memory_space<hbm>>
    %dma_start3A_9 = arith.constant 0 : i32
    %dma_start3A_10 = arith.constant 0 : i32
    %dma_start3A_11 = tpu.memref_slice %arg8[%dma_start3A_9, %dma_start3A_10] : memref<128x65xf32, #tpu.memory_space<vmem>> -> memref<32x65xf32, #tpu.memory_space<vmem>>
    %dma_start3A_12 = arith.constant 0 : i32
    %dma_start3A_13 = tpu.memref_slice %arg2[%add3A_4, %dma_start3A_12] : memref<4096x65xf32, #tpu.memory_space<hbm>> -> memref<32x65xf32, #tpu.memory_space<hbm>>
    tpu.enqueue_dma source(%dma_start3A_13 : memref<32x65xf32, #tpu.memory_space<hbm>>) target(%dma_start3A_11 : memref<32x65xf32, #tpu.memory_space<vmem>>) target_semaphore(%arg14 : memref<!tpu.dma_semaphore, #tpu.memory_space<semaphore_mem>>)
    %dma_start3A_14 = arith.constant 0 : i32
    %dma_start3A_15 = arith.constant 0 : i32
    %dma_start3A_16 = tpu.memref_slice %arg9[%dma_start3A_14, %dma_start3A_15] : memref<128x65xf32, #tpu.memory_space<vmem>> -> memref<32x65xf32, #tpu.memory_space<vmem>>
    %dma_start3A_17 = arith.constant 0 : i32
    %dma_start3A_18 = tpu.memref_slice %arg3[%add3A_4, %dma_start3A_17] : memref<4096x65xf32, #tpu.memory_space<hbm>> -> memref<32x65xf32, #tpu.memory_space<hbm>>
    %dma_start3A_19 = arith.constant 0 : i32
    %dma_start3A_20 = arith.constant 0 : i32
    %dma_start3A_21 = tpu.memref_slice %arg9[%dma_start3A_19, %dma_start3A_20] : memref<128x65xf32, #tpu.memory_space<vmem>> -> memref<32x65xf32, #tpu.memory_space<vmem>>
    %dma_start3A_22 = arith.constant 0 : i32
    %dma_start3A_23 = tpu.memref_slice %arg3[%add3A_4, %dma_start3A_22] : memref<4096x65xf32, #tpu.memory_space<hbm>> -> memref<32x65xf32, #tpu.memory_space<hbm>>
    tpu.enqueue_dma source(%dma_start3A_23 : memref<32x65xf32, #tpu.memory_space<hbm>>) target(%dma_start3A_21 : memref<32x65xf32, #tpu.memory_space<vmem>>) target_semaphore(%arg14 : memref<!tpu.dma_semaphore, #tpu.memory_space<semaphore_mem>>)
    %dma_start3A_24 = arith.constant 0 : i32
    %dma_start3A_25 = arith.constant 0 : i32
    %dma_start3A_26 = tpu.memref_slice %arg10[%dma_start3A_24, %dma_start3A_25] : memref<128x65xf32, #tpu.memory_space<vmem>> -> memref<32x65xf32, #tpu.memory_space<vmem>>
    %dma_start3A_27 = arith.constant 0 : i32
    %dma_start3A_28 = tpu.memref_slice %arg4[%add3A_4, %dma_start3A_27] : memref<4096x65xf32, #tpu.memory_space<hbm>> -> memref<32x65xf32, #tpu.memory_space<hbm>>
    %dma_start3A_29 = arith.constant 0 : i32
    %dma_start3A_30 = arith.constant 0 : i32
    %dma_start3A_31 = tpu.memref_slice %arg10[%dma_start3A_29, %dma_start3A_30] : memref<128x65xf32, #tpu.memory_space<vmem>> -> memref<32x65xf32, #tpu.memory_space<vmem>>
    %dma_start3A_32 = arith.constant 0 : i32
    %dma_start3A_33 = tpu.memref_slice %arg4[%add3A_4, %dma_start3A_32] : memref<4096x65xf32, #tpu.memory_space<hbm>> -> memref<32x65xf32, #tpu.memory_space<hbm>>
    tpu.enqueue_dma source(%dma_start3A_33 : memref<32x65xf32, #tpu.memory_space<hbm>>) target(%dma_start3A_31 : memref<32x65xf32, #tpu.memory_space<vmem>>) target_semaphore(%arg14 : memref<!tpu.dma_semaphore, #tpu.memory_space<semaphore_mem>>)
    %dma_start3A_34 = arith.constant 0 : i32
    %dma_start3A_35 = arith.constant 0 : i32
    %dma_start3A_36 = tpu.memref_slice %arg11[%dma_start3A_34, %dma_start3A_35] : memref<128x65xf32, #tpu.memory_space<vmem>> -> memref<32x65xf32, #tpu.memory_space<vmem>>
    %dma_start3A_37 = arith.constant 0 : i32
    %dma_start3A_38 = tpu.memref_slice %arg5[%add3A_4, %dma_start3A_37] : memref<4096x65xf32, #tpu.memory_space<hbm>> -> memref<32x65xf32, #tpu.memory_space<hbm>>
    %dma_start3A_39 = arith.constant 0 : i32
    %dma_start3A_40 = arith.constant 0 : i32
    %dma_start3A_41 = tpu.memref_slice %arg11[%dma_start3A_39, %dma_start3A_40] : memref<128x65xf32, #tpu.memory_space<vmem>> -> memref<32x65xf32, #tpu.memory_space<vmem>>
    %dma_start3A_42 = arith.constant 0 : i32
    %dma_start3A_43 = tpu.memref_slice %arg5[%add3A_4, %dma_start3A_42] : memref<4096x65xf32, #tpu.memory_space<hbm>> -> memref<32x65xf32, #tpu.memory_space<hbm>>
    tpu.enqueue_dma source(%dma_start3A_43 : memref<32x65xf32, #tpu.memory_space<hbm>>) target(%dma_start3A_41 : memref<32x65xf32, #tpu.memory_space<vmem>>) target_semaphore(%arg14 : memref<!tpu.dma_semaphore, #tpu.memory_space<semaphore_mem>>)
    %dma_start3A_44 = arith.constant 0 : i32
    %dma_start3A_45 = arith.constant 0 : i32
    %dma_start3A_46 = tpu.memref_slice %arg12[%dma_start3A_44, %dma_start3A_45] : memref<128x128xf32, #tpu.memory_space<vmem>> -> memref<32x128xf32, #tpu.memory_space<vmem>>
    %dma_start3A_47 = arith.constant 0 : i32
    %dma_start3A_48 = tpu.memref_slice %arg6[%add3A_4, %dma_start3A_47] : memref<4096x128xf32, #tpu.memory_space<hbm>> -> memref<32x128xf32, #tpu.memory_space<hbm>>
    %dma_start3A_49 = arith.constant 0 : i32
    %dma_start3A_50 = arith.constant 0 : i32
    %dma_start3A_51 = tpu.memref_slice %arg12[%dma_start3A_49, %dma_start3A_50] : memref<128x128xf32, #tpu.memory_space<vmem>> -> memref<32x128xf32, #tpu.memory_space<vmem>>
    %dma_start3A_52 = arith.constant 0 : i32
    %dma_start3A_53 = tpu.memref_slice %arg6[%add3A_4, %dma_start3A_52] : memref<4096x128xf32, #tpu.memory_space<hbm>> -> memref<32x128xf32, #tpu.memory_space<hbm>>
    tpu.enqueue_dma source(%dma_start3A_53 : memref<32x128xf32, #tpu.memory_space<hbm>>) target(%dma_start3A_51 : memref<32x128xf32, #tpu.memory_space<vmem>>) target_semaphore(%arg14 : memref<!tpu.dma_semaphore, #tpu.memory_space<semaphore_mem>>)
    %add3A_54 = arith.constant 32 : i32
    %add3A_55 = arith.addi %mul3A_2, %add3A_54 : i32
    %dma_start3A_56 = arith.constant 32 : i32
    %dma_start3A_57 = arith.constant 0 : i32
    %dma_start3A_58 = tpu.memref_slice %arg8[%dma_start3A_56, %dma_start3A_57] : memref<128x65xf32, #tpu.memory_space<vmem>> -> memref<32x65xf32, #tpu.memory_space<vmem>>
    %dma_start3A_59 = arith.constant 0 : i32
    %dma_start3A_60 = tpu.memref_slice %arg2[%add3A_55, %dma_start3A_59] : memref<4096x65xf32, #tpu.memory_space<hbm>> -> memref<32x65xf32, #tpu.memory_space<hbm>>
    %dma_start3A_61 = arith.constant 32 : i32
    %dma_start3A_62 = arith.constant 0 : i32
    %dma_start3A_63 = tpu.memref_slice %arg8[%dma_start3A_61, %dma_start3A_62] : memref<128x65xf32, #tpu.memory_space<vmem>> -> memref<32x65xf32, #tpu.memory_space<vmem>>
    %dma_start3A_64 = arith.constant 0 : i32
    %dma_start3A_65 = tpu.memref_slice %arg2[%add3A_55, %dma_start3A_64] : memref<4096x65xf32, #tpu.memory_space<hbm>> -> memref<32x65xf32, #tpu.memory_space<hbm>>
    tpu.enqueue_dma source(%dma_start3A_65 : memref<32x65xf32, #tpu.memory_space<hbm>>) target(%dma_start3A_63 : memref<32x65xf32, #tpu.memory_space<vmem>>) target_semaphore(%arg15 : memref<!tpu.dma_semaphore, #tpu.memory_space<semaphore_mem>>)
    %dma_start3A_66 = arith.constant 32 : i32
    %dma_start3A_67 = arith.constant 0 : i32
    %dma_start3A_68 = tpu.memref_slice %arg9[%dma_start3A_66, %dma_start3A_67] : memref<128x65xf32, #tpu.memory_space<vmem>> -> memref<32x65xf32, #tpu.memory_space<vmem>>
    %dma_start3A_69 = arith.constant 0 : i32
    %dma_start3A_70 = tpu.memref_slice %arg3[%add3A_55, %dma_start3A_69] : memref<4096x65xf32, #tpu.memory_space<hbm>> -> memref<32x65xf32, #tpu.memory_space<hbm>>
    %dma_start3A_71 = arith.constant 32 : i32
    %dma_start3A_72 = arith.constant 0 : i32
    %dma_start3A_73 = tpu.memref_slice %arg9[%dma_start3A_71, %dma_start3A_72] : memref<128x65xf32, #tpu.memory_space<vmem>> -> memref<32x65xf32, #tpu.memory_space<vmem>>
    %dma_start3A_74 = arith.constant 0 : i32
    %dma_start3A_75 = tpu.memref_slice %arg3[%add3A_55, %dma_start3A_74] : memref<4096x65xf32, #tpu.memory_space<hbm>> -> memref<32x65xf32, #tpu.memory_space<hbm>>
    tpu.enqueue_dma source(%dma_start3A_75 : memref<32x65xf32, #tpu.memory_space<hbm>>) target(%dma_start3A_73 : memref<32x65xf32, #tpu.memory_space<vmem>>) target_semaphore(%arg15 : memref<!tpu.dma_semaphore, #tpu.memory_space<semaphore_mem>>)
    %dma_start3A_76 = arith.constant 32 : i32
    %dma_start3A_77 = arith.constant 0 : i32
    %dma_start3A_78 = tpu.memref_slice %arg10[%dma_start3A_76, %dma_start3A_77] : memref<128x65xf32, #tpu.memory_space<vmem>> -> memref<32x65xf32, #tpu.memory_space<vmem>>
    %dma_start3A_79 = arith.constant 0 : i32
    %dma_start3A_80 = tpu.memref_slice %arg4[%add3A_55, %dma_start3A_79] : memref<4096x65xf32, #tpu.memory_space<hbm>> -> memref<32x65xf32, #tpu.memory_space<hbm>>
    %dma_start3A_81 = arith.constant 32 : i32
    %dma_start3A_82 = arith.constant 0 : i32
    %dma_start3A_83 = tpu.memref_slice %arg10[%dma_start3A_81, %dma_start3A_82] : memref<128x65xf32, #tpu.memory_space<vmem>> -> memref<32x65xf32, #tpu.memory_space<vmem>>
    %dma_start3A_84 = arith.constant 0 : i32
    %dma_start3A_85 = tpu.memref_slice %arg4[%add3A_55, %dma_start3A_84] : memref<4096x65xf32, #tpu.memory_space<hbm>> -> memref<32x65xf32, #tpu.memory_space<hbm>>
    tpu.enqueue_dma source(%dma_start3A_85 : memref<32x65xf32, #tpu.memory_space<hbm>>) target(%dma_start3A_83 : memref<32x65xf32, #tpu.memory_space<vmem>>) target_semaphore(%arg15 : memref<!tpu.dma_semaphore, #tpu.memory_space<semaphore_mem>>)
    %dma_start3A_86 = arith.constant 32 : i32
    %dma_start3A_87 = arith.constant 0 : i32
    %dma_start3A_88 = tpu.memref_slice %arg11[%dma_start3A_86, %dma_start3A_87] : memref<128x65xf32, #tpu.memory_space<vmem>> -> memref<32x65xf32, #tpu.memory_space<vmem>>
    %dma_start3A_89 = arith.constant 0 : i32
    %dma_start3A_90 = tpu.memref_slice %arg5[%add3A_55, %dma_start3A_89] : memref<4096x65xf32, #tpu.memory_space<hbm>> -> memref<32x65xf32, #tpu.memory_space<hbm>>
    %dma_start3A_91 = arith.constant 32 : i32
    %dma_start3A_92 = arith.constant 0 : i32
    %dma_start3A_93 = tpu.memref_slice %arg11[%dma_start3A_91, %dma_start3A_92] : memref<128x65xf32, #tpu.memory_space<vmem>> -> memref<32x65xf32, #tpu.memory_space<vmem>>
    %dma_start3A_94 = arith.constant 0 : i32
    %dma_start3A_95 = tpu.memref_slice %arg5[%add3A_55, %dma_start3A_94] : memref<4096x65xf32, #tpu.memory_space<hbm>> -> memref<32x65xf32, #tpu.memory_space<hbm>>
    tpu.enqueue_dma source(%dma_start3A_95 : memref<32x65xf32, #tpu.memory_space<hbm>>) target(%dma_start3A_93 : memref<32x65xf32, #tpu.memory_space<vmem>>) target_semaphore(%arg15 : memref<!tpu.dma_semaphore, #tpu.memory_space<semaphore_mem>>)
    %dma_start3A_96 = arith.constant 32 : i32
    %dma_start3A_97 = arith.constant 0 : i32
    %dma_start3A_98 = tpu.memref_slice %arg12[%dma_start3A_96, %dma_start3A_97] : memref<128x128xf32, #tpu.memory_space<vmem>> -> memref<32x128xf32, #tpu.memory_space<vmem>>
    %dma_start3A_99 = arith.constant 0 : i32
    %dma_start3A_100 = tpu.memref_slice %arg6[%add3A_55, %dma_start3A_99] : memref<4096x128xf32, #tpu.memory_space<hbm>> -> memref<32x128xf32, #tpu.memory_space<hbm>>
    %dma_start3A_101 = arith.constant 32 : i32
    %dma_start3A_102 = arith.constant 0 : i32
    %dma_start3A_103 = tpu.memref_slice %arg12[%dma_start3A_101, %dma_start3A_102] : memref<128x128xf32, #tpu.memory_space<vmem>> -> memref<32x128xf32, #tpu.memory_space<vmem>>
    %dma_start3A_104 = arith.constant 0 : i32
    %dma_start3A_105 = tpu.memref_slice %arg6[%add3A_55, %dma_start3A_104] : memref<4096x128xf32, #tpu.memory_space<hbm>> -> memref<32x128xf32, #tpu.memory_space<hbm>>
    tpu.enqueue_dma source(%dma_start3A_105 : memref<32x128xf32, #tpu.memory_space<hbm>>) target(%dma_start3A_103 : memref<32x128xf32, #tpu.memory_space<vmem>>) target_semaphore(%arg15 : memref<!tpu.dma_semaphore, #tpu.memory_space<semaphore_mem>>)
    %add3A_106 = arith.constant 64 : i32
    %add3A_107 = arith.addi %mul3A_2, %add3A_106 : i32
    %dma_start3A_108 = arith.constant 64 : i32
    %dma_start3A_109 = arith.constant 0 : i32
    %dma_start3A_110 = tpu.memref_slice %arg8[%dma_start3A_108, %dma_start3A_109] : memref<128x65xf32, #tpu.memory_space<vmem>> -> memref<32x65xf32, #tpu.memory_space<vmem>>
    %dma_start3A_111 = arith.constant 0 : i32
    %dma_start3A_112 = tpu.memref_slice %arg2[%add3A_107, %dma_start3A_111] : memref<4096x65xf32, #tpu.memory_space<hbm>> -> memref<32x65xf32, #tpu.memory_space<hbm>>
    %dma_start3A_113 = arith.constant 64 : i32
    %dma_start3A_114 = arith.constant 0 : i32
    %dma_start3A_115 = tpu.memref_slice %arg8[%dma_start3A_113, %dma_start3A_114] : memref<128x65xf32, #tpu.memory_space<vmem>> -> memref<32x65xf32, #tpu.memory_space<vmem>>
    %dma_start3A_116 = arith.constant 0 : i32
    %dma_start3A_117 = tpu.memref_slice %arg2[%add3A_107, %dma_start3A_116] : memref<4096x65xf32, #tpu.memory_space<hbm>> -> memref<32x65xf32, #tpu.memory_space<hbm>>
    tpu.enqueue_dma source(%dma_start3A_117 : memref<32x65xf32, #tpu.memory_space<hbm>>) target(%dma_start3A_115 : memref<32x65xf32, #tpu.memory_space<vmem>>) target_semaphore(%arg16 : memref<!tpu.dma_semaphore, #tpu.memory_space<semaphore_mem>>)
    %dma_start3A_118 = arith.constant 64 : i32
    %dma_start3A_119 = arith.constant 0 : i32
    %dma_start3A_120 = tpu.memref_slice %arg9[%dma_start3A_118, %dma_start3A_119] : memref<128x65xf32, #tpu.memory_space<vmem>> -> memref<32x65xf32, #tpu.memory_space<vmem>>
    %dma_start3A_121 = arith.constant 0 : i32
    %dma_start3A_122 = tpu.memref_slice %arg3[%add3A_107, %dma_start3A_121] : memref<4096x65xf32, #tpu.memory_space<hbm>> -> memref<32x65xf32, #tpu.memory_space<hbm>>
    %dma_start3A_123 = arith.constant 64 : i32
    %dma_start3A_124 = arith.constant 0 : i32
    %dma_start3A_125 = tpu.memref_slice %arg9[%dma_start3A_123, %dma_start3A_124] : memref<128x65xf32, #tpu.memory_space<vmem>> -> memref<32x65xf32, #tpu.memory_space<vmem>>
    %dma_start3A_126 = arith.constant 0 : i32
    %dma_start3A_127 = tpu.memref_slice %arg3[%add3A_107, %dma_start3A_126] : memref<4096x65xf32, #tpu.memory_space<hbm>> -> memref<32x65xf32, #tpu.memory_space<hbm>>
    tpu.enqueue_dma source(%dma_start3A_127 : memref<32x65xf32, #tpu.memory_space<hbm>>) target(%dma_start3A_125 : memref<32x65xf32, #tpu.memory_space<vmem>>) target_semaphore(%arg16 : memref<!tpu.dma_semaphore, #tpu.memory_space<semaphore_mem>>)
    %dma_start3A_128 = arith.constant 64 : i32
    %dma_start3A_129 = arith.constant 0 : i32
    %dma_start3A_130 = tpu.memref_slice %arg10[%dma_start3A_128, %dma_start3A_129] : memref<128x65xf32, #tpu.memory_space<vmem>> -> memref<32x65xf32, #tpu.memory_space<vmem>>
    %dma_start3A_131 = arith.constant 0 : i32
    %dma_start3A_132 = tpu.memref_slice %arg4[%add3A_107, %dma_start3A_131] : memref<4096x65xf32, #tpu.memory_space<hbm>> -> memref<32x65xf32, #tpu.memory_space<hbm>>
    %dma_start3A_133 = arith.constant 64 : i32
    %dma_start3A_134 = arith.constant 0 : i32
    %dma_start3A_135 = tpu.memref_slice %arg10[%dma_start3A_133, %dma_start3A_134] : memref<128x65xf32, #tpu.memory_space<vmem>> -> memref<32x65xf32, #tpu.memory_space<vmem>>
    %dma_start3A_136 = arith.constant 0 : i32
    %dma_start3A_137 = tpu.memref_slice %arg4[%add3A_107, %dma_start3A_136] : memref<4096x65xf32, #tpu.memory_space<hbm>> -> memref<32x65xf32, #tpu.memory_space<hbm>>
    tpu.enqueue_dma source(%dma_start3A_137 : memref<32x65xf32, #tpu.memory_space<hbm>>) target(%dma_start3A_135 : memref<32x65xf32, #tpu.memory_space<vmem>>) target_semaphore(%arg16 : memref<!tpu.dma_semaphore, #tpu.memory_space<semaphore_mem>>)
    %dma_start3A_138 = arith.constant 64 : i32
    %dma_start3A_139 = arith.constant 0 : i32
    %dma_start3A_140 = tpu.memref_slice %arg11[%dma_start3A_138, %dma_start3A_139] : memref<128x65xf32, #tpu.memory_space<vmem>> -> memref<32x65xf32, #tpu.memory_space<vmem>>
    %dma_start3A_141 = arith.constant 0 : i32
    %dma_start3A_142 = tpu.memref_slice %arg5[%add3A_107, %dma_start3A_141] : memref<4096x65xf32, #tpu.memory_space<hbm>> -> memref<32x65xf32, #tpu.memory_space<hbm>>
    %dma_start3A_143 = arith.constant 64 : i32
    %dma_start3A_144 = arith.constant 0 : i32
    %dma_start3A_145 = tpu.memref_slice %arg11[%dma_start3A_143, %dma_start3A_144] : memref<128x65xf32, #tpu.memory_space<vmem>> -> memref<32x65xf32, #tpu.memory_space<vmem>>
    %dma_start3A_146 = arith.constant 0 : i32
    %dma_start3A_147 = tpu.memref_slice %arg5[%add3A_107, %dma_start3A_146] : memref<4096x65xf32, #tpu.memory_space<hbm>> -> memref<32x65xf32, #tpu.memory_space<hbm>>
    tpu.enqueue_dma source(%dma_start3A_147 : memref<32x65xf32, #tpu.memory_space<hbm>>) target(%dma_start3A_145 : memref<32x65xf32, #tpu.memory_space<vmem>>) target_semaphore(%arg16 : memref<!tpu.dma_semaphore, #tpu.memory_space<semaphore_mem>>)
    %dma_start3A_148 = arith.constant 64 : i32
    %dma_start3A_149 = arith.constant 0 : i32
    %dma_start3A_150 = tpu.memref_slice %arg12[%dma_start3A_148, %dma_start3A_149] : memref<128x128xf32, #tpu.memory_space<vmem>> -> memref<32x128xf32, #tpu.memory_space<vmem>>
    %dma_start3A_151 = arith.constant 0 : i32
    %dma_start3A_152 = tpu.memref_slice %arg6[%add3A_107, %dma_start3A_151] : memref<4096x128xf32, #tpu.memory_space<hbm>> -> memref<32x128xf32, #tpu.memory_space<hbm>>
    %dma_start3A_153 = arith.constant 64 : i32
    %dma_start3A_154 = arith.constant 0 : i32
    %dma_start3A_155 = tpu.memref_slice %arg12[%dma_start3A_153, %dma_start3A_154] : memref<128x128xf32, #tpu.memory_space<vmem>> -> memref<32x128xf32, #tpu.memory_space<vmem>>
    %dma_start3A_156 = arith.constant 0 : i32
    %dma_start3A_157 = tpu.memref_slice %arg6[%add3A_107, %dma_start3A_156] : memref<4096x128xf32, #tpu.memory_space<hbm>> -> memref<32x128xf32, #tpu.memory_space<hbm>>
    tpu.enqueue_dma source(%dma_start3A_157 : memref<32x128xf32, #tpu.memory_space<hbm>>) target(%dma_start3A_155 : memref<32x128xf32, #tpu.memory_space<vmem>>) target_semaphore(%arg16 : memref<!tpu.dma_semaphore, #tpu.memory_space<semaphore_mem>>)
    %add3A_158 = arith.constant 96 : i32
    %add3A_159 = arith.addi %mul3A_2, %add3A_158 : i32
    %dma_start3A_160 = arith.constant 96 : i32
    %dma_start3A_161 = arith.constant 0 : i32
    %dma_start3A_162 = tpu.memref_slice %arg8[%dma_start3A_160, %dma_start3A_161] : memref<128x65xf32, #tpu.memory_space<vmem>> -> memref<32x65xf32, #tpu.memory_space<vmem>>
    %dma_start3A_163 = arith.constant 0 : i32
    %dma_start3A_164 = tpu.memref_slice %arg2[%add3A_159, %dma_start3A_163] : memref<4096x65xf32, #tpu.memory_space<hbm>> -> memref<32x65xf32, #tpu.memory_space<hbm>>
    %dma_start3A_165 = arith.constant 96 : i32
    %dma_start3A_166 = arith.constant 0 : i32
    %dma_start3A_167 = tpu.memref_slice %arg8[%dma_start3A_165, %dma_start3A_166] : memref<128x65xf32, #tpu.memory_space<vmem>> -> memref<32x65xf32, #tpu.memory_space<vmem>>
    %dma_start3A_168 = arith.constant 0 : i32
    %dma_start3A_169 = tpu.memref_slice %arg2[%add3A_159, %dma_start3A_168] : memref<4096x65xf32, #tpu.memory_space<hbm>> -> memref<32x65xf32, #tpu.memory_space<hbm>>
    tpu.enqueue_dma source(%dma_start3A_169 : memref<32x65xf32, #tpu.memory_space<hbm>>) target(%dma_start3A_167 : memref<32x65xf32, #tpu.memory_space<vmem>>) target_semaphore(%arg17 : memref<!tpu.dma_semaphore, #tpu.memory_space<semaphore_mem>>)
    %dma_start3A_170 = arith.constant 96 : i32
    %dma_start3A_171 = arith.constant 0 : i32
    %dma_start3A_172 = tpu.memref_slice %arg9[%dma_start3A_170, %dma_start3A_171] : memref<128x65xf32, #tpu.memory_space<vmem>> -> memref<32x65xf32, #tpu.memory_space<vmem>>
    %dma_start3A_173 = arith.constant 0 : i32
    %dma_start3A_174 = tpu.memref_slice %arg3[%add3A_159, %dma_start3A_173] : memref<4096x65xf32, #tpu.memory_space<hbm>> -> memref<32x65xf32, #tpu.memory_space<hbm>>
    %dma_start3A_175 = arith.constant 96 : i32
    %dma_start3A_176 = arith.constant 0 : i32
    %dma_start3A_177 = tpu.memref_slice %arg9[%dma_start3A_175, %dma_start3A_176] : memref<128x65xf32, #tpu.memory_space<vmem>> -> memref<32x65xf32, #tpu.memory_space<vmem>>
    %dma_start3A_178 = arith.constant 0 : i32
    %dma_start3A_179 = tpu.memref_slice %arg3[%add3A_159, %dma_start3A_178] : memref<4096x65xf32, #tpu.memory_space<hbm>> -> memref<32x65xf32, #tpu.memory_space<hbm>>
    tpu.enqueue_dma source(%dma_start3A_179 : memref<32x65xf32, #tpu.memory_space<hbm>>) target(%dma_start3A_177 : memref<32x65xf32, #tpu.memory_space<vmem>>) target_semaphore(%arg17 : memref<!tpu.dma_semaphore, #tpu.memory_space<semaphore_mem>>)
    %dma_start3A_180 = arith.constant 96 : i32
    %dma_start3A_181 = arith.constant 0 : i32
    %dma_start3A_182 = tpu.memref_slice %arg10[%dma_start3A_180, %dma_start3A_181] : memref<128x65xf32, #tpu.memory_space<vmem>> -> memref<32x65xf32, #tpu.memory_space<vmem>>
    %dma_start3A_183 = arith.constant 0 : i32
    %dma_start3A_184 = tpu.memref_slice %arg4[%add3A_159, %dma_start3A_183] : memref<4096x65xf32, #tpu.memory_space<hbm>> -> memref<32x65xf32, #tpu.memory_space<hbm>>
    %dma_start3A_185 = arith.constant 96 : i32
    %dma_start3A_186 = arith.constant 0 : i32
    %dma_start3A_187 = tpu.memref_slice %arg10[%dma_start3A_185, %dma_start3A_186] : memref<128x65xf32, #tpu.memory_space<vmem>> -> memref<32x65xf32, #tpu.memory_space<vmem>>
    %dma_start3A_188 = arith.constant 0 : i32
    %dma_start3A_189 = tpu.memref_slice %arg4[%add3A_159, %dma_start3A_188] : memref<4096x65xf32, #tpu.memory_space<hbm>> -> memref<32x65xf32, #tpu.memory_space<hbm>>
    tpu.enqueue_dma source(%dma_start3A_189 : memref<32x65xf32, #tpu.memory_space<hbm>>) target(%dma_start3A_187 : memref<32x65xf32, #tpu.memory_space<vmem>>) target_semaphore(%arg17 : memref<!tpu.dma_semaphore, #tpu.memory_space<semaphore_mem>>)
    %dma_start3A_190 = arith.constant 96 : i32
    %dma_start3A_191 = arith.constant 0 : i32
    %dma_start3A_192 = tpu.memref_slice %arg11[%dma_start3A_190, %dma_start3A_191] : memref<128x65xf32, #tpu.memory_space<vmem>> -> memref<32x65xf32, #tpu.memory_space<vmem>>
    %dma_start3A_193 = arith.constant 0 : i32
    %dma_start3A_194 = tpu.memref_slice %arg5[%add3A_159, %dma_start3A_193] : memref<4096x65xf32, #tpu.memory_space<hbm>> -> memref<32x65xf32, #tpu.memory_space<hbm>>
    %dma_start3A_195 = arith.constant 96 : i32
    %dma_start3A_196 = arith.constant 0 : i32
    %dma_start3A_197 = tpu.memref_slice %arg11[%dma_start3A_195, %dma_start3A_196] : memref<128x65xf32, #tpu.memory_space<vmem>> -> memref<32x65xf32, #tpu.memory_space<vmem>>
    %dma_start3A_198 = arith.constant 0 : i32
    %dma_start3A_199 = tpu.memref_slice %arg5[%add3A_159, %dma_start3A_198] : memref<4096x65xf32, #tpu.memory_space<hbm>> -> memref<32x65xf32, #tpu.memory_space<hbm>>
    tpu.enqueue_dma source(%dma_start3A_199 : memref<32x65xf32, #tpu.memory_space<hbm>>) target(%dma_start3A_197 : memref<32x65xf32, #tpu.memory_space<vmem>>) target_semaphore(%arg17 : memref<!tpu.dma_semaphore, #tpu.memory_space<semaphore_mem>>)
    %dma_start3A_200 = arith.constant 96 : i32
    %dma_start3A_201 = arith.constant 0 : i32
    %dma_start3A_202 = tpu.memref_slice %arg12[%dma_start3A_200, %dma_start3A_201] : memref<128x128xf32, #tpu.memory_space<vmem>> -> memref<32x128xf32, #tpu.memory_space<vmem>>
    %dma_start3A_203 = arith.constant 0 : i32
    %dma_start3A_204 = tpu.memref_slice %arg6[%add3A_159, %dma_start3A_203] : memref<4096x128xf32, #tpu.memory_space<hbm>> -> memref<32x128xf32, #tpu.memory_space<hbm>>
    %dma_start3A_205 = arith.constant 96 : i32
    %dma_start3A_206 = arith.constant 0 : i32
    %dma_start3A_207 = tpu.memref_slice %arg12[%dma_start3A_205, %dma_start3A_206] : memref<128x128xf32, #tpu.memory_space<vmem>> -> memref<32x128xf32, #tpu.memory_space<vmem>>
    %dma_start3A_208 = arith.constant 0 : i32
    %dma_start3A_209 = tpu.memref_slice %arg6[%add3A_159, %dma_start3A_208] : memref<4096x128xf32, #tpu.memory_space<hbm>> -> memref<32x128xf32, #tpu.memory_space<hbm>>
    tpu.enqueue_dma source(%dma_start3A_209 : memref<32x128xf32, #tpu.memory_space<hbm>>) target(%dma_start3A_207 : memref<32x128xf32, #tpu.memory_space<vmem>>) target_semaphore(%arg17 : memref<!tpu.dma_semaphore, #tpu.memory_space<semaphore_mem>>)
    %broadcast_in_dim3A = arith.constant 16 : i32
    %broadcast_in_dim3A_210 = vector.broadcast %broadcast_in_dim3A : i32 to vector<16xi32>
    %broadcast_in_dim3A_211 = arith.constant 32 : i32
    %broadcast_in_dim3A_212 = vector.broadcast %broadcast_in_dim3A_211 : i32 to vector<16xi32>
    %broadcast_in_dim3A_213 = arith.constant 48 : i32
    %broadcast_in_dim3A_214 = vector.broadcast %broadcast_in_dim3A_213 : i32 to vector<16xi32>
    %dma_wait3A = arith.constant 0 : i32
    %dma_wait3A_215 = arith.constant 0 : i32
    %dma_wait3A_216 = tpu.memref_slice %arg8[%dma_wait3A, %dma_wait3A_215] : memref<128x65xf32, #tpu.memory_space<vmem>> -> memref<32x65xf32, #tpu.memory_space<vmem>>
    %dma_wait3A_217 = arith.constant 0 : i32
    %dma_wait3A_218 = tpu.memref_slice %arg2[%add3A_4, %dma_wait3A_217] : memref<4096x65xf32, #tpu.memory_space<hbm>> -> memref<32x65xf32, #tpu.memory_space<hbm>>
    %dma_wait3A_219 = arith.constant 0 : i32
    %dma_wait3A_220 = arith.constant 0 : i32
    %dma_wait3A_221 = tpu.memref_slice %arg8[%dma_wait3A_219, %dma_wait3A_220] : memref<128x65xf32, #tpu.memory_space<vmem>> -> memref<32x65xf32, #tpu.memory_space<vmem>>
    %dma_wait3A_222 = arith.constant 0 : i32
    %dma_wait3A_223 = tpu.memref_slice %arg2[%add3A_4, %dma_wait3A_222] : memref<4096x65xf32, #tpu.memory_space<hbm>> -> memref<32x65xf32, #tpu.memory_space<hbm>>
    tpu.wait_dma2 semaphore(%arg14 : memref<!tpu.dma_semaphore, #tpu.memory_space<semaphore_mem>>) src(%dma_wait3A_223 : memref<32x65xf32, #tpu.memory_space<hbm>>) dst(%dma_wait3A_221 : memref<32x65xf32, #tpu.memory_space<vmem>>)
    %dma_wait3A_224 = arith.constant 0 : i32
    %dma_wait3A_225 = arith.constant 0 : i32
    %dma_wait3A_226 = tpu.memref_slice %arg9[%dma_wait3A_224, %dma_wait3A_225] : memref<128x65xf32, #tpu.memory_space<vmem>> -> memref<32x65xf32, #tpu.memory_space<vmem>>
    %dma_wait3A_227 = arith.constant 0 : i32
    %dma_wait3A_228 = tpu.memref_slice %arg3[%add3A_4, %dma_wait3A_227] : memref<4096x65xf32, #tpu.memory_space<hbm>> -> memref<32x65xf32, #tpu.memory_space<hbm>>
    %dma_wait3A_229 = arith.constant 0 : i32
    %dma_wait3A_230 = arith.constant 0 : i32
    %dma_wait3A_231 = tpu.memref_slice %arg9[%dma_wait3A_229, %dma_wait3A_230] : memref<128x65xf32, #tpu.memory_space<vmem>> -> memref<32x65xf32, #tpu.memory_space<vmem>>
    %dma_wait3A_232 = arith.constant 0 : i32
    %dma_wait3A_233 = tpu.memref_slice %arg3[%add3A_4, %dma_wait3A_232] : memref<4096x65xf32, #tpu.memory_space<hbm>> -> memref<32x65xf32, #tpu.memory_space<hbm>>
    tpu.wait_dma2 semaphore(%arg14 : memref<!tpu.dma_semaphore, #tpu.memory_space<semaphore_mem>>) src(%dma_wait3A_233 : memref<32x65xf32, #tpu.memory_space<hbm>>) dst(%dma_wait3A_231 : memref<32x65xf32, #tpu.memory_space<vmem>>)
    %dma_wait3A_234 = arith.constant 0 : i32
    %dma_wait3A_235 = arith.constant 0 : i32
    %dma_wait3A_236 = tpu.memref_slice %arg10[%dma_wait3A_234, %dma_wait3A_235] : memref<128x65xf32, #tpu.memory_space<vmem>> -> memref<32x65xf32, #tpu.memory_space<vmem>>
    %dma_wait3A_237 = arith.constant 0 : i32
    %dma_wait3A_238 = tpu.memref_slice %arg4[%add3A_4, %dma_wait3A_237] : memref<4096x65xf32, #tpu.memory_space<hbm>> -> memref<32x65xf32, #tpu.memory_space<hbm>>
    %dma_wait3A_239 = arith.constant 0 : i32
    %dma_wait3A_240 = arith.constant 0 : i32
    %dma_wait3A_241 = tpu.memref_slice %arg10[%dma_wait3A_239, %dma_wait3A_240] : memref<128x65xf32, #tpu.memory_space<vmem>> -> memref<32x65xf32, #tpu.memory_space<vmem>>
    %dma_wait3A_242 = arith.constant 0 : i32
    %dma_wait3A_243 = tpu.memref_slice %arg4[%add3A_4, %dma_wait3A_242] : memref<4096x65xf32, #tpu.memory_space<hbm>> -> memref<32x65xf32, #tpu.memory_space<hbm>>
    tpu.wait_dma2 semaphore(%arg14 : memref<!tpu.dma_semaphore, #tpu.memory_space<semaphore_mem>>) src(%dma_wait3A_243 : memref<32x65xf32, #tpu.memory_space<hbm>>) dst(%dma_wait3A_241 : memref<32x65xf32, #tpu.memory_space<vmem>>)
    %dma_wait3A_244 = arith.constant 0 : i32
    %dma_wait3A_245 = arith.constant 0 : i32
    %dma_wait3A_246 = tpu.memref_slice %arg11[%dma_wait3A_244, %dma_wait3A_245] : memref<128x65xf32, #tpu.memory_space<vmem>> -> memref<32x65xf32, #tpu.memory_space<vmem>>
    %dma_wait3A_247 = arith.constant 0 : i32
    %dma_wait3A_248 = tpu.memref_slice %arg5[%add3A_4, %dma_wait3A_247] : memref<4096x65xf32, #tpu.memory_space<hbm>> -> memref<32x65xf32, #tpu.memory_space<hbm>>
    %dma_wait3A_249 = arith.constant 0 : i32
    %dma_wait3A_250 = arith.constant 0 : i32
    %dma_wait3A_251 = tpu.memref_slice %arg11[%dma_wait3A_249, %dma_wait3A_250] : memref<128x65xf32, #tpu.memory_space<vmem>> -> memref<32x65xf32, #tpu.memory_space<vmem>>
    %dma_wait3A_252 = arith.constant 0 : i32
    %dma_wait3A_253 = tpu.memref_slice %arg5[%add3A_4, %dma_wait3A_252] : memref<4096x65xf32, #tpu.memory_space<hbm>> -> memref<32x65xf32, #tpu.memory_space<hbm>>
    tpu.wait_dma2 semaphore(%arg14 : memref<!tpu.dma_semaphore, #tpu.memory_space<semaphore_mem>>) src(%dma_wait3A_253 : memref<32x65xf32, #tpu.memory_space<hbm>>) dst(%dma_wait3A_251 : memref<32x65xf32, #tpu.memory_space<vmem>>)
    %dma_wait3A_254 = arith.constant 0 : i32
    %dma_wait3A_255 = arith.constant 0 : i32
    %dma_wait3A_256 = tpu.memref_slice %arg12[%dma_wait3A_254, %dma_wait3A_255] : memref<128x128xf32, #tpu.memory_space<vmem>> -> memref<32x128xf32, #tpu.memory_space<vmem>>
    %dma_wait3A_257 = arith.constant 0 : i32
    %dma_wait3A_258 = tpu.memref_slice %arg6[%add3A_4, %dma_wait3A_257] : memref<4096x128xf32, #tpu.memory_space<hbm>> -> memref<32x128xf32, #tpu.memory_space<hbm>>
    %dma_wait3A_259 = arith.constant 0 : i32
    %dma_wait3A_260 = arith.constant 0 : i32
    %dma_wait3A_261 = tpu.memref_slice %arg12[%dma_wait3A_259, %dma_wait3A_260] : memref<128x128xf32, #tpu.memory_space<vmem>> -> memref<32x128xf32, #tpu.memory_space<vmem>>
    %dma_wait3A_262 = arith.constant 0 : i32
    %dma_wait3A_263 = tpu.memref_slice %arg6[%add3A_4, %dma_wait3A_262] : memref<4096x128xf32, #tpu.memory_space<hbm>> -> memref<32x128xf32, #tpu.memory_space<hbm>>
    tpu.wait_dma2 semaphore(%arg14 : memref<!tpu.dma_semaphore, #tpu.memory_space<semaphore_mem>>) src(%dma_wait3A_263 : memref<32x128xf32, #tpu.memory_space<hbm>>) dst(%dma_wait3A_261 : memref<32x128xf32, #tpu.memory_space<vmem>>)
    %scan3A = arith.constant 0 : i32
    %scan3A_264 = arith.constant 0 : i32
    %scan3A_265 = arith.constant 32 : i32
    %scan3A_266 = arith.addi %scan3A_264, %scan3A_265 : i32
    %scan3A_267 = arith.constant 1 : i32
    scf.for %scan3A_829 = %scan3A_264 to %scan3A_266 step %scan3A_267  : i32 {
      %broadcast_in_dim3A_830 = vector.broadcast %scan3A_829 : i32 to vector<16xi32>
      %get3A = arith.index_cast %scan3A_829 : i32 to index
      %get3A_831 = arith.constant 0 : index
      %get3A_832 = tpu.vector_load %arg12[%get3A, %get3A_831] {strides = array<i32>} : memref<128x128xf32, #tpu.memory_space<vmem>>, vector<16xf32>,
      %get3A_833 = arith.index_cast %scan3A_829 : i32 to index
      %get3A_834 = arith.constant 16 : index
      %get3A_835 = tpu.vector_load %arg12[%get3A_833, %get3A_834] {strides = array<i32>} : memref<128x128xf32, #tpu.memory_space<vmem>>, vector<16xf32>,
      %get3A_836 = arith.index_cast %scan3A_829 : i32 to index
      %get3A_837 = arith.constant 32 : index
      %get3A_838 = tpu.vector_load %arg12[%get3A_836, %get3A_837] {strides = array<i32>} : memref<128x128xf32, #tpu.memory_space<vmem>>, vector<16xf32>,
      %get3A_839 = arith.index_cast %scan3A_829 : i32 to index
      %get3A_840 = arith.constant 48 : index
      %get3A_841 = tpu.vector_load %arg12[%get3A_839, %get3A_840] {strides = array<i32>} : memref<128x128xf32, #tpu.memory_space<vmem>>, vector<16xf32>,
      %get3A_842 = arith.index_cast %scan3A_829 : i32 to index
      %get3A_843 = arith.constant 64 : index
      %get3A_844 = tpu.vector_load %arg12[%get3A_842, %get3A_843] {strides = array<i32>} : memref<128x128xf32, #tpu.memory_space<vmem>>, vector<16xf32>,
      %get3A_845 = arith.index_cast %scan3A_829 : i32 to index
      %get3A_846 = arith.constant 80 : index
      %get3A_847 = tpu.vector_load %arg12[%get3A_845, %get3A_846] {strides = array<i32>} : memref<128x128xf32, #tpu.memory_space<vmem>>, vector<16xf32>,
      %get3A_848 = arith.index_cast %scan3A_829 : i32 to index
      %get3A_849 = arith.constant 96 : index
      %get3A_850 = tpu.vector_load %arg12[%get3A_848, %get3A_849] {strides = array<i32>} : memref<128x128xf32, #tpu.memory_space<vmem>>, vector<16xf32>,
      %get3A_851 = arith.index_cast %scan3A_829 : i32 to index
      %get3A_852 = arith.constant 112 : index
      %get3A_853 = tpu.vector_load %arg12[%get3A_851, %get3A_852] {strides = array<i32>} : memref<128x128xf32, #tpu.memory_space<vmem>>, vector<16xf32>,
      %gather3A = tpu.vector_load_idx %arg8[%broadcast_in_dim3A_830, %broadcast_in_dim3A_212] : memref<128x65xf32, #tpu.memory_space<vmem>>[vector<16xi32>, vector<16xi32>], vector<16xf32>,
      %gather3A_854 = tpu.vector_load_idx %arg8[%broadcast_in_dim3A_830, %broadcast_in_dim3A_210] : memref<128x65xf32, #tpu.memory_space<vmem>>[vector<16xi32>, vector<16xi32>], vector<16xf32>,
      %gather3A_855 = tpu.vector_load_idx %arg8[%broadcast_in_dim3A_830, %broadcast_in_dim3A_214] : memref<128x65xf32, #tpu.memory_space<vmem>>[vector<16xi32>, vector<16xi32>], vector<16xf32>,
      %le3A = arith.cmpf ole, %gather3A, %get3A_832 : vector<16xf32>
      %jit3A = arith.constant 32 : i32
      %jit3A_856 = arith.constant 0 : i32
      %broadcast_in_dim3A_857 = vector.broadcast %jit3A : i32 to vector<16xi32>
      %broadcast_in_dim3A_858 = vector.broadcast %jit3A_856 : i32 to vector<16xi32>
      %select_n3A = arith.select %le3A, %broadcast_in_dim3A_857, %broadcast_in_dim3A_858 : vector<16xi1>, vector<16xi32>
      %select_n3A_859 = arith.select %le3A, %gather3A_855, %gather3A_854 : vector<16xi1>, vector<16xf32>
      %le3A_860 = arith.cmpf ole, %select_n3A_859, %get3A_832 : vector<16xf32>
      %jit3A_861 = arith.constant 16 : i32
      %jit3A_862 = arith.constant 0 : i32
      %broadcast_in_dim3A_863 = vector.broadcast %jit3A_861 : i32 to vector<16xi32>
      %broadcast_in_dim3A_864 = vector.broadcast %jit3A_862 : i32 to vector<16xi32>
      %select_n3A_865 = arith.select %le3A_860, %broadcast_in_dim3A_863, %broadcast_in_dim3A_864 : vector<16xi1>, vector<16xi32>
      %add3A_866 = arith.addi %select_n3A, %select_n3A_865 : vector<16xi32>
      %le3A_867 = arith.cmpf ole, %gather3A, %get3A_835 : vector<16xf32>
      %jit3A_868 = arith.constant 32 : i32
      %jit3A_869 = arith.constant 0 : i32
      %broadcast_in_dim3A_870 = vector.broadcast %jit3A_868 : i32 to vector<16xi32>
      %broadcast_in_dim3A_871 = vector.broadcast %jit3A_869 : i32 to vector<16xi32>
      %select_n3A_872 = arith.select %le3A_867, %broadcast_in_dim3A_870, %broadcast_in_dim3A_871 : vector<16xi1>, vector<16xi32>
      %select_n3A_873 = arith.select %le3A_867, %gather3A_855, %gather3A_854 : vector<16xi1>, vector<16xf32>
      %le3A_874 = arith.cmpf ole, %select_n3A_873, %get3A_835 : vector<16xf32>
      %jit3A_875 = arith.constant 16 : i32
      %jit3A_876 = arith.constant 0 : i32
      %broadcast_in_dim3A_877 = vector.broadcast %jit3A_875 : i32 to vector<16xi32>
      %broadcast_in_dim3A_878 = vector.broadcast %jit3A_876 : i32 to vector<16xi32>
      %select_n3A_879 = arith.select %le3A_874, %broadcast_in_dim3A_877, %broadcast_in_dim3A_878 : vector<16xi1>, vector<16xi32>
      %add3A_880 = arith.addi %select_n3A_872, %select_n3A_879 : vector<16xi32>
      %le3A_881 = arith.cmpf ole, %gather3A, %get3A_838 : vector<16xf32>
      %jit3A_882 = arith.constant 32 : i32
      %jit3A_883 = arith.constant 0 : i32
      %broadcast_in_dim3A_884 = vector.broadcast %jit3A_882 : i32 to vector<16xi32>
      %broadcast_in_dim3A_885 = vector.broadcast %jit3A_883 : i32 to vector<16xi32>
      %select_n3A_886 = arith.select %le3A_881, %broadcast_in_dim3A_884, %broadcast_in_dim3A_885 : vector<16xi1>, vector<16xi32>
      %select_n3A_887 = arith.select %le3A_881, %gather3A_855, %gather3A_854 : vector<16xi1>, vector<16xf32>
      %le3A_888 = arith.cmpf ole, %select_n3A_887, %get3A_838 : vector<16xf32>
      %jit3A_889 = arith.constant 16 : i32
      %jit3A_890 = arith.constant 0 : i32
      %broadcast_in_dim3A_891 = vector.broadcast %jit3A_889 : i32 to vector<16xi32>
      %broadcast_in_dim3A_892 = vector.broadcast %jit3A_890 : i32 to vector<16xi32>
      %select_n3A_893 = arith.select %le3A_888, %broadcast_in_dim3A_891, %broadcast_in_dim3A_892 : vector<16xi1>, vector<16xi32>
      %add3A_894 = arith.addi %select_n3A_886, %select_n3A_893 : vector<16xi32>
      %le3A_895 = arith.cmpf ole, %gather3A, %get3A_841 : vector<16xf32>
      %jit3A_896 = arith.constant 32 : i32
      %jit3A_897 = arith.constant 0 : i32
      %broadcast_in_dim3A_898 = vector.broadcast %jit3A_896 : i32 to vector<16xi32>
      %broadcast_in_dim3A_899 = vector.broadcast %jit3A_897 : i32 to vector<16xi32>
      %select_n3A_900 = arith.select %le3A_895, %broadcast_in_dim3A_898, %broadcast_in_dim3A_899 : vector<16xi1>, vector<16xi32>
      %select_n3A_901 = arith.select %le3A_895, %gather3A_855, %gather3A_854 : vector<16xi1>, vector<16xf32>
      %le3A_902 = arith.cmpf ole, %select_n3A_901, %get3A_841 : vector<16xf32>
      %jit3A_903 = arith.constant 16 : i32
      %jit3A_904 = arith.constant 0 : i32
      %broadcast_in_dim3A_905 = vector.broadcast %jit3A_903 : i32 to vector<16xi32>
      %broadcast_in_dim3A_906 = vector.broadcast %jit3A_904 : i32 to vector<16xi32>
      %select_n3A_907 = arith.select %le3A_902, %broadcast_in_dim3A_905, %broadcast_in_dim3A_906 : vector<16xi1>, vector<16xi32>
      %add3A_908 = arith.addi %select_n3A_900, %select_n3A_907 : vector<16xi32>
      %le3A_909 = arith.cmpf ole, %gather3A, %get3A_844 : vector<16xf32>
      %jit3A_910 = arith.constant 32 : i32
      %jit3A_911 = arith.constant 0 : i32
      %broadcast_in_dim3A_912 = vector.broadcast %jit3A_910 : i32 to vector<16xi32>
      %broadcast_in_dim3A_913 = vector.broadcast %jit3A_911 : i32 to vector<16xi32>
      %select_n3A_914 = arith.select %le3A_909, %broadcast_in_dim3A_912, %broadcast_in_dim3A_913 : vector<16xi1>, vector<16xi32>
      %select_n3A_915 = arith.select %le3A_909, %gather3A_855, %gather3A_854 : vector<16xi1>, vector<16xf32>
      %le3A_916 = arith.cmpf ole, %select_n3A_915, %get3A_844 : vector<16xf32>
      %jit3A_917 = arith.constant 16 : i32
      %jit3A_918 = arith.constant 0 : i32
      %broadcast_in_dim3A_919 = vector.broadcast %jit3A_917 : i32 to vector<16xi32>
      %broadcast_in_dim3A_920 = vector.broadcast %jit3A_918 : i32 to vector<16xi32>
      %select_n3A_921 = arith.select %le3A_916, %broadcast_in_dim3A_919, %broadcast_in_dim3A_920 : vector<16xi1>, vector<16xi32>
      %add3A_922 = arith.addi %select_n3A_914, %select_n3A_921 : vector<16xi32>
      %le3A_923 = arith.cmpf ole, %gather3A, %get3A_847 : vector<16xf32>
      %jit3A_924 = arith.constant 32 : i32
      %jit3A_925 = arith.constant 0 : i32
      %broadcast_in_dim3A_926 = vector.broadcast %jit3A_924 : i32 to vector<16xi32>
      %broadcast_in_dim3A_927 = vector.broadcast %jit3A_925 : i32 to vector<16xi32>
      %select_n3A_928 = arith.select %le3A_923, %broadcast_in_dim3A_926, %broadcast_in_dim3A_927 : vector<16xi1>, vector<16xi32>
      %select_n3A_929 = arith.select %le3A_923, %gather3A_855, %gather3A_854 : vector<16xi1>, vector<16xf32>
      %le3A_930 = arith.cmpf ole, %select_n3A_929, %get3A_847 : vector<16xf32>
      %jit3A_931 = arith.constant 16 : i32
      %jit3A_932 = arith.constant 0 : i32
      %broadcast_in_dim3A_933 = vector.broadcast %jit3A_931 : i32 to vector<16xi32>
      %broadcast_in_dim3A_934 = vector.broadcast %jit3A_932 : i32 to vector<16xi32>
      %select_n3A_935 = arith.select %le3A_930, %broadcast_in_dim3A_933, %broadcast_in_dim3A_934 : vector<16xi1>, vector<16xi32>
      %add3A_936 = arith.addi %select_n3A_928, %select_n3A_935 : vector<16xi32>
      %le3A_937 = arith.cmpf ole, %gather3A, %get3A_850 : vector<16xf32>
      %jit3A_938 = arith.constant 32 : i32
      %jit3A_939 = arith.constant 0 : i32
      %broadcast_in_dim3A_940 = vector.broadcast %jit3A_938 : i32 to vector<16xi32>
      %broadcast_in_dim3A_941 = vector.broadcast %jit3A_939 : i32 to vector<16xi32>
      %select_n3A_942 = arith.select %le3A_937, %broadcast_in_dim3A_940, %broadcast_in_dim3A_941 : vector<16xi1>, vector<16xi32>
      %select_n3A_943 = arith.select %le3A_937, %gather3A_855, %gather3A_854 : vector<16xi1>, vector<16xf32>
      %le3A_944 = arith.cmpf ole, %select_n3A_943, %get3A_850 : vector<16xf32>
      %jit3A_945 = arith.constant 16 : i32
      %jit3A_946 = arith.constant 0 : i32
      %broadcast_in_dim3A_947 = vector.broadcast %jit3A_945 : i32 to vector<16xi32>
      %broadcast_in_dim3A_948 = vector.broadcast %jit3A_946 : i32 to vector<16xi32>
      %select_n3A_949 = arith.select %le3A_944, %broadcast_in_dim3A_947, %broadcast_in_dim3A_948 : vector<16xi1>, vector<16xi32>
      %add3A_950 = arith.addi %select_n3A_942, %select_n3A_949 : vector<16xi32>
      %le3A_951 = arith.cmpf ole, %gather3A, %get3A_853 : vector<16xf32>
      %jit3A_952 = arith.constant 32 : i32
      %jit3A_953 = arith.constant 0 : i32
      %broadcast_in_dim3A_954 = vector.broadcast %jit3A_952 : i32 to vector<16xi32>
      %broadcast_in_dim3A_955 = vector.broadcast %jit3A_953 : i32 to vector<16xi32>
      %select_n3A_956 = arith.select %le3A_951, %broadcast_in_dim3A_954, %broadcast_in_dim3A_955 : vector<16xi1>, vector<16xi32>
      %select_n3A_957 = arith.select %le3A_951, %gather3A_855, %gather3A_854 : vector<16xi1>, vector<16xf32>
      %le3A_958 = arith.cmpf ole, %select_n3A_957, %get3A_853 : vector<16xf32>
      %jit3A_959 = arith.constant 16 : i32
      %jit3A_960 = arith.constant 0 : i32
      %broadcast_in_dim3A_961 = vector.broadcast %jit3A_959 : i32 to vector<16xi32>
      %broadcast_in_dim3A_962 = vector.broadcast %jit3A_960 : i32 to vector<16xi32>
      %select_n3A_963 = arith.select %le3A_958, %broadcast_in_dim3A_961, %broadcast_in_dim3A_962 : vector<16xi1>, vector<16xi32>
      %add3A_964 = arith.addi %select_n3A_956, %select_n3A_963 : vector<16xi32>
      %add3A_965 = arith.constant 8 : i32
      %add3A_966 = vector.broadcast %add3A_965 : i32 to vector<16xi32>
      %add3A_967 = arith.addi %add3A_866, %add3A_966 : vector<16xi32>
      %gather3A_968 = tpu.vector_load_idx %arg8[%broadcast_in_dim3A_830, %add3A_967] : memref<128x65xf32, #tpu.memory_space<vmem>>[vector<16xi32>, vector<16xi32>], vector<16xf32>,
      %add3A_969 = arith.constant 8 : i32
      %add3A_970 = vector.broadcast %add3A_969 : i32 to vector<16xi32>
      %add3A_971 = arith.addi %add3A_880, %add3A_970 : vector<16xi32>
      %gather3A_972 = tpu.vector_load_idx %arg8[%broadcast_in_dim3A_830, %add3A_971] : memref<128x65xf32, #tpu.memory_space<vmem>>[vector<16xi32>, vector<16xi32>], vector<16xf32>,
      %add3A_973 = arith.constant 8 : i32
      %add3A_974 = vector.broadcast %add3A_973 : i32 to vector<16xi32>
      %add3A_975 = arith.addi %add3A_894, %add3A_974 : vector<16xi32>
      %gather3A_976 = tpu.vector_load_idx %arg8[%broadcast_in_dim3A_830, %add3A_975] : memref<128x65xf32, #tpu.memory_space<vmem>>[vector<16xi32>, vector<16xi32>], vector<16xf32>,
      %add3A_977 = arith.constant 8 : i32
      %add3A_978 = vector.broadcast %add3A_977 : i32 to vector<16xi32>
      %add3A_979 = arith.addi %add3A_908, %add3A_978 : vector<16xi32>
      %gather3A_980 = tpu.vector_load_idx %arg8[%broadcast_in_dim3A_830, %add3A_979] : memref<128x65xf32, #tpu.memory_space<vmem>>[vector<16xi32>, vector<16xi32>], vector<16xf32>,
      %add3A_981 = arith.constant 8 : i32
      %add3A_982 = vector.broadcast %add3A_981 : i32 to vector<16xi32>
      %add3A_983 = arith.addi %add3A_922, %add3A_982 : vector<16xi32>
      %gather3A_984 = tpu.vector_load_idx %arg8[%broadcast_in_dim3A_830, %add3A_983] : memref<128x65xf32, #tpu.memory_space<vmem>>[vector<16xi32>, vector<16xi32>], vector<16xf32>,
      %add3A_985 = arith.constant 8 : i32
      %add3A_986 = vector.broadcast %add3A_985 : i32 to vector<16xi32>
      %add3A_987 = arith.addi %add3A_936, %add3A_986 : vector<16xi32>
      %gather3A_988 = tpu.vector_load_idx %arg8[%broadcast_in_dim3A_830, %add3A_987] : memref<128x65xf32, #tpu.memory_space<vmem>>[vector<16xi32>, vector<16xi32>], vector<16xf32>,
      %add3A_989 = arith.constant 8 : i32
      %add3A_990 = vector.broadcast %add3A_989 : i32 to vector<16xi32>
      %add3A_991 = arith.addi %add3A_950, %add3A_990 : vector<16xi32>
      %gather3A_992 = tpu.vector_load_idx %arg8[%broadcast_in_dim3A_830, %add3A_991] : memref<128x65xf32, #tpu.memory_space<vmem>>[vector<16xi32>, vector<16xi32>], vector<16xf32>,
      %add3A_993 = arith.constant 8 : i32
      %add3A_994 = vector.broadcast %add3A_993 : i32 to vector<16xi32>
      %add3A_995 = arith.addi %add3A_964, %add3A_994 : vector<16xi32>
      %gather3A_996 = tpu.vector_load_idx %arg8[%broadcast_in_dim3A_830, %add3A_995] : memref<128x65xf32, #tpu.memory_space<vmem>>[vector<16xi32>, vector<16xi32>], vector<16xf32>,
      %le3A_997 = arith.cmpf ole, %gather3A_968, %get3A_832 : vector<16xf32>
      %add3A_998 = arith.constant 8 : i32
      %add3A_999 = vector.broadcast %add3A_998 : i32 to vector<16xi32>
      %add3A_1000 = arith.addi %add3A_866, %add3A_999 : vector<16xi32>
      %select_n3A_1001 = arith.select %le3A_997, %add3A_1000, %add3A_866 : vector<16xi1>, vector<16xi32>
      %le3A_1002 = arith.cmpf ole, %gather3A_972, %get3A_835 : vector<16xf32>
      %add3A_1003 = arith.constant 8 : i32
      %add3A_1004 = vector.broadcast %add3A_1003 : i32 to vector<16xi32>
      %add3A_1005 = arith.addi %add3A_880, %add3A_1004 : vector<16xi32>
      %select_n3A_1006 = arith.select %le3A_1002, %add3A_1005, %add3A_880 : vector<16xi1>, vector<16xi32>
      %le3A_1007 = arith.cmpf ole, %gather3A_976, %get3A_838 : vector<16xf32>
      %add3A_1008 = arith.constant 8 : i32
      %add3A_1009 = vector.broadcast %add3A_1008 : i32 to vector<16xi32>
      %add3A_1010 = arith.addi %add3A_894, %add3A_1009 : vector<16xi32>
      %select_n3A_1011 = arith.select %le3A_1007, %add3A_1010, %add3A_894 : vector<16xi1>, vector<16xi32>
      %le3A_1012 = arith.cmpf ole, %gather3A_980, %get3A_841 : vector<16xf32>
      %add3A_1013 = arith.constant 8 : i32
      %add3A_1014 = vector.broadcast %add3A_1013 : i32 to vector<16xi32>
      %add3A_1015 = arith.addi %add3A_908, %add3A_1014 : vector<16xi32>
      %select_n3A_1016 = arith.select %le3A_1012, %add3A_1015, %add3A_908 : vector<16xi1>, vector<16xi32>
      %le3A_1017 = arith.cmpf ole, %gather3A_984, %get3A_844 : vector<16xf32>
      %add3A_1018 = arith.constant 8 : i32
      %add3A_1019 = vector.broadcast %add3A_1018 : i32 to vector<16xi32>
      %add3A_1020 = arith.addi %add3A_922, %add3A_1019 : vector<16xi32>
      %select_n3A_1021 = arith.select %le3A_1017, %add3A_1020, %add3A_922 : vector<16xi1>, vector<16xi32>
      %le3A_1022 = arith.cmpf ole, %gather3A_988, %get3A_847 : vector<16xf32>
      %add3A_1023 = arith.constant 8 : i32
      %add3A_1024 = vector.broadcast %add3A_1023 : i32 to vector<16xi32>
      %add3A_1025 = arith.addi %add3A_936, %add3A_1024 : vector<16xi32>
      %select_n3A_1026 = arith.select %le3A_1022, %add3A_1025, %add3A_936 : vector<16xi1>, vector<16xi32>
      %le3A_1027 = arith.cmpf ole, %gather3A_992, %get3A_850 : vector<16xf32>
      %add3A_1028 = arith.constant 8 : i32
      %add3A_1029 = vector.broadcast %add3A_1028 : i32 to vector<16xi32>
      %add3A_1030 = arith.addi %add3A_950, %add3A_1029 : vector<16xi32>
      %select_n3A_1031 = arith.select %le3A_1027, %add3A_1030, %add3A_950 : vector<16xi1>, vector<16xi32>
      %le3A_1032 = arith.cmpf ole, %gather3A_996, %get3A_853 : vector<16xf32>
      %add3A_1033 = arith.constant 8 : i32
      %add3A_1034 = vector.broadcast %add3A_1033 : i32 to vector<16xi32>
      %add3A_1035 = arith.addi %add3A_964, %add3A_1034 : vector<16xi32>
      %select_n3A_1036 = arith.select %le3A_1032, %add3A_1035, %add3A_964 : vector<16xi1>, vector<16xi32>
      %add3A_1037 = arith.constant 4 : i32
      %add3A_1038 = vector.broadcast %add3A_1037 : i32 to vector<16xi32>
      %add3A_1039 = arith.addi %select_n3A_1001, %add3A_1038 : vector<16xi32>
      %gather3A_1040 = tpu.vector_load_idx %arg8[%broadcast_in_dim3A_830, %add3A_1039] : memref<128x65xf32, #tpu.memory_space<vmem>>[vector<16xi32>, vector<16xi32>], vector<16xf32>,
      %add3A_1041 = arith.constant 4 : i32
      %add3A_1042 = vector.broadcast %add3A_1041 : i32 to vector<16xi32>
      %add3A_1043 = arith.addi %select_n3A_1006, %add3A_1042 : vector<16xi32>
      %gather3A_1044 = tpu.vector_load_idx %arg8[%broadcast_in_dim3A_830, %add3A_1043] : memref<128x65xf32, #tpu.memory_space<vmem>>[vector<16xi32>, vector<16xi32>], vector<16xf32>,
      %add3A_1045 = arith.constant 4 : i32
      %add3A_1046 = vector.broadcast %add3A_1045 : i32 to vector<16xi32>
      %add3A_1047 = arith.addi %select_n3A_1011, %add3A_1046 : vector<16xi32>
      %gather3A_1048 = tpu.vector_load_idx %arg8[%broadcast_in_dim3A_830, %add3A_1047] : memref<128x65xf32, #tpu.memory_space<vmem>>[vector<16xi32>, vector<16xi32>], vector<16xf32>,
      %add3A_1049 = arith.constant 4 : i32
      %add3A_1050 = vector.broadcast %add3A_1049 : i32 to vector<16xi32>
      %add3A_1051 = arith.addi %select_n3A_1016, %add3A_1050 : vector<16xi32>
      %gather3A_1052 = tpu.vector_load_idx %arg8[%broadcast_in_dim3A_830, %add3A_1051] : memref<128x65xf32, #tpu.memory_space<vmem>>[vector<16xi32>, vector<16xi32>], vector<16xf32>,
      %add3A_1053 = arith.constant 4 : i32
      %add3A_1054 = vector.broadcast %add3A_1053 : i32 to vector<16xi32>
      %add3A_1055 = arith.addi %select_n3A_1021, %add3A_1054 : vector<16xi32>
      %gather3A_1056 = tpu.vector_load_idx %arg8[%broadcast_in_dim3A_830, %add3A_1055] : memref<128x65xf32, #tpu.memory_space<vmem>>[vector<16xi32>, vector<16xi32>], vector<16xf32>,
      %add3A_1057 = arith.constant 4 : i32
      %add3A_1058 = vector.broadcast %add3A_1057 : i32 to vector<16xi32>
      %add3A_1059 = arith.addi %select_n3A_1026, %add3A_1058 : vector<16xi32>
      %gather3A_1060 = tpu.vector_load_idx %arg8[%broadcast_in_dim3A_830, %add3A_1059] : memref<128x65xf32, #tpu.memory_space<vmem>>[vector<16xi32>, vector<16xi32>], vector<16xf32>,
      %add3A_1061 = arith.constant 4 : i32
      %add3A_1062 = vector.broadcast %add3A_1061 : i32 to vector<16xi32>
      %add3A_1063 = arith.addi %select_n3A_1031, %add3A_1062 : vector<16xi32>
      %gather3A_1064 = tpu.vector_load_idx %arg8[%broadcast_in_dim3A_830, %add3A_1063] : memref<128x65xf32, #tpu.memory_space<vmem>>[vector<16xi32>, vector<16xi32>], vector<16xf32>,
      %add3A_1065 = arith.constant 4 : i32
      %add3A_1066 = vector.broadcast %add3A_1065 : i32 to vector<16xi32>
      %add3A_1067 = arith.addi %select_n3A_1036, %add3A_1066 : vector<16xi32>
      %gather3A_1068 = tpu.vector_load_idx %arg8[%broadcast_in_dim3A_830, %add3A_1067] : memref<128x65xf32, #tpu.memory_space<vmem>>[vector<16xi32>, vector<16xi32>], vector<16xf32>,
      %le3A_1069 = arith.cmpf ole, %gather3A_1040, %get3A_832 : vector<16xf32>
      %add3A_1070 = arith.constant 4 : i32
      %add3A_1071 = vector.broadcast %add3A_1070 : i32 to vector<16xi32>
      %add3A_1072 = arith.addi %select_n3A_1001, %add3A_1071 : vector<16xi32>
      %select_n3A_1073 = arith.select %le3A_1069, %add3A_1072, %select_n3A_1001 : vector<16xi1>, vector<16xi32>
      %le3A_1074 = arith.cmpf ole, %gather3A_1044, %get3A_835 : vector<16xf32>
      %add3A_1075 = arith.constant 4 : i32
      %add3A_1076 = vector.broadcast %add3A_1075 : i32 to vector<16xi32>
      %add3A_1077 = arith.addi %select_n3A_1006, %add3A_1076 : vector<16xi32>
      %select_n3A_1078 = arith.select %le3A_1074, %add3A_1077, %select_n3A_1006 : vector<16xi1>, vector<16xi32>
      %le3A_1079 = arith.cmpf ole, %gather3A_1048, %get3A_838 : vector<16xf32>
      %add3A_1080 = arith.constant 4 : i32
      %add3A_1081 = vector.broadcast %add3A_1080 : i32 to vector<16xi32>
      %add3A_1082 = arith.addi %select_n3A_1011, %add3A_1081 : vector<16xi32>
      %select_n3A_1083 = arith.select %le3A_1079, %add3A_1082, %select_n3A_1011 : vector<16xi1>, vector<16xi32>
      %le3A_1084 = arith.cmpf ole, %gather3A_1052, %get3A_841 : vector<16xf32>
      %add3A_1085 = arith.constant 4 : i32
      %add3A_1086 = vector.broadcast %add3A_1085 : i32 to vector<16xi32>
      %add3A_1087 = arith.addi %select_n3A_1016, %add3A_1086 : vector<16xi32>
      %select_n3A_1088 = arith.select %le3A_1084, %add3A_1087, %select_n3A_1016 : vector<16xi1>, vector<16xi32>
      %le3A_1089 = arith.cmpf ole, %gather3A_1056, %get3A_844 : vector<16xf32>
      %add3A_1090 = arith.constant 4 : i32
      %add3A_1091 = vector.broadcast %add3A_1090 : i32 to vector<16xi32>
      %add3A_1092 = arith.addi %select_n3A_1021, %add3A_1091 : vector<16xi32>
      %select_n3A_1093 = arith.select %le3A_1089, %add3A_1092, %select_n3A_1021 : vector<16xi1>, vector<16xi32>
      %le3A_1094 = arith.cmpf ole, %gather3A_1060, %get3A_847 : vector<16xf32>
      %add3A_1095 = arith.constant 4 : i32
      %add3A_1096 = vector.broadcast %add3A_1095 : i32 to vector<16xi32>
      %add3A_1097 = arith.addi %select_n3A_1026, %add3A_1096 : vector<16xi32>
      %select_n3A_1098 = arith.select %le3A_1094, %add3A_1097, %select_n3A_1026 : vector<16xi1>, vector<16xi32>
      %le3A_1099 = arith.cmpf ole, %gather3A_1064, %get3A_850 : vector<16xf32>
      %add3A_1100 = arith.constant 4 : i32
      %add3A_1101 = vector.broadcast %add3A_1100 : i32 to vector<16xi32>
      %add3A_1102 = arith.addi %select_n3A_1031, %add3A_1101 : vector<16xi32>
      %select_n3A_1103 = arith.select %le3A_1099, %add3A_1102, %select_n3A_1031 : vector<16xi1>, vector<16xi32>
      %le3A_1104 = arith.cmpf ole, %gather3A_1068, %get3A_853 : vector<16xf32>
      %add3A_1105 = arith.constant 4 : i32
      %add3A_1106 = vector.broadcast %add3A_1105 : i32 to vector<16xi32>
      %add3A_1107 = arith.addi %select_n3A_1036, %add3A_1106 : vector<16xi32>
      %select_n3A_1108 = arith.select %le3A_1104, %add3A_1107, %select_n3A_1036 : vector<16xi1>, vector<16xi32>
      %add3A_1109 = arith.constant 2 : i32
      %add3A_1110 = vector.broadcast %add3A_1109 : i32 to vector<16xi32>
      %add3A_1111 = arith.addi %select_n3A_1073, %add3A_1110 : vector<16xi32>
      %gather3A_1112 = tpu.vector_load_idx %arg8[%broadcast_in_dim3A_830, %add3A_1111] : memref<128x65xf32, #tpu.memory_space<vmem>>[vector<16xi32>, vector<16xi32>], vector<16xf32>,
      %add3A_1113 = arith.constant 2 : i32
      %add3A_1114 = vector.broadcast %add3A_1113 : i32 to vector<16xi32>
      %add3A_1115 = arith.addi %select_n3A_1078, %add3A_1114 : vector<16xi32>
      %gather3A_1116 = tpu.vector_load_idx %arg8[%broadcast_in_dim3A_830, %add3A_1115] : memref<128x65xf32, #tpu.memory_space<vmem>>[vector<16xi32>, vector<16xi32>], vector<16xf32>,
      %add3A_1117 = arith.constant 2 : i32
      %add3A_1118 = vector.broadcast %add3A_1117 : i32 to vector<16xi32>
      %add3A_1119 = arith.addi %select_n3A_1083, %add3A_1118 : vector<16xi32>
      %gather3A_1120 = tpu.vector_load_idx %arg8[%broadcast_in_dim3A_830, %add3A_1119] : memref<128x65xf32, #tpu.memory_space<vmem>>[vector<16xi32>, vector<16xi32>], vector<16xf32>,
      %add3A_1121 = arith.constant 2 : i32
      %add3A_1122 = vector.broadcast %add3A_1121 : i32 to vector<16xi32>
      %add3A_1123 = arith.addi %select_n3A_1088, %add3A_1122 : vector<16xi32>
      %gather3A_1124 = tpu.vector_load_idx %arg8[%broadcast_in_dim3A_830, %add3A_1123] : memref<128x65xf32, #tpu.memory_space<vmem>>[vector<16xi32>, vector<16xi32>], vector<16xf32>,
      %add3A_1125 = arith.constant 2 : i32
      %add3A_1126 = vector.broadcast %add3A_1125 : i32 to vector<16xi32>
      %add3A_1127 = arith.addi %select_n3A_1093, %add3A_1126 : vector<16xi32>
      %gather3A_1128 = tpu.vector_load_idx %arg8[%broadcast_in_dim3A_830, %add3A_1127] : memref<128x65xf32, #tpu.memory_space<vmem>>[vector<16xi32>, vector<16xi32>], vector<16xf32>,
      %add3A_1129 = arith.constant 2 : i32
      %add3A_1130 = vector.broadcast %add3A_1129 : i32 to vector<16xi32>
      %add3A_1131 = arith.addi %select_n3A_1098, %add3A_1130 : vector<16xi32>
      %gather3A_1132 = tpu.vector_load_idx %arg8[%broadcast_in_dim3A_830, %add3A_1131] : memref<128x65xf32, #tpu.memory_space<vmem>>[vector<16xi32>, vector<16xi32>], vector<16xf32>,
      %add3A_1133 = arith.constant 2 : i32
      %add3A_1134 = vector.broadcast %add3A_1133 : i32 to vector<16xi32>
      %add3A_1135 = arith.addi %select_n3A_1103, %add3A_1134 : vector<16xi32>
      %gather3A_1136 = tpu.vector_load_idx %arg8[%broadcast_in_dim3A_830, %add3A_1135] : memref<128x65xf32, #tpu.memory_space<vmem>>[vector<16xi32>, vector<16xi32>], vector<16xf32>,
      %add3A_1137 = arith.constant 2 : i32
      %add3A_1138 = vector.broadcast %add3A_1137 : i32 to vector<16xi32>
      %add3A_1139 = arith.addi %select_n3A_1108, %add3A_1138 : vector<16xi32>
      %gather3A_1140 = tpu.vector_load_idx %arg8[%broadcast_in_dim3A_830, %add3A_1139] : memref<128x65xf32, #tpu.memory_space<vmem>>[vector<16xi32>, vector<16xi32>], vector<16xf32>,
      %le3A_1141 = arith.cmpf ole, %gather3A_1112, %get3A_832 : vector<16xf32>
      %add3A_1142 = arith.constant 2 : i32
      %add3A_1143 = vector.broadcast %add3A_1142 : i32 to vector<16xi32>
      %add3A_1144 = arith.addi %select_n3A_1073, %add3A_1143 : vector<16xi32>
      %select_n3A_1145 = arith.select %le3A_1141, %add3A_1144, %select_n3A_1073 : vector<16xi1>, vector<16xi32>
      %le3A_1146 = arith.cmpf ole, %gather3A_1116, %get3A_835 : vector<16xf32>
      %add3A_1147 = arith.constant 2 : i32
      %add3A_1148 = vector.broadcast %add3A_1147 : i32 to vector<16xi32>
      %add3A_1149 = arith.addi %select_n3A_1078, %add3A_1148 : vector<16xi32>
      %select_n3A_1150 = arith.select %le3A_1146, %add3A_1149, %select_n3A_1078 : vector<16xi1>, vector<16xi32>
      %le3A_1151 = arith.cmpf ole, %gather3A_1120, %get3A_838 : vector<16xf32>
      %add3A_1152 = arith.constant 2 : i32
      %add3A_1153 = vector.broadcast %add3A_1152 : i32 to vector<16xi32>
      %add3A_1154 = arith.addi %select_n3A_1083, %add3A_1153 : vector<16xi32>
      %select_n3A_1155 = arith.select %le3A_1151, %add3A_1154, %select_n3A_1083 : vector<16xi1>, vector<16xi32>
      %le3A_1156 = arith.cmpf ole, %gather3A_1124, %get3A_841 : vector<16xf32>
      %add3A_1157 = arith.constant 2 : i32
      %add3A_1158 = vector.broadcast %add3A_1157 : i32 to vector<16xi32>
      %add3A_1159 = arith.addi %select_n3A_1088, %add3A_1158 : vector<16xi32>
      %select_n3A_1160 = arith.select %le3A_1156, %add3A_1159, %select_n3A_1088 : vector<16xi1>, vector<16xi32>
      %le3A_1161 = arith.cmpf ole, %gather3A_1128, %get3A_844 : vector<16xf32>
      %add3A_1162 = arith.constant 2 : i32
      %add3A_1163 = vector.broadcast %add3A_1162 : i32 to vector<16xi32>
      %add3A_1164 = arith.addi %select_n3A_1093, %add3A_1163 : vector<16xi32>
      %select_n3A_1165 = arith.select %le3A_1161, %add3A_1164, %select_n3A_1093 : vector<16xi1>, vector<16xi32>
      %le3A_1166 = arith.cmpf ole, %gather3A_1132, %get3A_847 : vector<16xf32>
      %add3A_1167 = arith.constant 2 : i32
      %add3A_1168 = vector.broadcast %add3A_1167 : i32 to vector<16xi32>
      %add3A_1169 = arith.addi %select_n3A_1098, %add3A_1168 : vector<16xi32>
      %select_n3A_1170 = arith.select %le3A_1166, %add3A_1169, %select_n3A_1098 : vector<16xi1>, vector<16xi32>
      %le3A_1171 = arith.cmpf ole, %gather3A_1136, %get3A_850 : vector<16xf32>
      %add3A_1172 = arith.constant 2 : i32
      %add3A_1173 = vector.broadcast %add3A_1172 : i32 to vector<16xi32>
      %add3A_1174 = arith.addi %select_n3A_1103, %add3A_1173 : vector<16xi32>
      %select_n3A_1175 = arith.select %le3A_1171, %add3A_1174, %select_n3A_1103 : vector<16xi1>, vector<16xi32>
      %le3A_1176 = arith.cmpf ole, %gather3A_1140, %get3A_853 : vector<16xf32>
      %add3A_1177 = arith.constant 2 : i32
      %add3A_1178 = vector.broadcast %add3A_1177 : i32 to vector<16xi32>
      %add3A_1179 = arith.addi %select_n3A_1108, %add3A_1178 : vector<16xi32>
      %select_n3A_1180 = arith.select %le3A_1176, %add3A_1179, %select_n3A_1108 : vector<16xi1>, vector<16xi32>
      %add3A_1181 = arith.constant 1 : i32
      %add3A_1182 = vector.broadcast %add3A_1181 : i32 to vector<16xi32>
      %add3A_1183 = arith.addi %select_n3A_1145, %add3A_1182 : vector<16xi32>
      %gather3A_1184 = tpu.vector_load_idx %arg8[%broadcast_in_dim3A_830, %add3A_1183] : memref<128x65xf32, #tpu.memory_space<vmem>>[vector<16xi32>, vector<16xi32>], vector<16xf32>,
      %add3A_1185 = arith.constant 1 : i32
      %add3A_1186 = vector.broadcast %add3A_1185 : i32 to vector<16xi32>
      %add3A_1187 = arith.addi %select_n3A_1150, %add3A_1186 : vector<16xi32>
      %gather3A_1188 = tpu.vector_load_idx %arg8[%broadcast_in_dim3A_830, %add3A_1187] : memref<128x65xf32, #tpu.memory_space<vmem>>[vector<16xi32>, vector<16xi32>], vector<16xf32>,
      %add3A_1189 = arith.constant 1 : i32
      %add3A_1190 = vector.broadcast %add3A_1189 : i32 to vector<16xi32>
      %add3A_1191 = arith.addi %select_n3A_1155, %add3A_1190 : vector<16xi32>
      %gather3A_1192 = tpu.vector_load_idx %arg8[%broadcast_in_dim3A_830, %add3A_1191] : memref<128x65xf32, #tpu.memory_space<vmem>>[vector<16xi32>, vector<16xi32>], vector<16xf32>,
      %add3A_1193 = arith.constant 1 : i32
      %add3A_1194 = vector.broadcast %add3A_1193 : i32 to vector<16xi32>
      %add3A_1195 = arith.addi %select_n3A_1160, %add3A_1194 : vector<16xi32>
      %gather3A_1196 = tpu.vector_load_idx %arg8[%broadcast_in_dim3A_830, %add3A_1195] : memref<128x65xf32, #tpu.memory_space<vmem>>[vector<16xi32>, vector<16xi32>], vector<16xf32>,
      %add3A_1197 = arith.constant 1 : i32
      %add3A_1198 = vector.broadcast %add3A_1197 : i32 to vector<16xi32>
      %add3A_1199 = arith.addi %select_n3A_1165, %add3A_1198 : vector<16xi32>
      %gather3A_1200 = tpu.vector_load_idx %arg8[%broadcast_in_dim3A_830, %add3A_1199] : memref<128x65xf32, #tpu.memory_space<vmem>>[vector<16xi32>, vector<16xi32>], vector<16xf32>,
      %add3A_1201 = arith.constant 1 : i32
      %add3A_1202 = vector.broadcast %add3A_1201 : i32 to vector<16xi32>
      %add3A_1203 = arith.addi %select_n3A_1170, %add3A_1202 : vector<16xi32>
      %gather3A_1204 = tpu.vector_load_idx %arg8[%broadcast_in_dim3A_830, %add3A_1203] : memref<128x65xf32, #tpu.memory_space<vmem>>[vector<16xi32>, vector<16xi32>], vector<16xf32>,
      %add3A_1205 = arith.constant 1 : i32
      %add3A_1206 = vector.broadcast %add3A_1205 : i32 to vector<16xi32>
      %add3A_1207 = arith.addi %select_n3A_1175, %add3A_1206 : vector<16xi32>
      %gather3A_1208 = tpu.vector_load_idx %arg8[%broadcast_in_dim3A_830, %add3A_1207] : memref<128x65xf32, #tpu.memory_space<vmem>>[vector<16xi32>, vector<16xi32>], vector<16xf32>,
      %add3A_1209 = arith.constant 1 : i32
      %add3A_1210 = vector.broadcast %add3A_1209 : i32 to vector<16xi32>
      %add3A_1211 = arith.addi %select_n3A_1180, %add3A_1210 : vector<16xi32>
      %gather3A_1212 = tpu.vector_load_idx %arg8[%broadcast_in_dim3A_830, %add3A_1211] : memref<128x65xf32, #tpu.memory_space<vmem>>[vector<16xi32>, vector<16xi32>], vector<16xf32>,
      %le3A_1213 = arith.cmpf ole, %gather3A_1184, %get3A_832 : vector<16xf32>
      %add3A_1214 = arith.constant 1 : i32
      %add3A_1215 = vector.broadcast %add3A_1214 : i32 to vector<16xi32>
      %add3A_1216 = arith.addi %select_n3A_1145, %add3A_1215 : vector<16xi32>
      %select_n3A_1217 = arith.select %le3A_1213, %add3A_1216, %select_n3A_1145 : vector<16xi1>, vector<16xi32>
      %le3A_1218 = arith.cmpf ole, %gather3A_1188, %get3A_835 : vector<16xf32>
      %add3A_1219 = arith.constant 1 : i32
      %add3A_1220 = vector.broadcast %add3A_1219 : i32 to vector<16xi32>
      %add3A_1221 = arith.addi %select_n3A_1150, %add3A_1220 : vector<16xi32>
      %select_n3A_1222 = arith.select %le3A_1218, %add3A_1221, %select_n3A_1150 : vector<16xi1>, vector<16xi32>
      %le3A_1223 = arith.cmpf ole, %gather3A_1192, %get3A_838 : vector<16xf32>
      %add3A_1224 = arith.constant 1 : i32
      %add3A_1225 = vector.broadcast %add3A_1224 : i32 to vector<16xi32>
      %add3A_1226 = arith.addi %select_n3A_1155, %add3A_1225 : vector<16xi32>
      %select_n3A_1227 = arith.select %le3A_1223, %add3A_1226, %select_n3A_1155 : vector<16xi1>, vector<16xi32>
      %le3A_1228 = arith.cmpf ole, %gather3A_1196, %get3A_841 : vector<16xf32>
      %add3A_1229 = arith.constant 1 : i32
      %add3A_1230 = vector.broadcast %add3A_1229 : i32 to vector<16xi32>
      %add3A_1231 = arith.addi %select_n3A_1160, %add3A_1230 : vector<16xi32>
      %select_n3A_1232 = arith.select %le3A_1228, %add3A_1231, %select_n3A_1160 : vector<16xi1>, vector<16xi32>
      %le3A_1233 = arith.cmpf ole, %gather3A_1200, %get3A_844 : vector<16xf32>
      %add3A_1234 = arith.constant 1 : i32
      %add3A_1235 = vector.broadcast %add3A_1234 : i32 to vector<16xi32>
      %add3A_1236 = arith.addi %select_n3A_1165, %add3A_1235 : vector<16xi32>
      %select_n3A_1237 = arith.select %le3A_1233, %add3A_1236, %select_n3A_1165 : vector<16xi1>, vector<16xi32>
      %le3A_1238 = arith.cmpf ole, %gather3A_1204, %get3A_847 : vector<16xf32>
      %add3A_1239 = arith.constant 1 : i32
      %add3A_1240 = vector.broadcast %add3A_1239 : i32 to vector<16xi32>
      %add3A_1241 = arith.addi %select_n3A_1170, %add3A_1240 : vector<16xi32>
      %select_n3A_1242 = arith.select %le3A_1238, %add3A_1241, %select_n3A_1170 : vector<16xi1>, vector<16xi32>
      %le3A_1243 = arith.cmpf ole, %gather3A_1208, %get3A_850 : vector<16xf32>
      %add3A_1244 = arith.constant 1 : i32
      %add3A_1245 = vector.broadcast %add3A_1244 : i32 to vector<16xi32>
      %add3A_1246 = arith.addi %select_n3A_1175, %add3A_1245 : vector<16xi32>
      %select_n3A_1247 = arith.select %le3A_1243, %add3A_1246, %select_n3A_1175 : vector<16xi1>, vector<16xi32>
      %le3A_1248 = arith.cmpf ole, %gather3A_1212, %get3A_853 : vector<16xf32>
      %add3A_1249 = arith.constant 1 : i32
      %add3A_1250 = vector.broadcast %add3A_1249 : i32 to vector<16xi32>
      %add3A_1251 = arith.addi %select_n3A_1180, %add3A_1250 : vector<16xi32>
      %select_n3A_1252 = arith.select %le3A_1248, %add3A_1251, %select_n3A_1180 : vector<16xi1>, vector<16xi32>
      %gather3A_1253 = tpu.vector_load_idx %arg8[%broadcast_in_dim3A_830, %select_n3A_1217] : memref<128x65xf32, #tpu.memory_space<vmem>>[vector<16xi32>, vector<16xi32>], vector<16xf32>,
      %sub3A = arith.subf %get3A_832, %gather3A_1253 : vector<16xf32>
      %add3A_1254 = arith.constant 1 : i32
      %add3A_1255 = vector.broadcast %add3A_1254 : i32 to vector<16xi32>
      %add3A_1256 = arith.addi %select_n3A_1217, %add3A_1255 : vector<16xi32>
      %gather3A_1257 = tpu.vector_load_idx %arg9[%broadcast_in_dim3A_830, %select_n3A_1217] : memref<128x65xf32, #tpu.memory_space<vmem>>[vector<16xi32>, vector<16xi32>], vector<16xf32>,
      %gather3A_1258 = tpu.vector_load_idx %arg10[%broadcast_in_dim3A_830, %select_n3A_1217] : memref<128x65xf32, #tpu.memory_space<vmem>>[vector<16xi32>, vector<16xi32>], vector<16xf32>,
      %gather3A_1259 = tpu.vector_load_idx %arg11[%broadcast_in_dim3A_830, %select_n3A_1217] : memref<128x65xf32, #tpu.memory_space<vmem>>[vector<16xi32>, vector<16xi32>], vector<16xf32>,
      %gather3A_1260 = tpu.vector_load_idx %arg9[%broadcast_in_dim3A_830, %add3A_1256] : memref<128x65xf32, #tpu.memory_space<vmem>>[vector<16xi32>, vector<16xi32>], vector<16xf32>,
      %gather3A_1261 = tpu.vector_load_idx %arg10[%broadcast_in_dim3A_830, %add3A_1256] : memref<128x65xf32, #tpu.memory_space<vmem>>[vector<16xi32>, vector<16xi32>], vector<16xf32>,
      %gather3A_1262 = tpu.vector_load_idx %arg11[%broadcast_in_dim3A_830, %add3A_1256] : memref<128x65xf32, #tpu.memory_space<vmem>>[vector<16xi32>, vector<16xi32>], vector<16xf32>,
      %sub3A_1263 = arith.subf %gather3A_1260, %gather3A_1257 : vector<16xf32>
      %sub3A_1264 = arith.subf %gather3A_1261, %gather3A_1258 : vector<16xf32>
      %sub3A_1265 = arith.subf %gather3A_1262, %gather3A_1259 : vector<16xf32>
      %mul3A_1266 = arith.mulf %sub3A_1263, %sub3A_1263 : vector<16xf32>
      %mul3A_1267 = arith.mulf %sub3A_1264, %sub3A_1264 : vector<16xf32>
      %add3A_1268 = arith.addf %mul3A_1266, %mul3A_1267 : vector<16xf32>
      %mul3A_1269 = arith.mulf %sub3A_1265, %sub3A_1265 : vector<16xf32>
      %add3A_1270 = arith.addf %add3A_1268, %mul3A_1269 : vector<16xf32>
      %bitcast_convert_type3A = tpu.bitcast %add3A_1270 : vector<16xf32> -> vector<16xi32>
      %shift_right_arithmetic3A = arith.constant 1 : i32
      %shift_right_arithmetic3A_1271 = vector.broadcast %shift_right_arithmetic3A : i32 to vector<16xi32>
      %shift_right_arithmetic3A_1272 = arith.shrsi %bitcast_convert_type3A, %shift_right_arithmetic3A_1271 : vector<16xi32>
      %sub3A_1273 = arith.constant 1597463007 : i32
      %sub3A_1274 = vector.broadcast %sub3A_1273 : i32 to vector<16xi32>
      %sub3A_1275 = arith.subi %sub3A_1274, %shift_right_arithmetic3A_1272 : vector<16xi32>
      %bitcast_convert_type3A_1276 = tpu.bitcast %sub3A_1275 : vector<16xi32> -> vector<16xf32>
      %mul3A_1277 = arith.mulf %sub3A, %bitcast_convert_type3A_1276 : vector<16xf32>
      %mul3A_1278 = arith.mulf %mul3A_1277, %sub3A_1263 : vector<16xf32>
      %add3A_1279 = arith.addf %gather3A_1257, %mul3A_1278 : vector<16xf32>
      %swap3A = arith.constant 0 : i32
      %swap3A_1280 = arith.index_cast %swap3A : i32 to index
      %swap3A_1281 = arith.index_cast %scan3A_829 : i32 to index
      %swap3A_1282 = arith.constant 0 : index
      %swap3A_1283 = tpu.vector_load %arg13[%swap3A_1280, %swap3A_1281, %swap3A_1282] {strides = array<i32>} : memref<3x128x128xf32, #tpu.memory_space<vmem>>, vector<16xf32>,
      tpu.vector_store %arg13[%swap3A_1280, %swap3A_1281, %swap3A_1282], %add3A_1279 {strides = array<i32>} : memref<3x128x128xf32, #tpu.memory_space<vmem>>, vector<16xf32>,
      %mul3A_1284 = arith.mulf %mul3A_1277, %sub3A_1264 : vector<16xf32>
      %add3A_1285 = arith.addf %gather3A_1258, %mul3A_1284 : vector<16xf32>
      %swap3A_1286 = arith.constant 1 : i32
      %swap3A_1287 = arith.index_cast %swap3A_1286 : i32 to index
      %swap3A_1288 = arith.index_cast %scan3A_829 : i32 to index
      %swap3A_1289 = arith.constant 0 : index
      %swap3A_1290 = tpu.vector_load %arg13[%swap3A_1287, %swap3A_1288, %swap3A_1289] {strides = array<i32>} : memref<3x128x128xf32, #tpu.memory_space<vmem>>, vector<16xf32>,
      tpu.vector_store %arg13[%swap3A_1287, %swap3A_1288, %swap3A_1289], %add3A_1285 {strides = array<i32>} : memref<3x128x128xf32, #tpu.memory_space<vmem>>, vector<16xf32>,
      %mul3A_1291 = arith.mulf %mul3A_1277, %sub3A_1265 : vector<16xf32>
      %add3A_1292 = arith.addf %gather3A_1259, %mul3A_1291 : vector<16xf32>
      %swap3A_1293 = arith.constant 2 : i32
      %swap3A_1294 = arith.index_cast %swap3A_1293 : i32 to index
      %swap3A_1295 = arith.index_cast %scan3A_829 : i32 to index
      %swap3A_1296 = arith.constant 0 : index
      %swap3A_1297 = tpu.vector_load %arg13[%swap3A_1294, %swap3A_1295, %swap3A_1296] {strides = array<i32>} : memref<3x128x128xf32, #tpu.memory_space<vmem>>, vector<16xf32>,
      tpu.vector_store %arg13[%swap3A_1294, %swap3A_1295, %swap3A_1296], %add3A_1292 {strides = array<i32>} : memref<3x128x128xf32, #tpu.memory_space<vmem>>, vector<16xf32>,
      %gather3A_1298 = tpu.vector_load_idx %arg8[%broadcast_in_dim3A_830, %select_n3A_1222] : memref<128x65xf32, #tpu.memory_space<vmem>>[vector<16xi32>, vector<16xi32>], vector<16xf32>,
      %sub3A_1299 = arith.subf %get3A_835, %gather3A_1298 : vector<16xf32>
      %add3A_1300 = arith.constant 1 : i32
      %add3A_1301 = vector.broadcast %add3A_1300 : i32 to vector<16xi32>
      %add3A_1302 = arith.addi %select_n3A_1222, %add3A_1301 : vector<16xi32>
      %gather3A_1303 = tpu.vector_load_idx %arg9[%broadcast_in_dim3A_830, %select_n3A_1222] : memref<128x65xf32, #tpu.memory_space<vmem>>[vector<16xi32>, vector<16xi32>], vector<16xf32>,
      %gather3A_1304 = tpu.vector_load_idx %arg10[%broadcast_in_dim3A_830, %select_n3A_1222] : memref<128x65xf32, #tpu.memory_space<vmem>>[vector<16xi32>, vector<16xi32>], vector<16xf32>,
      %gather3A_1305 = tpu.vector_load_idx %arg11[%broadcast_in_dim3A_830, %select_n3A_1222] : memref<128x65xf32, #tpu.memory_space<vmem>>[vector<16xi32>, vector<16xi32>], vector<16xf32>,
      %gather3A_1306 = tpu.vector_load_idx %arg9[%broadcast_in_dim3A_830, %add3A_1302] : memref<128x65xf32, #tpu.memory_space<vmem>>[vector<16xi32>, vector<16xi32>], vector<16xf32>,
      %gather3A_1307 = tpu.vector_load_idx %arg10[%broadcast_in_dim3A_830, %add3A_1302] : memref<128x65xf32, #tpu.memory_space<vmem>>[vector<16xi32>, vector<16xi32>], vector<16xf32>,
      %gather3A_1308 = tpu.vector_load_idx %arg11[%broadcast_in_dim3A_830, %add3A_1302] : memref<128x65xf32, #tpu.memory_space<vmem>>[vector<16xi32>, vector<16xi32>], vector<16xf32>,
      %sub3A_1309 = arith.subf %gather3A_1306, %gather3A_1303 : vector<16xf32>
      %sub3A_1310 = arith.subf %gather3A_1307, %gather3A_1304 : vector<16xf32>
      %sub3A_1311 = arith.subf %gather3A_1308, %gather3A_1305 : vector<16xf32>
      %mul3A_1312 = arith.mulf %sub3A_1309, %sub3A_1309 : vector<16xf32>
      %mul3A_1313 = arith.mulf %sub3A_1310, %sub3A_1310 : vector<16xf32>
      %add3A_1314 = arith.addf %mul3A_1312, %mul3A_1313 : vector<16xf32>
      %mul3A_1315 = arith.mulf %sub3A_1311, %sub3A_1311 : vector<16xf32>
      %add3A_1316 = arith.addf %add3A_1314, %mul3A_1315 : vector<16xf32>
      %bitcast_convert_type3A_1317 = tpu.bitcast %add3A_1316 : vector<16xf32> -> vector<16xi32>
      %shift_right_arithmetic3A_1318 = arith.constant 1 : i32
      %shift_right_arithmetic3A_1319 = vector.broadcast %shift_right_arithmetic3A_1318 : i32 to vector<16xi32>
      %shift_right_arithmetic3A_1320 = arith.shrsi %bitcast_convert_type3A_1317, %shift_right_arithmetic3A_1319 : vector<16xi32>
      %sub3A_1321 = arith.constant 1597463007 : i32
      %sub3A_1322 = vector.broadcast %sub3A_1321 : i32 to vector<16xi32>
      %sub3A_1323 = arith.subi %sub3A_1322, %shift_right_arithmetic3A_1320 : vector<16xi32>
      %bitcast_convert_type3A_1324 = tpu.bitcast %sub3A_1323 : vector<16xi32> -> vector<16xf32>
      %mul3A_1325 = arith.mulf %sub3A_1299, %bitcast_convert_type3A_1324 : vector<16xf32>
      %mul3A_1326 = arith.mulf %mul3A_1325, %sub3A_1309 : vector<16xf32>
      %add3A_1327 = arith.addf %gather3A_1303, %mul3A_1326 : vector<16xf32>
      %swap3A_1328 = arith.constant 0 : i32
      %swap3A_1329 = arith.index_cast %swap3A_1328 : i32 to index
      %swap3A_1330 = arith.index_cast %scan3A_829 : i32 to index
      %swap3A_1331 = arith.constant 16 : index
      %swap3A_1332 = tpu.vector_load %arg13[%swap3A_1329, %swap3A_1330, %swap3A_1331] {strides = array<i32>} : memref<3x128x128xf32, #tpu.memory_space<vmem>>, vector<16xf32>,
      tpu.vector_store %arg13[%swap3A_1329, %swap3A_1330, %swap3A_1331], %add3A_1327 {strides = array<i32>} : memref<3x128x128xf32, #tpu.memory_space<vmem>>, vector<16xf32>,
      %mul3A_1333 = arith.mulf %mul3A_1325, %sub3A_1310 : vector<16xf32>
      %add3A_1334 = arith.addf %gather3A_1304, %mul3A_1333 : vector<16xf32>
      %swap3A_1335 = arith.constant 1 : i32
      %swap3A_1336 = arith.index_cast %swap3A_1335 : i32 to index
      %swap3A_1337 = arith.index_cast %scan3A_829 : i32 to index
      %swap3A_1338 = arith.constant 16 : index
      %swap3A_1339 = tpu.vector_load %arg13[%swap3A_1336, %swap3A_1337, %swap3A_1338] {strides = array<i32>} : memref<3x128x128xf32, #tpu.memory_space<vmem>>, vector<16xf32>,
      tpu.vector_store %arg13[%swap3A_1336, %swap3A_1337, %swap3A_1338], %add3A_1334 {strides = array<i32>} : memref<3x128x128xf32, #tpu.memory_space<vmem>>, vector<16xf32>,
      %mul3A_1340 = arith.mulf %mul3A_1325, %sub3A_1311 : vector<16xf32>
      %add3A_1341 = arith.addf %gather3A_1305, %mul3A_1340 : vector<16xf32>
      %swap3A_1342 = arith.constant 2 : i32
      %swap3A_1343 = arith.index_cast %swap3A_1342 : i32 to index
      %swap3A_1344 = arith.index_cast %scan3A_829 : i32 to index
      %swap3A_1345 = arith.constant 16 : index
      %swap3A_1346 = tpu.vector_load %arg13[%swap3A_1343, %swap3A_1344, %swap3A_1345] {strides = array<i32>} : memref<3x128x128xf32, #tpu.memory_space<vmem>>, vector<16xf32>,
      tpu.vector_store %arg13[%swap3A_1343, %swap3A_1344, %swap3A_1345], %add3A_1341 {strides = array<i32>} : memref<3x128x128xf32, #tpu.memory_space<vmem>>, vector<16xf32>,
      %gather3A_1347 = tpu.vector_load_idx %arg8[%broadcast_in_dim3A_830, %select_n3A_1227] : memref<128x65xf32, #tpu.memory_space<vmem>>[vector<16xi32>, vector<16xi32>], vector<16xf32>,
      %sub3A_1348 = arith.subf %get3A_838, %gather3A_1347 : vector<16xf32>
      %add3A_1349 = arith.constant 1 : i32
      %add3A_1350 = vector.broadcast %add3A_1349 : i32 to vector<16xi32>
      %add3A_1351 = arith.addi %select_n3A_1227, %add3A_1350 : vector<16xi32>
      %gather3A_1352 = tpu.vector_load_idx %arg9[%broadcast_in_dim3A_830, %select_n3A_1227] : memref<128x65xf32, #tpu.memory_space<vmem>>[vector<16xi32>, vector<16xi32>], vector<16xf32>,
      %gather3A_1353 = tpu.vector_load_idx %arg10[%broadcast_in_dim3A_830, %select_n3A_1227] : memref<128x65xf32, #tpu.memory_space<vmem>>[vector<16xi32>, vector<16xi32>], vector<16xf32>,
      %gather3A_1354 = tpu.vector_load_idx %arg11[%broadcast_in_dim3A_830, %select_n3A_1227] : memref<128x65xf32, #tpu.memory_space<vmem>>[vector<16xi32>, vector<16xi32>], vector<16xf32>,
      %gather3A_1355 = tpu.vector_load_idx %arg9[%broadcast_in_dim3A_830, %add3A_1351] : memref<128x65xf32, #tpu.memory_space<vmem>>[vector<16xi32>, vector<16xi32>], vector<16xf32>,
      %gather3A_1356 = tpu.vector_load_idx %arg10[%broadcast_in_dim3A_830, %add3A_1351] : memref<128x65xf32, #tpu.memory_space<vmem>>[vector<16xi32>, vector<16xi32>], vector<16xf32>,
      %gather3A_1357 = tpu.vector_load_idx %arg11[%broadcast_in_dim3A_830, %add3A_1351] : memref<128x65xf32, #tpu.memory_space<vmem>>[vector<16xi32>, vector<16xi32>], vector<16xf32>,
      %sub3A_1358 = arith.subf %gather3A_1355, %gather3A_1352 : vector<16xf32>
      %sub3A_1359 = arith.subf %gather3A_1356, %gather3A_1353 : vector<16xf32>
      %sub3A_1360 = arith.subf %gather3A_1357, %gather3A_1354 : vector<16xf32>
      %mul3A_1361 = arith.mulf %sub3A_1358, %sub3A_1358 : vector<16xf32>
      %mul3A_1362 = arith.mulf %sub3A_1359, %sub3A_1359 : vector<16xf32>
      %add3A_1363 = arith.addf %mul3A_1361, %mul3A_1362 : vector<16xf32>
      %mul3A_1364 = arith.mulf %sub3A_1360, %sub3A_1360 : vector<16xf32>
      %add3A_1365 = arith.addf %add3A_1363, %mul3A_1364 : vector<16xf32>
      %bitcast_convert_type3A_1366 = tpu.bitcast %add3A_1365 : vector<16xf32> -> vector<16xi32>
      %shift_right_arithmetic3A_1367 = arith.constant 1 : i32
      %shift_right_arithmetic3A_1368 = vector.broadcast %shift_right_arithmetic3A_1367 : i32 to vector<16xi32>
      %shift_right_arithmetic3A_1369 = arith.shrsi %bitcast_convert_type3A_1366, %shift_right_arithmetic3A_1368 : vector<16xi32>
      %sub3A_1370 = arith.constant 1597463007 : i32
      %sub3A_1371 = vector.broadcast %sub3A_1370 : i32 to vector<16xi32>
      %sub3A_1372 = arith.subi %sub3A_1371, %shift_right_arithmetic3A_1369 : vector<16xi32>
      %bitcast_convert_type3A_1373 = tpu.bitcast %sub3A_1372 : vector<16xi32> -> vector<16xf32>
      %mul3A_1374 = arith.mulf %sub3A_1348, %bitcast_convert_type3A_1373 : vector<16xf32>
      %mul3A_1375 = arith.mulf %mul3A_1374, %sub3A_1358 : vector<16xf32>
      %add3A_1376 = arith.addf %gather3A_1352, %mul3A_1375 : vector<16xf32>
      %swap3A_1377 = arith.constant 0 : i32
      %swap3A_1378 = arith.index_cast %swap3A_1377 : i32 to index
      %swap3A_1379 = arith.index_cast %scan3A_829 : i32 to index
      %swap3A_1380 = arith.constant 32 : index
      %swap3A_1381 = tpu.vector_load %arg13[%swap3A_1378, %swap3A_1379, %swap3A_1380] {strides = array<i32>} : memref<3x128x128xf32, #tpu.memory_space<vmem>>, vector<16xf32>,
      tpu.vector_store %arg13[%swap3A_1378, %swap3A_1379, %swap3A_1380], %add3A_1376 {strides = array<i32>} : memref<3x128x128xf32, #tpu.memory_space<vmem>>, vector<16xf32>,
      %mul3A_1382 = arith.mulf %mul3A_1374, %sub3A_1359 : vector<16xf32>
      %add3A_1383 = arith.addf %gather3A_1353, %mul3A_1382 : vector<16xf32>
      %swap3A_1384 = arith.constant 1 : i32
      %swap3A_1385 = arith.index_cast %swap3A_1384 : i32 to index
      %swap3A_1386 = arith.index_cast %scan3A_829 : i32 to index
      %swap3A_1387 = arith.constant 32 : index
      %swap3A_1388 = tpu.vector_load %arg13[%swap3A_1385, %swap3A_1386, %swap3A_1387] {strides = array<i32>} : memref<3x128x128xf32, #tpu.memory_space<vmem>>, vector<16xf32>,
      tpu.vector_store %arg13[%swap3A_1385, %swap3A_1386, %swap3A_1387], %add3A_1383 {strides = array<i32>} : memref<3x128x128xf32, #tpu.memory_space<vmem>>, vector<16xf32>,
      %mul3A_1389 = arith.mulf %mul3A_1374, %sub3A_1360 : vector<16xf32>
      %add3A_1390 = arith.addf %gather3A_1354, %mul3A_1389 : vector<16xf32>
      %swap3A_1391 = arith.constant 2 : i32
      %swap3A_1392 = arith.index_cast %swap3A_1391 : i32 to index
      %swap3A_1393 = arith.index_cast %scan3A_829 : i32 to index
      %swap3A_1394 = arith.constant 32 : index
      %swap3A_1395 = tpu.vector_load %arg13[%swap3A_1392, %swap3A_1393, %swap3A_1394] {strides = array<i32>} : memref<3x128x128xf32, #tpu.memory_space<vmem>>, vector<16xf32>,
      tpu.vector_store %arg13[%swap3A_1392, %swap3A_1393, %swap3A_1394], %add3A_1390 {strides = array<i32>} : memref<3x128x128xf32, #tpu.memory_space<vmem>>, vector<16xf32>,
      %gather3A_1396 = tpu.vector_load_idx %arg8[%broadcast_in_dim3A_830, %select_n3A_1232] : memref<128x65xf32, #tpu.memory_space<vmem>>[vector<16xi32>, vector<16xi32>], vector<16xf32>,
      %sub3A_1397 = arith.subf %get3A_841, %gather3A_1396 : vector<16xf32>
      %add3A_1398 = arith.constant 1 : i32
      %add3A_1399 = vector.broadcast %add3A_1398 : i32 to vector<16xi32>
      %add3A_1400 = arith.addi %select_n3A_1232, %add3A_1399 : vector<16xi32>
      %gather3A_1401 = tpu.vector_load_idx %arg9[%broadcast_in_dim3A_830, %select_n3A_1232] : memref<128x65xf32, #tpu.memory_space<vmem>>[vector<16xi32>, vector<16xi32>], vector<16xf32>,
      %gather3A_1402 = tpu.vector_load_idx %arg10[%broadcast_in_dim3A_830, %select_n3A_1232] : memref<128x65xf32, #tpu.memory_space<vmem>>[vector<16xi32>, vector<16xi32>], vector<16xf32>,
      %gather3A_1403 = tpu.vector_load_idx %arg11[%broadcast_in_dim3A_830, %select_n3A_1232] : memref<128x65xf32, #tpu.memory_space<vmem>>[vector<16xi32>, vector<16xi32>], vector<16xf32>,
      %gather3A_1404 = tpu.vector_load_idx %arg9[%broadcast_in_dim3A_830, %add3A_1400] : memref<128x65xf32, #tpu.memory_space<vmem>>[vector<16xi32>, vector<16xi32>], vector<16xf32>,
      %gather3A_1405 = tpu.vector_load_idx %arg10[%broadcast_in_dim3A_830, %add3A_1400] : memref<128x65xf32, #tpu.memory_space<vmem>>[vector<16xi32>, vector<16xi32>], vector<16xf32>,
      %gather3A_1406 = tpu.vector_load_idx %arg11[%broadcast_in_dim3A_830, %add3A_1400] : memref<128x65xf32, #tpu.memory_space<vmem>>[vector<16xi32>, vector<16xi32>], vector<16xf32>,
      %sub3A_1407 = arith.subf %gather3A_1404, %gather3A_1401 : vector<16xf32>
      %sub3A_1408 = arith.subf %gather3A_1405, %gather3A_1402 : vector<16xf32>
      %sub3A_1409 = arith.subf %gather3A_1406, %gather3A_1403 : vector<16xf32>
      %mul3A_1410 = arith.mulf %sub3A_1407, %sub3A_1407 : vector<16xf32>
      %mul3A_1411 = arith.mulf %sub3A_1408, %sub3A_1408 : vector<16xf32>
      %add3A_1412 = arith.addf %mul3A_1410, %mul3A_1411 : vector<16xf32>
      %mul3A_1413 = arith.mulf %sub3A_1409, %sub3A_1409 : vector<16xf32>
      %add3A_1414 = arith.addf %add3A_1412, %mul3A_1413 : vector<16xf32>
      %bitcast_convert_type3A_1415 = tpu.bitcast %add3A_1414 : vector<16xf32> -> vector<16xi32>
      %shift_right_arithmetic3A_1416 = arith.constant 1 : i32
      %shift_right_arithmetic3A_1417 = vector.broadcast %shift_right_arithmetic3A_1416 : i32 to vector<16xi32>
      %shift_right_arithmetic3A_1418 = arith.shrsi %bitcast_convert_type3A_1415, %shift_right_arithmetic3A_1417 : vector<16xi32>
      %sub3A_1419 = arith.constant 1597463007 : i32
      %sub3A_1420 = vector.broadcast %sub3A_1419 : i32 to vector<16xi32>
      %sub3A_1421 = arith.subi %sub3A_1420, %shift_right_arithmetic3A_1418 : vector<16xi32>
      %bitcast_convert_type3A_1422 = tpu.bitcast %sub3A_1421 : vector<16xi32> -> vector<16xf32>
      %mul3A_1423 = arith.mulf %sub3A_1397, %bitcast_convert_type3A_1422 : vector<16xf32>
      %mul3A_1424 = arith.mulf %mul3A_1423, %sub3A_1407 : vector<16xf32>
      %add3A_1425 = arith.addf %gather3A_1401, %mul3A_1424 : vector<16xf32>
      %swap3A_1426 = arith.constant 0 : i32
      %swap3A_1427 = arith.index_cast %swap3A_1426 : i32 to index
      %swap3A_1428 = arith.index_cast %scan3A_829 : i32 to index
      %swap3A_1429 = arith.constant 48 : index
      %swap3A_1430 = tpu.vector_load %arg13[%swap3A_1427, %swap3A_1428, %swap3A_1429] {strides = array<i32>} : memref<3x128x128xf32, #tpu.memory_space<vmem>>, vector<16xf32>,
      tpu.vector_store %arg13[%swap3A_1427, %swap3A_1428, %swap3A_1429], %add3A_1425 {strides = array<i32>} : memref<3x128x128xf32, #tpu.memory_space<vmem>>, vector<16xf32>,
      %mul3A_1431 = arith.mulf %mul3A_1423, %sub3A_1408 : vector<16xf32>
      %add3A_1432 = arith.addf %gather3A_1402, %mul3A_1431 : vector<16xf32>
      %swap3A_1433 = arith.constant 1 : i32
      %swap3A_1434 = arith.index_cast %swap3A_1433 : i32 to index
      %swap3A_1435 = arith.index_cast %scan3A_829 : i32 to index
      %swap3A_1436 = arith.constant 48 : index
      %swap3A_1437 = tpu.vector_load %arg13[%swap3A_1434, %swap3A_1435, %swap3A_1436] {strides = array<i32>} : memref<3x128x128xf32, #tpu.memory_space<vmem>>, vector<16xf32>,
      tpu.vector_store %arg13[%swap3A_1434, %swap3A_1435, %swap3A_1436], %add3A_1432 {strides = array<i32>} : memref<3x128x128xf32, #tpu.memory_space<vmem>>, vector<16xf32>,
      %mul3A_1438 = arith.mulf %mul3A_1423, %sub3A_1409 : vector<16xf32>
      %add3A_1439 = arith.addf %gather3A_1403, %mul3A_1438 : vector<16xf32>
      %swap3A_1440 = arith.constant 2 : i32
      %swap3A_1441 = arith.index_cast %swap3A_1440 : i32 to index
      %swap3A_1442 = arith.index_cast %scan3A_829 : i32 to index
      %swap3A_1443 = arith.constant 48 : index
      %swap3A_1444 = tpu.vector_load %arg13[%swap3A_1441, %swap3A_1442, %swap3A_1443] {strides = array<i32>} : memref<3x128x128xf32, #tpu.memory_space<vmem>>, vector<16xf32>,
      tpu.vector_store %arg13[%swap3A_1441, %swap3A_1442, %swap3A_1443], %add3A_1439 {strides = array<i32>} : memref<3x128x128xf32, #tpu.memory_space<vmem>>, vector<16xf32>,
      %gather3A_1445 = tpu.vector_load_idx %arg8[%broadcast_in_dim3A_830, %select_n3A_1237] : memref<128x65xf32, #tpu.memory_space<vmem>>[vector<16xi32>, vector<16xi32>], vector<16xf32>,
      %sub3A_1446 = arith.subf %get3A_844, %gather3A_1445 : vector<16xf32>
      %add3A_1447 = arith.constant 1 : i32
      %add3A_1448 = vector.broadcast %add3A_1447 : i32 to vector<16xi32>
      %add3A_1449 = arith.addi %select_n3A_1237, %add3A_1448 : vector<16xi32>
      %gather3A_1450 = tpu.vector_load_idx %arg9[%broadcast_in_dim3A_830, %select_n3A_1237] : memref<128x65xf32, #tpu.memory_space<vmem>>[vector<16xi32>, vector<16xi32>], vector<16xf32>,
      %gather3A_1451 = tpu.vector_load_idx %arg10[%broadcast_in_dim3A_830, %select_n3A_1237] : memref<128x65xf32, #tpu.memory_space<vmem>>[vector<16xi32>, vector<16xi32>], vector<16xf32>,
      %gather3A_1452 = tpu.vector_load_idx %arg11[%broadcast_in_dim3A_830, %select_n3A_1237] : memref<128x65xf32, #tpu.memory_space<vmem>>[vector<16xi32>, vector<16xi32>], vector<16xf32>,
      %gather3A_1453 = tpu.vector_load_idx %arg9[%broadcast_in_dim3A_830, %add3A_1449] : memref<128x65xf32, #tpu.memory_space<vmem>>[vector<16xi32>, vector<16xi32>], vector<16xf32>,
      %gather3A_1454 = tpu.vector_load_idx %arg10[%broadcast_in_dim3A_830, %add3A_1449] : memref<128x65xf32, #tpu.memory_space<vmem>>[vector<16xi32>, vector<16xi32>], vector<16xf32>,
      %gather3A_1455 = tpu.vector_load_idx %arg11[%broadcast_in_dim3A_830, %add3A_1449] : memref<128x65xf32, #tpu.memory_space<vmem>>[vector<16xi32>, vector<16xi32>], vector<16xf32>,
      %sub3A_1456 = arith.subf %gather3A_1453, %gather3A_1450 : vector<16xf32>
      %sub3A_1457 = arith.subf %gather3A_1454, %gather3A_1451 : vector<16xf32>
      %sub3A_1458 = arith.subf %gather3A_1455, %gather3A_1452 : vector<16xf32>
      %mul3A_1459 = arith.mulf %sub3A_1456, %sub3A_1456 : vector<16xf32>
      %mul3A_1460 = arith.mulf %sub3A_1457, %sub3A_1457 : vector<16xf32>
      %add3A_1461 = arith.addf %mul3A_1459, %mul3A_1460 : vector<16xf32>
      %mul3A_1462 = arith.mulf %sub3A_1458, %sub3A_1458 : vector<16xf32>
      %add3A_1463 = arith.addf %add3A_1461, %mul3A_1462 : vector<16xf32>
      %bitcast_convert_type3A_1464 = tpu.bitcast %add3A_1463 : vector<16xf32> -> vector<16xi32>
      %shift_right_arithmetic3A_1465 = arith.constant 1 : i32
      %shift_right_arithmetic3A_1466 = vector.broadcast %shift_right_arithmetic3A_1465 : i32 to vector<16xi32>
      %shift_right_arithmetic3A_1467 = arith.shrsi %bitcast_convert_type3A_1464, %shift_right_arithmetic3A_1466 : vector<16xi32>
      %sub3A_1468 = arith.constant 1597463007 : i32
      %sub3A_1469 = vector.broadcast %sub3A_1468 : i32 to vector<16xi32>
      %sub3A_1470 = arith.subi %sub3A_1469, %shift_right_arithmetic3A_1467 : vector<16xi32>
      %bitcast_convert_type3A_1471 = tpu.bitcast %sub3A_1470 : vector<16xi32> -> vector<16xf32>
      %mul3A_1472 = arith.mulf %sub3A_1446, %bitcast_convert_type3A_1471 : vector<16xf32>
      %mul3A_1473 = arith.mulf %mul3A_1472, %sub3A_1456 : vector<16xf32>
      %add3A_1474 = arith.addf %gather3A_1450, %mul3A_1473 : vector<16xf32>
      %swap3A_1475 = arith.constant 0 : i32
      %swap3A_1476 = arith.index_cast %swap3A_1475 : i32 to index
      %swap3A_1477 = arith.index_cast %scan3A_829 : i32 to index
      %swap3A_1478 = arith.constant 64 : index
      %swap3A_1479 = tpu.vector_load %arg13[%swap3A_1476, %swap3A_1477, %swap3A_1478] {strides = array<i32>} : memref<3x128x128xf32, #tpu.memory_space<vmem>>, vector<16xf32>,
      tpu.vector_store %arg13[%swap3A_1476, %swap3A_1477, %swap3A_1478], %add3A_1474 {strides = array<i32>} : memref<3x128x128xf32, #tpu.memory_space<vmem>>, vector<16xf32>,
      %mul3A_1480 = arith.mulf %mul3A_1472, %sub3A_1457 : vector<16xf32>
      %add3A_1481 = arith.addf %gather3A_1451, %mul3A_1480 : vector<16xf32>
      %swap3A_1482 = arith.constant 1 : i32
      %swap3A_1483 = arith.index_cast %swap3A_1482 : i32 to index
      %swap3A_1484 = arith.index_cast %scan3A_829 : i32 to index
      %swap3A_1485 = arith.constant 64 : index
      %swap3A_1486 = tpu.vector_load %arg13[%swap3A_1483, %swap3A_1484, %swap3A_1485] {strides = array<i32>} : memref<3x128x128xf32, #tpu.memory_space<vmem>>, vector<16xf32>,
      tpu.vector_store %arg13[%swap3A_1483, %swap3A_1484, %swap3A_1485], %add3A_1481 {strides = array<i32>} : memref<3x128x128xf32, #tpu.memory_space<vmem>>, vector<16xf32>,
      %mul3A_1487 = arith.mulf %mul3A_1472, %sub3A_1458 : vector<16xf32>
      %add3A_1488 = arith.addf %gather3A_1452, %mul3A_1487 : vector<16xf32>
      %swap3A_1489 = arith.constant 2 : i32
      %swap3A_1490 = arith.index_cast %swap3A_1489 : i32 to index
      %swap3A_1491 = arith.index_cast %scan3A_829 : i32 to index
      %swap3A_1492 = arith.constant 64 : index
      %swap3A_1493 = tpu.vector_load %arg13[%swap3A_1490, %swap3A_1491, %swap3A_1492] {strides = array<i32>} : memref<3x128x128xf32, #tpu.memory_space<vmem>>, vector<16xf32>,
      tpu.vector_store %arg13[%swap3A_1490, %swap3A_1491, %swap3A_1492], %add3A_1488 {strides = array<i32>} : memref<3x128x128xf32, #tpu.memory_space<vmem>>, vector<16xf32>,
      %gather3A_1494 = tpu.vector_load_idx %arg8[%broadcast_in_dim3A_830, %select_n3A_1242] : memref<128x65xf32, #tpu.memory_space<vmem>>[vector<16xi32>, vector<16xi32>], vector<16xf32>,
      %sub3A_1495 = arith.subf %get3A_847, %gather3A_1494 : vector<16xf32>
      %add3A_1496 = arith.constant 1 : i32
      %add3A_1497 = vector.broadcast %add3A_1496 : i32 to vector<16xi32>
      %add3A_1498 = arith.addi %select_n3A_1242, %add3A_1497 : vector<16xi32>
      %gather3A_1499 = tpu.vector_load_idx %arg9[%broadcast_in_dim3A_830, %select_n3A_1242] : memref<128x65xf32, #tpu.memory_space<vmem>>[vector<16xi32>, vector<16xi32>], vector<16xf32>,
      %gather3A_1500 = tpu.vector_load_idx %arg10[%broadcast_in_dim3A_830, %select_n3A_1242] : memref<128x65xf32, #tpu.memory_space<vmem>>[vector<16xi32>, vector<16xi32>], vector<16xf32>,
      %gather3A_1501 = tpu.vector_load_idx %arg11[%broadcast_in_dim3A_830, %select_n3A_1242] : memref<128x65xf32, #tpu.memory_space<vmem>>[vector<16xi32>, vector<16xi32>], vector<16xf32>,
      %gather3A_1502 = tpu.vector_load_idx %arg9[%broadcast_in_dim3A_830, %add3A_1498] : memref<128x65xf32, #tpu.memory_space<vmem>>[vector<16xi32>, vector<16xi32>], vector<16xf32>,
      %gather3A_1503 = tpu.vector_load_idx %arg10[%broadcast_in_dim3A_830, %add3A_1498] : memref<128x65xf32, #tpu.memory_space<vmem>>[vector<16xi32>, vector<16xi32>], vector<16xf32>,
      %gather3A_1504 = tpu.vector_load_idx %arg11[%broadcast_in_dim3A_830, %add3A_1498] : memref<128x65xf32, #tpu.memory_space<vmem>>[vector<16xi32>, vector<16xi32>], vector<16xf32>,
      %sub3A_1505 = arith.subf %gather3A_1502, %gather3A_1499 : vector<16xf32>
      %sub3A_1506 = arith.subf %gather3A_1503, %gather3A_1500 : vector<16xf32>
      %sub3A_1507 = arith.subf %gather3A_1504, %gather3A_1501 : vector<16xf32>
      %mul3A_1508 = arith.mulf %sub3A_1505, %sub3A_1505 : vector<16xf32>
      %mul3A_1509 = arith.mulf %sub3A_1506, %sub3A_1506 : vector<16xf32>
      %add3A_1510 = arith.addf %mul3A_1508, %mul3A_1509 : vector<16xf32>
      %mul3A_1511 = arith.mulf %sub3A_1507, %sub3A_1507 : vector<16xf32>
      %add3A_1512 = arith.addf %add3A_1510, %mul3A_1511 : vector<16xf32>
      %bitcast_convert_type3A_1513 = tpu.bitcast %add3A_1512 : vector<16xf32> -> vector<16xi32>
      %shift_right_arithmetic3A_1514 = arith.constant 1 : i32
      %shift_right_arithmetic3A_1515 = vector.broadcast %shift_right_arithmetic3A_1514 : i32 to vector<16xi32>
      %shift_right_arithmetic3A_1516 = arith.shrsi %bitcast_convert_type3A_1513, %shift_right_arithmetic3A_1515 : vector<16xi32>
      %sub3A_1517 = arith.constant 1597463007 : i32
      %sub3A_1518 = vector.broadcast %sub3A_1517 : i32 to vector<16xi32>
      %sub3A_1519 = arith.subi %sub3A_1518, %shift_right_arithmetic3A_1516 : vector<16xi32>
      %bitcast_convert_type3A_1520 = tpu.bitcast %sub3A_1519 : vector<16xi32> -> vector<16xf32>
      %mul3A_1521 = arith.mulf %sub3A_1495, %bitcast_convert_type3A_1520 : vector<16xf32>
      %mul3A_1522 = arith.mulf %mul3A_1521, %sub3A_1505 : vector<16xf32>
      %add3A_1523 = arith.addf %gather3A_1499, %mul3A_1522 : vector<16xf32>
      %swap3A_1524 = arith.constant 0 : i32
      %swap3A_1525 = arith.index_cast %swap3A_1524 : i32 to index
      %swap3A_1526 = arith.index_cast %scan3A_829 : i32 to index
      %swap3A_1527 = arith.constant 80 : index
      %swap3A_1528 = tpu.vector_load %arg13[%swap3A_1525, %swap3A_1526, %swap3A_1527] {strides = array<i32>} : memref<3x128x128xf32, #tpu.memory_space<vmem>>, vector<16xf32>,
      tpu.vector_store %arg13[%swap3A_1525, %swap3A_1526, %swap3A_1527], %add3A_1523 {strides = array<i32>} : memref<3x128x128xf32, #tpu.memory_space<vmem>>, vector<16xf32>,
      %mul3A_1529 = arith.mulf %mul3A_1521, %sub3A_1506 : vector<16xf32>
      %add3A_1530 = arith.addf %gather3A_1500, %mul3A_1529 : vector<16xf32>
      %swap3A_1531 = arith.constant 1 : i32
      %swap3A_1532 = arith.index_cast %swap3A_1531 : i32 to index
      %swap3A_1533 = arith.index_cast %scan3A_829 : i32 to index
      %swap3A_1534 = arith.constant 80 : index
      %swap3A_1535 = tpu.vector_load %arg13[%swap3A_1532, %swap3A_1533, %swap3A_1534] {strides = array<i32>} : memref<3x128x128xf32, #tpu.memory_space<vmem>>, vector<16xf32>,
      tpu.vector_store %arg13[%swap3A_1532, %swap3A_1533, %swap3A_1534], %add3A_1530 {strides = array<i32>} : memref<3x128x128xf32, #tpu.memory_space<vmem>>, vector<16xf32>,
      %mul3A_1536 = arith.mulf %mul3A_1521, %sub3A_1507 : vector<16xf32>
      %add3A_1537 = arith.addf %gather3A_1501, %mul3A_1536 : vector<16xf32>
      %swap3A_1538 = arith.constant 2 : i32
      %swap3A_1539 = arith.index_cast %swap3A_1538 : i32 to index
      %swap3A_1540 = arith.index_cast %scan3A_829 : i32 to index
      %swap3A_1541 = arith.constant 80 : index
      %swap3A_1542 = tpu.vector_load %arg13[%swap3A_1539, %swap3A_1540, %swap3A_1541] {strides = array<i32>} : memref<3x128x128xf32, #tpu.memory_space<vmem>>, vector<16xf32>,
      tpu.vector_store %arg13[%swap3A_1539, %swap3A_1540, %swap3A_1541], %add3A_1537 {strides = array<i32>} : memref<3x128x128xf32, #tpu.memory_space<vmem>>, vector<16xf32>,
      %gather3A_1543 = tpu.vector_load_idx %arg8[%broadcast_in_dim3A_830, %select_n3A_1247] : memref<128x65xf32, #tpu.memory_space<vmem>>[vector<16xi32>, vector<16xi32>], vector<16xf32>,
      %sub3A_1544 = arith.subf %get3A_850, %gather3A_1543 : vector<16xf32>
      %add3A_1545 = arith.constant 1 : i32
      %add3A_1546 = vector.broadcast %add3A_1545 : i32 to vector<16xi32>
      %add3A_1547 = arith.addi %select_n3A_1247, %add3A_1546 : vector<16xi32>
      %gather3A_1548 = tpu.vector_load_idx %arg9[%broadcast_in_dim3A_830, %select_n3A_1247] : memref<128x65xf32, #tpu.memory_space<vmem>>[vector<16xi32>, vector<16xi32>], vector<16xf32>,
      %gather3A_1549 = tpu.vector_load_idx %arg10[%broadcast_in_dim3A_830, %select_n3A_1247] : memref<128x65xf32, #tpu.memory_space<vmem>>[vector<16xi32>, vector<16xi32>], vector<16xf32>,
      %gather3A_1550 = tpu.vector_load_idx %arg11[%broadcast_in_dim3A_830, %select_n3A_1247] : memref<128x65xf32, #tpu.memory_space<vmem>>[vector<16xi32>, vector<16xi32>], vector<16xf32>,
      %gather3A_1551 = tpu.vector_load_idx %arg9[%broadcast_in_dim3A_830, %add3A_1547] : memref<128x65xf32, #tpu.memory_space<vmem>>[vector<16xi32>, vector<16xi32>], vector<16xf32>,
      %gather3A_1552 = tpu.vector_load_idx %arg10[%broadcast_in_dim3A_830, %add3A_1547] : memref<128x65xf32, #tpu.memory_space<vmem>>[vector<16xi32>, vector<16xi32>], vector<16xf32>,
      %gather3A_1553 = tpu.vector_load_idx %arg11[%broadcast_in_dim3A_830, %add3A_1547] : memref<128x65xf32, #tpu.memory_space<vmem>>[vector<16xi32>, vector<16xi32>], vector<16xf32>,
      %sub3A_1554 = arith.subf %gather3A_1551, %gather3A_1548 : vector<16xf32>
      %sub3A_1555 = arith.subf %gather3A_1552, %gather3A_1549 : vector<16xf32>
      %sub3A_1556 = arith.subf %gather3A_1553, %gather3A_1550 : vector<16xf32>
      %mul3A_1557 = arith.mulf %sub3A_1554, %sub3A_1554 : vector<16xf32>
      %mul3A_1558 = arith.mulf %sub3A_1555, %sub3A_1555 : vector<16xf32>
      %add3A_1559 = arith.addf %mul3A_1557, %mul3A_1558 : vector<16xf32>
      %mul3A_1560 = arith.mulf %sub3A_1556, %sub3A_1556 : vector<16xf32>
      %add3A_1561 = arith.addf %add3A_1559, %mul3A_1560 : vector<16xf32>
      %bitcast_convert_type3A_1562 = tpu.bitcast %add3A_1561 : vector<16xf32> -> vector<16xi32>
      %shift_right_arithmetic3A_1563 = arith.constant 1 : i32
      %shift_right_arithmetic3A_1564 = vector.broadcast %shift_right_arithmetic3A_1563 : i32 to vector<16xi32>
      %shift_right_arithmetic3A_1565 = arith.shrsi %bitcast_convert_type3A_1562, %shift_right_arithmetic3A_1564 : vector<16xi32>
      %sub3A_1566 = arith.constant 1597463007 : i32
      %sub3A_1567 = vector.broadcast %sub3A_1566 : i32 to vector<16xi32>
      %sub3A_1568 = arith.subi %sub3A_1567, %shift_right_arithmetic3A_1565 : vector<16xi32>
      %bitcast_convert_type3A_1569 = tpu.bitcast %sub3A_1568 : vector<16xi32> -> vector<16xf32>
      %mul3A_1570 = arith.mulf %sub3A_1544, %bitcast_convert_type3A_1569 : vector<16xf32>
      %mul3A_1571 = arith.mulf %mul3A_1570, %sub3A_1554 : vector<16xf32>
      %add3A_1572 = arith.addf %gather3A_1548, %mul3A_1571 : vector<16xf32>
      %swap3A_1573 = arith.constant 0 : i32
      %swap3A_1574 = arith.index_cast %swap3A_1573 : i32 to index
      %swap3A_1575 = arith.index_cast %scan3A_829 : i32 to index
      %swap3A_1576 = arith.constant 96 : index
      %swap3A_1577 = tpu.vector_load %arg13[%swap3A_1574, %swap3A_1575, %swap3A_1576] {strides = array<i32>} : memref<3x128x128xf32, #tpu.memory_space<vmem>>, vector<16xf32>,
      tpu.vector_store %arg13[%swap3A_1574, %swap3A_1575, %swap3A_1576], %add3A_1572 {strides = array<i32>} : memref<3x128x128xf32, #tpu.memory_space<vmem>>, vector<16xf32>,
      %mul3A_1578 = arith.mulf %mul3A_1570, %sub3A_1555 : vector<16xf32>
      %add3A_1579 = arith.addf %gather3A_1549, %mul3A_1578 : vector<16xf32>
      %swap3A_1580 = arith.constant 1 : i32
      %swap3A_1581 = arith.index_cast %swap3A_1580 : i32 to index
      %swap3A_1582 = arith.index_cast %scan3A_829 : i32 to index
      %swap3A_1583 = arith.constant 96 : index
      %swap3A_1584 = tpu.vector_load %arg13[%swap3A_1581, %swap3A_1582, %swap3A_1583] {strides = array<i32>} : memref<3x128x128xf32, #tpu.memory_space<vmem>>, vector<16xf32>,
      tpu.vector_store %arg13[%swap3A_1581, %swap3A_1582, %swap3A_1583], %add3A_1579 {strides = array<i32>} : memref<3x128x128xf32, #tpu.memory_space<vmem>>, vector<16xf32>,
      %mul3A_1585 = arith.mulf %mul3A_1570, %sub3A_1556 : vector<16xf32>
      %add3A_1586 = arith.addf %gather3A_1550, %mul3A_1585 : vector<16xf32>
      %swap3A_1587 = arith.constant 2 : i32
      %swap3A_1588 = arith.index_cast %swap3A_1587 : i32 to index
      %swap3A_1589 = arith.index_cast %scan3A_829 : i32 to index
      %swap3A_1590 = arith.constant 96 : index
      %swap3A_1591 = tpu.vector_load %arg13[%swap3A_1588, %swap3A_1589, %swap3A_1590] {strides = array<i32>} : memref<3x128x128xf32, #tpu.memory_space<vmem>>, vector<16xf32>,
      tpu.vector_store %arg13[%swap3A_1588, %swap3A_1589, %swap3A_1590], %add3A_1586 {strides = array<i32>} : memref<3x128x128xf32, #tpu.memory_space<vmem>>, vector<16xf32>,
      %gather3A_1592 = tpu.vector_load_idx %arg8[%broadcast_in_dim3A_830, %select_n3A_1252] : memref<128x65xf32, #tpu.memory_space<vmem>>[vector<16xi32>, vector<16xi32>], vector<16xf32>,
      %sub3A_1593 = arith.subf %get3A_853, %gather3A_1592 : vector<16xf32>
      %add3A_1594 = arith.constant 1 : i32
      %add3A_1595 = vector.broadcast %add3A_1594 : i32 to vector<16xi32>
      %add3A_1596 = arith.addi %select_n3A_1252, %add3A_1595 : vector<16xi32>
      %gather3A_1597 = tpu.vector_load_idx %arg9[%broadcast_in_dim3A_830, %select_n3A_1252] : memref<128x65xf32, #tpu.memory_space<vmem>>[vector<16xi32>, vector<16xi32>], vector<16xf32>,
      %gather3A_1598 = tpu.vector_load_idx %arg10[%broadcast_in_dim3A_830, %select_n3A_1252] : memref<128x65xf32, #tpu.memory_space<vmem>>[vector<16xi32>, vector<16xi32>], vector<16xf32>,
      %gather3A_1599 = tpu.vector_load_idx %arg11[%broadcast_in_dim3A_830, %select_n3A_1252] : memref<128x65xf32, #tpu.memory_space<vmem>>[vector<16xi32>, vector<16xi32>], vector<16xf32>,
      %gather3A_1600 = tpu.vector_load_idx %arg9[%broadcast_in_dim3A_830, %add3A_1596] : memref<128x65xf32, #tpu.memory_space<vmem>>[vector<16xi32>, vector<16xi32>], vector<16xf32>,
      %gather3A_1601 = tpu.vector_load_idx %arg10[%broadcast_in_dim3A_830, %add3A_1596] : memref<128x65xf32, #tpu.memory_space<vmem>>[vector<16xi32>, vector<16xi32>], vector<16xf32>,
      %gather3A_1602 = tpu.vector_load_idx %arg11[%broadcast_in_dim3A_830, %add3A_1596] : memref<128x65xf32, #tpu.memory_space<vmem>>[vector<16xi32>, vector<16xi32>], vector<16xf32>,
      %sub3A_1603 = arith.subf %gather3A_1600, %gather3A_1597 : vector<16xf32>
      %sub3A_1604 = arith.subf %gather3A_1601, %gather3A_1598 : vector<16xf32>
      %sub3A_1605 = arith.subf %gather3A_1602, %gather3A_1599 : vector<16xf32>
      %mul3A_1606 = arith.mulf %sub3A_1603, %sub3A_1603 : vector<16xf32>
      %mul3A_1607 = arith.mulf %sub3A_1604, %sub3A_1604 : vector<16xf32>
      %add3A_1608 = arith.addf %mul3A_1606, %mul3A_1607 : vector<16xf32>
      %mul3A_1609 = arith.mulf %sub3A_1605, %sub3A_1605 : vector<16xf32>
      %add3A_1610 = arith.addf %add3A_1608, %mul3A_1609 : vector<16xf32>
      %bitcast_convert_type3A_1611 = tpu.bitcast %add3A_1610 : vector<16xf32> -> vector<16xi32>
      %shift_right_arithmetic3A_1612 = arith.constant 1 : i32
      %shift_right_arithmetic3A_1613 = vector.broadcast %shift_right_arithmetic3A_1612 : i32 to vector<16xi32>
      %shift_right_arithmetic3A_1614 = arith.shrsi %bitcast_convert_type3A_1611, %shift_right_arithmetic3A_1613 : vector<16xi32>
      %sub3A_1615 = arith.constant 1597463007 : i32
      %sub3A_1616 = vector.broadcast %sub3A_1615 : i32 to vector<16xi32>
      %sub3A_1617 = arith.subi %sub3A_1616, %shift_right_arithmetic3A_1614 : vector<16xi32>
      %bitcast_convert_type3A_1618 = tpu.bitcast %sub3A_1617 : vector<16xi32> -> vector<16xf32>
      %mul3A_1619 = arith.mulf %sub3A_1593, %bitcast_convert_type3A_1618 : vector<16xf32>
      %mul3A_1620 = arith.mulf %mul3A_1619, %sub3A_1603 : vector<16xf32>
      %add3A_1621 = arith.addf %gather3A_1597, %mul3A_1620 : vector<16xf32>
      %swap3A_1622 = arith.constant 0 : i32
      %swap3A_1623 = arith.index_cast %swap3A_1622 : i32 to index
      %swap3A_1624 = arith.index_cast %scan3A_829 : i32 to index
      %swap3A_1625 = arith.constant 112 : index
      %swap3A_1626 = tpu.vector_load %arg13[%swap3A_1623, %swap3A_1624, %swap3A_1625] {strides = array<i32>} : memref<3x128x128xf32, #tpu.memory_space<vmem>>, vector<16xf32>,
      tpu.vector_store %arg13[%swap3A_1623, %swap3A_1624, %swap3A_1625], %add3A_1621 {strides = array<i32>} : memref<3x128x128xf32, #tpu.memory_space<vmem>>, vector<16xf32>,
      %mul3A_1627 = arith.mulf %mul3A_1619, %sub3A_1604 : vector<16xf32>
      %add3A_1628 = arith.addf %gather3A_1598, %mul3A_1627 : vector<16xf32>
      %swap3A_1629 = arith.constant 1 : i32
      %swap3A_1630 = arith.index_cast %swap3A_1629 : i32 to index
      %swap3A_1631 = arith.index_cast %scan3A_829 : i32 to index
      %swap3A_1632 = arith.constant 112 : index
      %swap3A_1633 = tpu.vector_load %arg13[%swap3A_1630, %swap3A_1631, %swap3A_1632] {strides = array<i32>} : memref<3x128x128xf32, #tpu.memory_space<vmem>>, vector<16xf32>,
      tpu.vector_store %arg13[%swap3A_1630, %swap3A_1631, %swap3A_1632], %add3A_1628 {strides = array<i32>} : memref<3x128x128xf32, #tpu.memory_space<vmem>>, vector<16xf32>,
      %mul3A_1634 = arith.mulf %mul3A_1619, %sub3A_1605 : vector<16xf32>
      %add3A_1635 = arith.addf %gather3A_1599, %mul3A_1634 : vector<16xf32>
      %swap3A_1636 = arith.constant 2 : i32
      %swap3A_1637 = arith.index_cast %swap3A_1636 : i32 to index
      %swap3A_1638 = arith.index_cast %scan3A_829 : i32 to index
      %swap3A_1639 = arith.constant 112 : index
      %swap3A_1640 = tpu.vector_load %arg13[%swap3A_1637, %swap3A_1638, %swap3A_1639] {strides = array<i32>} : memref<3x128x128xf32, #tpu.memory_space<vmem>>, vector<16xf32>,
      tpu.vector_store %arg13[%swap3A_1637, %swap3A_1638, %swap3A_1639], %add3A_1635 {strides = array<i32>} : memref<3x128x128xf32, #tpu.memory_space<vmem>>, vector<16xf32>,
    }
    %scan3A_268 = arith.constant 32 : i32
    %add3A_269 = arith.constant 0 : i32
    %add3A_270 = arith.addi %mul3A_2, %add3A_269 : i32
    %dma_start3A_271 = arith.constant 0 : i32
    %dma_start3A_272 = arith.constant 0 : i32
    %dma_start3A_273 = arith.constant 0 : i32
    %dma_start3A_274 = arith.constant 0 : i32
    %dma_start3A_275 = tpu.memref_slice %arg13[%dma_start3A_271, %dma_start3A_273, %dma_start3A_274] : memref<3x128x128xf32, #tpu.memory_space<vmem>> -> memref<1x32x128xf32, #tpu.memory_space<vmem>>
    %dma_start3A_276 = tpu.memref_squeeze %dma_start3A_275 : memref<1x32x128xf32, #tpu.memory_space<vmem>> -> memref<32x128xf32, #tpu.memory_space<vmem>>
    %dma_start3A_277 = arith.constant 0 : i32
    %dma_start3A_278 = tpu.memref_slice %arg7[%dma_start3A_272, %add3A_270, %dma_start3A_277] : memref<3x4096x128xf32, #tpu.memory_space<hbm>> -> memref<1x32x128xf32, #tpu.memory_space<hbm>>
    %dma_start3A_279 = tpu.memref_squeeze %dma_start3A_278 : memref<1x32x128xf32, #tpu.memory_space<hbm>> -> memref<32x128xf32, #tpu.memory_space<hbm>>
    %dma_start3A_280 = arith.constant 0 : i32
    %dma_start3A_281 = tpu.memref_slice %arg7[%dma_start3A_272, %add3A_270, %dma_start3A_280] : memref<3x4096x128xf32, #tpu.memory_space<hbm>> -> memref<1x32x128xf32, #tpu.memory_space<hbm>>
    %dma_start3A_282 = tpu.memref_squeeze %dma_start3A_281 : memref<1x32x128xf32, #tpu.memory_space<hbm>> -> memref<32x128xf32, #tpu.memory_space<hbm>>
    %dma_start3A_283 = arith.constant 0 : i32
    %dma_start3A_284 = arith.constant 0 : i32
    %dma_start3A_285 = tpu.memref_slice %arg13[%dma_start3A_271, %dma_start3A_283, %dma_start3A_284] : memref<3x128x128xf32, #tpu.memory_space<vmem>> -> memref<1x32x128xf32, #tpu.memory_space<vmem>>
    %dma_start3A_286 = tpu.memref_squeeze %dma_start3A_285 : memref<1x32x128xf32, #tpu.memory_space<vmem>> -> memref<32x128xf32, #tpu.memory_space<vmem>>
    tpu.enqueue_dma source(%dma_start3A_286 : memref<32x128xf32, #tpu.memory_space<vmem>>) target(%dma_start3A_282 : memref<32x128xf32, #tpu.memory_space<hbm>>) target_semaphore(%arg18 : memref<!tpu.dma_semaphore, #tpu.memory_space<semaphore_mem>>)
    %dma_start3A_287 = arith.constant 1 : i32
    %dma_start3A_288 = arith.constant 1 : i32
    %dma_start3A_289 = arith.constant 0 : i32
    %dma_start3A_290 = arith.constant 0 : i32
    %dma_start3A_291 = tpu.memref_slice %arg13[%dma_start3A_287, %dma_start3A_289, %dma_start3A_290] : memref<3x128x128xf32, #tpu.memory_space<vmem>> -> memref<1x32x128xf32, #tpu.memory_space<vmem>>
    %dma_start3A_292 = tpu.memref_squeeze %dma_start3A_291 : memref<1x32x128xf32, #tpu.memory_space<vmem>> -> memref<32x128xf32, #tpu.memory_space<vmem>>
    %dma_start3A_293 = arith.constant 0 : i32
    %dma_start3A_294 = tpu.memref_slice %arg7[%dma_start3A_288, %add3A_270, %dma_start3A_293] : memref<3x4096x128xf32, #tpu.memory_space<hbm>> -> memref<1x32x128xf32, #tpu.memory_space<hbm>>
    %dma_start3A_295 = tpu.memref_squeeze %dma_start3A_294 : memref<1x32x128xf32, #tpu.memory_space<hbm>> -> memref<32x128xf32, #tpu.memory_space<hbm>>
    %dma_start3A_296 = arith.constant 0 : i32
    %dma_start3A_297 = tpu.memref_slice %arg7[%dma_start3A_288, %add3A_270, %dma_start3A_296] : memref<3x4096x128xf32, #tpu.memory_space<hbm>> -> memref<1x32x128xf32, #tpu.memory_space<hbm>>
    %dma_start3A_298 = tpu.memref_squeeze %dma_start3A_297 : memref<1x32x128xf32, #tpu.memory_space<hbm>> -> memref<32x128xf32, #tpu.memory_space<hbm>>
    %dma_start3A_299 = arith.constant 0 : i32
    %dma_start3A_300 = arith.constant 0 : i32
    %dma_start3A_301 = tpu.memref_slice %arg13[%dma_start3A_287, %dma_start3A_299, %dma_start3A_300] : memref<3x128x128xf32, #tpu.memory_space<vmem>> -> memref<1x32x128xf32, #tpu.memory_space<vmem>>
    %dma_start3A_302 = tpu.memref_squeeze %dma_start3A_301 : memref<1x32x128xf32, #tpu.memory_space<vmem>> -> memref<32x128xf32, #tpu.memory_space<vmem>>
    tpu.enqueue_dma source(%dma_start3A_302 : memref<32x128xf32, #tpu.memory_space<vmem>>) target(%dma_start3A_298 : memref<32x128xf32, #tpu.memory_space<hbm>>) target_semaphore(%arg18 : memref<!tpu.dma_semaphore, #tpu.memory_space<semaphore_mem>>)
    %dma_start3A_303 = arith.constant 2 : i32
    %dma_start3A_304 = arith.constant 2 : i32
    %dma_start3A_305 = arith.constant 0 : i32
    %dma_start3A_306 = arith.constant 0 : i32
    %dma_start3A_307 = tpu.memref_slice %arg13[%dma_start3A_303, %dma_start3A_305, %dma_start3A_306] : memref<3x128x128xf32, #tpu.memory_space<vmem>> -> memref<1x32x128xf32, #tpu.memory_space<vmem>>
    %dma_start3A_308 = tpu.memref_squeeze %dma_start3A_307 : memref<1x32x128xf32, #tpu.memory_space<vmem>> -> memref<32x128xf32, #tpu.memory_space<vmem>>
    %dma_start3A_309 = arith.constant 0 : i32
    %dma_start3A_310 = tpu.memref_slice %arg7[%dma_start3A_304, %add3A_270, %dma_start3A_309] : memref<3x4096x128xf32, #tpu.memory_space<hbm>> -> memref<1x32x128xf32, #tpu.memory_space<hbm>>
    %dma_start3A_311 = tpu.memref_squeeze %dma_start3A_310 : memref<1x32x128xf32, #tpu.memory_space<hbm>> -> memref<32x128xf32, #tpu.memory_space<hbm>>
    %dma_start3A_312 = arith.constant 0 : i32
    %dma_start3A_313 = tpu.memref_slice %arg7[%dma_start3A_304, %add3A_270, %dma_start3A_312] : memref<3x4096x128xf32, #tpu.memory_space<hbm>> -> memref<1x32x128xf32, #tpu.memory_space<hbm>>
    %dma_start3A_314 = tpu.memref_squeeze %dma_start3A_313 : memref<1x32x128xf32, #tpu.memory_space<hbm>> -> memref<32x128xf32, #tpu.memory_space<hbm>>
    %dma_start3A_315 = arith.constant 0 : i32
    %dma_start3A_316 = arith.constant 0 : i32
    %dma_start3A_317 = tpu.memref_slice %arg13[%dma_start3A_303, %dma_start3A_315, %dma_start3A_316] : memref<3x128x128xf32, #tpu.memory_space<vmem>> -> memref<1x32x128xf32, #tpu.memory_space<vmem>>
    %dma_start3A_318 = tpu.memref_squeeze %dma_start3A_317 : memref<1x32x128xf32, #tpu.memory_space<vmem>> -> memref<32x128xf32, #tpu.memory_space<vmem>>
    tpu.enqueue_dma source(%dma_start3A_318 : memref<32x128xf32, #tpu.memory_space<vmem>>) target(%dma_start3A_314 : memref<32x128xf32, #tpu.memory_space<hbm>>) target_semaphore(%arg18 : memref<!tpu.dma_semaphore, #tpu.memory_space<semaphore_mem>>)
    %dma_wait3A_319 = arith.constant 32 : i32
    %dma_wait3A_320 = arith.constant 0 : i32
    %dma_wait3A_321 = tpu.memref_slice %arg8[%dma_wait3A_319, %dma_wait3A_320] : memref<128x65xf32, #tpu.memory_space<vmem>> -> memref<32x65xf32, #tpu.memory_space<vmem>>
    %dma_wait3A_322 = arith.constant 0 : i32
    %dma_wait3A_323 = tpu.memref_slice %arg2[%add3A_55, %dma_wait3A_322] : memref<4096x65xf32, #tpu.memory_space<hbm>> -> memref<32x65xf32, #tpu.memory_space<hbm>>
    %dma_wait3A_324 = arith.constant 32 : i32
    %dma_wait3A_325 = arith.constant 0 : i32
    %dma_wait3A_326 = tpu.memref_slice %arg8[%dma_wait3A_324, %dma_wait3A_325] : memref<128x65xf32, #tpu.memory_space<vmem>> -> memref<32x65xf32, #tpu.memory_space<vmem>>
    %dma_wait3A_327 = arith.constant 0 : i32
    %dma_wait3A_328 = tpu.memref_slice %arg2[%add3A_55, %dma_wait3A_327] : memref<4096x65xf32, #tpu.memory_space<hbm>> -> memref<32x65xf32, #tpu.memory_space<hbm>>
    tpu.wait_dma2 semaphore(%arg15 : memref<!tpu.dma_semaphore, #tpu.memory_space<semaphore_mem>>) src(%dma_wait3A_328 : memref<32x65xf32, #tpu.memory_space<hbm>>) dst(%dma_wait3A_326 : memref<32x65xf32, #tpu.memory_space<vmem>>)
    %dma_wait3A_329 = arith.constant 32 : i32
    %dma_wait3A_330 = arith.constant 0 : i32
    %dma_wait3A_331 = tpu.memref_slice %arg9[%dma_wait3A_329, %dma_wait3A_330] : memref<128x65xf32, #tpu.memory_space<vmem>> -> memref<32x65xf32, #tpu.memory_space<vmem>>
    %dma_wait3A_332 = arith.constant 0 : i32
    %dma_wait3A_333 = tpu.memref_slice %arg3[%add3A_55, %dma_wait3A_332] : memref<4096x65xf32, #tpu.memory_space<hbm>> -> memref<32x65xf32, #tpu.memory_space<hbm>>
    %dma_wait3A_334 = arith.constant 32 : i32
    %dma_wait3A_335 = arith.constant 0 : i32
    %dma_wait3A_336 = tpu.memref_slice %arg9[%dma_wait3A_334, %dma_wait3A_335] : memref<128x65xf32, #tpu.memory_space<vmem>> -> memref<32x65xf32, #tpu.memory_space<vmem>>
    %dma_wait3A_337 = arith.constant 0 : i32
    %dma_wait3A_338 = tpu.memref_slice %arg3[%add3A_55, %dma_wait3A_337] : memref<4096x65xf32, #tpu.memory_space<hbm>> -> memref<32x65xf32, #tpu.memory_space<hbm>>
    tpu.wait_dma2 semaphore(%arg15 : memref<!tpu.dma_semaphore, #tpu.memory_space<semaphore_mem>>) src(%dma_wait3A_338 : memref<32x65xf32, #tpu.memory_space<hbm>>) dst(%dma_wait3A_336 : memref<32x65xf32, #tpu.memory_space<vmem>>)
    %dma_wait3A_339 = arith.constant 32 : i32
    %dma_wait3A_340 = arith.constant 0 : i32
    %dma_wait3A_341 = tpu.memref_slice %arg10[%dma_wait3A_339, %dma_wait3A_340] : memref<128x65xf32, #tpu.memory_space<vmem>> -> memref<32x65xf32, #tpu.memory_space<vmem>>
    %dma_wait3A_342 = arith.constant 0 : i32
    %dma_wait3A_343 = tpu.memref_slice %arg4[%add3A_55, %dma_wait3A_342] : memref<4096x65xf32, #tpu.memory_space<hbm>> -> memref<32x65xf32, #tpu.memory_space<hbm>>
    %dma_wait3A_344 = arith.constant 32 : i32
    %dma_wait3A_345 = arith.constant 0 : i32
    %dma_wait3A_346 = tpu.memref_slice %arg10[%dma_wait3A_344, %dma_wait3A_345] : memref<128x65xf32, #tpu.memory_space<vmem>> -> memref<32x65xf32, #tpu.memory_space<vmem>>
    %dma_wait3A_347 = arith.constant 0 : i32
    %dma_wait3A_348 = tpu.memref_slice %arg4[%add3A_55, %dma_wait3A_347] : memref<4096x65xf32, #tpu.memory_space<hbm>> -> memref<32x65xf32, #tpu.memory_space<hbm>>
    tpu.wait_dma2 semaphore(%arg15 : memref<!tpu.dma_semaphore, #tpu.memory_space<semaphore_mem>>) src(%dma_wait3A_348 : memref<32x65xf32, #tpu.memory_space<hbm>>) dst(%dma_wait3A_346 : memref<32x65xf32, #tpu.memory_space<vmem>>)
    %dma_wait3A_349 = arith.constant 32 : i32
    %dma_wait3A_350 = arith.constant 0 : i32
    %dma_wait3A_351 = tpu.memref_slice %arg11[%dma_wait3A_349, %dma_wait3A_350] : memref<128x65xf32, #tpu.memory_space<vmem>> -> memref<32x65xf32, #tpu.memory_space<vmem>>
    %dma_wait3A_352 = arith.constant 0 : i32
    %dma_wait3A_353 = tpu.memref_slice %arg5[%add3A_55, %dma_wait3A_352] : memref<4096x65xf32, #tpu.memory_space<hbm>> -> memref<32x65xf32, #tpu.memory_space<hbm>>
    %dma_wait3A_354 = arith.constant 32 : i32
    %dma_wait3A_355 = arith.constant 0 : i32
    %dma_wait3A_356 = tpu.memref_slice %arg11[%dma_wait3A_354, %dma_wait3A_355] : memref<128x65xf32, #tpu.memory_space<vmem>> -> memref<32x65xf32, #tpu.memory_space<vmem>>
    %dma_wait3A_357 = arith.constant 0 : i32
    %dma_wait3A_358 = tpu.memref_slice %arg5[%add3A_55, %dma_wait3A_357] : memref<4096x65xf32, #tpu.memory_space<hbm>> -> memref<32x65xf32, #tpu.memory_space<hbm>>
    tpu.wait_dma2 semaphore(%arg15 : memref<!tpu.dma_semaphore, #tpu.memory_space<semaphore_mem>>) src(%dma_wait3A_358 : memref<32x65xf32, #tpu.memory_space<hbm>>) dst(%dma_wait3A_356 : memref<32x65xf32, #tpu.memory_space<vmem>>)
    %dma_wait3A_359 = arith.constant 32 : i32
    %dma_wait3A_360 = arith.constant 0 : i32
    %dma_wait3A_361 = tpu.memref_slice %arg12[%dma_wait3A_359, %dma_wait3A_360] : memref<128x128xf32, #tpu.memory_space<vmem>> -> memref<32x128xf32, #tpu.memory_space<vmem>>
    %dma_wait3A_362 = arith.constant 0 : i32
    %dma_wait3A_363 = tpu.memref_slice %arg6[%add3A_55, %dma_wait3A_362] : memref<4096x128xf32, #tpu.memory_space<hbm>> -> memref<32x128xf32, #tpu.memory_space<hbm>>
    %dma_wait3A_364 = arith.constant 32 : i32
    %dma_wait3A_365 = arith.constant 0 : i32
    %dma_wait3A_366 = tpu.memref_slice %arg12[%dma_wait3A_364, %dma_wait3A_365] : memref<128x128xf32, #tpu.memory_space<vmem>> -> memref<32x128xf32, #tpu.memory_space<vmem>>
    %dma_wait3A_367 = arith.constant 0 : i32
    %dma_wait3A_368 = tpu.memref_slice %arg6[%add3A_55, %dma_wait3A_367] : memref<4096x128xf32, #tpu.memory_space<hbm>> -> memref<32x128xf32, #tpu.memory_space<hbm>>
    tpu.wait_dma2 semaphore(%arg15 : memref<!tpu.dma_semaphore, #tpu.memory_space<semaphore_mem>>) src(%dma_wait3A_368 : memref<32x128xf32, #tpu.memory_space<hbm>>) dst(%dma_wait3A_366 : memref<32x128xf32, #tpu.memory_space<vmem>>)
    %scan3A_369 = arith.constant 0 : i32
    %scan3A_370 = arith.constant 32 : i32
    %scan3A_371 = arith.constant 32 : i32
    %scan3A_372 = arith.addi %scan3A_370, %scan3A_371 : i32
    %scan3A_373 = arith.constant 1 : i32
    scf.for %scan3A_829 = %scan3A_370 to %scan3A_372 step %scan3A_373  : i32 {
      %broadcast_in_dim3A_830 = vector.broadcast %scan3A_829 : i32 to vector<16xi32>
      %get3A = arith.index_cast %scan3A_829 : i32 to index
      %get3A_831 = arith.constant 0 : index
      %get3A_832 = tpu.vector_load %arg12[%get3A, %get3A_831] {strides = array<i32>} : memref<128x128xf32, #tpu.memory_space<vmem>>, vector<16xf32>,
      %get3A_833 = arith.index_cast %scan3A_829 : i32 to index
      %get3A_834 = arith.constant 16 : index
      %get3A_835 = tpu.vector_load %arg12[%get3A_833, %get3A_834] {strides = array<i32>} : memref<128x128xf32, #tpu.memory_space<vmem>>, vector<16xf32>,
      %get3A_836 = arith.index_cast %scan3A_829 : i32 to index
      %get3A_837 = arith.constant 32 : index
      %get3A_838 = tpu.vector_load %arg12[%get3A_836, %get3A_837] {strides = array<i32>} : memref<128x128xf32, #tpu.memory_space<vmem>>, vector<16xf32>,
      %get3A_839 = arith.index_cast %scan3A_829 : i32 to index
      %get3A_840 = arith.constant 48 : index
      %get3A_841 = tpu.vector_load %arg12[%get3A_839, %get3A_840] {strides = array<i32>} : memref<128x128xf32, #tpu.memory_space<vmem>>, vector<16xf32>,
      %get3A_842 = arith.index_cast %scan3A_829 : i32 to index
      %get3A_843 = arith.constant 64 : index
      %get3A_844 = tpu.vector_load %arg12[%get3A_842, %get3A_843] {strides = array<i32>} : memref<128x128xf32, #tpu.memory_space<vmem>>, vector<16xf32>,
      %get3A_845 = arith.index_cast %scan3A_829 : i32 to index
      %get3A_846 = arith.constant 80 : index
      %get3A_847 = tpu.vector_load %arg12[%get3A_845, %get3A_846] {strides = array<i32>} : memref<128x128xf32, #tpu.memory_space<vmem>>, vector<16xf32>,
      %get3A_848 = arith.index_cast %scan3A_829 : i32 to index
      %get3A_849 = arith.constant 96 : index
      %get3A_850 = tpu.vector_load %arg12[%get3A_848, %get3A_849] {strides = array<i32>} : memref<128x128xf32, #tpu.memory_space<vmem>>, vector<16xf32>,
      %get3A_851 = arith.index_cast %scan3A_829 : i32 to index
      %get3A_852 = arith.constant 112 : index
      %get3A_853 = tpu.vector_load %arg12[%get3A_851, %get3A_852] {strides = array<i32>} : memref<128x128xf32, #tpu.memory_space<vmem>>, vector<16xf32>,
      %gather3A = tpu.vector_load_idx %arg8[%broadcast_in_dim3A_830, %broadcast_in_dim3A_212] : memref<128x65xf32, #tpu.memory_space<vmem>>[vector<16xi32>, vector<16xi32>], vector<16xf32>,
      %gather3A_854 = tpu.vector_load_idx %arg8[%broadcast_in_dim3A_830, %broadcast_in_dim3A_210] : memref<128x65xf32, #tpu.memory_space<vmem>>[vector<16xi32>, vector<16xi32>], vector<16xf32>,
      %gather3A_855 = tpu.vector_load_idx %arg8[%broadcast_in_dim3A_830, %broadcast_in_dim3A_214] : memref<128x65xf32, #tpu.memory_space<vmem>>[vector<16xi32>, vector<16xi32>], vector<16xf32>,
      %le3A = arith.cmpf ole, %gather3A, %get3A_832 : vector<16xf32>
      %jit3A = arith.constant 32 : i32
      %jit3A_856 = arith.constant 0 : i32
      %broadcast_in_dim3A_857 = vector.broadcast %jit3A : i32 to vector<16xi32>
      %broadcast_in_dim3A_858 = vector.broadcast %jit3A_856 : i32 to vector<16xi32>
      %select_n3A = arith.select %le3A, %broadcast_in_dim3A_857, %broadcast_in_dim3A_858 : vector<16xi1>, vector<16xi32>
      %select_n3A_859 = arith.select %le3A, %gather3A_855, %gather3A_854 : vector<16xi1>, vector<16xf32>
      %le3A_860 = arith.cmpf ole, %select_n3A_859, %get3A_832 : vector<16xf32>
      %jit3A_861 = arith.constant 16 : i32
      %jit3A_862 = arith.constant 0 : i32
      %broadcast_in_dim3A_863 = vector.broadcast %jit3A_861 : i32 to vector<16xi32>
      %broadcast_in_dim3A_864 = vector.broadcast %jit3A_862 : i32 to vector<16xi32>
      %select_n3A_865 = arith.select %le3A_860, %broadcast_in_dim3A_863, %broadcast_in_dim3A_864 : vector<16xi1>, vector<16xi32>
      %add3A_866 = arith.addi %select_n3A, %select_n3A_865 : vector<16xi32>
      %le3A_867 = arith.cmpf ole, %gather3A, %get3A_835 : vector<16xf32>
      %jit3A_868 = arith.constant 32 : i32
      %jit3A_869 = arith.constant 0 : i32
      %broadcast_in_dim3A_870 = vector.broadcast %jit3A_868 : i32 to vector<16xi32>
      %broadcast_in_dim3A_871 = vector.broadcast %jit3A_869 : i32 to vector<16xi32>
      %select_n3A_872 = arith.select %le3A_867, %broadcast_in_dim3A_870, %broadcast_in_dim3A_871 : vector<16xi1>, vector<16xi32>
      %select_n3A_873 = arith.select %le3A_867, %gather3A_855, %gather3A_854 : vector<16xi1>, vector<16xf32>
      %le3A_874 = arith.cmpf ole, %select_n3A_873, %get3A_835 : vector<16xf32>
      %jit3A_875 = arith.constant 16 : i32
      %jit3A_876 = arith.constant 0 : i32
      %broadcast_in_dim3A_877 = vector.broadcast %jit3A_875 : i32 to vector<16xi32>
      %broadcast_in_dim3A_878 = vector.broadcast %jit3A_876 : i32 to vector<16xi32>
      %select_n3A_879 = arith.select %le3A_874, %broadcast_in_dim3A_877, %broadcast_in_dim3A_878 : vector<16xi1>, vector<16xi32>
      %add3A_880 = arith.addi %select_n3A_872, %select_n3A_879 : vector<16xi32>
      %le3A_881 = arith.cmpf ole, %gather3A, %get3A_838 : vector<16xf32>
      %jit3A_882 = arith.constant 32 : i32
      %jit3A_883 = arith.constant 0 : i32
      %broadcast_in_dim3A_884 = vector.broadcast %jit3A_882 : i32 to vector<16xi32>
      %broadcast_in_dim3A_885 = vector.broadcast %jit3A_883 : i32 to vector<16xi32>
      %select_n3A_886 = arith.select %le3A_881, %broadcast_in_dim3A_884, %broadcast_in_dim3A_885 : vector<16xi1>, vector<16xi32>
      %select_n3A_887 = arith.select %le3A_881, %gather3A_855, %gather3A_854 : vector<16xi1>, vector<16xf32>
      %le3A_888 = arith.cmpf ole, %select_n3A_887, %get3A_838 : vector<16xf32>
      %jit3A_889 = arith.constant 16 : i32
      %jit3A_890 = arith.constant 0 : i32
      %broadcast_in_dim3A_891 = vector.broadcast %jit3A_889 : i32 to vector<16xi32>
      %broadcast_in_dim3A_892 = vector.broadcast %jit3A_890 : i32 to vector<16xi32>
      %select_n3A_893 = arith.select %le3A_888, %broadcast_in_dim3A_891, %broadcast_in_dim3A_892 : vector<16xi1>, vector<16xi32>
      %add3A_894 = arith.addi %select_n3A_886, %select_n3A_893 : vector<16xi32>
      %le3A_895 = arith.cmpf ole, %gather3A, %get3A_841 : vector<16xf32>
      %jit3A_896 = arith.constant 32 : i32
      %jit3A_897 = arith.constant 0 : i32
      %broadcast_in_dim3A_898 = vector.broadcast %jit3A_896 : i32 to vector<16xi32>
      %broadcast_in_dim3A_899 = vector.broadcast %jit3A_897 : i32 to vector<16xi32>
      %select_n3A_900 = arith.select %le3A_895, %broadcast_in_dim3A_898, %broadcast_in_dim3A_899 : vector<16xi1>, vector<16xi32>
      %select_n3A_901 = arith.select %le3A_895, %gather3A_855, %gather3A_854 : vector<16xi1>, vector<16xf32>
      %le3A_902 = arith.cmpf ole, %select_n3A_901, %get3A_841 : vector<16xf32>
      %jit3A_903 = arith.constant 16 : i32
      %jit3A_904 = arith.constant 0 : i32
      %broadcast_in_dim3A_905 = vector.broadcast %jit3A_903 : i32 to vector<16xi32>
      %broadcast_in_dim3A_906 = vector.broadcast %jit3A_904 : i32 to vector<16xi32>
      %select_n3A_907 = arith.select %le3A_902, %broadcast_in_dim3A_905, %broadcast_in_dim3A_906 : vector<16xi1>, vector<16xi32>
      %add3A_908 = arith.addi %select_n3A_900, %select_n3A_907 : vector<16xi32>
      %le3A_909 = arith.cmpf ole, %gather3A, %get3A_844 : vector<16xf32>
      %jit3A_910 = arith.constant 32 : i32
      %jit3A_911 = arith.constant 0 : i32
      %broadcast_in_dim3A_912 = vector.broadcast %jit3A_910 : i32 to vector<16xi32>
      %broadcast_in_dim3A_913 = vector.broadcast %jit3A_911 : i32 to vector<16xi32>
      %select_n3A_914 = arith.select %le3A_909, %broadcast_in_dim3A_912, %broadcast_in_dim3A_913 : vector<16xi1>, vector<16xi32>
      %select_n3A_915 = arith.select %le3A_909, %gather3A_855, %gather3A_854 : vector<16xi1>, vector<16xf32>
      %le3A_916 = arith.cmpf ole, %select_n3A_915, %get3A_844 : vector<16xf32>
      %jit3A_917 = arith.constant 16 : i32
      %jit3A_918 = arith.constant 0 : i32
      %broadcast_in_dim3A_919 = vector.broadcast %jit3A_917 : i32 to vector<16xi32>
      %broadcast_in_dim3A_920 = vector.broadcast %jit3A_918 : i32 to vector<16xi32>
      %select_n3A_921 = arith.select %le3A_916, %broadcast_in_dim3A_919, %broadcast_in_dim3A_920 : vector<16xi1>, vector<16xi32>
      %add3A_922 = arith.addi %select_n3A_914, %select_n3A_921 : vector<16xi32>
      %le3A_923 = arith.cmpf ole, %gather3A, %get3A_847 : vector<16xf32>
      %jit3A_924 = arith.constant 32 : i32
      %jit3A_925 = arith.constant 0 : i32
      %broadcast_in_dim3A_926 = vector.broadcast %jit3A_924 : i32 to vector<16xi32>
      %broadcast_in_dim3A_927 = vector.broadcast %jit3A_925 : i32 to vector<16xi32>
      %select_n3A_928 = arith.select %le3A_923, %broadcast_in_dim3A_926, %broadcast_in_dim3A_927 : vector<16xi1>, vector<16xi32>
      %select_n3A_929 = arith.select %le3A_923, %gather3A_855, %gather3A_854 : vector<16xi1>, vector<16xf32>
      %le3A_930 = arith.cmpf ole, %select_n3A_929, %get3A_847 : vector<16xf32>
      %jit3A_931 = arith.constant 16 : i32
      %jit3A_932 = arith.constant 0 : i32
      %broadcast_in_dim3A_933 = vector.broadcast %jit3A_931 : i32 to vector<16xi32>
      %broadcast_in_dim3A_934 = vector.broadcast %jit3A_932 : i32 to vector<16xi32>
      %select_n3A_935 = arith.select %le3A_930, %broadcast_in_dim3A_933, %broadcast_in_dim3A_934 : vector<16xi1>, vector<16xi32>
      %add3A_936 = arith.addi %select_n3A_928, %select_n3A_935 : vector<16xi32>
      %le3A_937 = arith.cmpf ole, %gather3A, %get3A_850 : vector<16xf32>
      %jit3A_938 = arith.constant 32 : i32
      %jit3A_939 = arith.constant 0 : i32
      %broadcast_in_dim3A_940 = vector.broadcast %jit3A_938 : i32 to vector<16xi32>
      %broadcast_in_dim3A_941 = vector.broadcast %jit3A_939 : i32 to vector<16xi32>
      %select_n3A_942 = arith.select %le3A_937, %broadcast_in_dim3A_940, %broadcast_in_dim3A_941 : vector<16xi1>, vector<16xi32>
      %select_n3A_943 = arith.select %le3A_937, %gather3A_855, %gather3A_854 : vector<16xi1>, vector<16xf32>
      %le3A_944 = arith.cmpf ole, %select_n3A_943, %get3A_850 : vector<16xf32>
      %jit3A_945 = arith.constant 16 : i32
      %jit3A_946 = arith.constant 0 : i32
      %broadcast_in_dim3A_947 = vector.broadcast %jit3A_945 : i32 to vector<16xi32>
      %broadcast_in_dim3A_948 = vector.broadcast %jit3A_946 : i32 to vector<16xi32>
      %select_n3A_949 = arith.select %le3A_944, %broadcast_in_dim3A_947, %broadcast_in_dim3A_948 : vector<16xi1>, vector<16xi32>
      %add3A_950 = arith.addi %select_n3A_942, %select_n3A_949 : vector<16xi32>
      %le3A_951 = arith.cmpf ole, %gather3A, %get3A_853 : vector<16xf32>
      %jit3A_952 = arith.constant 32 : i32
      %jit3A_953 = arith.constant 0 : i32
      %broadcast_in_dim3A_954 = vector.broadcast %jit3A_952 : i32 to vector<16xi32>
      %broadcast_in_dim3A_955 = vector.broadcast %jit3A_953 : i32 to vector<16xi32>
      %select_n3A_956 = arith.select %le3A_951, %broadcast_in_dim3A_954, %broadcast_in_dim3A_955 : vector<16xi1>, vector<16xi32>
      %select_n3A_957 = arith.select %le3A_951, %gather3A_855, %gather3A_854 : vector<16xi1>, vector<16xf32>
      %le3A_958 = arith.cmpf ole, %select_n3A_957, %get3A_853 : vector<16xf32>
      %jit3A_959 = arith.constant 16 : i32
      %jit3A_960 = arith.constant 0 : i32
      %broadcast_in_dim3A_961 = vector.broadcast %jit3A_959 : i32 to vector<16xi32>
      %broadcast_in_dim3A_962 = vector.broadcast %jit3A_960 : i32 to vector<16xi32>
      %select_n3A_963 = arith.select %le3A_958, %broadcast_in_dim3A_961, %broadcast_in_dim3A_962 : vector<16xi1>, vector<16xi32>
      %add3A_964 = arith.addi %select_n3A_956, %select_n3A_963 : vector<16xi32>
      %add3A_965 = arith.constant 8 : i32
      %add3A_966 = vector.broadcast %add3A_965 : i32 to vector<16xi32>
      %add3A_967 = arith.addi %add3A_866, %add3A_966 : vector<16xi32>
      %gather3A_968 = tpu.vector_load_idx %arg8[%broadcast_in_dim3A_830, %add3A_967] : memref<128x65xf32, #tpu.memory_space<vmem>>[vector<16xi32>, vector<16xi32>], vector<16xf32>,
      %add3A_969 = arith.constant 8 : i32
      %add3A_970 = vector.broadcast %add3A_969 : i32 to vector<16xi32>
      %add3A_971 = arith.addi %add3A_880, %add3A_970 : vector<16xi32>
      %gather3A_972 = tpu.vector_load_idx %arg8[%broadcast_in_dim3A_830, %add3A_971] : memref<128x65xf32, #tpu.memory_space<vmem>>[vector<16xi32>, vector<16xi32>], vector<16xf32>,
      %add3A_973 = arith.constant 8 : i32
      %add3A_974 = vector.broadcast %add3A_973 : i32 to vector<16xi32>
      %add3A_975 = arith.addi %add3A_894, %add3A_974 : vector<16xi32>
      %gather3A_976 = tpu.vector_load_idx %arg8[%broadcast_in_dim3A_830, %add3A_975] : memref<128x65xf32, #tpu.memory_space<vmem>>[vector<16xi32>, vector<16xi32>], vector<16xf32>,
      %add3A_977 = arith.constant 8 : i32
      %add3A_978 = vector.broadcast %add3A_977 : i32 to vector<16xi32>
      %add3A_979 = arith.addi %add3A_908, %add3A_978 : vector<16xi32>
      %gather3A_980 = tpu.vector_load_idx %arg8[%broadcast_in_dim3A_830, %add3A_979] : memref<128x65xf32, #tpu.memory_space<vmem>>[vector<16xi32>, vector<16xi32>], vector<16xf32>,
      %add3A_981 = arith.constant 8 : i32
      %add3A_982 = vector.broadcast %add3A_981 : i32 to vector<16xi32>
      %add3A_983 = arith.addi %add3A_922, %add3A_982 : vector<16xi32>
      %gather3A_984 = tpu.vector_load_idx %arg8[%broadcast_in_dim3A_830, %add3A_983] : memref<128x65xf32, #tpu.memory_space<vmem>>[vector<16xi32>, vector<16xi32>], vector<16xf32>,
      %add3A_985 = arith.constant 8 : i32
      %add3A_986 = vector.broadcast %add3A_985 : i32 to vector<16xi32>
      %add3A_987 = arith.addi %add3A_936, %add3A_986 : vector<16xi32>
      %gather3A_988 = tpu.vector_load_idx %arg8[%broadcast_in_dim3A_830, %add3A_987] : memref<128x65xf32, #tpu.memory_space<vmem>>[vector<16xi32>, vector<16xi32>], vector<16xf32>,
      %add3A_989 = arith.constant 8 : i32
      %add3A_990 = vector.broadcast %add3A_989 : i32 to vector<16xi32>
      %add3A_991 = arith.addi %add3A_950, %add3A_990 : vector<16xi32>
      %gather3A_992 = tpu.vector_load_idx %arg8[%broadcast_in_dim3A_830, %add3A_991] : memref<128x65xf32, #tpu.memory_space<vmem>>[vector<16xi32>, vector<16xi32>], vector<16xf32>,
      %add3A_993 = arith.constant 8 : i32
      %add3A_994 = vector.broadcast %add3A_993 : i32 to vector<16xi32>
      %add3A_995 = arith.addi %add3A_964, %add3A_994 : vector<16xi32>
      %gather3A_996 = tpu.vector_load_idx %arg8[%broadcast_in_dim3A_830, %add3A_995] : memref<128x65xf32, #tpu.memory_space<vmem>>[vector<16xi32>, vector<16xi32>], vector<16xf32>,
      %le3A_997 = arith.cmpf ole, %gather3A_968, %get3A_832 : vector<16xf32>
      %add3A_998 = arith.constant 8 : i32
      %add3A_999 = vector.broadcast %add3A_998 : i32 to vector<16xi32>
      %add3A_1000 = arith.addi %add3A_866, %add3A_999 : vector<16xi32>
      %select_n3A_1001 = arith.select %le3A_997, %add3A_1000, %add3A_866 : vector<16xi1>, vector<16xi32>
      %le3A_1002 = arith.cmpf ole, %gather3A_972, %get3A_835 : vector<16xf32>
      %add3A_1003 = arith.constant 8 : i32
      %add3A_1004 = vector.broadcast %add3A_1003 : i32 to vector<16xi32>
      %add3A_1005 = arith.addi %add3A_880, %add3A_1004 : vector<16xi32>
      %select_n3A_1006 = arith.select %le3A_1002, %add3A_1005, %add3A_880 : vector<16xi1>, vector<16xi32>
      %le3A_1007 = arith.cmpf ole, %gather3A_976, %get3A_838 : vector<16xf32>
      %add3A_1008 = arith.constant 8 : i32
      %add3A_1009 = vector.broadcast %add3A_1008 : i32 to vector<16xi32>
      %add3A_1010 = arith.addi %add3A_894, %add3A_1009 : vector<16xi32>
      %select_n3A_1011 = arith.select %le3A_1007, %add3A_1010, %add3A_894 : vector<16xi1>, vector<16xi32>
      %le3A_1012 = arith.cmpf ole, %gather3A_980, %get3A_841 : vector<16xf32>
      %add3A_1013 = arith.constant 8 : i32
      %add3A_1014 = vector.broadcast %add3A_1013 : i32 to vector<16xi32>
      %add3A_1015 = arith.addi %add3A_908, %add3A_1014 : vector<16xi32>
      %select_n3A_1016 = arith.select %le3A_1012, %add3A_1015, %add3A_908 : vector<16xi1>, vector<16xi32>
      %le3A_1017 = arith.cmpf ole, %gather3A_984, %get3A_844 : vector<16xf32>
      %add3A_1018 = arith.constant 8 : i32
      %add3A_1019 = vector.broadcast %add3A_1018 : i32 to vector<16xi32>
      %add3A_1020 = arith.addi %add3A_922, %add3A_1019 : vector<16xi32>
      %select_n3A_1021 = arith.select %le3A_1017, %add3A_1020, %add3A_922 : vector<16xi1>, vector<16xi32>
      %le3A_1022 = arith.cmpf ole, %gather3A_988, %get3A_847 : vector<16xf32>
      %add3A_1023 = arith.constant 8 : i32
      %add3A_1024 = vector.broadcast %add3A_1023 : i32 to vector<16xi32>
      %add3A_1025 = arith.addi %add3A_936, %add3A_1024 : vector<16xi32>
      %select_n3A_1026 = arith.select %le3A_1022, %add3A_1025, %add3A_936 : vector<16xi1>, vector<16xi32>
      %le3A_1027 = arith.cmpf ole, %gather3A_992, %get3A_850 : vector<16xf32>
      %add3A_1028 = arith.constant 8 : i32
      %add3A_1029 = vector.broadcast %add3A_1028 : i32 to vector<16xi32>
      %add3A_1030 = arith.addi %add3A_950, %add3A_1029 : vector<16xi32>
      %select_n3A_1031 = arith.select %le3A_1027, %add3A_1030, %add3A_950 : vector<16xi1>, vector<16xi32>
      %le3A_1032 = arith.cmpf ole, %gather3A_996, %get3A_853 : vector<16xf32>
      %add3A_1033 = arith.constant 8 : i32
      %add3A_1034 = vector.broadcast %add3A_1033 : i32 to vector<16xi32>
      %add3A_1035 = arith.addi %add3A_964, %add3A_1034 : vector<16xi32>
      %select_n3A_1036 = arith.select %le3A_1032, %add3A_1035, %add3A_964 : vector<16xi1>, vector<16xi32>
      %add3A_1037 = arith.constant 4 : i32
      %add3A_1038 = vector.broadcast %add3A_1037 : i32 to vector<16xi32>
      %add3A_1039 = arith.addi %select_n3A_1001, %add3A_1038 : vector<16xi32>
      %gather3A_1040 = tpu.vector_load_idx %arg8[%broadcast_in_dim3A_830, %add3A_1039] : memref<128x65xf32, #tpu.memory_space<vmem>>[vector<16xi32>, vector<16xi32>], vector<16xf32>,
      %add3A_1041 = arith.constant 4 : i32
      %add3A_1042 = vector.broadcast %add3A_1041 : i32 to vector<16xi32>
      %add3A_1043 = arith.addi %select_n3A_1006, %add3A_1042 : vector<16xi32>
      %gather3A_1044 = tpu.vector_load_idx %arg8[%broadcast_in_dim3A_830, %add3A_1043] : memref<128x65xf32, #tpu.memory_space<vmem>>[vector<16xi32>, vector<16xi32>], vector<16xf32>,
      %add3A_1045 = arith.constant 4 : i32
      %add3A_1046 = vector.broadcast %add3A_1045 : i32 to vector<16xi32>
      %add3A_1047 = arith.addi %select_n3A_1011, %add3A_1046 : vector<16xi32>
      %gather3A_1048 = tpu.vector_load_idx %arg8[%broadcast_in_dim3A_830, %add3A_1047] : memref<128x65xf32, #tpu.memory_space<vmem>>[vector<16xi32>, vector<16xi32>], vector<16xf32>,
      %add3A_1049 = arith.constant 4 : i32
      %add3A_1050 = vector.broadcast %add3A_1049 : i32 to vector<16xi32>
      %add3A_1051 = arith.addi %select_n3A_1016, %add3A_1050 : vector<16xi32>
      %gather3A_1052 = tpu.vector_load_idx %arg8[%broadcast_in_dim3A_830, %add3A_1051] : memref<128x65xf32, #tpu.memory_space<vmem>>[vector<16xi32>, vector<16xi32>], vector<16xf32>,
      %add3A_1053 = arith.constant 4 : i32
      %add3A_1054 = vector.broadcast %add3A_1053 : i32 to vector<16xi32>
      %add3A_1055 = arith.addi %select_n3A_1021, %add3A_1054 : vector<16xi32>
      %gather3A_1056 = tpu.vector_load_idx %arg8[%broadcast_in_dim3A_830, %add3A_1055] : memref<128x65xf32, #tpu.memory_space<vmem>>[vector<16xi32>, vector<16xi32>], vector<16xf32>,
      %add3A_1057 = arith.constant 4 : i32
      %add3A_1058 = vector.broadcast %add3A_1057 : i32 to vector<16xi32>
      %add3A_1059 = arith.addi %select_n3A_1026, %add3A_1058 : vector<16xi32>
      %gather3A_1060 = tpu.vector_load_idx %arg8[%broadcast_in_dim3A_830, %add3A_1059] : memref<128x65xf32, #tpu.memory_space<vmem>>[vector<16xi32>, vector<16xi32>], vector<16xf32>,
      %add3A_1061 = arith.constant 4 : i32
      %add3A_1062 = vector.broadcast %add3A_1061 : i32 to vector<16xi32>
      %add3A_1063 = arith.addi %select_n3A_1031, %add3A_1062 : vector<16xi32>
      %gather3A_1064 = tpu.vector_load_idx %arg8[%broadcast_in_dim3A_830, %add3A_1063] : memref<128x65xf32, #tpu.memory_space<vmem>>[vector<16xi32>, vector<16xi32>], vector<16xf32>,
      %add3A_1065 = arith.constant 4 : i32
      %add3A_1066 = vector.broadcast %add3A_1065 : i32 to vector<16xi32>
      %add3A_1067 = arith.addi %select_n3A_1036, %add3A_1066 : vector<16xi32>
      %gather3A_1068 = tpu.vector_load_idx %arg8[%broadcast_in_dim3A_830, %add3A_1067] : memref<128x65xf32, #tpu.memory_space<vmem>>[vector<16xi32>, vector<16xi32>], vector<16xf32>,
      %le3A_1069 = arith.cmpf ole, %gather3A_1040, %get3A_832 : vector<16xf32>
      %add3A_1070 = arith.constant 4 : i32
      %add3A_1071 = vector.broadcast %add3A_1070 : i32 to vector<16xi32>
      %add3A_1072 = arith.addi %select_n3A_1001, %add3A_1071 : vector<16xi32>
      %select_n3A_1073 = arith.select %le3A_1069, %add3A_1072, %select_n3A_1001 : vector<16xi1>, vector<16xi32>
      %le3A_1074 = arith.cmpf ole, %gather3A_1044, %get3A_835 : vector<16xf32>
      %add3A_1075 = arith.constant 4 : i32
      %add3A_1076 = vector.broadcast %add3A_1075 : i32 to vector<16xi32>
      %add3A_1077 = arith.addi %select_n3A_1006, %add3A_1076 : vector<16xi32>
      %select_n3A_1078 = arith.select %le3A_1074, %add3A_1077, %select_n3A_1006 : vector<16xi1>, vector<16xi32>
      %le3A_1079 = arith.cmpf ole, %gather3A_1048, %get3A_838 : vector<16xf32>
      %add3A_1080 = arith.constant 4 : i32
      %add3A_1081 = vector.broadcast %add3A_1080 : i32 to vector<16xi32>
      %add3A_1082 = arith.addi %select_n3A_1011, %add3A_1081 : vector<16xi32>
      %select_n3A_1083 = arith.select %le3A_1079, %add3A_1082, %select_n3A_1011 : vector<16xi1>, vector<16xi32>
      %le3A_1084 = arith.cmpf ole, %gather3A_1052, %get3A_841 : vector<16xf32>
      %add3A_1085 = arith.constant 4 : i32
      %add3A_1086 = vector.broadcast %add3A_1085 : i32 to vector<16xi32>
      %add3A_1087 = arith.addi %select_n3A_1016, %add3A_1086 : vector<16xi32>
      %select_n3A_1088 = arith.select %le3A_1084, %add3A_1087, %select_n3A_1016 : vector<16xi1>, vector<16xi32>
      %le3A_1089 = arith.cmpf ole, %gather3A_1056, %get3A_844 : vector<16xf32>
      %add3A_1090 = arith.constant 4 : i32
      %add3A_1091 = vector.broadcast %add3A_1090 : i32 to vector<16xi32>
      %add3A_1092 = arith.addi %select_n3A_1021, %add3A_1091 : vector<16xi32>
      %select_n3A_1093 = arith.select %le3A_1089, %add3A_1092, %select_n3A_1021 : vector<16xi1>, vector<16xi32>
      %le3A_1094 = arith.cmpf ole, %gather3A_1060, %get3A_847 : vector<16xf32>
      %add3A_1095 = arith.constant 4 : i32
      %add3A_1096 = vector.broadcast %add3A_1095 : i32 to vector<16xi32>
      %add3A_1097 = arith.addi %select_n3A_1026, %add3A_1096 : vector<16xi32>
      %select_n3A_1098 = arith.select %le3A_1094, %add3A_1097, %select_n3A_1026 : vector<16xi1>, vector<16xi32>
      %le3A_1099 = arith.cmpf ole, %gather3A_1064, %get3A_850 : vector<16xf32>
      %add3A_1100 = arith.constant 4 : i32
      %add3A_1101 = vector.broadcast %add3A_1100 : i32 to vector<16xi32>
      %add3A_1102 = arith.addi %select_n3A_1031, %add3A_1101 : vector<16xi32>
      %select_n3A_1103 = arith.select %le3A_1099, %add3A_1102, %select_n3A_1031 : vector<16xi1>, vector<16xi32>
      %le3A_1104 = arith.cmpf ole, %gather3A_1068, %get3A_853 : vector<16xf32>
      %add3A_1105 = arith.constant 4 : i32
      %add3A_1106 = vector.broadcast %add3A_1105 : i32 to vector<16xi32>
      %add3A_1107 = arith.addi %select_n3A_1036, %add3A_1106 : vector<16xi32>
      %select_n3A_1108 = arith.select %le3A_1104, %add3A_1107, %select_n3A_1036 : vector<16xi1>, vector<16xi32>
      %add3A_1109 = arith.constant 2 : i32
      %add3A_1110 = vector.broadcast %add3A_1109 : i32 to vector<16xi32>
      %add3A_1111 = arith.addi %select_n3A_1073, %add3A_1110 : vector<16xi32>
      %gather3A_1112 = tpu.vector_load_idx %arg8[%broadcast_in_dim3A_830, %add3A_1111] : memref<128x65xf32, #tpu.memory_space<vmem>>[vector<16xi32>, vector<16xi32>], vector<16xf32>,
      %add3A_1113 = arith.constant 2 : i32
      %add3A_1114 = vector.broadcast %add3A_1113 : i32 to vector<16xi32>
      %add3A_1115 = arith.addi %select_n3A_1078, %add3A_1114 : vector<16xi32>
      %gather3A_1116 = tpu.vector_load_idx %arg8[%broadcast_in_dim3A_830, %add3A_1115] : memref<128x65xf32, #tpu.memory_space<vmem>>[vector<16xi32>, vector<16xi32>], vector<16xf32>,
      %add3A_1117 = arith.constant 2 : i32
      %add3A_1118 = vector.broadcast %add3A_1117 : i32 to vector<16xi32>
      %add3A_1119 = arith.addi %select_n3A_1083, %add3A_1118 : vector<16xi32>
      %gather3A_1120 = tpu.vector_load_idx %arg8[%broadcast_in_dim3A_830, %add3A_1119] : memref<128x65xf32, #tpu.memory_space<vmem>>[vector<16xi32>, vector<16xi32>], vector<16xf32>,
      %add3A_1121 = arith.constant 2 : i32
      %add3A_1122 = vector.broadcast %add3A_1121 : i32 to vector<16xi32>
      %add3A_1123 = arith.addi %select_n3A_1088, %add3A_1122 : vector<16xi32>
      %gather3A_1124 = tpu.vector_load_idx %arg8[%broadcast_in_dim3A_830, %add3A_1123] : memref<128x65xf32, #tpu.memory_space<vmem>>[vector<16xi32>, vector<16xi32>], vector<16xf32>,
      %add3A_1125 = arith.constant 2 : i32
      %add3A_1126 = vector.broadcast %add3A_1125 : i32 to vector<16xi32>
      %add3A_1127 = arith.addi %select_n3A_1093, %add3A_1126 : vector<16xi32>
      %gather3A_1128 = tpu.vector_load_idx %arg8[%broadcast_in_dim3A_830, %add3A_1127] : memref<128x65xf32, #tpu.memory_space<vmem>>[vector<16xi32>, vector<16xi32>], vector<16xf32>,
      %add3A_1129 = arith.constant 2 : i32
      %add3A_1130 = vector.broadcast %add3A_1129 : i32 to vector<16xi32>
      %add3A_1131 = arith.addi %select_n3A_1098, %add3A_1130 : vector<16xi32>
      %gather3A_1132 = tpu.vector_load_idx %arg8[%broadcast_in_dim3A_830, %add3A_1131] : memref<128x65xf32, #tpu.memory_space<vmem>>[vector<16xi32>, vector<16xi32>], vector<16xf32>,
      %add3A_1133 = arith.constant 2 : i32
      %add3A_1134 = vector.broadcast %add3A_1133 : i32 to vector<16xi32>
      %add3A_1135 = arith.addi %select_n3A_1103, %add3A_1134 : vector<16xi32>
      %gather3A_1136 = tpu.vector_load_idx %arg8[%broadcast_in_dim3A_830, %add3A_1135] : memref<128x65xf32, #tpu.memory_space<vmem>>[vector<16xi32>, vector<16xi32>], vector<16xf32>,
      %add3A_1137 = arith.constant 2 : i32
      %add3A_1138 = vector.broadcast %add3A_1137 : i32 to vector<16xi32>
      %add3A_1139 = arith.addi %select_n3A_1108, %add3A_1138 : vector<16xi32>
      %gather3A_1140 = tpu.vector_load_idx %arg8[%broadcast_in_dim3A_830, %add3A_1139] : memref<128x65xf32, #tpu.memory_space<vmem>>[vector<16xi32>, vector<16xi32>], vector<16xf32>,
      %le3A_1141 = arith.cmpf ole, %gather3A_1112, %get3A_832 : vector<16xf32>
      %add3A_1142 = arith.constant 2 : i32
      %add3A_1143 = vector.broadcast %add3A_1142 : i32 to vector<16xi32>
      %add3A_1144 = arith.addi %select_n3A_1073, %add3A_1143 : vector<16xi32>
      %select_n3A_1145 = arith.select %le3A_1141, %add3A_1144, %select_n3A_1073 : vector<16xi1>, vector<16xi32>
      %le3A_1146 = arith.cmpf ole, %gather3A_1116, %get3A_835 : vector<16xf32>
      %add3A_1147 = arith.constant 2 : i32
      %add3A_1148 = vector.broadcast %add3A_1147 : i32 to vector<16xi32>
      %add3A_1149 = arith.addi %select_n3A_1078, %add3A_1148 : vector<16xi32>
      %select_n3A_1150 = arith.select %le3A_1146, %add3A_1149, %select_n3A_1078 : vector<16xi1>, vector<16xi32>
      %le3A_1151 = arith.cmpf ole, %gather3A_1120, %get3A_838 : vector<16xf32>
      %add3A_1152 = arith.constant 2 : i32
      %add3A_1153 = vector.broadcast %add3A_1152 : i32 to vector<16xi32>
      %add3A_1154 = arith.addi %select_n3A_1083, %add3A_1153 : vector<16xi32>
      %select_n3A_1155 = arith.select %le3A_1151, %add3A_1154, %select_n3A_1083 : vector<16xi1>, vector<16xi32>
      %le3A_1156 = arith.cmpf ole, %gather3A_1124, %get3A_841 : vector<16xf32>
      %add3A_1157 = arith.constant 2 : i32
      %add3A_1158 = vector.broadcast %add3A_1157 : i32 to vector<16xi32>
      %add3A_1159 = arith.addi %select_n3A_1088, %add3A_1158 : vector<16xi32>
      %select_n3A_1160 = arith.select %le3A_1156, %add3A_1159, %select_n3A_1088 : vector<16xi1>, vector<16xi32>
      %le3A_1161 = arith.cmpf ole, %gather3A_1128, %get3A_844 : vector<16xf32>
      %add3A_1162 = arith.constant 2 : i32
      %add3A_1163 = vector.broadcast %add3A_1162 : i32 to vector<16xi32>
      %add3A_1164 = arith.addi %select_n3A_1093, %add3A_1163 : vector<16xi32>
      %select_n3A_1165 = arith.select %le3A_1161, %add3A_1164, %select_n3A_1093 : vector<16xi1>, vector<16xi32>
      %le3A_1166 = arith.cmpf ole, %gather3A_1132, %get3A_847 : vector<16xf32>
      %add3A_1167 = arith.constant 2 : i32
      %add3A_1168 = vector.broadcast %add3A_1167 : i32 to vector<16xi32>
      %add3A_1169 = arith.addi %select_n3A_1098, %add3A_1168 : vector<16xi32>
      %select_n3A_1170 = arith.select %le3A_1166, %add3A_1169, %select_n3A_1098 : vector<16xi1>, vector<16xi32>
      %le3A_1171 = arith.cmpf ole, %gather3A_1136, %get3A_850 : vector<16xf32>
      %add3A_1172 = arith.constant 2 : i32
      %add3A_1173 = vector.broadcast %add3A_1172 : i32 to vector<16xi32>
      %add3A_1174 = arith.addi %select_n3A_1103, %add3A_1173 : vector<16xi32>
      %select_n3A_1175 = arith.select %le3A_1171, %add3A_1174, %select_n3A_1103 : vector<16xi1>, vector<16xi32>
      %le3A_1176 = arith.cmpf ole, %gather3A_1140, %get3A_853 : vector<16xf32>
      %add3A_1177 = arith.constant 2 : i32
      %add3A_1178 = vector.broadcast %add3A_1177 : i32 to vector<16xi32>
      %add3A_1179 = arith.addi %select_n3A_1108, %add3A_1178 : vector<16xi32>
      %select_n3A_1180 = arith.select %le3A_1176, %add3A_1179, %select_n3A_1108 : vector<16xi1>, vector<16xi32>
      %add3A_1181 = arith.constant 1 : i32
      %add3A_1182 = vector.broadcast %add3A_1181 : i32 to vector<16xi32>
      %add3A_1183 = arith.addi %select_n3A_1145, %add3A_1182 : vector<16xi32>
      %gather3A_1184 = tpu.vector_load_idx %arg8[%broadcast_in_dim3A_830, %add3A_1183] : memref<128x65xf32, #tpu.memory_space<vmem>>[vector<16xi32>, vector<16xi32>], vector<16xf32>,
      %add3A_1185 = arith.constant 1 : i32
      %add3A_1186 = vector.broadcast %add3A_1185 : i32 to vector<16xi32>
      %add3A_1187 = arith.addi %select_n3A_1150, %add3A_1186 : vector<16xi32>
      %gather3A_1188 = tpu.vector_load_idx %arg8[%broadcast_in_dim3A_830, %add3A_1187] : memref<128x65xf32, #tpu.memory_space<vmem>>[vector<16xi32>, vector<16xi32>], vector<16xf32>,
      %add3A_1189 = arith.constant 1 : i32
      %add3A_1190 = vector.broadcast %add3A_1189 : i32 to vector<16xi32>
      %add3A_1191 = arith.addi %select_n3A_1155, %add3A_1190 : vector<16xi32>
      %gather3A_1192 = tpu.vector_load_idx %arg8[%broadcast_in_dim3A_830, %add3A_1191] : memref<128x65xf32, #tpu.memory_space<vmem>>[vector<16xi32>, vector<16xi32>], vector<16xf32>,
      %add3A_1193 = arith.constant 1 : i32
      %add3A_1194 = vector.broadcast %add3A_1193 : i32 to vector<16xi32>
      %add3A_1195 = arith.addi %select_n3A_1160, %add3A_1194 : vector<16xi32>
      %gather3A_1196 = tpu.vector_load_idx %arg8[%broadcast_in_dim3A_830, %add3A_1195] : memref<128x65xf32, #tpu.memory_space<vmem>>[vector<16xi32>, vector<16xi32>], vector<16xf32>,
      %add3A_1197 = arith.constant 1 : i32
      %add3A_1198 = vector.broadcast %add3A_1197 : i32 to vector<16xi32>
      %add3A_1199 = arith.addi %select_n3A_1165, %add3A_1198 : vector<16xi32>
      %gather3A_1200 = tpu.vector_load_idx %arg8[%broadcast_in_dim3A_830, %add3A_1199] : memref<128x65xf32, #tpu.memory_space<vmem>>[vector<16xi32>, vector<16xi32>], vector<16xf32>,
      %add3A_1201 = arith.constant 1 : i32
      %add3A_1202 = vector.broadcast %add3A_1201 : i32 to vector<16xi32>
      %add3A_1203 = arith.addi %select_n3A_1170, %add3A_1202 : vector<16xi32>
      %gather3A_1204 = tpu.vector_load_idx %arg8[%broadcast_in_dim3A_830, %add3A_1203] : memref<128x65xf32, #tpu.memory_space<vmem>>[vector<16xi32>, vector<16xi32>], vector<16xf32>,
      %add3A_1205 = arith.constant 1 : i32
      %add3A_1206 = vector.broadcast %add3A_1205 : i32 to vector<16xi32>
      %add3A_1207 = arith.addi %select_n3A_1175, %add3A_1206 : vector<16xi32>
      %gather3A_1208 = tpu.vector_load_idx %arg8[%broadcast_in_dim3A_830, %add3A_1207] : memref<128x65xf32, #tpu.memory_space<vmem>>[vector<16xi32>, vector<16xi32>], vector<16xf32>,
      %add3A_1209 = arith.constant 1 : i32
      %add3A_1210 = vector.broadcast %add3A_1209 : i32 to vector<16xi32>
      %add3A_1211 = arith.addi %select_n3A_1180, %add3A_1210 : vector<16xi32>
      %gather3A_1212 = tpu.vector_load_idx %arg8[%broadcast_in_dim3A_830, %add3A_1211] : memref<128x65xf32, #tpu.memory_space<vmem>>[vector<16xi32>, vector<16xi32>], vector<16xf32>,
      %le3A_1213 = arith.cmpf ole, %gather3A_1184, %get3A_832 : vector<16xf32>
      %add3A_1214 = arith.constant 1 : i32
      %add3A_1215 = vector.broadcast %add3A_1214 : i32 to vector<16xi32>
      %add3A_1216 = arith.addi %select_n3A_1145, %add3A_1215 : vector<16xi32>
      %select_n3A_1217 = arith.select %le3A_1213, %add3A_1216, %select_n3A_1145 : vector<16xi1>, vector<16xi32>
      %le3A_1218 = arith.cmpf ole, %gather3A_1188, %get3A_835 : vector<16xf32>
      %add3A_1219 = arith.constant 1 : i32
      %add3A_1220 = vector.broadcast %add3A_1219 : i32 to vector<16xi32>
      %add3A_1221 = arith.addi %select_n3A_1150, %add3A_1220 : vector<16xi32>
      %select_n3A_1222 = arith.select %le3A_1218, %add3A_1221, %select_n3A_1150 : vector<16xi1>, vector<16xi32>
      %le3A_1223 = arith.cmpf ole, %gather3A_1192, %get3A_838 : vector<16xf32>
      %add3A_1224 = arith.constant 1 : i32
      %add3A_1225 = vector.broadcast %add3A_1224 : i32 to vector<16xi32>
      %add3A_1226 = arith.addi %select_n3A_1155, %add3A_1225 : vector<16xi32>
      %select_n3A_1227 = arith.select %le3A_1223, %add3A_1226, %select_n3A_1155 : vector<16xi1>, vector<16xi32>
      %le3A_1228 = arith.cmpf ole, %gather3A_1196, %get3A_841 : vector<16xf32>
      %add3A_1229 = arith.constant 1 : i32
      %add3A_1230 = vector.broadcast %add3A_1229 : i32 to vector<16xi32>
      %add3A_1231 = arith.addi %select_n3A_1160, %add3A_1230 : vector<16xi32>
      %select_n3A_1232 = arith.select %le3A_1228, %add3A_1231, %select_n3A_1160 : vector<16xi1>, vector<16xi32>
      %le3A_1233 = arith.cmpf ole, %gather3A_1200, %get3A_844 : vector<16xf32>
      %add3A_1234 = arith.constant 1 : i32
      %add3A_1235 = vector.broadcast %add3A_1234 : i32 to vector<16xi32>
      %add3A_1236 = arith.addi %select_n3A_1165, %add3A_1235 : vector<16xi32>
      %select_n3A_1237 = arith.select %le3A_1233, %add3A_1236, %select_n3A_1165 : vector<16xi1>, vector<16xi32>
      %le3A_1238 = arith.cmpf ole, %gather3A_1204, %get3A_847 : vector<16xf32>
      %add3A_1239 = arith.constant 1 : i32
      %add3A_1240 = vector.broadcast %add3A_1239 : i32 to vector<16xi32>
      %add3A_1241 = arith.addi %select_n3A_1170, %add3A_1240 : vector<16xi32>
      %select_n3A_1242 = arith.select %le3A_1238, %add3A_1241, %select_n3A_1170 : vector<16xi1>, vector<16xi32>
      %le3A_1243 = arith.cmpf ole, %gather3A_1208, %get3A_850 : vector<16xf32>
      %add3A_1244 = arith.constant 1 : i32
      %add3A_1245 = vector.broadcast %add3A_1244 : i32 to vector<16xi32>
      %add3A_1246 = arith.addi %select_n3A_1175, %add3A_1245 : vector<16xi32>
      %select_n3A_1247 = arith.select %le3A_1243, %add3A_1246, %select_n3A_1175 : vector<16xi1>, vector<16xi32>
      %le3A_1248 = arith.cmpf ole, %gather3A_1212, %get3A_853 : vector<16xf32>
      %add3A_1249 = arith.constant 1 : i32
      %add3A_1250 = vector.broadcast %add3A_1249 : i32 to vector<16xi32>
      %add3A_1251 = arith.addi %select_n3A_1180, %add3A_1250 : vector<16xi32>
      %select_n3A_1252 = arith.select %le3A_1248, %add3A_1251, %select_n3A_1180 : vector<16xi1>, vector<16xi32>
      %gather3A_1253 = tpu.vector_load_idx %arg8[%broadcast_in_dim3A_830, %select_n3A_1217] : memref<128x65xf32, #tpu.memory_space<vmem>>[vector<16xi32>, vector<16xi32>], vector<16xf32>,
      %sub3A = arith.subf %get3A_832, %gather3A_1253 : vector<16xf32>
      %add3A_1254 = arith.constant 1 : i32
      %add3A_1255 = vector.broadcast %add3A_1254 : i32 to vector<16xi32>
      %add3A_1256 = arith.addi %select_n3A_1217, %add3A_1255 : vector<16xi32>
      %gather3A_1257 = tpu.vector_load_idx %arg9[%broadcast_in_dim3A_830, %select_n3A_1217] : memref<128x65xf32, #tpu.memory_space<vmem>>[vector<16xi32>, vector<16xi32>], vector<16xf32>,
      %gather3A_1258 = tpu.vector_load_idx %arg10[%broadcast_in_dim3A_830, %select_n3A_1217] : memref<128x65xf32, #tpu.memory_space<vmem>>[vector<16xi32>, vector<16xi32>], vector<16xf32>,
      %gather3A_1259 = tpu.vector_load_idx %arg11[%broadcast_in_dim3A_830, %select_n3A_1217] : memref<128x65xf32, #tpu.memory_space<vmem>>[vector<16xi32>, vector<16xi32>], vector<16xf32>,
      %gather3A_1260 = tpu.vector_load_idx %arg9[%broadcast_in_dim3A_830, %add3A_1256] : memref<128x65xf32, #tpu.memory_space<vmem>>[vector<16xi32>, vector<16xi32>], vector<16xf32>,
      %gather3A_1261 = tpu.vector_load_idx %arg10[%broadcast_in_dim3A_830, %add3A_1256] : memref<128x65xf32, #tpu.memory_space<vmem>>[vector<16xi32>, vector<16xi32>], vector<16xf32>,
      %gather3A_1262 = tpu.vector_load_idx %arg11[%broadcast_in_dim3A_830, %add3A_1256] : memref<128x65xf32, #tpu.memory_space<vmem>>[vector<16xi32>, vector<16xi32>], vector<16xf32>,
      %sub3A_1263 = arith.subf %gather3A_1260, %gather3A_1257 : vector<16xf32>
      %sub3A_1264 = arith.subf %gather3A_1261, %gather3A_1258 : vector<16xf32>
      %sub3A_1265 = arith.subf %gather3A_1262, %gather3A_1259 : vector<16xf32>
      %mul3A_1266 = arith.mulf %sub3A_1263, %sub3A_1263 : vector<16xf32>
      %mul3A_1267 = arith.mulf %sub3A_1264, %sub3A_1264 : vector<16xf32>
      %add3A_1268 = arith.addf %mul3A_1266, %mul3A_1267 : vector<16xf32>
      %mul3A_1269 = arith.mulf %sub3A_1265, %sub3A_1265 : vector<16xf32>
      %add3A_1270 = arith.addf %add3A_1268, %mul3A_1269 : vector<16xf32>
      %bitcast_convert_type3A = tpu.bitcast %add3A_1270 : vector<16xf32> -> vector<16xi32>
      %shift_right_arithmetic3A = arith.constant 1 : i32
      %shift_right_arithmetic3A_1271 = vector.broadcast %shift_right_arithmetic3A : i32 to vector<16xi32>
      %shift_right_arithmetic3A_1272 = arith.shrsi %bitcast_convert_type3A, %shift_right_arithmetic3A_1271 : vector<16xi32>
      %sub3A_1273 = arith.constant 1597463007 : i32
      %sub3A_1274 = vector.broadcast %sub3A_1273 : i32 to vector<16xi32>
      %sub3A_1275 = arith.subi %sub3A_1274, %shift_right_arithmetic3A_1272 : vector<16xi32>
      %bitcast_convert_type3A_1276 = tpu.bitcast %sub3A_1275 : vector<16xi32> -> vector<16xf32>
      %mul3A_1277 = arith.mulf %sub3A, %bitcast_convert_type3A_1276 : vector<16xf32>
      %mul3A_1278 = arith.mulf %mul3A_1277, %sub3A_1263 : vector<16xf32>
      %add3A_1279 = arith.addf %gather3A_1257, %mul3A_1278 : vector<16xf32>
      %swap3A = arith.constant 0 : i32
      %swap3A_1280 = arith.index_cast %swap3A : i32 to index
      %swap3A_1281 = arith.index_cast %scan3A_829 : i32 to index
      %swap3A_1282 = arith.constant 0 : index
      %swap3A_1283 = tpu.vector_load %arg13[%swap3A_1280, %swap3A_1281, %swap3A_1282] {strides = array<i32>} : memref<3x128x128xf32, #tpu.memory_space<vmem>>, vector<16xf32>,
      tpu.vector_store %arg13[%swap3A_1280, %swap3A_1281, %swap3A_1282], %add3A_1279 {strides = array<i32>} : memref<3x128x128xf32, #tpu.memory_space<vmem>>, vector<16xf32>,
      %mul3A_1284 = arith.mulf %mul3A_1277, %sub3A_1264 : vector<16xf32>
      %add3A_1285 = arith.addf %gather3A_1258, %mul3A_1284 : vector<16xf32>
      %swap3A_1286 = arith.constant 1 : i32
      %swap3A_1287 = arith.index_cast %swap3A_1286 : i32 to index
      %swap3A_1288 = arith.index_cast %scan3A_829 : i32 to index
      %swap3A_1289 = arith.constant 0 : index
      %swap3A_1290 = tpu.vector_load %arg13[%swap3A_1287, %swap3A_1288, %swap3A_1289] {strides = array<i32>} : memref<3x128x128xf32, #tpu.memory_space<vmem>>, vector<16xf32>,
      tpu.vector_store %arg13[%swap3A_1287, %swap3A_1288, %swap3A_1289], %add3A_1285 {strides = array<i32>} : memref<3x128x128xf32, #tpu.memory_space<vmem>>, vector<16xf32>,
      %mul3A_1291 = arith.mulf %mul3A_1277, %sub3A_1265 : vector<16xf32>
      %add3A_1292 = arith.addf %gather3A_1259, %mul3A_1291 : vector<16xf32>
      %swap3A_1293 = arith.constant 2 : i32
      %swap3A_1294 = arith.index_cast %swap3A_1293 : i32 to index
      %swap3A_1295 = arith.index_cast %scan3A_829 : i32 to index
      %swap3A_1296 = arith.constant 0 : index
      %swap3A_1297 = tpu.vector_load %arg13[%swap3A_1294, %swap3A_1295, %swap3A_1296] {strides = array<i32>} : memref<3x128x128xf32, #tpu.memory_space<vmem>>, vector<16xf32>,
      tpu.vector_store %arg13[%swap3A_1294, %swap3A_1295, %swap3A_1296], %add3A_1292 {strides = array<i32>} : memref<3x128x128xf32, #tpu.memory_space<vmem>>, vector<16xf32>,
      %gather3A_1298 = tpu.vector_load_idx %arg8[%broadcast_in_dim3A_830, %select_n3A_1222] : memref<128x65xf32, #tpu.memory_space<vmem>>[vector<16xi32>, vector<16xi32>], vector<16xf32>,
      %sub3A_1299 = arith.subf %get3A_835, %gather3A_1298 : vector<16xf32>
      %add3A_1300 = arith.constant 1 : i32
      %add3A_1301 = vector.broadcast %add3A_1300 : i32 to vector<16xi32>
      %add3A_1302 = arith.addi %select_n3A_1222, %add3A_1301 : vector<16xi32>
      %gather3A_1303 = tpu.vector_load_idx %arg9[%broadcast_in_dim3A_830, %select_n3A_1222] : memref<128x65xf32, #tpu.memory_space<vmem>>[vector<16xi32>, vector<16xi32>], vector<16xf32>,
      %gather3A_1304 = tpu.vector_load_idx %arg10[%broadcast_in_dim3A_830, %select_n3A_1222] : memref<128x65xf32, #tpu.memory_space<vmem>>[vector<16xi32>, vector<16xi32>], vector<16xf32>,
      %gather3A_1305 = tpu.vector_load_idx %arg11[%broadcast_in_dim3A_830, %select_n3A_1222] : memref<128x65xf32, #tpu.memory_space<vmem>>[vector<16xi32>, vector<16xi32>], vector<16xf32>,
      %gather3A_1306 = tpu.vector_load_idx %arg9[%broadcast_in_dim3A_830, %add3A_1302] : memref<128x65xf32, #tpu.memory_space<vmem>>[vector<16xi32>, vector<16xi32>], vector<16xf32>,
      %gather3A_1307 = tpu.vector_load_idx %arg10[%broadcast_in_dim3A_830, %add3A_1302] : memref<128x65xf32, #tpu.memory_space<vmem>>[vector<16xi32>, vector<16xi32>], vector<16xf32>,
      %gather3A_1308 = tpu.vector_load_idx %arg11[%broadcast_in_dim3A_830, %add3A_1302] : memref<128x65xf32, #tpu.memory_space<vmem>>[vector<16xi32>, vector<16xi32>], vector<16xf32>,
      %sub3A_1309 = arith.subf %gather3A_1306, %gather3A_1303 : vector<16xf32>
      %sub3A_1310 = arith.subf %gather3A_1307, %gather3A_1304 : vector<16xf32>
      %sub3A_1311 = arith.subf %gather3A_1308, %gather3A_1305 : vector<16xf32>
      %mul3A_1312 = arith.mulf %sub3A_1309, %sub3A_1309 : vector<16xf32>
      %mul3A_1313 = arith.mulf %sub3A_1310, %sub3A_1310 : vector<16xf32>
      %add3A_1314 = arith.addf %mul3A_1312, %mul3A_1313 : vector<16xf32>
      %mul3A_1315 = arith.mulf %sub3A_1311, %sub3A_1311 : vector<16xf32>
      %add3A_1316 = arith.addf %add3A_1314, %mul3A_1315 : vector<16xf32>
      %bitcast_convert_type3A_1317 = tpu.bitcast %add3A_1316 : vector<16xf32> -> vector<16xi32>
      %shift_right_arithmetic3A_1318 = arith.constant 1 : i32
      %shift_right_arithmetic3A_1319 = vector.broadcast %shift_right_arithmetic3A_1318 : i32 to vector<16xi32>
      %shift_right_arithmetic3A_1320 = arith.shrsi %bitcast_convert_type3A_1317, %shift_right_arithmetic3A_1319 : vector<16xi32>
      %sub3A_1321 = arith.constant 1597463007 : i32
      %sub3A_1322 = vector.broadcast %sub3A_1321 : i32 to vector<16xi32>
      %sub3A_1323 = arith.subi %sub3A_1322, %shift_right_arithmetic3A_1320 : vector<16xi32>
      %bitcast_convert_type3A_1324 = tpu.bitcast %sub3A_1323 : vector<16xi32> -> vector<16xf32>
      %mul3A_1325 = arith.mulf %sub3A_1299, %bitcast_convert_type3A_1324 : vector<16xf32>
      %mul3A_1326 = arith.mulf %mul3A_1325, %sub3A_1309 : vector<16xf32>
      %add3A_1327 = arith.addf %gather3A_1303, %mul3A_1326 : vector<16xf32>
      %swap3A_1328 = arith.constant 0 : i32
      %swap3A_1329 = arith.index_cast %swap3A_1328 : i32 to index
      %swap3A_1330 = arith.index_cast %scan3A_829 : i32 to index
      %swap3A_1331 = arith.constant 16 : index
      %swap3A_1332 = tpu.vector_load %arg13[%swap3A_1329, %swap3A_1330, %swap3A_1331] {strides = array<i32>} : memref<3x128x128xf32, #tpu.memory_space<vmem>>, vector<16xf32>,
      tpu.vector_store %arg13[%swap3A_1329, %swap3A_1330, %swap3A_1331], %add3A_1327 {strides = array<i32>} : memref<3x128x128xf32, #tpu.memory_space<vmem>>, vector<16xf32>,
      %mul3A_1333 = arith.mulf %mul3A_1325, %sub3A_1310 : vector<16xf32>
      %add3A_1334 = arith.addf %gather3A_1304, %mul3A_1333 : vector<16xf32>
      %swap3A_1335 = arith.constant 1 : i32
      %swap3A_1336 = arith.index_cast %swap3A_1335 : i32 to index
      %swap3A_1337 = arith.index_cast %scan3A_829 : i32 to index
      %swap3A_1338 = arith.constant 16 : index
      %swap3A_1339 = tpu.vector_load %arg13[%swap3A_1336, %swap3A_1337, %swap3A_1338] {strides = array<i32>} : memref<3x128x128xf32, #tpu.memory_space<vmem>>, vector<16xf32>,
      tpu.vector_store %arg13[%swap3A_1336, %swap3A_1337, %swap3A_1338], %add3A_1334 {strides = array<i32>} : memref<3x128x128xf32, #tpu.memory_space<vmem>>, vector<16xf32>,
      %mul3A_1340 = arith.mulf %mul3A_1325, %sub3A_1311 : vector<16xf32>
      %add3A_1341 = arith.addf %gather3A_1305, %mul3A_1340 : vector<16xf32>
      %swap3A_1342 = arith.constant 2 : i32
      %swap3A_1343 = arith.index_cast %swap3A_1342 : i32 to index
      %swap3A_1344 = arith.index_cast %scan3A_829 : i32 to index
      %swap3A_1345 = arith.constant 16 : index
      %swap3A_1346 = tpu.vector_load %arg13[%swap3A_1343, %swap3A_1344, %swap3A_1345] {strides = array<i32>} : memref<3x128x128xf32, #tpu.memory_space<vmem>>, vector<16xf32>,
      tpu.vector_store %arg13[%swap3A_1343, %swap3A_1344, %swap3A_1345], %add3A_1341 {strides = array<i32>} : memref<3x128x128xf32, #tpu.memory_space<vmem>>, vector<16xf32>,
      %gather3A_1347 = tpu.vector_load_idx %arg8[%broadcast_in_dim3A_830, %select_n3A_1227] : memref<128x65xf32, #tpu.memory_space<vmem>>[vector<16xi32>, vector<16xi32>], vector<16xf32>,
      %sub3A_1348 = arith.subf %get3A_838, %gather3A_1347 : vector<16xf32>
      %add3A_1349 = arith.constant 1 : i32
      %add3A_1350 = vector.broadcast %add3A_1349 : i32 to vector<16xi32>
      %add3A_1351 = arith.addi %select_n3A_1227, %add3A_1350 : vector<16xi32>
      %gather3A_1352 = tpu.vector_load_idx %arg9[%broadcast_in_dim3A_830, %select_n3A_1227] : memref<128x65xf32, #tpu.memory_space<vmem>>[vector<16xi32>, vector<16xi32>], vector<16xf32>,
      %gather3A_1353 = tpu.vector_load_idx %arg10[%broadcast_in_dim3A_830, %select_n3A_1227] : memref<128x65xf32, #tpu.memory_space<vmem>>[vector<16xi32>, vector<16xi32>], vector<16xf32>,
      %gather3A_1354 = tpu.vector_load_idx %arg11[%broadcast_in_dim3A_830, %select_n3A_1227] : memref<128x65xf32, #tpu.memory_space<vmem>>[vector<16xi32>, vector<16xi32>], vector<16xf32>,
      %gather3A_1355 = tpu.vector_load_idx %arg9[%broadcast_in_dim3A_830, %add3A_1351] : memref<128x65xf32, #tpu.memory_space<vmem>>[vector<16xi32>, vector<16xi32>], vector<16xf32>,
      %gather3A_1356 = tpu.vector_load_idx %arg10[%broadcast_in_dim3A_830, %add3A_1351] : memref<128x65xf32, #tpu.memory_space<vmem>>[vector<16xi32>, vector<16xi32>], vector<16xf32>,
      %gather3A_1357 = tpu.vector_load_idx %arg11[%broadcast_in_dim3A_830, %add3A_1351] : memref<128x65xf32, #tpu.memory_space<vmem>>[vector<16xi32>, vector<16xi32>], vector<16xf32>,
      %sub3A_1358 = arith.subf %gather3A_1355, %gather3A_1352 : vector<16xf32>
      %sub3A_1359 = arith.subf %gather3A_1356, %gather3A_1353 : vector<16xf32>
      %sub3A_1360 = arith.subf %gather3A_1357, %gather3A_1354 : vector<16xf32>
      %mul3A_1361 = arith.mulf %sub3A_1358, %sub3A_1358 : vector<16xf32>
      %mul3A_1362 = arith.mulf %sub3A_1359, %sub3A_1359 : vector<16xf32>
      %add3A_1363 = arith.addf %mul3A_1361, %mul3A_1362 : vector<16xf32>
      %mul3A_1364 = arith.mulf %sub3A_1360, %sub3A_1360 : vector<16xf32>
      %add3A_1365 = arith.addf %add3A_1363, %mul3A_1364 : vector<16xf32>
      %bitcast_convert_type3A_1366 = tpu.bitcast %add3A_1365 : vector<16xf32> -> vector<16xi32>
      %shift_right_arithmetic3A_1367 = arith.constant 1 : i32
      %shift_right_arithmetic3A_1368 = vector.broadcast %shift_right_arithmetic3A_1367 : i32 to vector<16xi32>
      %shift_right_arithmetic3A_1369 = arith.shrsi %bitcast_convert_type3A_1366, %shift_right_arithmetic3A_1368 : vector<16xi32>
      %sub3A_1370 = arith.constant 1597463007 : i32
      %sub3A_1371 = vector.broadcast %sub3A_1370 : i32 to vector<16xi32>
      %sub3A_1372 = arith.subi %sub3A_1371, %shift_right_arithmetic3A_1369 : vector<16xi32>
      %bitcast_convert_type3A_1373 = tpu.bitcast %sub3A_1372 : vector<16xi32> -> vector<16xf32>
      %mul3A_1374 = arith.mulf %sub3A_1348, %bitcast_convert_type3A_1373 : vector<16xf32>
      %mul3A_1375 = arith.mulf %mul3A_1374, %sub3A_1358 : vector<16xf32>
      %add3A_1376 = arith.addf %gather3A_1352, %mul3A_1375 : vector<16xf32>
      %swap3A_1377 = arith.constant 0 : i32
      %swap3A_1378 = arith.index_cast %swap3A_1377 : i32 to index
      %swap3A_1379 = arith.index_cast %scan3A_829 : i32 to index
      %swap3A_1380 = arith.constant 32 : index
      %swap3A_1381 = tpu.vector_load %arg13[%swap3A_1378, %swap3A_1379, %swap3A_1380] {strides = array<i32>} : memref<3x128x128xf32, #tpu.memory_space<vmem>>, vector<16xf32>,
      tpu.vector_store %arg13[%swap3A_1378, %swap3A_1379, %swap3A_1380], %add3A_1376 {strides = array<i32>} : memref<3x128x128xf32, #tpu.memory_space<vmem>>, vector<16xf32>,
      %mul3A_1382 = arith.mulf %mul3A_1374, %sub3A_1359 : vector<16xf32>
      %add3A_1383 = arith.addf %gather3A_1353, %mul3A_1382 : vector<16xf32>
      %swap3A_1384 = arith.constant 1 : i32
      %swap3A_1385 = arith.index_cast %swap3A_1384 : i32 to index
      %swap3A_1386 = arith.index_cast %scan3A_829 : i32 to index
      %swap3A_1387 = arith.constant 32 : index
      %swap3A_1388 = tpu.vector_load %arg13[%swap3A_1385, %swap3A_1386, %swap3A_1387] {strides = array<i32>} : memref<3x128x128xf32, #tpu.memory_space<vmem>>, vector<16xf32>,
      tpu.vector_store %arg13[%swap3A_1385, %swap3A_1386, %swap3A_1387], %add3A_1383 {strides = array<i32>} : memref<3x128x128xf32, #tpu.memory_space<vmem>>, vector<16xf32>,
      %mul3A_1389 = arith.mulf %mul3A_1374, %sub3A_1360 : vector<16xf32>
      %add3A_1390 = arith.addf %gather3A_1354, %mul3A_1389 : vector<16xf32>
      %swap3A_1391 = arith.constant 2 : i32
      %swap3A_1392 = arith.index_cast %swap3A_1391 : i32 to index
      %swap3A_1393 = arith.index_cast %scan3A_829 : i32 to index
      %swap3A_1394 = arith.constant 32 : index
      %swap3A_1395 = tpu.vector_load %arg13[%swap3A_1392, %swap3A_1393, %swap3A_1394] {strides = array<i32>} : memref<3x128x128xf32, #tpu.memory_space<vmem>>, vector<16xf32>,
      tpu.vector_store %arg13[%swap3A_1392, %swap3A_1393, %swap3A_1394], %add3A_1390 {strides = array<i32>} : memref<3x128x128xf32, #tpu.memory_space<vmem>>, vector<16xf32>,
      %gather3A_1396 = tpu.vector_load_idx %arg8[%broadcast_in_dim3A_830, %select_n3A_1232] : memref<128x65xf32, #tpu.memory_space<vmem>>[vector<16xi32>, vector<16xi32>], vector<16xf32>,
      %sub3A_1397 = arith.subf %get3A_841, %gather3A_1396 : vector<16xf32>
      %add3A_1398 = arith.constant 1 : i32
      %add3A_1399 = vector.broadcast %add3A_1398 : i32 to vector<16xi32>
      %add3A_1400 = arith.addi %select_n3A_1232, %add3A_1399 : vector<16xi32>
      %gather3A_1401 = tpu.vector_load_idx %arg9[%broadcast_in_dim3A_830, %select_n3A_1232] : memref<128x65xf32, #tpu.memory_space<vmem>>[vector<16xi32>, vector<16xi32>], vector<16xf32>,
      %gather3A_1402 = tpu.vector_load_idx %arg10[%broadcast_in_dim3A_830, %select_n3A_1232] : memref<128x65xf32, #tpu.memory_space<vmem>>[vector<16xi32>, vector<16xi32>], vector<16xf32>,
      %gather3A_1403 = tpu.vector_load_idx %arg11[%broadcast_in_dim3A_830, %select_n3A_1232] : memref<128x65xf32, #tpu.memory_space<vmem>>[vector<16xi32>, vector<16xi32>], vector<16xf32>,
      %gather3A_1404 = tpu.vector_load_idx %arg9[%broadcast_in_dim3A_830, %add3A_1400] : memref<128x65xf32, #tpu.memory_space<vmem>>[vector<16xi32>, vector<16xi32>], vector<16xf32>,
      %gather3A_1405 = tpu.vector_load_idx %arg10[%broadcast_in_dim3A_830, %add3A_1400] : memref<128x65xf32, #tpu.memory_space<vmem>>[vector<16xi32>, vector<16xi32>], vector<16xf32>,
      %gather3A_1406 = tpu.vector_load_idx %arg11[%broadcast_in_dim3A_830, %add3A_1400] : memref<128x65xf32, #tpu.memory_space<vmem>>[vector<16xi32>, vector<16xi32>], vector<16xf32>,
      %sub3A_1407 = arith.subf %gather3A_1404, %gather3A_1401 : vector<16xf32>
      %sub3A_1408 = arith.subf %gather3A_1405, %gather3A_1402 : vector<16xf32>
      %sub3A_1409 = arith.subf %gather3A_1406, %gather3A_1403 : vector<16xf32>
      %mul3A_1410 = arith.mulf %sub3A_1407, %sub3A_1407 : vector<16xf32>
      %mul3A_1411 = arith.mulf %sub3A_1408, %sub3A_1408 : vector<16xf32>
      %add3A_1412 = arith.addf %mul3A_1410, %mul3A_1411 : vector<16xf32>
      %mul3A_1413 = arith.mulf %sub3A_1409, %sub3A_1409 : vector<16xf32>
      %add3A_1414 = arith.addf %add3A_1412, %mul3A_1413 : vector<16xf32>
      %bitcast_convert_type3A_1415 = tpu.bitcast %add3A_1414 : vector<16xf32> -> vector<16xi32>
      %shift_right_arithmetic3A_1416 = arith.constant 1 : i32
      %shift_right_arithmetic3A_1417 = vector.broadcast %shift_right_arithmetic3A_1416 : i32 to vector<16xi32>
      %shift_right_arithmetic3A_1418 = arith.shrsi %bitcast_convert_type3A_1415, %shift_right_arithmetic3A_1417 : vector<16xi32>
      %sub3A_1419 = arith.constant 1597463007 : i32
      %sub3A_1420 = vector.broadcast %sub3A_1419 : i32 to vector<16xi32>
      %sub3A_1421 = arith.subi %sub3A_1420, %shift_right_arithmetic3A_1418 : vector<16xi32>
      %bitcast_convert_type3A_1422 = tpu.bitcast %sub3A_1421 : vector<16xi32> -> vector<16xf32>
      %mul3A_1423 = arith.mulf %sub3A_1397, %bitcast_convert_type3A_1422 : vector<16xf32>
      %mul3A_1424 = arith.mulf %mul3A_1423, %sub3A_1407 : vector<16xf32>
      %add3A_1425 = arith.addf %gather3A_1401, %mul3A_1424 : vector<16xf32>
      %swap3A_1426 = arith.constant 0 : i32
      %swap3A_1427 = arith.index_cast %swap3A_1426 : i32 to index
      %swap3A_1428 = arith.index_cast %scan3A_829 : i32 to index
      %swap3A_1429 = arith.constant 48 : index
      %swap3A_1430 = tpu.vector_load %arg13[%swap3A_1427, %swap3A_1428, %swap3A_1429] {strides = array<i32>} : memref<3x128x128xf32, #tpu.memory_space<vmem>>, vector<16xf32>,
      tpu.vector_store %arg13[%swap3A_1427, %swap3A_1428, %swap3A_1429], %add3A_1425 {strides = array<i32>} : memref<3x128x128xf32, #tpu.memory_space<vmem>>, vector<16xf32>,
      %mul3A_1431 = arith.mulf %mul3A_1423, %sub3A_1408 : vector<16xf32>
      %add3A_1432 = arith.addf %gather3A_1402, %mul3A_1431 : vector<16xf32>
      %swap3A_1433 = arith.constant 1 : i32
      %swap3A_1434 = arith.index_cast %swap3A_1433 : i32 to index
      %swap3A_1435 = arith.index_cast %scan3A_829 : i32 to index
      %swap3A_1436 = arith.constant 48 : index
      %swap3A_1437 = tpu.vector_load %arg13[%swap3A_1434, %swap3A_1435, %swap3A_1436] {strides = array<i32>} : memref<3x128x128xf32, #tpu.memory_space<vmem>>, vector<16xf32>,
      tpu.vector_store %arg13[%swap3A_1434, %swap3A_1435, %swap3A_1436], %add3A_1432 {strides = array<i32>} : memref<3x128x128xf32, #tpu.memory_space<vmem>>, vector<16xf32>,
      %mul3A_1438 = arith.mulf %mul3A_1423, %sub3A_1409 : vector<16xf32>
      %add3A_1439 = arith.addf %gather3A_1403, %mul3A_1438 : vector<16xf32>
      %swap3A_1440 = arith.constant 2 : i32
      %swap3A_1441 = arith.index_cast %swap3A_1440 : i32 to index
      %swap3A_1442 = arith.index_cast %scan3A_829 : i32 to index
      %swap3A_1443 = arith.constant 48 : index
      %swap3A_1444 = tpu.vector_load %arg13[%swap3A_1441, %swap3A_1442, %swap3A_1443] {strides = array<i32>} : memref<3x128x128xf32, #tpu.memory_space<vmem>>, vector<16xf32>,
      tpu.vector_store %arg13[%swap3A_1441, %swap3A_1442, %swap3A_1443], %add3A_1439 {strides = array<i32>} : memref<3x128x128xf32, #tpu.memory_space<vmem>>, vector<16xf32>,
      %gather3A_1445 = tpu.vector_load_idx %arg8[%broadcast_in_dim3A_830, %select_n3A_1237] : memref<128x65xf32, #tpu.memory_space<vmem>>[vector<16xi32>, vector<16xi32>], vector<16xf32>,
      %sub3A_1446 = arith.subf %get3A_844, %gather3A_1445 : vector<16xf32>
      %add3A_1447 = arith.constant 1 : i32
      %add3A_1448 = vector.broadcast %add3A_1447 : i32 to vector<16xi32>
      %add3A_1449 = arith.addi %select_n3A_1237, %add3A_1448 : vector<16xi32>
      %gather3A_1450 = tpu.vector_load_idx %arg9[%broadcast_in_dim3A_830, %select_n3A_1237] : memref<128x65xf32, #tpu.memory_space<vmem>>[vector<16xi32>, vector<16xi32>], vector<16xf32>,
      %gather3A_1451 = tpu.vector_load_idx %arg10[%broadcast_in_dim3A_830, %select_n3A_1237] : memref<128x65xf32, #tpu.memory_space<vmem>>[vector<16xi32>, vector<16xi32>], vector<16xf32>,
      %gather3A_1452 = tpu.vector_load_idx %arg11[%broadcast_in_dim3A_830, %select_n3A_1237] : memref<128x65xf32, #tpu.memory_space<vmem>>[vector<16xi32>, vector<16xi32>], vector<16xf32>,
      %gather3A_1453 = tpu.vector_load_idx %arg9[%broadcast_in_dim3A_830, %add3A_1449] : memref<128x65xf32, #tpu.memory_space<vmem>>[vector<16xi32>, vector<16xi32>], vector<16xf32>,
      %gather3A_1454 = tpu.vector_load_idx %arg10[%broadcast_in_dim3A_830, %add3A_1449] : memref<128x65xf32, #tpu.memory_space<vmem>>[vector<16xi32>, vector<16xi32>], vector<16xf32>,
      %gather3A_1455 = tpu.vector_load_idx %arg11[%broadcast_in_dim3A_830, %add3A_1449] : memref<128x65xf32, #tpu.memory_space<vmem>>[vector<16xi32>, vector<16xi32>], vector<16xf32>,
      %sub3A_1456 = arith.subf %gather3A_1453, %gather3A_1450 : vector<16xf32>
      %sub3A_1457 = arith.subf %gather3A_1454, %gather3A_1451 : vector<16xf32>
      %sub3A_1458 = arith.subf %gather3A_1455, %gather3A_1452 : vector<16xf32>
      %mul3A_1459 = arith.mulf %sub3A_1456, %sub3A_1456 : vector<16xf32>
      %mul3A_1460 = arith.mulf %sub3A_1457, %sub3A_1457 : vector<16xf32>
      %add3A_1461 = arith.addf %mul3A_1459, %mul3A_1460 : vector<16xf32>
      %mul3A_1462 = arith.mulf %sub3A_1458, %sub3A_1458 : vector<16xf32>
      %add3A_1463 = arith.addf %add3A_1461, %mul3A_1462 : vector<16xf32>
      %bitcast_convert_type3A_1464 = tpu.bitcast %add3A_1463 : vector<16xf32> -> vector<16xi32>
      %shift_right_arithmetic3A_1465 = arith.constant 1 : i32
      %shift_right_arithmetic3A_1466 = vector.broadcast %shift_right_arithmetic3A_1465 : i32 to vector<16xi32>
      %shift_right_arithmetic3A_1467 = arith.shrsi %bitcast_convert_type3A_1464, %shift_right_arithmetic3A_1466 : vector<16xi32>
      %sub3A_1468 = arith.constant 1597463007 : i32
      %sub3A_1469 = vector.broadcast %sub3A_1468 : i32 to vector<16xi32>
      %sub3A_1470 = arith.subi %sub3A_1469, %shift_right_arithmetic3A_1467 : vector<16xi32>
      %bitcast_convert_type3A_1471 = tpu.bitcast %sub3A_1470 : vector<16xi32> -> vector<16xf32>
      %mul3A_1472 = arith.mulf %sub3A_1446, %bitcast_convert_type3A_1471 : vector<16xf32>
      %mul3A_1473 = arith.mulf %mul3A_1472, %sub3A_1456 : vector<16xf32>
      %add3A_1474 = arith.addf %gather3A_1450, %mul3A_1473 : vector<16xf32>
      %swap3A_1475 = arith.constant 0 : i32
      %swap3A_1476 = arith.index_cast %swap3A_1475 : i32 to index
      %swap3A_1477 = arith.index_cast %scan3A_829 : i32 to index
      %swap3A_1478 = arith.constant 64 : index
      %swap3A_1479 = tpu.vector_load %arg13[%swap3A_1476, %swap3A_1477, %swap3A_1478] {strides = array<i32>} : memref<3x128x128xf32, #tpu.memory_space<vmem>>, vector<16xf32>,
      tpu.vector_store %arg13[%swap3A_1476, %swap3A_1477, %swap3A_1478], %add3A_1474 {strides = array<i32>} : memref<3x128x128xf32, #tpu.memory_space<vmem>>, vector<16xf32>,
      %mul3A_1480 = arith.mulf %mul3A_1472, %sub3A_1457 : vector<16xf32>
      %add3A_1481 = arith.addf %gather3A_1451, %mul3A_1480 : vector<16xf32>
      %swap3A_1482 = arith.constant 1 : i32
      %swap3A_1483 = arith.index_cast %swap3A_1482 : i32 to index
      %swap3A_1484 = arith.index_cast %scan3A_829 : i32 to index
      %swap3A_1485 = arith.constant 64 : index
      %swap3A_1486 = tpu.vector_load %arg13[%swap3A_1483, %swap3A_1484, %swap3A_1485] {strides = array<i32>} : memref<3x128x128xf32, #tpu.memory_space<vmem>>, vector<16xf32>,
      tpu.vector_store %arg13[%swap3A_1483, %swap3A_1484, %swap3A_1485], %add3A_1481 {strides = array<i32>} : memref<3x128x128xf32, #tpu.memory_space<vmem>>, vector<16xf32>,
      %mul3A_1487 = arith.mulf %mul3A_1472, %sub3A_1458 : vector<16xf32>
      %add3A_1488 = arith.addf %gather3A_1452, %mul3A_1487 : vector<16xf32>
      %swap3A_1489 = arith.constant 2 : i32
      %swap3A_1490 = arith.index_cast %swap3A_1489 : i32 to index
      %swap3A_1491 = arith.index_cast %scan3A_829 : i32 to index
      %swap3A_1492 = arith.constant 64 : index
      %swap3A_1493 = tpu.vector_load %arg13[%swap3A_1490, %swap3A_1491, %swap3A_1492] {strides = array<i32>} : memref<3x128x128xf32, #tpu.memory_space<vmem>>, vector<16xf32>,
      tpu.vector_store %arg13[%swap3A_1490, %swap3A_1491, %swap3A_1492], %add3A_1488 {strides = array<i32>} : memref<3x128x128xf32, #tpu.memory_space<vmem>>, vector<16xf32>,
      %gather3A_1494 = tpu.vector_load_idx %arg8[%broadcast_in_dim3A_830, %select_n3A_1242] : memref<128x65xf32, #tpu.memory_space<vmem>>[vector<16xi32>, vector<16xi32>], vector<16xf32>,
      %sub3A_1495 = arith.subf %get3A_847, %gather3A_1494 : vector<16xf32>
      %add3A_1496 = arith.constant 1 : i32
      %add3A_1497 = vector.broadcast %add3A_1496 : i32 to vector<16xi32>
      %add3A_1498 = arith.addi %select_n3A_1242, %add3A_1497 : vector<16xi32>
      %gather3A_1499 = tpu.vector_load_idx %arg9[%broadcast_in_dim3A_830, %select_n3A_1242] : memref<128x65xf32, #tpu.memory_space<vmem>>[vector<16xi32>, vector<16xi32>], vector<16xf32>,
      %gather3A_1500 = tpu.vector_load_idx %arg10[%broadcast_in_dim3A_830, %select_n3A_1242] : memref<128x65xf32, #tpu.memory_space<vmem>>[vector<16xi32>, vector<16xi32>], vector<16xf32>,
      %gather3A_1501 = tpu.vector_load_idx %arg11[%broadcast_in_dim3A_830, %select_n3A_1242] : memref<128x65xf32, #tpu.memory_space<vmem>>[vector<16xi32>, vector<16xi32>], vector<16xf32>,
      %gather3A_1502 = tpu.vector_load_idx %arg9[%broadcast_in_dim3A_830, %add3A_1498] : memref<128x65xf32, #tpu.memory_space<vmem>>[vector<16xi32>, vector<16xi32>], vector<16xf32>,
      %gather3A_1503 = tpu.vector_load_idx %arg10[%broadcast_in_dim3A_830, %add3A_1498] : memref<128x65xf32, #tpu.memory_space<vmem>>[vector<16xi32>, vector<16xi32>], vector<16xf32>,
      %gather3A_1504 = tpu.vector_load_idx %arg11[%broadcast_in_dim3A_830, %add3A_1498] : memref<128x65xf32, #tpu.memory_space<vmem>>[vector<16xi32>, vector<16xi32>], vector<16xf32>,
      %sub3A_1505 = arith.subf %gather3A_1502, %gather3A_1499 : vector<16xf32>
      %sub3A_1506 = arith.subf %gather3A_1503, %gather3A_1500 : vector<16xf32>
      %sub3A_1507 = arith.subf %gather3A_1504, %gather3A_1501 : vector<16xf32>
      %mul3A_1508 = arith.mulf %sub3A_1505, %sub3A_1505 : vector<16xf32>
      %mul3A_1509 = arith.mulf %sub3A_1506, %sub3A_1506 : vector<16xf32>
      %add3A_1510 = arith.addf %mul3A_1508, %mul3A_1509 : vector<16xf32>
      %mul3A_1511 = arith.mulf %sub3A_1507, %sub3A_1507 : vector<16xf32>
      %add3A_1512 = arith.addf %add3A_1510, %mul3A_1511 : vector<16xf32>
      %bitcast_convert_type3A_1513 = tpu.bitcast %add3A_1512 : vector<16xf32> -> vector<16xi32>
      %shift_right_arithmetic3A_1514 = arith.constant 1 : i32
      %shift_right_arithmetic3A_1515 = vector.broadcast %shift_right_arithmetic3A_1514 : i32 to vector<16xi32>
      %shift_right_arithmetic3A_1516 = arith.shrsi %bitcast_convert_type3A_1513, %shift_right_arithmetic3A_1515 : vector<16xi32>
      %sub3A_1517 = arith.constant 1597463007 : i32
      %sub3A_1518 = vector.broadcast %sub3A_1517 : i32 to vector<16xi32>
      %sub3A_1519 = arith.subi %sub3A_1518, %shift_right_arithmetic3A_1516 : vector<16xi32>
      %bitcast_convert_type3A_1520 = tpu.bitcast %sub3A_1519 : vector<16xi32> -> vector<16xf32>
      %mul3A_1521 = arith.mulf %sub3A_1495, %bitcast_convert_type3A_1520 : vector<16xf32>
      %mul3A_1522 = arith.mulf %mul3A_1521, %sub3A_1505 : vector<16xf32>
      %add3A_1523 = arith.addf %gather3A_1499, %mul3A_1522 : vector<16xf32>
      %swap3A_1524 = arith.constant 0 : i32
      %swap3A_1525 = arith.index_cast %swap3A_1524 : i32 to index
      %swap3A_1526 = arith.index_cast %scan3A_829 : i32 to index
      %swap3A_1527 = arith.constant 80 : index
      %swap3A_1528 = tpu.vector_load %arg13[%swap3A_1525, %swap3A_1526, %swap3A_1527] {strides = array<i32>} : memref<3x128x128xf32, #tpu.memory_space<vmem>>, vector<16xf32>,
      tpu.vector_store %arg13[%swap3A_1525, %swap3A_1526, %swap3A_1527], %add3A_1523 {strides = array<i32>} : memref<3x128x128xf32, #tpu.memory_space<vmem>>, vector<16xf32>,
      %mul3A_1529 = arith.mulf %mul3A_1521, %sub3A_1506 : vector<16xf32>
      %add3A_1530 = arith.addf %gather3A_1500, %mul3A_1529 : vector<16xf32>
      %swap3A_1531 = arith.constant 1 : i32
      %swap3A_1532 = arith.index_cast %swap3A_1531 : i32 to index
      %swap3A_1533 = arith.index_cast %scan3A_829 : i32 to index
      %swap3A_1534 = arith.constant 80 : index
      %swap3A_1535 = tpu.vector_load %arg13[%swap3A_1532, %swap3A_1533, %swap3A_1534] {strides = array<i32>} : memref<3x128x128xf32, #tpu.memory_space<vmem>>, vector<16xf32>,
      tpu.vector_store %arg13[%swap3A_1532, %swap3A_1533, %swap3A_1534], %add3A_1530 {strides = array<i32>} : memref<3x128x128xf32, #tpu.memory_space<vmem>>, vector<16xf32>,
      %mul3A_1536 = arith.mulf %mul3A_1521, %sub3A_1507 : vector<16xf32>
      %add3A_1537 = arith.addf %gather3A_1501, %mul3A_1536 : vector<16xf32>
      %swap3A_1538 = arith.constant 2 : i32
      %swap3A_1539 = arith.index_cast %swap3A_1538 : i32 to index
      %swap3A_1540 = arith.index_cast %scan3A_829 : i32 to index
      %swap3A_1541 = arith.constant 80 : index
      %swap3A_1542 = tpu.vector_load %arg13[%swap3A_1539, %swap3A_1540, %swap3A_1541] {strides = array<i32>} : memref<3x128x128xf32, #tpu.memory_space<vmem>>, vector<16xf32>,
      tpu.vector_store %arg13[%swap3A_1539, %swap3A_1540, %swap3A_1541], %add3A_1537 {strides = array<i32>} : memref<3x128x128xf32, #tpu.memory_space<vmem>>, vector<16xf32>,
      %gather3A_1543 = tpu.vector_load_idx %arg8[%broadcast_in_dim3A_830, %select_n3A_1247] : memref<128x65xf32, #tpu.memory_space<vmem>>[vector<16xi32>, vector<16xi32>], vector<16xf32>,
      %sub3A_1544 = arith.subf %get3A_850, %gather3A_1543 : vector<16xf32>
      %add3A_1545 = arith.constant 1 : i32
      %add3A_1546 = vector.broadcast %add3A_1545 : i32 to vector<16xi32>
      %add3A_1547 = arith.addi %select_n3A_1247, %add3A_1546 : vector<16xi32>
      %gather3A_1548 = tpu.vector_load_idx %arg9[%broadcast_in_dim3A_830, %select_n3A_1247] : memref<128x65xf32, #tpu.memory_space<vmem>>[vector<16xi32>, vector<16xi32>], vector<16xf32>,
      %gather3A_1549 = tpu.vector_load_idx %arg10[%broadcast_in_dim3A_830, %select_n3A_1247] : memref<128x65xf32, #tpu.memory_space<vmem>>[vector<16xi32>, vector<16xi32>], vector<16xf32>,
      %gather3A_1550 = tpu.vector_load_idx %arg11[%broadcast_in_dim3A_830, %select_n3A_1247] : memref<128x65xf32, #tpu.memory_space<vmem>>[vector<16xi32>, vector<16xi32>], vector<16xf32>,
      %gather3A_1551 = tpu.vector_load_idx %arg9[%broadcast_in_dim3A_830, %add3A_1547] : memref<128x65xf32, #tpu.memory_space<vmem>>[vector<16xi32>, vector<16xi32>], vector<16xf32>,
      %gather3A_1552 = tpu.vector_load_idx %arg10[%broadcast_in_dim3A_830, %add3A_1547] : memref<128x65xf32, #tpu.memory_space<vmem>>[vector<16xi32>, vector<16xi32>], vector<16xf32>,
      %gather3A_1553 = tpu.vector_load_idx %arg11[%broadcast_in_dim3A_830, %add3A_1547] : memref<128x65xf32, #tpu.memory_space<vmem>>[vector<16xi32>, vector<16xi32>], vector<16xf32>,
      %sub3A_1554 = arith.subf %gather3A_1551, %gather3A_1548 : vector<16xf32>
      %sub3A_1555 = arith.subf %gather3A_1552, %gather3A_1549 : vector<16xf32>
      %sub3A_1556 = arith.subf %gather3A_1553, %gather3A_1550 : vector<16xf32>
      %mul3A_1557 = arith.mulf %sub3A_1554, %sub3A_1554 : vector<16xf32>
      %mul3A_1558 = arith.mulf %sub3A_1555, %sub3A_1555 : vector<16xf32>
      %add3A_1559 = arith.addf %mul3A_1557, %mul3A_1558 : vector<16xf32>
      %mul3A_1560 = arith.mulf %sub3A_1556, %sub3A_1556 : vector<16xf32>
      %add3A_1561 = arith.addf %add3A_1559, %mul3A_1560 : vector<16xf32>
      %bitcast_convert_type3A_1562 = tpu.bitcast %add3A_1561 : vector<16xf32> -> vector<16xi32>
      %shift_right_arithmetic3A_1563 = arith.constant 1 : i32
      %shift_right_arithmetic3A_1564 = vector.broadcast %shift_right_arithmetic3A_1563 : i32 to vector<16xi32>
      %shift_right_arithmetic3A_1565 = arith.shrsi %bitcast_convert_type3A_1562, %shift_right_arithmetic3A_1564 : vector<16xi32>
      %sub3A_1566 = arith.constant 1597463007 : i32
      %sub3A_1567 = vector.broadcast %sub3A_1566 : i32 to vector<16xi32>
      %sub3A_1568 = arith.subi %sub3A_1567, %shift_right_arithmetic3A_1565 : vector<16xi32>
      %bitcast_convert_type3A_1569 = tpu.bitcast %sub3A_1568 : vector<16xi32> -> vector<16xf32>
      %mul3A_1570 = arith.mulf %sub3A_1544, %bitcast_convert_type3A_1569 : vector<16xf32>
      %mul3A_1571 = arith.mulf %mul3A_1570, %sub3A_1554 : vector<16xf32>
      %add3A_1572 = arith.addf %gather3A_1548, %mul3A_1571 : vector<16xf32>
      %swap3A_1573 = arith.constant 0 : i32
      %swap3A_1574 = arith.index_cast %swap3A_1573 : i32 to index
      %swap3A_1575 = arith.index_cast %scan3A_829 : i32 to index
      %swap3A_1576 = arith.constant 96 : index
      %swap3A_1577 = tpu.vector_load %arg13[%swap3A_1574, %swap3A_1575, %swap3A_1576] {strides = array<i32>} : memref<3x128x128xf32, #tpu.memory_space<vmem>>, vector<16xf32>,
      tpu.vector_store %arg13[%swap3A_1574, %swap3A_1575, %swap3A_1576], %add3A_1572 {strides = array<i32>} : memref<3x128x128xf32, #tpu.memory_space<vmem>>, vector<16xf32>,
      %mul3A_1578 = arith.mulf %mul3A_1570, %sub3A_1555 : vector<16xf32>
      %add3A_1579 = arith.addf %gather3A_1549, %mul3A_1578 : vector<16xf32>
      %swap3A_1580 = arith.constant 1 : i32
      %swap3A_1581 = arith.index_cast %swap3A_1580 : i32 to index
      %swap3A_1582 = arith.index_cast %scan3A_829 : i32 to index
      %swap3A_1583 = arith.constant 96 : index
      %swap3A_1584 = tpu.vector_load %arg13[%swap3A_1581, %swap3A_1582, %swap3A_1583] {strides = array<i32>} : memref<3x128x128xf32, #tpu.memory_space<vmem>>, vector<16xf32>,
      tpu.vector_store %arg13[%swap3A_1581, %swap3A_1582, %swap3A_1583], %add3A_1579 {strides = array<i32>} : memref<3x128x128xf32, #tpu.memory_space<vmem>>, vector<16xf32>,
      %mul3A_1585 = arith.mulf %mul3A_1570, %sub3A_1556 : vector<16xf32>
      %add3A_1586 = arith.addf %gather3A_1550, %mul3A_1585 : vector<16xf32>
      %swap3A_1587 = arith.constant 2 : i32
      %swap3A_1588 = arith.index_cast %swap3A_1587 : i32 to index
      %swap3A_1589 = arith.index_cast %scan3A_829 : i32 to index
      %swap3A_1590 = arith.constant 96 : index
      %swap3A_1591 = tpu.vector_load %arg13[%swap3A_1588, %swap3A_1589, %swap3A_1590] {strides = array<i32>} : memref<3x128x128xf32, #tpu.memory_space<vmem>>, vector<16xf32>,
      tpu.vector_store %arg13[%swap3A_1588, %swap3A_1589, %swap3A_1590], %add3A_1586 {strides = array<i32>} : memref<3x128x128xf32, #tpu.memory_space<vmem>>, vector<16xf32>,
      %gather3A_1592 = tpu.vector_load_idx %arg8[%broadcast_in_dim3A_830, %select_n3A_1252] : memref<128x65xf32, #tpu.memory_space<vmem>>[vector<16xi32>, vector<16xi32>], vector<16xf32>,
      %sub3A_1593 = arith.subf %get3A_853, %gather3A_1592 : vector<16xf32>
      %add3A_1594 = arith.constant 1 : i32
      %add3A_1595 = vector.broadcast %add3A_1594 : i32 to vector<16xi32>
      %add3A_1596 = arith.addi %select_n3A_1252, %add3A_1595 : vector<16xi32>
      %gather3A_1597 = tpu.vector_load_idx %arg9[%broadcast_in_dim3A_830, %select_n3A_1252] : memref<128x65xf32, #tpu.memory_space<vmem>>[vector<16xi32>, vector<16xi32>], vector<16xf32>,
      %gather3A_1598 = tpu.vector_load_idx %arg10[%broadcast_in_dim3A_830, %select_n3A_1252] : memref<128x65xf32, #tpu.memory_space<vmem>>[vector<16xi32>, vector<16xi32>], vector<16xf32>,
      %gather3A_1599 = tpu.vector_load_idx %arg11[%broadcast_in_dim3A_830, %select_n3A_1252] : memref<128x65xf32, #tpu.memory_space<vmem>>[vector<16xi32>, vector<16xi32>], vector<16xf32>,
      %gather3A_1600 = tpu.vector_load_idx %arg9[%broadcast_in_dim3A_830, %add3A_1596] : memref<128x65xf32, #tpu.memory_space<vmem>>[vector<16xi32>, vector<16xi32>], vector<16xf32>,
      %gather3A_1601 = tpu.vector_load_idx %arg10[%broadcast_in_dim3A_830, %add3A_1596] : memref<128x65xf32, #tpu.memory_space<vmem>>[vector<16xi32>, vector<16xi32>], vector<16xf32>,
      %gather3A_1602 = tpu.vector_load_idx %arg11[%broadcast_in_dim3A_830, %add3A_1596] : memref<128x65xf32, #tpu.memory_space<vmem>>[vector<16xi32>, vector<16xi32>], vector<16xf32>,
      %sub3A_1603 = arith.subf %gather3A_1600, %gather3A_1597 : vector<16xf32>
      %sub3A_1604 = arith.subf %gather3A_1601, %gather3A_1598 : vector<16xf32>
      %sub3A_1605 = arith.subf %gather3A_1602, %gather3A_1599 : vector<16xf32>
      %mul3A_1606 = arith.mulf %sub3A_1603, %sub3A_1603 : vector<16xf32>
      %mul3A_1607 = arith.mulf %sub3A_1604, %sub3A_1604 : vector<16xf32>
      %add3A_1608 = arith.addf %mul3A_1606, %mul3A_1607 : vector<16xf32>
      %mul3A_1609 = arith.mulf %sub3A_1605, %sub3A_1605 : vector<16xf32>
      %add3A_1610 = arith.addf %add3A_1608, %mul3A_1609 : vector<16xf32>
      %bitcast_convert_type3A_1611 = tpu.bitcast %add3A_1610 : vector<16xf32> -> vector<16xi32>
      %shift_right_arithmetic3A_1612 = arith.constant 1 : i32
      %shift_right_arithmetic3A_1613 = vector.broadcast %shift_right_arithmetic3A_1612 : i32 to vector<16xi32>
      %shift_right_arithmetic3A_1614 = arith.shrsi %bitcast_convert_type3A_1611, %shift_right_arithmetic3A_1613 : vector<16xi32>
      %sub3A_1615 = arith.constant 1597463007 : i32
      %sub3A_1616 = vector.broadcast %sub3A_1615 : i32 to vector<16xi32>
      %sub3A_1617 = arith.subi %sub3A_1616, %shift_right_arithmetic3A_1614 : vector<16xi32>
      %bitcast_convert_type3A_1618 = tpu.bitcast %sub3A_1617 : vector<16xi32> -> vector<16xf32>
      %mul3A_1619 = arith.mulf %sub3A_1593, %bitcast_convert_type3A_1618 : vector<16xf32>
      %mul3A_1620 = arith.mulf %mul3A_1619, %sub3A_1603 : vector<16xf32>
      %add3A_1621 = arith.addf %gather3A_1597, %mul3A_1620 : vector<16xf32>
      %swap3A_1622 = arith.constant 0 : i32
      %swap3A_1623 = arith.index_cast %swap3A_1622 : i32 to index
      %swap3A_1624 = arith.index_cast %scan3A_829 : i32 to index
      %swap3A_1625 = arith.constant 112 : index
      %swap3A_1626 = tpu.vector_load %arg13[%swap3A_1623, %swap3A_1624, %swap3A_1625] {strides = array<i32>} : memref<3x128x128xf32, #tpu.memory_space<vmem>>, vector<16xf32>,
      tpu.vector_store %arg13[%swap3A_1623, %swap3A_1624, %swap3A_1625], %add3A_1621 {strides = array<i32>} : memref<3x128x128xf32, #tpu.memory_space<vmem>>, vector<16xf32>,
      %mul3A_1627 = arith.mulf %mul3A_1619, %sub3A_1604 : vector<16xf32>
      %add3A_1628 = arith.addf %gather3A_1598, %mul3A_1627 : vector<16xf32>
      %swap3A_1629 = arith.constant 1 : i32
      %swap3A_1630 = arith.index_cast %swap3A_1629 : i32 to index
      %swap3A_1631 = arith.index_cast %scan3A_829 : i32 to index
      %swap3A_1632 = arith.constant 112 : index
      %swap3A_1633 = tpu.vector_load %arg13[%swap3A_1630, %swap3A_1631, %swap3A_1632] {strides = array<i32>} : memref<3x128x128xf32, #tpu.memory_space<vmem>>, vector<16xf32>,
      tpu.vector_store %arg13[%swap3A_1630, %swap3A_1631, %swap3A_1632], %add3A_1628 {strides = array<i32>} : memref<3x128x128xf32, #tpu.memory_space<vmem>>, vector<16xf32>,
      %mul3A_1634 = arith.mulf %mul3A_1619, %sub3A_1605 : vector<16xf32>
      %add3A_1635 = arith.addf %gather3A_1599, %mul3A_1634 : vector<16xf32>
      %swap3A_1636 = arith.constant 2 : i32
      %swap3A_1637 = arith.index_cast %swap3A_1636 : i32 to index
      %swap3A_1638 = arith.index_cast %scan3A_829 : i32 to index
      %swap3A_1639 = arith.constant 112 : index
      %swap3A_1640 = tpu.vector_load %arg13[%swap3A_1637, %swap3A_1638, %swap3A_1639] {strides = array<i32>} : memref<3x128x128xf32, #tpu.memory_space<vmem>>, vector<16xf32>,
      tpu.vector_store %arg13[%swap3A_1637, %swap3A_1638, %swap3A_1639], %add3A_1635 {strides = array<i32>} : memref<3x128x128xf32, #tpu.memory_space<vmem>>, vector<16xf32>,
    }
    %scan3A_374 = arith.constant 32 : i32
    %add3A_375 = arith.constant 32 : i32
    %add3A_376 = arith.addi %mul3A_2, %add3A_375 : i32
    %dma_start3A_377 = arith.constant 0 : i32
    %dma_start3A_378 = arith.constant 0 : i32
    %dma_start3A_379 = arith.constant 32 : i32
    %dma_start3A_380 = arith.constant 0 : i32
    %dma_start3A_381 = tpu.memref_slice %arg13[%dma_start3A_377, %dma_start3A_379, %dma_start3A_380] : memref<3x128x128xf32, #tpu.memory_space<vmem>> -> memref<1x32x128xf32, #tpu.memory_space<vmem>>
    %dma_start3A_382 = tpu.memref_squeeze %dma_start3A_381 : memref<1x32x128xf32, #tpu.memory_space<vmem>> -> memref<32x128xf32, #tpu.memory_space<vmem>>
    %dma_start3A_383 = arith.constant 0 : i32
    %dma_start3A_384 = tpu.memref_slice %arg7[%dma_start3A_378, %add3A_376, %dma_start3A_383] : memref<3x4096x128xf32, #tpu.memory_space<hbm>> -> memref<1x32x128xf32, #tpu.memory_space<hbm>>
    %dma_start3A_385 = tpu.memref_squeeze %dma_start3A_384 : memref<1x32x128xf32, #tpu.memory_space<hbm>> -> memref<32x128xf32, #tpu.memory_space<hbm>>
    %dma_start3A_386 = arith.constant 0 : i32
    %dma_start3A_387 = tpu.memref_slice %arg7[%dma_start3A_378, %add3A_376, %dma_start3A_386] : memref<3x4096x128xf32, #tpu.memory_space<hbm>> -> memref<1x32x128xf32, #tpu.memory_space<hbm>>
    %dma_start3A_388 = tpu.memref_squeeze %dma_start3A_387 : memref<1x32x128xf32, #tpu.memory_space<hbm>> -> memref<32x128xf32, #tpu.memory_space<hbm>>
    %dma_start3A_389 = arith.constant 32 : i32
    %dma_start3A_390 = arith.constant 0 : i32
    %dma_start3A_391 = tpu.memref_slice %arg13[%dma_start3A_377, %dma_start3A_389, %dma_start3A_390] : memref<3x128x128xf32, #tpu.memory_space<vmem>> -> memref<1x32x128xf32, #tpu.memory_space<vmem>>
    %dma_start3A_392 = tpu.memref_squeeze %dma_start3A_391 : memref<1x32x128xf32, #tpu.memory_space<vmem>> -> memref<32x128xf32, #tpu.memory_space<vmem>>
    tpu.enqueue_dma source(%dma_start3A_392 : memref<32x128xf32, #tpu.memory_space<vmem>>) target(%dma_start3A_388 : memref<32x128xf32, #tpu.memory_space<hbm>>) target_semaphore(%arg18 : memref<!tpu.dma_semaphore, #tpu.memory_space<semaphore_mem>>)
    %dma_start3A_393 = arith.constant 1 : i32
    %dma_start3A_394 = arith.constant 1 : i32
    %dma_start3A_395 = arith.constant 32 : i32
    %dma_start3A_396 = arith.constant 0 : i32
    %dma_start3A_397 = tpu.memref_slice %arg13[%dma_start3A_393, %dma_start3A_395, %dma_start3A_396] : memref<3x128x128xf32, #tpu.memory_space<vmem>> -> memref<1x32x128xf32, #tpu.memory_space<vmem>>
    %dma_start3A_398 = tpu.memref_squeeze %dma_start3A_397 : memref<1x32x128xf32, #tpu.memory_space<vmem>> -> memref<32x128xf32, #tpu.memory_space<vmem>>
    %dma_start3A_399 = arith.constant 0 : i32
    %dma_start3A_400 = tpu.memref_slice %arg7[%dma_start3A_394, %add3A_376, %dma_start3A_399] : memref<3x4096x128xf32, #tpu.memory_space<hbm>> -> memref<1x32x128xf32, #tpu.memory_space<hbm>>
    %dma_start3A_401 = tpu.memref_squeeze %dma_start3A_400 : memref<1x32x128xf32, #tpu.memory_space<hbm>> -> memref<32x128xf32, #tpu.memory_space<hbm>>
    %dma_start3A_402 = arith.constant 0 : i32
    %dma_start3A_403 = tpu.memref_slice %arg7[%dma_start3A_394, %add3A_376, %dma_start3A_402] : memref<3x4096x128xf32, #tpu.memory_space<hbm>> -> memref<1x32x128xf32, #tpu.memory_space<hbm>>
    %dma_start3A_404 = tpu.memref_squeeze %dma_start3A_403 : memref<1x32x128xf32, #tpu.memory_space<hbm>> -> memref<32x128xf32, #tpu.memory_space<hbm>>
    %dma_start3A_405 = arith.constant 32 : i32
    %dma_start3A_406 = arith.constant 0 : i32
    %dma_start3A_407 = tpu.memref_slice %arg13[%dma_start3A_393, %dma_start3A_405, %dma_start3A_406] : memref<3x128x128xf32, #tpu.memory_space<vmem>> -> memref<1x32x128xf32, #tpu.memory_space<vmem>>
    %dma_start3A_408 = tpu.memref_squeeze %dma_start3A_407 : memref<1x32x128xf32, #tpu.memory_space<vmem>> -> memref<32x128xf32, #tpu.memory_space<vmem>>
    tpu.enqueue_dma source(%dma_start3A_408 : memref<32x128xf32, #tpu.memory_space<vmem>>) target(%dma_start3A_404 : memref<32x128xf32, #tpu.memory_space<hbm>>) target_semaphore(%arg18 : memref<!tpu.dma_semaphore, #tpu.memory_space<semaphore_mem>>)
    %dma_start3A_409 = arith.constant 2 : i32
    %dma_start3A_410 = arith.constant 2 : i32
    %dma_start3A_411 = arith.constant 32 : i32
    %dma_start3A_412 = arith.constant 0 : i32
    %dma_start3A_413 = tpu.memref_slice %arg13[%dma_start3A_409, %dma_start3A_411, %dma_start3A_412] : memref<3x128x128xf32, #tpu.memory_space<vmem>> -> memref<1x32x128xf32, #tpu.memory_space<vmem>>
    %dma_start3A_414 = tpu.memref_squeeze %dma_start3A_413 : memref<1x32x128xf32, #tpu.memory_space<vmem>> -> memref<32x128xf32, #tpu.memory_space<vmem>>
    %dma_start3A_415 = arith.constant 0 : i32
    %dma_start3A_416 = tpu.memref_slice %arg7[%dma_start3A_410, %add3A_376, %dma_start3A_415] : memref<3x4096x128xf32, #tpu.memory_space<hbm>> -> memref<1x32x128xf32, #tpu.memory_space<hbm>>
    %dma_start3A_417 = tpu.memref_squeeze %dma_start3A_416 : memref<1x32x128xf32, #tpu.memory_space<hbm>> -> memref<32x128xf32, #tpu.memory_space<hbm>>
    %dma_start3A_418 = arith.constant 0 : i32
    %dma_start3A_419 = tpu.memref_slice %arg7[%dma_start3A_410, %add3A_376, %dma_start3A_418] : memref<3x4096x128xf32, #tpu.memory_space<hbm>> -> memref<1x32x128xf32, #tpu.memory_space<hbm>>
    %dma_start3A_420 = tpu.memref_squeeze %dma_start3A_419 : memref<1x32x128xf32, #tpu.memory_space<hbm>> -> memref<32x128xf32, #tpu.memory_space<hbm>>
    %dma_start3A_421 = arith.constant 32 : i32
    %dma_start3A_422 = arith.constant 0 : i32
    %dma_start3A_423 = tpu.memref_slice %arg13[%dma_start3A_409, %dma_start3A_421, %dma_start3A_422] : memref<3x128x128xf32, #tpu.memory_space<vmem>> -> memref<1x32x128xf32, #tpu.memory_space<vmem>>
    %dma_start3A_424 = tpu.memref_squeeze %dma_start3A_423 : memref<1x32x128xf32, #tpu.memory_space<vmem>> -> memref<32x128xf32, #tpu.memory_space<vmem>>
    tpu.enqueue_dma source(%dma_start3A_424 : memref<32x128xf32, #tpu.memory_space<vmem>>) target(%dma_start3A_420 : memref<32x128xf32, #tpu.memory_space<hbm>>) target_semaphore(%arg18 : memref<!tpu.dma_semaphore, #tpu.memory_space<semaphore_mem>>)
    %dma_wait3A_425 = arith.constant 64 : i32
    %dma_wait3A_426 = arith.constant 0 : i32
    %dma_wait3A_427 = tpu.memref_slice %arg8[%dma_wait3A_425, %dma_wait3A_426] : memref<128x65xf32, #tpu.memory_space<vmem>> -> memref<32x65xf32, #tpu.memory_space<vmem>>
    %dma_wait3A_428 = arith.constant 0 : i32
    %dma_wait3A_429 = tpu.memref_slice %arg2[%add3A_107, %dma_wait3A_428] : memref<4096x65xf32, #tpu.memory_space<hbm>> -> memref<32x65xf32, #tpu.memory_space<hbm>>
    %dma_wait3A_430 = arith.constant 64 : i32
    %dma_wait3A_431 = arith.constant 0 : i32
    %dma_wait3A_432 = tpu.memref_slice %arg8[%dma_wait3A_430, %dma_wait3A_431] : memref<128x65xf32, #tpu.memory_space<vmem>> -> memref<32x65xf32, #tpu.memory_space<vmem>>
    %dma_wait3A_433 = arith.constant 0 : i32
    %dma_wait3A_434 = tpu.memref_slice %arg2[%add3A_107, %dma_wait3A_433] : memref<4096x65xf32, #tpu.memory_space<hbm>> -> memref<32x65xf32, #tpu.memory_space<hbm>>
    tpu.wait_dma2 semaphore(%arg16 : memref<!tpu.dma_semaphore, #tpu.memory_space<semaphore_mem>>) src(%dma_wait3A_434 : memref<32x65xf32, #tpu.memory_space<hbm>>) dst(%dma_wait3A_432 : memref<32x65xf32, #tpu.memory_space<vmem>>)
    %dma_wait3A_435 = arith.constant 64 : i32
    %dma_wait3A_436 = arith.constant 0 : i32
    %dma_wait3A_437 = tpu.memref_slice %arg9[%dma_wait3A_435, %dma_wait3A_436] : memref<128x65xf32, #tpu.memory_space<vmem>> -> memref<32x65xf32, #tpu.memory_space<vmem>>
    %dma_wait3A_438 = arith.constant 0 : i32
    %dma_wait3A_439 = tpu.memref_slice %arg3[%add3A_107, %dma_wait3A_438] : memref<4096x65xf32, #tpu.memory_space<hbm>> -> memref<32x65xf32, #tpu.memory_space<hbm>>
    %dma_wait3A_440 = arith.constant 64 : i32
    %dma_wait3A_441 = arith.constant 0 : i32
    %dma_wait3A_442 = tpu.memref_slice %arg9[%dma_wait3A_440, %dma_wait3A_441] : memref<128x65xf32, #tpu.memory_space<vmem>> -> memref<32x65xf32, #tpu.memory_space<vmem>>
    %dma_wait3A_443 = arith.constant 0 : i32
    %dma_wait3A_444 = tpu.memref_slice %arg3[%add3A_107, %dma_wait3A_443] : memref<4096x65xf32, #tpu.memory_space<hbm>> -> memref<32x65xf32, #tpu.memory_space<hbm>>
    tpu.wait_dma2 semaphore(%arg16 : memref<!tpu.dma_semaphore, #tpu.memory_space<semaphore_mem>>) src(%dma_wait3A_444 : memref<32x65xf32, #tpu.memory_space<hbm>>) dst(%dma_wait3A_442 : memref<32x65xf32, #tpu.memory_space<vmem>>)
    %dma_wait3A_445 = arith.constant 64 : i32
    %dma_wait3A_446 = arith.constant 0 : i32
    %dma_wait3A_447 = tpu.memref_slice %arg10[%dma_wait3A_445, %dma_wait3A_446] : memref<128x65xf32, #tpu.memory_space<vmem>> -> memref<32x65xf32, #tpu.memory_space<vmem>>
    %dma_wait3A_448 = arith.constant 0 : i32
    %dma_wait3A_449 = tpu.memref_slice %arg4[%add3A_107, %dma_wait3A_448] : memref<4096x65xf32, #tpu.memory_space<hbm>> -> memref<32x65xf32, #tpu.memory_space<hbm>>
    %dma_wait3A_450 = arith.constant 64 : i32
    %dma_wait3A_451 = arith.constant 0 : i32
    %dma_wait3A_452 = tpu.memref_slice %arg10[%dma_wait3A_450, %dma_wait3A_451] : memref<128x65xf32, #tpu.memory_space<vmem>> -> memref<32x65xf32, #tpu.memory_space<vmem>>
    %dma_wait3A_453 = arith.constant 0 : i32
    %dma_wait3A_454 = tpu.memref_slice %arg4[%add3A_107, %dma_wait3A_453] : memref<4096x65xf32, #tpu.memory_space<hbm>> -> memref<32x65xf32, #tpu.memory_space<hbm>>
    tpu.wait_dma2 semaphore(%arg16 : memref<!tpu.dma_semaphore, #tpu.memory_space<semaphore_mem>>) src(%dma_wait3A_454 : memref<32x65xf32, #tpu.memory_space<hbm>>) dst(%dma_wait3A_452 : memref<32x65xf32, #tpu.memory_space<vmem>>)
    %dma_wait3A_455 = arith.constant 64 : i32
    %dma_wait3A_456 = arith.constant 0 : i32
    %dma_wait3A_457 = tpu.memref_slice %arg11[%dma_wait3A_455, %dma_wait3A_456] : memref<128x65xf32, #tpu.memory_space<vmem>> -> memref<32x65xf32, #tpu.memory_space<vmem>>
    %dma_wait3A_458 = arith.constant 0 : i32
    %dma_wait3A_459 = tpu.memref_slice %arg5[%add3A_107, %dma_wait3A_458] : memref<4096x65xf32, #tpu.memory_space<hbm>> -> memref<32x65xf32, #tpu.memory_space<hbm>>
    %dma_wait3A_460 = arith.constant 64 : i32
    %dma_wait3A_461 = arith.constant 0 : i32
    %dma_wait3A_462 = tpu.memref_slice %arg11[%dma_wait3A_460, %dma_wait3A_461] : memref<128x65xf32, #tpu.memory_space<vmem>> -> memref<32x65xf32, #tpu.memory_space<vmem>>
    %dma_wait3A_463 = arith.constant 0 : i32
    %dma_wait3A_464 = tpu.memref_slice %arg5[%add3A_107, %dma_wait3A_463] : memref<4096x65xf32, #tpu.memory_space<hbm>> -> memref<32x65xf32, #tpu.memory_space<hbm>>
    tpu.wait_dma2 semaphore(%arg16 : memref<!tpu.dma_semaphore, #tpu.memory_space<semaphore_mem>>) src(%dma_wait3A_464 : memref<32x65xf32, #tpu.memory_space<hbm>>) dst(%dma_wait3A_462 : memref<32x65xf32, #tpu.memory_space<vmem>>)
    %dma_wait3A_465 = arith.constant 64 : i32
    %dma_wait3A_466 = arith.constant 0 : i32
    %dma_wait3A_467 = tpu.memref_slice %arg12[%dma_wait3A_465, %dma_wait3A_466] : memref<128x128xf32, #tpu.memory_space<vmem>> -> memref<32x128xf32, #tpu.memory_space<vmem>>
    %dma_wait3A_468 = arith.constant 0 : i32
    %dma_wait3A_469 = tpu.memref_slice %arg6[%add3A_107, %dma_wait3A_468] : memref<4096x128xf32, #tpu.memory_space<hbm>> -> memref<32x128xf32, #tpu.memory_space<hbm>>
    %dma_wait3A_470 = arith.constant 64 : i32
    %dma_wait3A_471 = arith.constant 0 : i32
    %dma_wait3A_472 = tpu.memref_slice %arg12[%dma_wait3A_470, %dma_wait3A_471] : memref<128x128xf32, #tpu.memory_space<vmem>> -> memref<32x128xf32, #tpu.memory_space<vmem>>
    %dma_wait3A_473 = arith.constant 0 : i32
    %dma_wait3A_474 = tpu.memref_slice %arg6[%add3A_107, %dma_wait3A_473] : memref<4096x128xf32, #tpu.memory_space<hbm>> -> memref<32x128xf32, #tpu.memory_space<hbm>>
    tpu.wait_dma2 semaphore(%arg16 : memref<!tpu.dma_semaphore, #tpu.memory_space<semaphore_mem>>) src(%dma_wait3A_474 : memref<32x128xf32, #tpu.memory_space<hbm>>) dst(%dma_wait3A_472 : memref<32x128xf32, #tpu.memory_space<vmem>>)
    %scan3A_475 = arith.constant 0 : i32
    %scan3A_476 = arith.constant 64 : i32
    %scan3A_477 = arith.constant 32 : i32
    %scan3A_478 = arith.addi %scan3A_476, %scan3A_477 : i32
    %scan3A_479 = arith.constant 1 : i32
    scf.for %scan3A_829 = %scan3A_476 to %scan3A_478 step %scan3A_479  : i32 {
      %broadcast_in_dim3A_830 = vector.broadcast %scan3A_829 : i32 to vector<16xi32>
      %get3A = arith.index_cast %scan3A_829 : i32 to index
      %get3A_831 = arith.constant 0 : index
      %get3A_832 = tpu.vector_load %arg12[%get3A, %get3A_831] {strides = array<i32>} : memref<128x128xf32, #tpu.memory_space<vmem>>, vector<16xf32>,
      %get3A_833 = arith.index_cast %scan3A_829 : i32 to index
      %get3A_834 = arith.constant 16 : index
      %get3A_835 = tpu.vector_load %arg12[%get3A_833, %get3A_834] {strides = array<i32>} : memref<128x128xf32, #tpu.memory_space<vmem>>, vector<16xf32>,
      %get3A_836 = arith.index_cast %scan3A_829 : i32 to index
      %get3A_837 = arith.constant 32 : index
      %get3A_838 = tpu.vector_load %arg12[%get3A_836, %get3A_837] {strides = array<i32>} : memref<128x128xf32, #tpu.memory_space<vmem>>, vector<16xf32>,
      %get3A_839 = arith.index_cast %scan3A_829 : i32 to index
      %get3A_840 = arith.constant 48 : index
      %get3A_841 = tpu.vector_load %arg12[%get3A_839, %get3A_840] {strides = array<i32>} : memref<128x128xf32, #tpu.memory_space<vmem>>, vector<16xf32>,
      %get3A_842 = arith.index_cast %scan3A_829 : i32 to index
      %get3A_843 = arith.constant 64 : index
      %get3A_844 = tpu.vector_load %arg12[%get3A_842, %get3A_843] {strides = array<i32>} : memref<128x128xf32, #tpu.memory_space<vmem>>, vector<16xf32>,
      %get3A_845 = arith.index_cast %scan3A_829 : i32 to index
      %get3A_846 = arith.constant 80 : index
      %get3A_847 = tpu.vector_load %arg12[%get3A_845, %get3A_846] {strides = array<i32>} : memref<128x128xf32, #tpu.memory_space<vmem>>, vector<16xf32>,
      %get3A_848 = arith.index_cast %scan3A_829 : i32 to index
      %get3A_849 = arith.constant 96 : index
      %get3A_850 = tpu.vector_load %arg12[%get3A_848, %get3A_849] {strides = array<i32>} : memref<128x128xf32, #tpu.memory_space<vmem>>, vector<16xf32>,
      %get3A_851 = arith.index_cast %scan3A_829 : i32 to index
      %get3A_852 = arith.constant 112 : index
      %get3A_853 = tpu.vector_load %arg12[%get3A_851, %get3A_852] {strides = array<i32>} : memref<128x128xf32, #tpu.memory_space<vmem>>, vector<16xf32>,
      %gather3A = tpu.vector_load_idx %arg8[%broadcast_in_dim3A_830, %broadcast_in_dim3A_212] : memref<128x65xf32, #tpu.memory_space<vmem>>[vector<16xi32>, vector<16xi32>], vector<16xf32>,
      %gather3A_854 = tpu.vector_load_idx %arg8[%broadcast_in_dim3A_830, %broadcast_in_dim3A_210] : memref<128x65xf32, #tpu.memory_space<vmem>>[vector<16xi32>, vector<16xi32>], vector<16xf32>,
      %gather3A_855 = tpu.vector_load_idx %arg8[%broadcast_in_dim3A_830, %broadcast_in_dim3A_214] : memref<128x65xf32, #tpu.memory_space<vmem>>[vector<16xi32>, vector<16xi32>], vector<16xf32>,
      %le3A = arith.cmpf ole, %gather3A, %get3A_832 : vector<16xf32>
      %jit3A = arith.constant 32 : i32
      %jit3A_856 = arith.constant 0 : i32
      %broadcast_in_dim3A_857 = vector.broadcast %jit3A : i32 to vector<16xi32>
      %broadcast_in_dim3A_858 = vector.broadcast %jit3A_856 : i32 to vector<16xi32>
      %select_n3A = arith.select %le3A, %broadcast_in_dim3A_857, %broadcast_in_dim3A_858 : vector<16xi1>, vector<16xi32>
      %select_n3A_859 = arith.select %le3A, %gather3A_855, %gather3A_854 : vector<16xi1>, vector<16xf32>
      %le3A_860 = arith.cmpf ole, %select_n3A_859, %get3A_832 : vector<16xf32>
      %jit3A_861 = arith.constant 16 : i32
      %jit3A_862 = arith.constant 0 : i32
      %broadcast_in_dim3A_863 = vector.broadcast %jit3A_861 : i32 to vector<16xi32>
      %broadcast_in_dim3A_864 = vector.broadcast %jit3A_862 : i32 to vector<16xi32>
      %select_n3A_865 = arith.select %le3A_860, %broadcast_in_dim3A_863, %broadcast_in_dim3A_864 : vector<16xi1>, vector<16xi32>
      %add3A_866 = arith.addi %select_n3A, %select_n3A_865 : vector<16xi32>
      %le3A_867 = arith.cmpf ole, %gather3A, %get3A_835 : vector<16xf32>
      %jit3A_868 = arith.constant 32 : i32
      %jit3A_869 = arith.constant 0 : i32
      %broadcast_in_dim3A_870 = vector.broadcast %jit3A_868 : i32 to vector<16xi32>
      %broadcast_in_dim3A_871 = vector.broadcast %jit3A_869 : i32 to vector<16xi32>
      %select_n3A_872 = arith.select %le3A_867, %broadcast_in_dim3A_870, %broadcast_in_dim3A_871 : vector<16xi1>, vector<16xi32>
      %select_n3A_873 = arith.select %le3A_867, %gather3A_855, %gather3A_854 : vector<16xi1>, vector<16xf32>
      %le3A_874 = arith.cmpf ole, %select_n3A_873, %get3A_835 : vector<16xf32>
      %jit3A_875 = arith.constant 16 : i32
      %jit3A_876 = arith.constant 0 : i32
      %broadcast_in_dim3A_877 = vector.broadcast %jit3A_875 : i32 to vector<16xi32>
      %broadcast_in_dim3A_878 = vector.broadcast %jit3A_876 : i32 to vector<16xi32>
      %select_n3A_879 = arith.select %le3A_874, %broadcast_in_dim3A_877, %broadcast_in_dim3A_878 : vector<16xi1>, vector<16xi32>
      %add3A_880 = arith.addi %select_n3A_872, %select_n3A_879 : vector<16xi32>
      %le3A_881 = arith.cmpf ole, %gather3A, %get3A_838 : vector<16xf32>
      %jit3A_882 = arith.constant 32 : i32
      %jit3A_883 = arith.constant 0 : i32
      %broadcast_in_dim3A_884 = vector.broadcast %jit3A_882 : i32 to vector<16xi32>
      %broadcast_in_dim3A_885 = vector.broadcast %jit3A_883 : i32 to vector<16xi32>
      %select_n3A_886 = arith.select %le3A_881, %broadcast_in_dim3A_884, %broadcast_in_dim3A_885 : vector<16xi1>, vector<16xi32>
      %select_n3A_887 = arith.select %le3A_881, %gather3A_855, %gather3A_854 : vector<16xi1>, vector<16xf32>
      %le3A_888 = arith.cmpf ole, %select_n3A_887, %get3A_838 : vector<16xf32>
      %jit3A_889 = arith.constant 16 : i32
      %jit3A_890 = arith.constant 0 : i32
      %broadcast_in_dim3A_891 = vector.broadcast %jit3A_889 : i32 to vector<16xi32>
      %broadcast_in_dim3A_892 = vector.broadcast %jit3A_890 : i32 to vector<16xi32>
      %select_n3A_893 = arith.select %le3A_888, %broadcast_in_dim3A_891, %broadcast_in_dim3A_892 : vector<16xi1>, vector<16xi32>
      %add3A_894 = arith.addi %select_n3A_886, %select_n3A_893 : vector<16xi32>
      %le3A_895 = arith.cmpf ole, %gather3A, %get3A_841 : vector<16xf32>
      %jit3A_896 = arith.constant 32 : i32
      %jit3A_897 = arith.constant 0 : i32
      %broadcast_in_dim3A_898 = vector.broadcast %jit3A_896 : i32 to vector<16xi32>
      %broadcast_in_dim3A_899 = vector.broadcast %jit3A_897 : i32 to vector<16xi32>
      %select_n3A_900 = arith.select %le3A_895, %broadcast_in_dim3A_898, %broadcast_in_dim3A_899 : vector<16xi1>, vector<16xi32>
      %select_n3A_901 = arith.select %le3A_895, %gather3A_855, %gather3A_854 : vector<16xi1>, vector<16xf32>
      %le3A_902 = arith.cmpf ole, %select_n3A_901, %get3A_841 : vector<16xf32>
      %jit3A_903 = arith.constant 16 : i32
      %jit3A_904 = arith.constant 0 : i32
      %broadcast_in_dim3A_905 = vector.broadcast %jit3A_903 : i32 to vector<16xi32>
      %broadcast_in_dim3A_906 = vector.broadcast %jit3A_904 : i32 to vector<16xi32>
      %select_n3A_907 = arith.select %le3A_902, %broadcast_in_dim3A_905, %broadcast_in_dim3A_906 : vector<16xi1>, vector<16xi32>
      %add3A_908 = arith.addi %select_n3A_900, %select_n3A_907 : vector<16xi32>
      %le3A_909 = arith.cmpf ole, %gather3A, %get3A_844 : vector<16xf32>
      %jit3A_910 = arith.constant 32 : i32
      %jit3A_911 = arith.constant 0 : i32
      %broadcast_in_dim3A_912 = vector.broadcast %jit3A_910 : i32 to vector<16xi32>
      %broadcast_in_dim3A_913 = vector.broadcast %jit3A_911 : i32 to vector<16xi32>
      %select_n3A_914 = arith.select %le3A_909, %broadcast_in_dim3A_912, %broadcast_in_dim3A_913 : vector<16xi1>, vector<16xi32>
      %select_n3A_915 = arith.select %le3A_909, %gather3A_855, %gather3A_854 : vector<16xi1>, vector<16xf32>
      %le3A_916 = arith.cmpf ole, %select_n3A_915, %get3A_844 : vector<16xf32>
      %jit3A_917 = arith.constant 16 : i32
      %jit3A_918 = arith.constant 0 : i32
      %broadcast_in_dim3A_919 = vector.broadcast %jit3A_917 : i32 to vector<16xi32>
      %broadcast_in_dim3A_920 = vector.broadcast %jit3A_918 : i32 to vector<16xi32>
      %select_n3A_921 = arith.select %le3A_916, %broadcast_in_dim3A_919, %broadcast_in_dim3A_920 : vector<16xi1>, vector<16xi32>
      %add3A_922 = arith.addi %select_n3A_914, %select_n3A_921 : vector<16xi32>
      %le3A_923 = arith.cmpf ole, %gather3A, %get3A_847 : vector<16xf32>
      %jit3A_924 = arith.constant 32 : i32
      %jit3A_925 = arith.constant 0 : i32
      %broadcast_in_dim3A_926 = vector.broadcast %jit3A_924 : i32 to vector<16xi32>
      %broadcast_in_dim3A_927 = vector.broadcast %jit3A_925 : i32 to vector<16xi32>
      %select_n3A_928 = arith.select %le3A_923, %broadcast_in_dim3A_926, %broadcast_in_dim3A_927 : vector<16xi1>, vector<16xi32>
      %select_n3A_929 = arith.select %le3A_923, %gather3A_855, %gather3A_854 : vector<16xi1>, vector<16xf32>
      %le3A_930 = arith.cmpf ole, %select_n3A_929, %get3A_847 : vector<16xf32>
      %jit3A_931 = arith.constant 16 : i32
      %jit3A_932 = arith.constant 0 : i32
      %broadcast_in_dim3A_933 = vector.broadcast %jit3A_931 : i32 to vector<16xi32>
      %broadcast_in_dim3A_934 = vector.broadcast %jit3A_932 : i32 to vector<16xi32>
      %select_n3A_935 = arith.select %le3A_930, %broadcast_in_dim3A_933, %broadcast_in_dim3A_934 : vector<16xi1>, vector<16xi32>
      %add3A_936 = arith.addi %select_n3A_928, %select_n3A_935 : vector<16xi32>
      %le3A_937 = arith.cmpf ole, %gather3A, %get3A_850 : vector<16xf32>
      %jit3A_938 = arith.constant 32 : i32
      %jit3A_939 = arith.constant 0 : i32
      %broadcast_in_dim3A_940 = vector.broadcast %jit3A_938 : i32 to vector<16xi32>
      %broadcast_in_dim3A_941 = vector.broadcast %jit3A_939 : i32 to vector<16xi32>
      %select_n3A_942 = arith.select %le3A_937, %broadcast_in_dim3A_940, %broadcast_in_dim3A_941 : vector<16xi1>, vector<16xi32>
      %select_n3A_943 = arith.select %le3A_937, %gather3A_855, %gather3A_854 : vector<16xi1>, vector<16xf32>
      %le3A_944 = arith.cmpf ole, %select_n3A_943, %get3A_850 : vector<16xf32>
      %jit3A_945 = arith.constant 16 : i32
      %jit3A_946 = arith.constant 0 : i32
      %broadcast_in_dim3A_947 = vector.broadcast %jit3A_945 : i32 to vector<16xi32>
      %broadcast_in_dim3A_948 = vector.broadcast %jit3A_946 : i32 to vector<16xi32>
      %select_n3A_949 = arith.select %le3A_944, %broadcast_in_dim3A_947, %broadcast_in_dim3A_948 : vector<16xi1>, vector<16xi32>
      %add3A_950 = arith.addi %select_n3A_942, %select_n3A_949 : vector<16xi32>
      %le3A_951 = arith.cmpf ole, %gather3A, %get3A_853 : vector<16xf32>
      %jit3A_952 = arith.constant 32 : i32
      %jit3A_953 = arith.constant 0 : i32
      %broadcast_in_dim3A_954 = vector.broadcast %jit3A_952 : i32 to vector<16xi32>
      %broadcast_in_dim3A_955 = vector.broadcast %jit3A_953 : i32 to vector<16xi32>
      %select_n3A_956 = arith.select %le3A_951, %broadcast_in_dim3A_954, %broadcast_in_dim3A_955 : vector<16xi1>, vector<16xi32>
      %select_n3A_957 = arith.select %le3A_951, %gather3A_855, %gather3A_854 : vector<16xi1>, vector<16xf32>
      %le3A_958 = arith.cmpf ole, %select_n3A_957, %get3A_853 : vector<16xf32>
      %jit3A_959 = arith.constant 16 : i32
      %jit3A_960 = arith.constant 0 : i32
      %broadcast_in_dim3A_961 = vector.broadcast %jit3A_959 : i32 to vector<16xi32>
      %broadcast_in_dim3A_962 = vector.broadcast %jit3A_960 : i32 to vector<16xi32>
      %select_n3A_963 = arith.select %le3A_958, %broadcast_in_dim3A_961, %broadcast_in_dim3A_962 : vector<16xi1>, vector<16xi32>
      %add3A_964 = arith.addi %select_n3A_956, %select_n3A_963 : vector<16xi32>
      %add3A_965 = arith.constant 8 : i32
      %add3A_966 = vector.broadcast %add3A_965 : i32 to vector<16xi32>
      %add3A_967 = arith.addi %add3A_866, %add3A_966 : vector<16xi32>
      %gather3A_968 = tpu.vector_load_idx %arg8[%broadcast_in_dim3A_830, %add3A_967] : memref<128x65xf32, #tpu.memory_space<vmem>>[vector<16xi32>, vector<16xi32>], vector<16xf32>,
      %add3A_969 = arith.constant 8 : i32
      %add3A_970 = vector.broadcast %add3A_969 : i32 to vector<16xi32>
      %add3A_971 = arith.addi %add3A_880, %add3A_970 : vector<16xi32>
      %gather3A_972 = tpu.vector_load_idx %arg8[%broadcast_in_dim3A_830, %add3A_971] : memref<128x65xf32, #tpu.memory_space<vmem>>[vector<16xi32>, vector<16xi32>], vector<16xf32>,
      %add3A_973 = arith.constant 8 : i32
      %add3A_974 = vector.broadcast %add3A_973 : i32 to vector<16xi32>
      %add3A_975 = arith.addi %add3A_894, %add3A_974 : vector<16xi32>
      %gather3A_976 = tpu.vector_load_idx %arg8[%broadcast_in_dim3A_830, %add3A_975] : memref<128x65xf32, #tpu.memory_space<vmem>>[vector<16xi32>, vector<16xi32>], vector<16xf32>,
      %add3A_977 = arith.constant 8 : i32
      %add3A_978 = vector.broadcast %add3A_977 : i32 to vector<16xi32>
      %add3A_979 = arith.addi %add3A_908, %add3A_978 : vector<16xi32>
      %gather3A_980 = tpu.vector_load_idx %arg8[%broadcast_in_dim3A_830, %add3A_979] : memref<128x65xf32, #tpu.memory_space<vmem>>[vector<16xi32>, vector<16xi32>], vector<16xf32>,
      %add3A_981 = arith.constant 8 : i32
      %add3A_982 = vector.broadcast %add3A_981 : i32 to vector<16xi32>
      %add3A_983 = arith.addi %add3A_922, %add3A_982 : vector<16xi32>
      %gather3A_984 = tpu.vector_load_idx %arg8[%broadcast_in_dim3A_830, %add3A_983] : memref<128x65xf32, #tpu.memory_space<vmem>>[vector<16xi32>, vector<16xi32>], vector<16xf32>,
      %add3A_985 = arith.constant 8 : i32
      %add3A_986 = vector.broadcast %add3A_985 : i32 to vector<16xi32>
      %add3A_987 = arith.addi %add3A_936, %add3A_986 : vector<16xi32>
      %gather3A_988 = tpu.vector_load_idx %arg8[%broadcast_in_dim3A_830, %add3A_987] : memref<128x65xf32, #tpu.memory_space<vmem>>[vector<16xi32>, vector<16xi32>], vector<16xf32>,
      %add3A_989 = arith.constant 8 : i32
      %add3A_990 = vector.broadcast %add3A_989 : i32 to vector<16xi32>
      %add3A_991 = arith.addi %add3A_950, %add3A_990 : vector<16xi32>
      %gather3A_992 = tpu.vector_load_idx %arg8[%broadcast_in_dim3A_830, %add3A_991] : memref<128x65xf32, #tpu.memory_space<vmem>>[vector<16xi32>, vector<16xi32>], vector<16xf32>,
      %add3A_993 = arith.constant 8 : i32
      %add3A_994 = vector.broadcast %add3A_993 : i32 to vector<16xi32>
      %add3A_995 = arith.addi %add3A_964, %add3A_994 : vector<16xi32>
      %gather3A_996 = tpu.vector_load_idx %arg8[%broadcast_in_dim3A_830, %add3A_995] : memref<128x65xf32, #tpu.memory_space<vmem>>[vector<16xi32>, vector<16xi32>], vector<16xf32>,
      %le3A_997 = arith.cmpf ole, %gather3A_968, %get3A_832 : vector<16xf32>
      %add3A_998 = arith.constant 8 : i32
      %add3A_999 = vector.broadcast %add3A_998 : i32 to vector<16xi32>
      %add3A_1000 = arith.addi %add3A_866, %add3A_999 : vector<16xi32>
      %select_n3A_1001 = arith.select %le3A_997, %add3A_1000, %add3A_866 : vector<16xi1>, vector<16xi32>
      %le3A_1002 = arith.cmpf ole, %gather3A_972, %get3A_835 : vector<16xf32>
      %add3A_1003 = arith.constant 8 : i32
      %add3A_1004 = vector.broadcast %add3A_1003 : i32 to vector<16xi32>
      %add3A_1005 = arith.addi %add3A_880, %add3A_1004 : vector<16xi32>
      %select_n3A_1006 = arith.select %le3A_1002, %add3A_1005, %add3A_880 : vector<16xi1>, vector<16xi32>
      %le3A_1007 = arith.cmpf ole, %gather3A_976, %get3A_838 : vector<16xf32>
      %add3A_1008 = arith.constant 8 : i32
      %add3A_1009 = vector.broadcast %add3A_1008 : i32 to vector<16xi32>
      %add3A_1010 = arith.addi %add3A_894, %add3A_1009 : vector<16xi32>
      %select_n3A_1011 = arith.select %le3A_1007, %add3A_1010, %add3A_894 : vector<16xi1>, vector<16xi32>
      %le3A_1012 = arith.cmpf ole, %gather3A_980, %get3A_841 : vector<16xf32>
      %add3A_1013 = arith.constant 8 : i32
      %add3A_1014 = vector.broadcast %add3A_1013 : i32 to vector<16xi32>
      %add3A_1015 = arith.addi %add3A_908, %add3A_1014 : vector<16xi32>
      %select_n3A_1016 = arith.select %le3A_1012, %add3A_1015, %add3A_908 : vector<16xi1>, vector<16xi32>
      %le3A_1017 = arith.cmpf ole, %gather3A_984, %get3A_844 : vector<16xf32>
      %add3A_1018 = arith.constant 8 : i32
      %add3A_1019 = vector.broadcast %add3A_1018 : i32 to vector<16xi32>
      %add3A_1020 = arith.addi %add3A_922, %add3A_1019 : vector<16xi32>
      %select_n3A_1021 = arith.select %le3A_1017, %add3A_1020, %add3A_922 : vector<16xi1>, vector<16xi32>
      %le3A_1022 = arith.cmpf ole, %gather3A_988, %get3A_847 : vector<16xf32>
      %add3A_1023 = arith.constant 8 : i32
      %add3A_1024 = vector.broadcast %add3A_1023 : i32 to vector<16xi32>
      %add3A_1025 = arith.addi %add3A_936, %add3A_1024 : vector<16xi32>
      %select_n3A_1026 = arith.select %le3A_1022, %add3A_1025, %add3A_936 : vector<16xi1>, vector<16xi32>
      %le3A_1027 = arith.cmpf ole, %gather3A_992, %get3A_850 : vector<16xf32>
      %add3A_1028 = arith.constant 8 : i32
      %add3A_1029 = vector.broadcast %add3A_1028 : i32 to vector<16xi32>
      %add3A_1030 = arith.addi %add3A_950, %add3A_1029 : vector<16xi32>
      %select_n3A_1031 = arith.select %le3A_1027, %add3A_1030, %add3A_950 : vector<16xi1>, vector<16xi32>
      %le3A_1032 = arith.cmpf ole, %gather3A_996, %get3A_853 : vector<16xf32>
      %add3A_1033 = arith.constant 8 : i32
      %add3A_1034 = vector.broadcast %add3A_1033 : i32 to vector<16xi32>
      %add3A_1035 = arith.addi %add3A_964, %add3A_1034 : vector<16xi32>
      %select_n3A_1036 = arith.select %le3A_1032, %add3A_1035, %add3A_964 : vector<16xi1>, vector<16xi32>
      %add3A_1037 = arith.constant 4 : i32
      %add3A_1038 = vector.broadcast %add3A_1037 : i32 to vector<16xi32>
      %add3A_1039 = arith.addi %select_n3A_1001, %add3A_1038 : vector<16xi32>
      %gather3A_1040 = tpu.vector_load_idx %arg8[%broadcast_in_dim3A_830, %add3A_1039] : memref<128x65xf32, #tpu.memory_space<vmem>>[vector<16xi32>, vector<16xi32>], vector<16xf32>,
      %add3A_1041 = arith.constant 4 : i32
      %add3A_1042 = vector.broadcast %add3A_1041 : i32 to vector<16xi32>
      %add3A_1043 = arith.addi %select_n3A_1006, %add3A_1042 : vector<16xi32>
      %gather3A_1044 = tpu.vector_load_idx %arg8[%broadcast_in_dim3A_830, %add3A_1043] : memref<128x65xf32, #tpu.memory_space<vmem>>[vector<16xi32>, vector<16xi32>], vector<16xf32>,
      %add3A_1045 = arith.constant 4 : i32
      %add3A_1046 = vector.broadcast %add3A_1045 : i32 to vector<16xi32>
      %add3A_1047 = arith.addi %select_n3A_1011, %add3A_1046 : vector<16xi32>
      %gather3A_1048 = tpu.vector_load_idx %arg8[%broadcast_in_dim3A_830, %add3A_1047] : memref<128x65xf32, #tpu.memory_space<vmem>>[vector<16xi32>, vector<16xi32>], vector<16xf32>,
      %add3A_1049 = arith.constant 4 : i32
      %add3A_1050 = vector.broadcast %add3A_1049 : i32 to vector<16xi32>
      %add3A_1051 = arith.addi %select_n3A_1016, %add3A_1050 : vector<16xi32>
      %gather3A_1052 = tpu.vector_load_idx %arg8[%broadcast_in_dim3A_830, %add3A_1051] : memref<128x65xf32, #tpu.memory_space<vmem>>[vector<16xi32>, vector<16xi32>], vector<16xf32>,
      %add3A_1053 = arith.constant 4 : i32
      %add3A_1054 = vector.broadcast %add3A_1053 : i32 to vector<16xi32>
      %add3A_1055 = arith.addi %select_n3A_1021, %add3A_1054 : vector<16xi32>
      %gather3A_1056 = tpu.vector_load_idx %arg8[%broadcast_in_dim3A_830, %add3A_1055] : memref<128x65xf32, #tpu.memory_space<vmem>>[vector<16xi32>, vector<16xi32>], vector<16xf32>,
      %add3A_1057 = arith.constant 4 : i32
      %add3A_1058 = vector.broadcast %add3A_1057 : i32 to vector<16xi32>
      %add3A_1059 = arith.addi %select_n3A_1026, %add3A_1058 : vector<16xi32>
      %gather3A_1060 = tpu.vector_load_idx %arg8[%broadcast_in_dim3A_830, %add3A_1059] : memref<128x65xf32, #tpu.memory_space<vmem>>[vector<16xi32>, vector<16xi32>], vector<16xf32>,
      %add3A_1061 = arith.constant 4 : i32
      %add3A_1062 = vector.broadcast %add3A_1061 : i32 to vector<16xi32>
      %add3A_1063 = arith.addi %select_n3A_1031, %add3A_1062 : vector<16xi32>
      %gather3A_1064 = tpu.vector_load_idx %arg8[%broadcast_in_dim3A_830, %add3A_1063] : memref<128x65xf32, #tpu.memory_space<vmem>>[vector<16xi32>, vector<16xi32>], vector<16xf32>,
      %add3A_1065 = arith.constant 4 : i32
      %add3A_1066 = vector.broadcast %add3A_1065 : i32 to vector<16xi32>
      %add3A_1067 = arith.addi %select_n3A_1036, %add3A_1066 : vector<16xi32>
      %gather3A_1068 = tpu.vector_load_idx %arg8[%broadcast_in_dim3A_830, %add3A_1067] : memref<128x65xf32, #tpu.memory_space<vmem>>[vector<16xi32>, vector<16xi32>], vector<16xf32>,
      %le3A_1069 = arith.cmpf ole, %gather3A_1040, %get3A_832 : vector<16xf32>
      %add3A_1070 = arith.constant 4 : i32
      %add3A_1071 = vector.broadcast %add3A_1070 : i32 to vector<16xi32>
      %add3A_1072 = arith.addi %select_n3A_1001, %add3A_1071 : vector<16xi32>
      %select_n3A_1073 = arith.select %le3A_1069, %add3A_1072, %select_n3A_1001 : vector<16xi1>, vector<16xi32>
      %le3A_1074 = arith.cmpf ole, %gather3A_1044, %get3A_835 : vector<16xf32>
      %add3A_1075 = arith.constant 4 : i32
      %add3A_1076 = vector.broadcast %add3A_1075 : i32 to vector<16xi32>
      %add3A_1077 = arith.addi %select_n3A_1006, %add3A_1076 : vector<16xi32>
      %select_n3A_1078 = arith.select %le3A_1074, %add3A_1077, %select_n3A_1006 : vector<16xi1>, vector<16xi32>
      %le3A_1079 = arith.cmpf ole, %gather3A_1048, %get3A_838 : vector<16xf32>
      %add3A_1080 = arith.constant 4 : i32
      %add3A_1081 = vector.broadcast %add3A_1080 : i32 to vector<16xi32>
      %add3A_1082 = arith.addi %select_n3A_1011, %add3A_1081 : vector<16xi32>
      %select_n3A_1083 = arith.select %le3A_1079, %add3A_1082, %select_n3A_1011 : vector<16xi1>, vector<16xi32>
      %le3A_1084 = arith.cmpf ole, %gather3A_1052, %get3A_841 : vector<16xf32>
      %add3A_1085 = arith.constant 4 : i32
      %add3A_1086 = vector.broadcast %add3A_1085 : i32 to vector<16xi32>
      %add3A_1087 = arith.addi %select_n3A_1016, %add3A_1086 : vector<16xi32>
      %select_n3A_1088 = arith.select %le3A_1084, %add3A_1087, %select_n3A_1016 : vector<16xi1>, vector<16xi32>
      %le3A_1089 = arith.cmpf ole, %gather3A_1056, %get3A_844 : vector<16xf32>
      %add3A_1090 = arith.constant 4 : i32
      %add3A_1091 = vector.broadcast %add3A_1090 : i32 to vector<16xi32>
      %add3A_1092 = arith.addi %select_n3A_1021, %add3A_1091 : vector<16xi32>
      %select_n3A_1093 = arith.select %le3A_1089, %add3A_1092, %select_n3A_1021 : vector<16xi1>, vector<16xi32>
      %le3A_1094 = arith.cmpf ole, %gather3A_1060, %get3A_847 : vector<16xf32>
      %add3A_1095 = arith.constant 4 : i32
      %add3A_1096 = vector.broadcast %add3A_1095 : i32 to vector<16xi32>
      %add3A_1097 = arith.addi %select_n3A_1026, %add3A_1096 : vector<16xi32>
      %select_n3A_1098 = arith.select %le3A_1094, %add3A_1097, %select_n3A_1026 : vector<16xi1>, vector<16xi32>
      %le3A_1099 = arith.cmpf ole, %gather3A_1064, %get3A_850 : vector<16xf32>
      %add3A_1100 = arith.constant 4 : i32
      %add3A_1101 = vector.broadcast %add3A_1100 : i32 to vector<16xi32>
      %add3A_1102 = arith.addi %select_n3A_1031, %add3A_1101 : vector<16xi32>
      %select_n3A_1103 = arith.select %le3A_1099, %add3A_1102, %select_n3A_1031 : vector<16xi1>, vector<16xi32>
      %le3A_1104 = arith.cmpf ole, %gather3A_1068, %get3A_853 : vector<16xf32>
      %add3A_1105 = arith.constant 4 : i32
      %add3A_1106 = vector.broadcast %add3A_1105 : i32 to vector<16xi32>
      %add3A_1107 = arith.addi %select_n3A_1036, %add3A_1106 : vector<16xi32>
      %select_n3A_1108 = arith.select %le3A_1104, %add3A_1107, %select_n3A_1036 : vector<16xi1>, vector<16xi32>
      %add3A_1109 = arith.constant 2 : i32
      %add3A_1110 = vector.broadcast %add3A_1109 : i32 to vector<16xi32>
      %add3A_1111 = arith.addi %select_n3A_1073, %add3A_1110 : vector<16xi32>
      %gather3A_1112 = tpu.vector_load_idx %arg8[%broadcast_in_dim3A_830, %add3A_1111] : memref<128x65xf32, #tpu.memory_space<vmem>>[vector<16xi32>, vector<16xi32>], vector<16xf32>,
      %add3A_1113 = arith.constant 2 : i32
      %add3A_1114 = vector.broadcast %add3A_1113 : i32 to vector<16xi32>
      %add3A_1115 = arith.addi %select_n3A_1078, %add3A_1114 : vector<16xi32>
      %gather3A_1116 = tpu.vector_load_idx %arg8[%broadcast_in_dim3A_830, %add3A_1115] : memref<128x65xf32, #tpu.memory_space<vmem>>[vector<16xi32>, vector<16xi32>], vector<16xf32>,
      %add3A_1117 = arith.constant 2 : i32
      %add3A_1118 = vector.broadcast %add3A_1117 : i32 to vector<16xi32>
      %add3A_1119 = arith.addi %select_n3A_1083, %add3A_1118 : vector<16xi32>
      %gather3A_1120 = tpu.vector_load_idx %arg8[%broadcast_in_dim3A_830, %add3A_1119] : memref<128x65xf32, #tpu.memory_space<vmem>>[vector<16xi32>, vector<16xi32>], vector<16xf32>,
      %add3A_1121 = arith.constant 2 : i32
      %add3A_1122 = vector.broadcast %add3A_1121 : i32 to vector<16xi32>
      %add3A_1123 = arith.addi %select_n3A_1088, %add3A_1122 : vector<16xi32>
      %gather3A_1124 = tpu.vector_load_idx %arg8[%broadcast_in_dim3A_830, %add3A_1123] : memref<128x65xf32, #tpu.memory_space<vmem>>[vector<16xi32>, vector<16xi32>], vector<16xf32>,
      %add3A_1125 = arith.constant 2 : i32
      %add3A_1126 = vector.broadcast %add3A_1125 : i32 to vector<16xi32>
      %add3A_1127 = arith.addi %select_n3A_1093, %add3A_1126 : vector<16xi32>
      %gather3A_1128 = tpu.vector_load_idx %arg8[%broadcast_in_dim3A_830, %add3A_1127] : memref<128x65xf32, #tpu.memory_space<vmem>>[vector<16xi32>, vector<16xi32>], vector<16xf32>,
      %add3A_1129 = arith.constant 2 : i32
      %add3A_1130 = vector.broadcast %add3A_1129 : i32 to vector<16xi32>
      %add3A_1131 = arith.addi %select_n3A_1098, %add3A_1130 : vector<16xi32>
      %gather3A_1132 = tpu.vector_load_idx %arg8[%broadcast_in_dim3A_830, %add3A_1131] : memref<128x65xf32, #tpu.memory_space<vmem>>[vector<16xi32>, vector<16xi32>], vector<16xf32>,
      %add3A_1133 = arith.constant 2 : i32
      %add3A_1134 = vector.broadcast %add3A_1133 : i32 to vector<16xi32>
      %add3A_1135 = arith.addi %select_n3A_1103, %add3A_1134 : vector<16xi32>
      %gather3A_1136 = tpu.vector_load_idx %arg8[%broadcast_in_dim3A_830, %add3A_1135] : memref<128x65xf32, #tpu.memory_space<vmem>>[vector<16xi32>, vector<16xi32>], vector<16xf32>,
      %add3A_1137 = arith.constant 2 : i32
      %add3A_1138 = vector.broadcast %add3A_1137 : i32 to vector<16xi32>
      %add3A_1139 = arith.addi %select_n3A_1108, %add3A_1138 : vector<16xi32>
      %gather3A_1140 = tpu.vector_load_idx %arg8[%broadcast_in_dim3A_830, %add3A_1139] : memref<128x65xf32, #tpu.memory_space<vmem>>[vector<16xi32>, vector<16xi32>], vector<16xf32>,
      %le3A_1141 = arith.cmpf ole, %gather3A_1112, %get3A_832 : vector<16xf32>
      %add3A_1142 = arith.constant 2 : i32
      %add3A_1143 = vector.broadcast %add3A_1142 : i32 to vector<16xi32>
      %add3A_1144 = arith.addi %select_n3A_1073, %add3A_1143 : vector<16xi32>
      %select_n3A_1145 = arith.select %le3A_1141, %add3A_1144, %select_n3A_1073 : vector<16xi1>, vector<16xi32>
      %le3A_1146 = arith.cmpf ole, %gather3A_1116, %get3A_835 : vector<16xf32>
      %add3A_1147 = arith.constant 2 : i32
      %add3A_1148 = vector.broadcast %add3A_1147 : i32 to vector<16xi32>
      %add3A_1149 = arith.addi %select_n3A_1078, %add3A_1148 : vector<16xi32>
      %select_n3A_1150 = arith.select %le3A_1146, %add3A_1149, %select_n3A_1078 : vector<16xi1>, vector<16xi32>
      %le3A_1151 = arith.cmpf ole, %gather3A_1120, %get3A_838 : vector<16xf32>
      %add3A_1152 = arith.constant 2 : i32
      %add3A_1153 = vector.broadcast %add3A_1152 : i32 to vector<16xi32>
      %add3A_1154 = arith.addi %select_n3A_1083, %add3A_1153 : vector<16xi32>
      %select_n3A_1155 = arith.select %le3A_1151, %add3A_1154, %select_n3A_1083 : vector<16xi1>, vector<16xi32>
      %le3A_1156 = arith.cmpf ole, %gather3A_1124, %get3A_841 : vector<16xf32>
      %add3A_1157 = arith.constant 2 : i32
      %add3A_1158 = vector.broadcast %add3A_1157 : i32 to vector<16xi32>
      %add3A_1159 = arith.addi %select_n3A_1088, %add3A_1158 : vector<16xi32>
      %select_n3A_1160 = arith.select %le3A_1156, %add3A_1159, %select_n3A_1088 : vector<16xi1>, vector<16xi32>
      %le3A_1161 = arith.cmpf ole, %gather3A_1128, %get3A_844 : vector<16xf32>
      %add3A_1162 = arith.constant 2 : i32
      %add3A_1163 = vector.broadcast %add3A_1162 : i32 to vector<16xi32>
      %add3A_1164 = arith.addi %select_n3A_1093, %add3A_1163 : vector<16xi32>
      %select_n3A_1165 = arith.select %le3A_1161, %add3A_1164, %select_n3A_1093 : vector<16xi1>, vector<16xi32>
      %le3A_1166 = arith.cmpf ole, %gather3A_1132, %get3A_847 : vector<16xf32>
      %add3A_1167 = arith.constant 2 : i32
      %add3A_1168 = vector.broadcast %add3A_1167 : i32 to vector<16xi32>
      %add3A_1169 = arith.addi %select_n3A_1098, %add3A_1168 : vector<16xi32>
      %select_n3A_1170 = arith.select %le3A_1166, %add3A_1169, %select_n3A_1098 : vector<16xi1>, vector<16xi32>
      %le3A_1171 = arith.cmpf ole, %gather3A_1136, %get3A_850 : vector<16xf32>
      %add3A_1172 = arith.constant 2 : i32
      %add3A_1173 = vector.broadcast %add3A_1172 : i32 to vector<16xi32>
      %add3A_1174 = arith.addi %select_n3A_1103, %add3A_1173 : vector<16xi32>
      %select_n3A_1175 = arith.select %le3A_1171, %add3A_1174, %select_n3A_1103 : vector<16xi1>, vector<16xi32>
      %le3A_1176 = arith.cmpf ole, %gather3A_1140, %get3A_853 : vector<16xf32>
      %add3A_1177 = arith.constant 2 : i32
      %add3A_1178 = vector.broadcast %add3A_1177 : i32 to vector<16xi32>
      %add3A_1179 = arith.addi %select_n3A_1108, %add3A_1178 : vector<16xi32>
      %select_n3A_1180 = arith.select %le3A_1176, %add3A_1179, %select_n3A_1108 : vector<16xi1>, vector<16xi32>
      %add3A_1181 = arith.constant 1 : i32
      %add3A_1182 = vector.broadcast %add3A_1181 : i32 to vector<16xi32>
      %add3A_1183 = arith.addi %select_n3A_1145, %add3A_1182 : vector<16xi32>
      %gather3A_1184 = tpu.vector_load_idx %arg8[%broadcast_in_dim3A_830, %add3A_1183] : memref<128x65xf32, #tpu.memory_space<vmem>>[vector<16xi32>, vector<16xi32>], vector<16xf32>,
      %add3A_1185 = arith.constant 1 : i32
      %add3A_1186 = vector.broadcast %add3A_1185 : i32 to vector<16xi32>
      %add3A_1187 = arith.addi %select_n3A_1150, %add3A_1186 : vector<16xi32>
      %gather3A_1188 = tpu.vector_load_idx %arg8[%broadcast_in_dim3A_830, %add3A_1187] : memref<128x65xf32, #tpu.memory_space<vmem>>[vector<16xi32>, vector<16xi32>], vector<16xf32>,
      %add3A_1189 = arith.constant 1 : i32
      %add3A_1190 = vector.broadcast %add3A_1189 : i32 to vector<16xi32>
      %add3A_1191 = arith.addi %select_n3A_1155, %add3A_1190 : vector<16xi32>
      %gather3A_1192 = tpu.vector_load_idx %arg8[%broadcast_in_dim3A_830, %add3A_1191] : memref<128x65xf32, #tpu.memory_space<vmem>>[vector<16xi32>, vector<16xi32>], vector<16xf32>,
      %add3A_1193 = arith.constant 1 : i32
      %add3A_1194 = vector.broadcast %add3A_1193 : i32 to vector<16xi32>
      %add3A_1195 = arith.addi %select_n3A_1160, %add3A_1194 : vector<16xi32>
      %gather3A_1196 = tpu.vector_load_idx %arg8[%broadcast_in_dim3A_830, %add3A_1195] : memref<128x65xf32, #tpu.memory_space<vmem>>[vector<16xi32>, vector<16xi32>], vector<16xf32>,
      %add3A_1197 = arith.constant 1 : i32
      %add3A_1198 = vector.broadcast %add3A_1197 : i32 to vector<16xi32>
      %add3A_1199 = arith.addi %select_n3A_1165, %add3A_1198 : vector<16xi32>
      %gather3A_1200 = tpu.vector_load_idx %arg8[%broadcast_in_dim3A_830, %add3A_1199] : memref<128x65xf32, #tpu.memory_space<vmem>>[vector<16xi32>, vector<16xi32>], vector<16xf32>,
      %add3A_1201 = arith.constant 1 : i32
      %add3A_1202 = vector.broadcast %add3A_1201 : i32 to vector<16xi32>
      %add3A_1203 = arith.addi %select_n3A_1170, %add3A_1202 : vector<16xi32>
      %gather3A_1204 = tpu.vector_load_idx %arg8[%broadcast_in_dim3A_830, %add3A_1203] : memref<128x65xf32, #tpu.memory_space<vmem>>[vector<16xi32>, vector<16xi32>], vector<16xf32>,
      %add3A_1205 = arith.constant 1 : i32
      %add3A_1206 = vector.broadcast %add3A_1205 : i32 to vector<16xi32>
      %add3A_1207 = arith.addi %select_n3A_1175, %add3A_1206 : vector<16xi32>
      %gather3A_1208 = tpu.vector_load_idx %arg8[%broadcast_in_dim3A_830, %add3A_1207] : memref<128x65xf32, #tpu.memory_space<vmem>>[vector<16xi32>, vector<16xi32>], vector<16xf32>,
      %add3A_1209 = arith.constant 1 : i32
      %add3A_1210 = vector.broadcast %add3A_1209 : i32 to vector<16xi32>
      %add3A_1211 = arith.addi %select_n3A_1180, %add3A_1210 : vector<16xi32>
      %gather3A_1212 = tpu.vector_load_idx %arg8[%broadcast_in_dim3A_830, %add3A_1211] : memref<128x65xf32, #tpu.memory_space<vmem>>[vector<16xi32>, vector<16xi32>], vector<16xf32>,
      %le3A_1213 = arith.cmpf ole, %gather3A_1184, %get3A_832 : vector<16xf32>
      %add3A_1214 = arith.constant 1 : i32
      %add3A_1215 = vector.broadcast %add3A_1214 : i32 to vector<16xi32>
      %add3A_1216 = arith.addi %select_n3A_1145, %add3A_1215 : vector<16xi32>
      %select_n3A_1217 = arith.select %le3A_1213, %add3A_1216, %select_n3A_1145 : vector<16xi1>, vector<16xi32>
      %le3A_1218 = arith.cmpf ole, %gather3A_1188, %get3A_835 : vector<16xf32>
      %add3A_1219 = arith.constant 1 : i32
      %add3A_1220 = vector.broadcast %add3A_1219 : i32 to vector<16xi32>
      %add3A_1221 = arith.addi %select_n3A_1150, %add3A_1220 : vector<16xi32>
      %select_n3A_1222 = arith.select %le3A_1218, %add3A_1221, %select_n3A_1150 : vector<16xi1>, vector<16xi32>
      %le3A_1223 = arith.cmpf ole, %gather3A_1192, %get3A_838 : vector<16xf32>
      %add3A_1224 = arith.constant 1 : i32
      %add3A_1225 = vector.broadcast %add3A_1224 : i32 to vector<16xi32>
      %add3A_1226 = arith.addi %select_n3A_1155, %add3A_1225 : vector<16xi32>
      %select_n3A_1227 = arith.select %le3A_1223, %add3A_1226, %select_n3A_1155 : vector<16xi1>, vector<16xi32>
      %le3A_1228 = arith.cmpf ole, %gather3A_1196, %get3A_841 : vector<16xf32>
      %add3A_1229 = arith.constant 1 : i32
      %add3A_1230 = vector.broadcast %add3A_1229 : i32 to vector<16xi32>
      %add3A_1231 = arith.addi %select_n3A_1160, %add3A_1230 : vector<16xi32>
      %select_n3A_1232 = arith.select %le3A_1228, %add3A_1231, %select_n3A_1160 : vector<16xi1>, vector<16xi32>
      %le3A_1233 = arith.cmpf ole, %gather3A_1200, %get3A_844 : vector<16xf32>
      %add3A_1234 = arith.constant 1 : i32
      %add3A_1235 = vector.broadcast %add3A_1234 : i32 to vector<16xi32>
      %add3A_1236 = arith.addi %select_n3A_1165, %add3A_1235 : vector<16xi32>
      %select_n3A_1237 = arith.select %le3A_1233, %add3A_1236, %select_n3A_1165 : vector<16xi1>, vector<16xi32>
      %le3A_1238 = arith.cmpf ole, %gather3A_1204, %get3A_847 : vector<16xf32>
      %add3A_1239 = arith.constant 1 : i32
      %add3A_1240 = vector.broadcast %add3A_1239 : i32 to vector<16xi32>
      %add3A_1241 = arith.addi %select_n3A_1170, %add3A_1240 : vector<16xi32>
      %select_n3A_1242 = arith.select %le3A_1238, %add3A_1241, %select_n3A_1170 : vector<16xi1>, vector<16xi32>
      %le3A_1243 = arith.cmpf ole, %gather3A_1208, %get3A_850 : vector<16xf32>
      %add3A_1244 = arith.constant 1 : i32
      %add3A_1245 = vector.broadcast %add3A_1244 : i32 to vector<16xi32>
      %add3A_1246 = arith.addi %select_n3A_1175, %add3A_1245 : vector<16xi32>
      %select_n3A_1247 = arith.select %le3A_1243, %add3A_1246, %select_n3A_1175 : vector<16xi1>, vector<16xi32>
      %le3A_1248 = arith.cmpf ole, %gather3A_1212, %get3A_853 : vector<16xf32>
      %add3A_1249 = arith.constant 1 : i32
      %add3A_1250 = vector.broadcast %add3A_1249 : i32 to vector<16xi32>
      %add3A_1251 = arith.addi %select_n3A_1180, %add3A_1250 : vector<16xi32>
      %select_n3A_1252 = arith.select %le3A_1248, %add3A_1251, %select_n3A_1180 : vector<16xi1>, vector<16xi32>
      %gather3A_1253 = tpu.vector_load_idx %arg8[%broadcast_in_dim3A_830, %select_n3A_1217] : memref<128x65xf32, #tpu.memory_space<vmem>>[vector<16xi32>, vector<16xi32>], vector<16xf32>,
      %sub3A = arith.subf %get3A_832, %gather3A_1253 : vector<16xf32>
      %add3A_1254 = arith.constant 1 : i32
      %add3A_1255 = vector.broadcast %add3A_1254 : i32 to vector<16xi32>
      %add3A_1256 = arith.addi %select_n3A_1217, %add3A_1255 : vector<16xi32>
      %gather3A_1257 = tpu.vector_load_idx %arg9[%broadcast_in_dim3A_830, %select_n3A_1217] : memref<128x65xf32, #tpu.memory_space<vmem>>[vector<16xi32>, vector<16xi32>], vector<16xf32>,
      %gather3A_1258 = tpu.vector_load_idx %arg10[%broadcast_in_dim3A_830, %select_n3A_1217] : memref<128x65xf32, #tpu.memory_space<vmem>>[vector<16xi32>, vector<16xi32>], vector<16xf32>,
      %gather3A_1259 = tpu.vector_load_idx %arg11[%broadcast_in_dim3A_830, %select_n3A_1217] : memref<128x65xf32, #tpu.memory_space<vmem>>[vector<16xi32>, vector<16xi32>], vector<16xf32>,
      %gather3A_1260 = tpu.vector_load_idx %arg9[%broadcast_in_dim3A_830, %add3A_1256] : memref<128x65xf32, #tpu.memory_space<vmem>>[vector<16xi32>, vector<16xi32>], vector<16xf32>,
      %gather3A_1261 = tpu.vector_load_idx %arg10[%broadcast_in_dim3A_830, %add3A_1256] : memref<128x65xf32, #tpu.memory_space<vmem>>[vector<16xi32>, vector<16xi32>], vector<16xf32>,
      %gather3A_1262 = tpu.vector_load_idx %arg11[%broadcast_in_dim3A_830, %add3A_1256] : memref<128x65xf32, #tpu.memory_space<vmem>>[vector<16xi32>, vector<16xi32>], vector<16xf32>,
      %sub3A_1263 = arith.subf %gather3A_1260, %gather3A_1257 : vector<16xf32>
      %sub3A_1264 = arith.subf %gather3A_1261, %gather3A_1258 : vector<16xf32>
      %sub3A_1265 = arith.subf %gather3A_1262, %gather3A_1259 : vector<16xf32>
      %mul3A_1266 = arith.mulf %sub3A_1263, %sub3A_1263 : vector<16xf32>
      %mul3A_1267 = arith.mulf %sub3A_1264, %sub3A_1264 : vector<16xf32>
      %add3A_1268 = arith.addf %mul3A_1266, %mul3A_1267 : vector<16xf32>
      %mul3A_1269 = arith.mulf %sub3A_1265, %sub3A_1265 : vector<16xf32>
      %add3A_1270 = arith.addf %add3A_1268, %mul3A_1269 : vector<16xf32>
      %bitcast_convert_type3A = tpu.bitcast %add3A_1270 : vector<16xf32> -> vector<16xi32>
      %shift_right_arithmetic3A = arith.constant 1 : i32
      %shift_right_arithmetic3A_1271 = vector.broadcast %shift_right_arithmetic3A : i32 to vector<16xi32>
      %shift_right_arithmetic3A_1272 = arith.shrsi %bitcast_convert_type3A, %shift_right_arithmetic3A_1271 : vector<16xi32>
      %sub3A_1273 = arith.constant 1597463007 : i32
      %sub3A_1274 = vector.broadcast %sub3A_1273 : i32 to vector<16xi32>
      %sub3A_1275 = arith.subi %sub3A_1274, %shift_right_arithmetic3A_1272 : vector<16xi32>
      %bitcast_convert_type3A_1276 = tpu.bitcast %sub3A_1275 : vector<16xi32> -> vector<16xf32>
      %mul3A_1277 = arith.mulf %sub3A, %bitcast_convert_type3A_1276 : vector<16xf32>
      %mul3A_1278 = arith.mulf %mul3A_1277, %sub3A_1263 : vector<16xf32>
      %add3A_1279 = arith.addf %gather3A_1257, %mul3A_1278 : vector<16xf32>
      %swap3A = arith.constant 0 : i32
      %swap3A_1280 = arith.index_cast %swap3A : i32 to index
      %swap3A_1281 = arith.index_cast %scan3A_829 : i32 to index
      %swap3A_1282 = arith.constant 0 : index
      %swap3A_1283 = tpu.vector_load %arg13[%swap3A_1280, %swap3A_1281, %swap3A_1282] {strides = array<i32>} : memref<3x128x128xf32, #tpu.memory_space<vmem>>, vector<16xf32>,
      tpu.vector_store %arg13[%swap3A_1280, %swap3A_1281, %swap3A_1282], %add3A_1279 {strides = array<i32>} : memref<3x128x128xf32, #tpu.memory_space<vmem>>, vector<16xf32>,
      %mul3A_1284 = arith.mulf %mul3A_1277, %sub3A_1264 : vector<16xf32>
      %add3A_1285 = arith.addf %gather3A_1258, %mul3A_1284 : vector<16xf32>
      %swap3A_1286 = arith.constant 1 : i32
      %swap3A_1287 = arith.index_cast %swap3A_1286 : i32 to index
      %swap3A_1288 = arith.index_cast %scan3A_829 : i32 to index
      %swap3A_1289 = arith.constant 0 : index
      %swap3A_1290 = tpu.vector_load %arg13[%swap3A_1287, %swap3A_1288, %swap3A_1289] {strides = array<i32>} : memref<3x128x128xf32, #tpu.memory_space<vmem>>, vector<16xf32>,
      tpu.vector_store %arg13[%swap3A_1287, %swap3A_1288, %swap3A_1289], %add3A_1285 {strides = array<i32>} : memref<3x128x128xf32, #tpu.memory_space<vmem>>, vector<16xf32>,
      %mul3A_1291 = arith.mulf %mul3A_1277, %sub3A_1265 : vector<16xf32>
      %add3A_1292 = arith.addf %gather3A_1259, %mul3A_1291 : vector<16xf32>
      %swap3A_1293 = arith.constant 2 : i32
      %swap3A_1294 = arith.index_cast %swap3A_1293 : i32 to index
      %swap3A_1295 = arith.index_cast %scan3A_829 : i32 to index
      %swap3A_1296 = arith.constant 0 : index
      %swap3A_1297 = tpu.vector_load %arg13[%swap3A_1294, %swap3A_1295, %swap3A_1296] {strides = array<i32>} : memref<3x128x128xf32, #tpu.memory_space<vmem>>, vector<16xf32>,
      tpu.vector_store %arg13[%swap3A_1294, %swap3A_1295, %swap3A_1296], %add3A_1292 {strides = array<i32>} : memref<3x128x128xf32, #tpu.memory_space<vmem>>, vector<16xf32>,
      %gather3A_1298 = tpu.vector_load_idx %arg8[%broadcast_in_dim3A_830, %select_n3A_1222] : memref<128x65xf32, #tpu.memory_space<vmem>>[vector<16xi32>, vector<16xi32>], vector<16xf32>,
      %sub3A_1299 = arith.subf %get3A_835, %gather3A_1298 : vector<16xf32>
      %add3A_1300 = arith.constant 1 : i32
      %add3A_1301 = vector.broadcast %add3A_1300 : i32 to vector<16xi32>
      %add3A_1302 = arith.addi %select_n3A_1222, %add3A_1301 : vector<16xi32>
      %gather3A_1303 = tpu.vector_load_idx %arg9[%broadcast_in_dim3A_830, %select_n3A_1222] : memref<128x65xf32, #tpu.memory_space<vmem>>[vector<16xi32>, vector<16xi32>], vector<16xf32>,
      %gather3A_1304 = tpu.vector_load_idx %arg10[%broadcast_in_dim3A_830, %select_n3A_1222] : memref<128x65xf32, #tpu.memory_space<vmem>>[vector<16xi32>, vector<16xi32>], vector<16xf32>,
      %gather3A_1305 = tpu.vector_load_idx %arg11[%broadcast_in_dim3A_830, %select_n3A_1222] : memref<128x65xf32, #tpu.memory_space<vmem>>[vector<16xi32>, vector<16xi32>], vector<16xf32>,
      %gather3A_1306 = tpu.vector_load_idx %arg9[%broadcast_in_dim3A_830, %add3A_1302] : memref<128x65xf32, #tpu.memory_space<vmem>>[vector<16xi32>, vector<16xi32>], vector<16xf32>,
      %gather3A_1307 = tpu.vector_load_idx %arg10[%broadcast_in_dim3A_830, %add3A_1302] : memref<128x65xf32, #tpu.memory_space<vmem>>[vector<16xi32>, vector<16xi32>], vector<16xf32>,
      %gather3A_1308 = tpu.vector_load_idx %arg11[%broadcast_in_dim3A_830, %add3A_1302] : memref<128x65xf32, #tpu.memory_space<vmem>>[vector<16xi32>, vector<16xi32>], vector<16xf32>,
      %sub3A_1309 = arith.subf %gather3A_1306, %gather3A_1303 : vector<16xf32>
      %sub3A_1310 = arith.subf %gather3A_1307, %gather3A_1304 : vector<16xf32>
      %sub3A_1311 = arith.subf %gather3A_1308, %gather3A_1305 : vector<16xf32>
      %mul3A_1312 = arith.mulf %sub3A_1309, %sub3A_1309 : vector<16xf32>
      %mul3A_1313 = arith.mulf %sub3A_1310, %sub3A_1310 : vector<16xf32>
      %add3A_1314 = arith.addf %mul3A_1312, %mul3A_1313 : vector<16xf32>
      %mul3A_1315 = arith.mulf %sub3A_1311, %sub3A_1311 : vector<16xf32>
      %add3A_1316 = arith.addf %add3A_1314, %mul3A_1315 : vector<16xf32>
      %bitcast_convert_type3A_1317 = tpu.bitcast %add3A_1316 : vector<16xf32> -> vector<16xi32>
      %shift_right_arithmetic3A_1318 = arith.constant 1 : i32
      %shift_right_arithmetic3A_1319 = vector.broadcast %shift_right_arithmetic3A_1318 : i32 to vector<16xi32>
      %shift_right_arithmetic3A_1320 = arith.shrsi %bitcast_convert_type3A_1317, %shift_right_arithmetic3A_1319 : vector<16xi32>
      %sub3A_1321 = arith.constant 1597463007 : i32
      %sub3A_1322 = vector.broadcast %sub3A_1321 : i32 to vector<16xi32>
      %sub3A_1323 = arith.subi %sub3A_1322, %shift_right_arithmetic3A_1320 : vector<16xi32>
      %bitcast_convert_type3A_1324 = tpu.bitcast %sub3A_1323 : vector<16xi32> -> vector<16xf32>
      %mul3A_1325 = arith.mulf %sub3A_1299, %bitcast_convert_type3A_1324 : vector<16xf32>
      %mul3A_1326 = arith.mulf %mul3A_1325, %sub3A_1309 : vector<16xf32>
      %add3A_1327 = arith.addf %gather3A_1303, %mul3A_1326 : vector<16xf32>
      %swap3A_1328 = arith.constant 0 : i32
      %swap3A_1329 = arith.index_cast %swap3A_1328 : i32 to index
      %swap3A_1330 = arith.index_cast %scan3A_829 : i32 to index
      %swap3A_1331 = arith.constant 16 : index
      %swap3A_1332 = tpu.vector_load %arg13[%swap3A_1329, %swap3A_1330, %swap3A_1331] {strides = array<i32>} : memref<3x128x128xf32, #tpu.memory_space<vmem>>, vector<16xf32>,
      tpu.vector_store %arg13[%swap3A_1329, %swap3A_1330, %swap3A_1331], %add3A_1327 {strides = array<i32>} : memref<3x128x128xf32, #tpu.memory_space<vmem>>, vector<16xf32>,
      %mul3A_1333 = arith.mulf %mul3A_1325, %sub3A_1310 : vector<16xf32>
      %add3A_1334 = arith.addf %gather3A_1304, %mul3A_1333 : vector<16xf32>
      %swap3A_1335 = arith.constant 1 : i32
      %swap3A_1336 = arith.index_cast %swap3A_1335 : i32 to index
      %swap3A_1337 = arith.index_cast %scan3A_829 : i32 to index
      %swap3A_1338 = arith.constant 16 : index
      %swap3A_1339 = tpu.vector_load %arg13[%swap3A_1336, %swap3A_1337, %swap3A_1338] {strides = array<i32>} : memref<3x128x128xf32, #tpu.memory_space<vmem>>, vector<16xf32>,
      tpu.vector_store %arg13[%swap3A_1336, %swap3A_1337, %swap3A_1338], %add3A_1334 {strides = array<i32>} : memref<3x128x128xf32, #tpu.memory_space<vmem>>, vector<16xf32>,
      %mul3A_1340 = arith.mulf %mul3A_1325, %sub3A_1311 : vector<16xf32>
      %add3A_1341 = arith.addf %gather3A_1305, %mul3A_1340 : vector<16xf32>
      %swap3A_1342 = arith.constant 2 : i32
      %swap3A_1343 = arith.index_cast %swap3A_1342 : i32 to index
      %swap3A_1344 = arith.index_cast %scan3A_829 : i32 to index
      %swap3A_1345 = arith.constant 16 : index
      %swap3A_1346 = tpu.vector_load %arg13[%swap3A_1343, %swap3A_1344, %swap3A_1345] {strides = array<i32>} : memref<3x128x128xf32, #tpu.memory_space<vmem>>, vector<16xf32>,
      tpu.vector_store %arg13[%swap3A_1343, %swap3A_1344, %swap3A_1345], %add3A_1341 {strides = array<i32>} : memref<3x128x128xf32, #tpu.memory_space<vmem>>, vector<16xf32>,
      %gather3A_1347 = tpu.vector_load_idx %arg8[%broadcast_in_dim3A_830, %select_n3A_1227] : memref<128x65xf32, #tpu.memory_space<vmem>>[vector<16xi32>, vector<16xi32>], vector<16xf32>,
      %sub3A_1348 = arith.subf %get3A_838, %gather3A_1347 : vector<16xf32>
      %add3A_1349 = arith.constant 1 : i32
      %add3A_1350 = vector.broadcast %add3A_1349 : i32 to vector<16xi32>
      %add3A_1351 = arith.addi %select_n3A_1227, %add3A_1350 : vector<16xi32>
      %gather3A_1352 = tpu.vector_load_idx %arg9[%broadcast_in_dim3A_830, %select_n3A_1227] : memref<128x65xf32, #tpu.memory_space<vmem>>[vector<16xi32>, vector<16xi32>], vector<16xf32>,
      %gather3A_1353 = tpu.vector_load_idx %arg10[%broadcast_in_dim3A_830, %select_n3A_1227] : memref<128x65xf32, #tpu.memory_space<vmem>>[vector<16xi32>, vector<16xi32>], vector<16xf32>,
      %gather3A_1354 = tpu.vector_load_idx %arg11[%broadcast_in_dim3A_830, %select_n3A_1227] : memref<128x65xf32, #tpu.memory_space<vmem>>[vector<16xi32>, vector<16xi32>], vector<16xf32>,
      %gather3A_1355 = tpu.vector_load_idx %arg9[%broadcast_in_dim3A_830, %add3A_1351] : memref<128x65xf32, #tpu.memory_space<vmem>>[vector<16xi32>, vector<16xi32>], vector<16xf32>,
      %gather3A_1356 = tpu.vector_load_idx %arg10[%broadcast_in_dim3A_830, %add3A_1351] : memref<128x65xf32, #tpu.memory_space<vmem>>[vector<16xi32>, vector<16xi32>], vector<16xf32>,
      %gather3A_1357 = tpu.vector_load_idx %arg11[%broadcast_in_dim3A_830, %add3A_1351] : memref<128x65xf32, #tpu.memory_space<vmem>>[vector<16xi32>, vector<16xi32>], vector<16xf32>,
      %sub3A_1358 = arith.subf %gather3A_1355, %gather3A_1352 : vector<16xf32>
      %sub3A_1359 = arith.subf %gather3A_1356, %gather3A_1353 : vector<16xf32>
      %sub3A_1360 = arith.subf %gather3A_1357, %gather3A_1354 : vector<16xf32>
      %mul3A_1361 = arith.mulf %sub3A_1358, %sub3A_1358 : vector<16xf32>
      %mul3A_1362 = arith.mulf %sub3A_1359, %sub3A_1359 : vector<16xf32>
      %add3A_1363 = arith.addf %mul3A_1361, %mul3A_1362 : vector<16xf32>
      %mul3A_1364 = arith.mulf %sub3A_1360, %sub3A_1360 : vector<16xf32>
      %add3A_1365 = arith.addf %add3A_1363, %mul3A_1364 : vector<16xf32>
      %bitcast_convert_type3A_1366 = tpu.bitcast %add3A_1365 : vector<16xf32> -> vector<16xi32>
      %shift_right_arithmetic3A_1367 = arith.constant 1 : i32
      %shift_right_arithmetic3A_1368 = vector.broadcast %shift_right_arithmetic3A_1367 : i32 to vector<16xi32>
      %shift_right_arithmetic3A_1369 = arith.shrsi %bitcast_convert_type3A_1366, %shift_right_arithmetic3A_1368 : vector<16xi32>
      %sub3A_1370 = arith.constant 1597463007 : i32
      %sub3A_1371 = vector.broadcast %sub3A_1370 : i32 to vector<16xi32>
      %sub3A_1372 = arith.subi %sub3A_1371, %shift_right_arithmetic3A_1369 : vector<16xi32>
      %bitcast_convert_type3A_1373 = tpu.bitcast %sub3A_1372 : vector<16xi32> -> vector<16xf32>
      %mul3A_1374 = arith.mulf %sub3A_1348, %bitcast_convert_type3A_1373 : vector<16xf32>
      %mul3A_1375 = arith.mulf %mul3A_1374, %sub3A_1358 : vector<16xf32>
      %add3A_1376 = arith.addf %gather3A_1352, %mul3A_1375 : vector<16xf32>
      %swap3A_1377 = arith.constant 0 : i32
      %swap3A_1378 = arith.index_cast %swap3A_1377 : i32 to index
      %swap3A_1379 = arith.index_cast %scan3A_829 : i32 to index
      %swap3A_1380 = arith.constant 32 : index
      %swap3A_1381 = tpu.vector_load %arg13[%swap3A_1378, %swap3A_1379, %swap3A_1380] {strides = array<i32>} : memref<3x128x128xf32, #tpu.memory_space<vmem>>, vector<16xf32>,
      tpu.vector_store %arg13[%swap3A_1378, %swap3A_1379, %swap3A_1380], %add3A_1376 {strides = array<i32>} : memref<3x128x128xf32, #tpu.memory_space<vmem>>, vector<16xf32>,
      %mul3A_1382 = arith.mulf %mul3A_1374, %sub3A_1359 : vector<16xf32>
      %add3A_1383 = arith.addf %gather3A_1353, %mul3A_1382 : vector<16xf32>
      %swap3A_1384 = arith.constant 1 : i32
      %swap3A_1385 = arith.index_cast %swap3A_1384 : i32 to index
      %swap3A_1386 = arith.index_cast %scan3A_829 : i32 to index
      %swap3A_1387 = arith.constant 32 : index
      %swap3A_1388 = tpu.vector_load %arg13[%swap3A_1385, %swap3A_1386, %swap3A_1387] {strides = array<i32>} : memref<3x128x128xf32, #tpu.memory_space<vmem>>, vector<16xf32>,
      tpu.vector_store %arg13[%swap3A_1385, %swap3A_1386, %swap3A_1387], %add3A_1383 {strides = array<i32>} : memref<3x128x128xf32, #tpu.memory_space<vmem>>, vector<16xf32>,
      %mul3A_1389 = arith.mulf %mul3A_1374, %sub3A_1360 : vector<16xf32>
      %add3A_1390 = arith.addf %gather3A_1354, %mul3A_1389 : vector<16xf32>
      %swap3A_1391 = arith.constant 2 : i32
      %swap3A_1392 = arith.index_cast %swap3A_1391 : i32 to index
      %swap3A_1393 = arith.index_cast %scan3A_829 : i32 to index
      %swap3A_1394 = arith.constant 32 : index
      %swap3A_1395 = tpu.vector_load %arg13[%swap3A_1392, %swap3A_1393, %swap3A_1394] {strides = array<i32>} : memref<3x128x128xf32, #tpu.memory_space<vmem>>, vector<16xf32>,
      tpu.vector_store %arg13[%swap3A_1392, %swap3A_1393, %swap3A_1394], %add3A_1390 {strides = array<i32>} : memref<3x128x128xf32, #tpu.memory_space<vmem>>, vector<16xf32>,
      %gather3A_1396 = tpu.vector_load_idx %arg8[%broadcast_in_dim3A_830, %select_n3A_1232] : memref<128x65xf32, #tpu.memory_space<vmem>>[vector<16xi32>, vector<16xi32>], vector<16xf32>,
      %sub3A_1397 = arith.subf %get3A_841, %gather3A_1396 : vector<16xf32>
      %add3A_1398 = arith.constant 1 : i32
      %add3A_1399 = vector.broadcast %add3A_1398 : i32 to vector<16xi32>
      %add3A_1400 = arith.addi %select_n3A_1232, %add3A_1399 : vector<16xi32>
      %gather3A_1401 = tpu.vector_load_idx %arg9[%broadcast_in_dim3A_830, %select_n3A_1232] : memref<128x65xf32, #tpu.memory_space<vmem>>[vector<16xi32>, vector<16xi32>], vector<16xf32>,
      %gather3A_1402 = tpu.vector_load_idx %arg10[%broadcast_in_dim3A_830, %select_n3A_1232] : memref<128x65xf32, #tpu.memory_space<vmem>>[vector<16xi32>, vector<16xi32>], vector<16xf32>,
      %gather3A_1403 = tpu.vector_load_idx %arg11[%broadcast_in_dim3A_830, %select_n3A_1232] : memref<128x65xf32, #tpu.memory_space<vmem>>[vector<16xi32>, vector<16xi32>], vector<16xf32>,
      %gather3A_1404 = tpu.vector_load_idx %arg9[%broadcast_in_dim3A_830, %add3A_1400] : memref<128x65xf32, #tpu.memory_space<vmem>>[vector<16xi32>, vector<16xi32>], vector<16xf32>,
      %gather3A_1405 = tpu.vector_load_idx %arg10[%broadcast_in_dim3A_830, %add3A_1400] : memref<128x65xf32, #tpu.memory_space<vmem>>[vector<16xi32>, vector<16xi32>], vector<16xf32>,
      %gather3A_1406 = tpu.vector_load_idx %arg11[%broadcast_in_dim3A_830, %add3A_1400] : memref<128x65xf32, #tpu.memory_space<vmem>>[vector<16xi32>, vector<16xi32>], vector<16xf32>,
      %sub3A_1407 = arith.subf %gather3A_1404, %gather3A_1401 : vector<16xf32>
      %sub3A_1408 = arith.subf %gather3A_1405, %gather3A_1402 : vector<16xf32>
      %sub3A_1409 = arith.subf %gather3A_1406, %gather3A_1403 : vector<16xf32>
      %mul3A_1410 = arith.mulf %sub3A_1407, %sub3A_1407 : vector<16xf32>
      %mul3A_1411 = arith.mulf %sub3A_1408, %sub3A_1408 : vector<16xf32>
      %add3A_1412 = arith.addf %mul3A_1410, %mul3A_1411 : vector<16xf32>
      %mul3A_1413 = arith.mulf %sub3A_1409, %sub3A_1409 : vector<16xf32>
      %add3A_1414 = arith.addf %add3A_1412, %mul3A_1413 : vector<16xf32>
      %bitcast_convert_type3A_1415 = tpu.bitcast %add3A_1414 : vector<16xf32> -> vector<16xi32>
      %shift_right_arithmetic3A_1416 = arith.constant 1 : i32
      %shift_right_arithmetic3A_1417 = vector.broadcast %shift_right_arithmetic3A_1416 : i32 to vector<16xi32>
      %shift_right_arithmetic3A_1418 = arith.shrsi %bitcast_convert_type3A_1415, %shift_right_arithmetic3A_1417 : vector<16xi32>
      %sub3A_1419 = arith.constant 1597463007 : i32
      %sub3A_1420 = vector.broadcast %sub3A_1419 : i32 to vector<16xi32>
      %sub3A_1421 = arith.subi %sub3A_1420, %shift_right_arithmetic3A_1418 : vector<16xi32>
      %bitcast_convert_type3A_1422 = tpu.bitcast %sub3A_1421 : vector<16xi32> -> vector<16xf32>
      %mul3A_1423 = arith.mulf %sub3A_1397, %bitcast_convert_type3A_1422 : vector<16xf32>
      %mul3A_1424 = arith.mulf %mul3A_1423, %sub3A_1407 : vector<16xf32>
      %add3A_1425 = arith.addf %gather3A_1401, %mul3A_1424 : vector<16xf32>
      %swap3A_1426 = arith.constant 0 : i32
      %swap3A_1427 = arith.index_cast %swap3A_1426 : i32 to index
      %swap3A_1428 = arith.index_cast %scan3A_829 : i32 to index
      %swap3A_1429 = arith.constant 48 : index
      %swap3A_1430 = tpu.vector_load %arg13[%swap3A_1427, %swap3A_1428, %swap3A_1429] {strides = array<i32>} : memref<3x128x128xf32, #tpu.memory_space<vmem>>, vector<16xf32>,
      tpu.vector_store %arg13[%swap3A_1427, %swap3A_1428, %swap3A_1429], %add3A_1425 {strides = array<i32>} : memref<3x128x128xf32, #tpu.memory_space<vmem>>, vector<16xf32>,
      %mul3A_1431 = arith.mulf %mul3A_1423, %sub3A_1408 : vector<16xf32>
      %add3A_1432 = arith.addf %gather3A_1402, %mul3A_1431 : vector<16xf32>
      %swap3A_1433 = arith.constant 1 : i32
      %swap3A_1434 = arith.index_cast %swap3A_1433 : i32 to index
      %swap3A_1435 = arith.index_cast %scan3A_829 : i32 to index
      %swap3A_1436 = arith.constant 48 : index
      %swap3A_1437 = tpu.vector_load %arg13[%swap3A_1434, %swap3A_1435, %swap3A_1436] {strides = array<i32>} : memref<3x128x128xf32, #tpu.memory_space<vmem>>, vector<16xf32>,
      tpu.vector_store %arg13[%swap3A_1434, %swap3A_1435, %swap3A_1436], %add3A_1432 {strides = array<i32>} : memref<3x128x128xf32, #tpu.memory_space<vmem>>, vector<16xf32>,
      %mul3A_1438 = arith.mulf %mul3A_1423, %sub3A_1409 : vector<16xf32>
      %add3A_1439 = arith.addf %gather3A_1403, %mul3A_1438 : vector<16xf32>
      %swap3A_1440 = arith.constant 2 : i32
      %swap3A_1441 = arith.index_cast %swap3A_1440 : i32 to index
      %swap3A_1442 = arith.index_cast %scan3A_829 : i32 to index
      %swap3A_1443 = arith.constant 48 : index
      %swap3A_1444 = tpu.vector_load %arg13[%swap3A_1441, %swap3A_1442, %swap3A_1443] {strides = array<i32>} : memref<3x128x128xf32, #tpu.memory_space<vmem>>, vector<16xf32>,
      tpu.vector_store %arg13[%swap3A_1441, %swap3A_1442, %swap3A_1443], %add3A_1439 {strides = array<i32>} : memref<3x128x128xf32, #tpu.memory_space<vmem>>, vector<16xf32>,
      %gather3A_1445 = tpu.vector_load_idx %arg8[%broadcast_in_dim3A_830, %select_n3A_1237] : memref<128x65xf32, #tpu.memory_space<vmem>>[vector<16xi32>, vector<16xi32>], vector<16xf32>,
      %sub3A_1446 = arith.subf %get3A_844, %gather3A_1445 : vector<16xf32>
      %add3A_1447 = arith.constant 1 : i32
      %add3A_1448 = vector.broadcast %add3A_1447 : i32 to vector<16xi32>
      %add3A_1449 = arith.addi %select_n3A_1237, %add3A_1448 : vector<16xi32>
      %gather3A_1450 = tpu.vector_load_idx %arg9[%broadcast_in_dim3A_830, %select_n3A_1237] : memref<128x65xf32, #tpu.memory_space<vmem>>[vector<16xi32>, vector<16xi32>], vector<16xf32>,
      %gather3A_1451 = tpu.vector_load_idx %arg10[%broadcast_in_dim3A_830, %select_n3A_1237] : memref<128x65xf32, #tpu.memory_space<vmem>>[vector<16xi32>, vector<16xi32>], vector<16xf32>,
      %gather3A_1452 = tpu.vector_load_idx %arg11[%broadcast_in_dim3A_830, %select_n3A_1237] : memref<128x65xf32, #tpu.memory_space<vmem>>[vector<16xi32>, vector<16xi32>], vector<16xf32>,
      %gather3A_1453 = tpu.vector_load_idx %arg9[%broadcast_in_dim3A_830, %add3A_1449] : memref<128x65xf32, #tpu.memory_space<vmem>>[vector<16xi32>, vector<16xi32>], vector<16xf32>,
      %gather3A_1454 = tpu.vector_load_idx %arg10[%broadcast_in_dim3A_830, %add3A_1449] : memref<128x65xf32, #tpu.memory_space<vmem>>[vector<16xi32>, vector<16xi32>], vector<16xf32>,
      %gather3A_1455 = tpu.vector_load_idx %arg11[%broadcast_in_dim3A_830, %add3A_1449] : memref<128x65xf32, #tpu.memory_space<vmem>>[vector<16xi32>, vector<16xi32>], vector<16xf32>,
      %sub3A_1456 = arith.subf %gather3A_1453, %gather3A_1450 : vector<16xf32>
      %sub3A_1457 = arith.subf %gather3A_1454, %gather3A_1451 : vector<16xf32>
      %sub3A_1458 = arith.subf %gather3A_1455, %gather3A_1452 : vector<16xf32>
      %mul3A_1459 = arith.mulf %sub3A_1456, %sub3A_1456 : vector<16xf32>
      %mul3A_1460 = arith.mulf %sub3A_1457, %sub3A_1457 : vector<16xf32>
      %add3A_1461 = arith.addf %mul3A_1459, %mul3A_1460 : vector<16xf32>
      %mul3A_1462 = arith.mulf %sub3A_1458, %sub3A_1458 : vector<16xf32>
      %add3A_1463 = arith.addf %add3A_1461, %mul3A_1462 : vector<16xf32>
      %bitcast_convert_type3A_1464 = tpu.bitcast %add3A_1463 : vector<16xf32> -> vector<16xi32>
      %shift_right_arithmetic3A_1465 = arith.constant 1 : i32
      %shift_right_arithmetic3A_1466 = vector.broadcast %shift_right_arithmetic3A_1465 : i32 to vector<16xi32>
      %shift_right_arithmetic3A_1467 = arith.shrsi %bitcast_convert_type3A_1464, %shift_right_arithmetic3A_1466 : vector<16xi32>
      %sub3A_1468 = arith.constant 1597463007 : i32
      %sub3A_1469 = vector.broadcast %sub3A_1468 : i32 to vector<16xi32>
      %sub3A_1470 = arith.subi %sub3A_1469, %shift_right_arithmetic3A_1467 : vector<16xi32>
      %bitcast_convert_type3A_1471 = tpu.bitcast %sub3A_1470 : vector<16xi32> -> vector<16xf32>
      %mul3A_1472 = arith.mulf %sub3A_1446, %bitcast_convert_type3A_1471 : vector<16xf32>
      %mul3A_1473 = arith.mulf %mul3A_1472, %sub3A_1456 : vector<16xf32>
      %add3A_1474 = arith.addf %gather3A_1450, %mul3A_1473 : vector<16xf32>
      %swap3A_1475 = arith.constant 0 : i32
      %swap3A_1476 = arith.index_cast %swap3A_1475 : i32 to index
      %swap3A_1477 = arith.index_cast %scan3A_829 : i32 to index
      %swap3A_1478 = arith.constant 64 : index
      %swap3A_1479 = tpu.vector_load %arg13[%swap3A_1476, %swap3A_1477, %swap3A_1478] {strides = array<i32>} : memref<3x128x128xf32, #tpu.memory_space<vmem>>, vector<16xf32>,
      tpu.vector_store %arg13[%swap3A_1476, %swap3A_1477, %swap3A_1478], %add3A_1474 {strides = array<i32>} : memref<3x128x128xf32, #tpu.memory_space<vmem>>, vector<16xf32>,
      %mul3A_1480 = arith.mulf %mul3A_1472, %sub3A_1457 : vector<16xf32>
      %add3A_1481 = arith.addf %gather3A_1451, %mul3A_1480 : vector<16xf32>
      %swap3A_1482 = arith.constant 1 : i32
      %swap3A_1483 = arith.index_cast %swap3A_1482 : i32 to index
      %swap3A_1484 = arith.index_cast %scan3A_829 : i32 to index
      %swap3A_1485 = arith.constant 64 : index
      %swap3A_1486 = tpu.vector_load %arg13[%swap3A_1483, %swap3A_1484, %swap3A_1485] {strides = array<i32>} : memref<3x128x128xf32, #tpu.memory_space<vmem>>, vector<16xf32>,
      tpu.vector_store %arg13[%swap3A_1483, %swap3A_1484, %swap3A_1485], %add3A_1481 {strides = array<i32>} : memref<3x128x128xf32, #tpu.memory_space<vmem>>, vector<16xf32>,
      %mul3A_1487 = arith.mulf %mul3A_1472, %sub3A_1458 : vector<16xf32>
      %add3A_1488 = arith.addf %gather3A_1452, %mul3A_1487 : vector<16xf32>
      %swap3A_1489 = arith.constant 2 : i32
      %swap3A_1490 = arith.index_cast %swap3A_1489 : i32 to index
      %swap3A_1491 = arith.index_cast %scan3A_829 : i32 to index
      %swap3A_1492 = arith.constant 64 : index
      %swap3A_1493 = tpu.vector_load %arg13[%swap3A_1490, %swap3A_1491, %swap3A_1492] {strides = array<i32>} : memref<3x128x128xf32, #tpu.memory_space<vmem>>, vector<16xf32>,
      tpu.vector_store %arg13[%swap3A_1490, %swap3A_1491, %swap3A_1492], %add3A_1488 {strides = array<i32>} : memref<3x128x128xf32, #tpu.memory_space<vmem>>, vector<16xf32>,
      %gather3A_1494 = tpu.vector_load_idx %arg8[%broadcast_in_dim3A_830, %select_n3A_1242] : memref<128x65xf32, #tpu.memory_space<vmem>>[vector<16xi32>, vector<16xi32>], vector<16xf32>,
      %sub3A_1495 = arith.subf %get3A_847, %gather3A_1494 : vector<16xf32>
      %add3A_1496 = arith.constant 1 : i32
      %add3A_1497 = vector.broadcast %add3A_1496 : i32 to vector<16xi32>
      %add3A_1498 = arith.addi %select_n3A_1242, %add3A_1497 : vector<16xi32>
      %gather3A_1499 = tpu.vector_load_idx %arg9[%broadcast_in_dim3A_830, %select_n3A_1242] : memref<128x65xf32, #tpu.memory_space<vmem>>[vector<16xi32>, vector<16xi32>], vector<16xf32>,
      %gather3A_1500 = tpu.vector_load_idx %arg10[%broadcast_in_dim3A_830, %select_n3A_1242] : memref<128x65xf32, #tpu.memory_space<vmem>>[vector<16xi32>, vector<16xi32>], vector<16xf32>,
      %gather3A_1501 = tpu.vector_load_idx %arg11[%broadcast_in_dim3A_830, %select_n3A_1242] : memref<128x65xf32, #tpu.memory_space<vmem>>[vector<16xi32>, vector<16xi32>], vector<16xf32>,
      %gather3A_1502 = tpu.vector_load_idx %arg9[%broadcast_in_dim3A_830, %add3A_1498] : memref<128x65xf32, #tpu.memory_space<vmem>>[vector<16xi32>, vector<16xi32>], vector<16xf32>,
      %gather3A_1503 = tpu.vector_load_idx %arg10[%broadcast_in_dim3A_830, %add3A_1498] : memref<128x65xf32, #tpu.memory_space<vmem>>[vector<16xi32>, vector<16xi32>], vector<16xf32>,
      %gather3A_1504 = tpu.vector_load_idx %arg11[%broadcast_in_dim3A_830, %add3A_1498] : memref<128x65xf32, #tpu.memory_space<vmem>>[vector<16xi32>, vector<16xi32>], vector<16xf32>,
      %sub3A_1505 = arith.subf %gather3A_1502, %gather3A_1499 : vector<16xf32>
      %sub3A_1506 = arith.subf %gather3A_1503, %gather3A_1500 : vector<16xf32>
      %sub3A_1507 = arith.subf %gather3A_1504, %gather3A_1501 : vector<16xf32>
      %mul3A_1508 = arith.mulf %sub3A_1505, %sub3A_1505 : vector<16xf32>
      %mul3A_1509 = arith.mulf %sub3A_1506, %sub3A_1506 : vector<16xf32>
      %add3A_1510 = arith.addf %mul3A_1508, %mul3A_1509 : vector<16xf32>
      %mul3A_1511 = arith.mulf %sub3A_1507, %sub3A_1507 : vector<16xf32>
      %add3A_1512 = arith.addf %add3A_1510, %mul3A_1511 : vector<16xf32>
      %bitcast_convert_type3A_1513 = tpu.bitcast %add3A_1512 : vector<16xf32> -> vector<16xi32>
      %shift_right_arithmetic3A_1514 = arith.constant 1 : i32
      %shift_right_arithmetic3A_1515 = vector.broadcast %shift_right_arithmetic3A_1514 : i32 to vector<16xi32>
      %shift_right_arithmetic3A_1516 = arith.shrsi %bitcast_convert_type3A_1513, %shift_right_arithmetic3A_1515 : vector<16xi32>
      %sub3A_1517 = arith.constant 1597463007 : i32
      %sub3A_1518 = vector.broadcast %sub3A_1517 : i32 to vector<16xi32>
      %sub3A_1519 = arith.subi %sub3A_1518, %shift_right_arithmetic3A_1516 : vector<16xi32>
      %bitcast_convert_type3A_1520 = tpu.bitcast %sub3A_1519 : vector<16xi32> -> vector<16xf32>
      %mul3A_1521 = arith.mulf %sub3A_1495, %bitcast_convert_type3A_1520 : vector<16xf32>
      %mul3A_1522 = arith.mulf %mul3A_1521, %sub3A_1505 : vector<16xf32>
      %add3A_1523 = arith.addf %gather3A_1499, %mul3A_1522 : vector<16xf32>
      %swap3A_1524 = arith.constant 0 : i32
      %swap3A_1525 = arith.index_cast %swap3A_1524 : i32 to index
      %swap3A_1526 = arith.index_cast %scan3A_829 : i32 to index
      %swap3A_1527 = arith.constant 80 : index
      %swap3A_1528 = tpu.vector_load %arg13[%swap3A_1525, %swap3A_1526, %swap3A_1527] {strides = array<i32>} : memref<3x128x128xf32, #tpu.memory_space<vmem>>, vector<16xf32>,
      tpu.vector_store %arg13[%swap3A_1525, %swap3A_1526, %swap3A_1527], %add3A_1523 {strides = array<i32>} : memref<3x128x128xf32, #tpu.memory_space<vmem>>, vector<16xf32>,
      %mul3A_1529 = arith.mulf %mul3A_1521, %sub3A_1506 : vector<16xf32>
      %add3A_1530 = arith.addf %gather3A_1500, %mul3A_1529 : vector<16xf32>
      %swap3A_1531 = arith.constant 1 : i32
      %swap3A_1532 = arith.index_cast %swap3A_1531 : i32 to index
      %swap3A_1533 = arith.index_cast %scan3A_829 : i32 to index
      %swap3A_1534 = arith.constant 80 : index
      %swap3A_1535 = tpu.vector_load %arg13[%swap3A_1532, %swap3A_1533, %swap3A_1534] {strides = array<i32>} : memref<3x128x128xf32, #tpu.memory_space<vmem>>, vector<16xf32>,
      tpu.vector_store %arg13[%swap3A_1532, %swap3A_1533, %swap3A_1534], %add3A_1530 {strides = array<i32>} : memref<3x128x128xf32, #tpu.memory_space<vmem>>, vector<16xf32>,
      %mul3A_1536 = arith.mulf %mul3A_1521, %sub3A_1507 : vector<16xf32>
      %add3A_1537 = arith.addf %gather3A_1501, %mul3A_1536 : vector<16xf32>
      %swap3A_1538 = arith.constant 2 : i32
      %swap3A_1539 = arith.index_cast %swap3A_1538 : i32 to index
      %swap3A_1540 = arith.index_cast %scan3A_829 : i32 to index
      %swap3A_1541 = arith.constant 80 : index
      %swap3A_1542 = tpu.vector_load %arg13[%swap3A_1539, %swap3A_1540, %swap3A_1541] {strides = array<i32>} : memref<3x128x128xf32, #tpu.memory_space<vmem>>, vector<16xf32>,
      tpu.vector_store %arg13[%swap3A_1539, %swap3A_1540, %swap3A_1541], %add3A_1537 {strides = array<i32>} : memref<3x128x128xf32, #tpu.memory_space<vmem>>, vector<16xf32>,
      %gather3A_1543 = tpu.vector_load_idx %arg8[%broadcast_in_dim3A_830, %select_n3A_1247] : memref<128x65xf32, #tpu.memory_space<vmem>>[vector<16xi32>, vector<16xi32>], vector<16xf32>,
      %sub3A_1544 = arith.subf %get3A_850, %gather3A_1543 : vector<16xf32>
      %add3A_1545 = arith.constant 1 : i32
      %add3A_1546 = vector.broadcast %add3A_1545 : i32 to vector<16xi32>
      %add3A_1547 = arith.addi %select_n3A_1247, %add3A_1546 : vector<16xi32>
      %gather3A_1548 = tpu.vector_load_idx %arg9[%broadcast_in_dim3A_830, %select_n3A_1247] : memref<128x65xf32, #tpu.memory_space<vmem>>[vector<16xi32>, vector<16xi32>], vector<16xf32>,
      %gather3A_1549 = tpu.vector_load_idx %arg10[%broadcast_in_dim3A_830, %select_n3A_1247] : memref<128x65xf32, #tpu.memory_space<vmem>>[vector<16xi32>, vector<16xi32>], vector<16xf32>,
      %gather3A_1550 = tpu.vector_load_idx %arg11[%broadcast_in_dim3A_830, %select_n3A_1247] : memref<128x65xf32, #tpu.memory_space<vmem>>[vector<16xi32>, vector<16xi32>], vector<16xf32>,
      %gather3A_1551 = tpu.vector_load_idx %arg9[%broadcast_in_dim3A_830, %add3A_1547] : memref<128x65xf32, #tpu.memory_space<vmem>>[vector<16xi32>, vector<16xi32>], vector<16xf32>,
      %gather3A_1552 = tpu.vector_load_idx %arg10[%broadcast_in_dim3A_830, %add3A_1547] : memref<128x65xf32, #tpu.memory_space<vmem>>[vector<16xi32>, vector<16xi32>], vector<16xf32>,
      %gather3A_1553 = tpu.vector_load_idx %arg11[%broadcast_in_dim3A_830, %add3A_1547] : memref<128x65xf32, #tpu.memory_space<vmem>>[vector<16xi32>, vector<16xi32>], vector<16xf32>,
      %sub3A_1554 = arith.subf %gather3A_1551, %gather3A_1548 : vector<16xf32>
      %sub3A_1555 = arith.subf %gather3A_1552, %gather3A_1549 : vector<16xf32>
      %sub3A_1556 = arith.subf %gather3A_1553, %gather3A_1550 : vector<16xf32>
      %mul3A_1557 = arith.mulf %sub3A_1554, %sub3A_1554 : vector<16xf32>
      %mul3A_1558 = arith.mulf %sub3A_1555, %sub3A_1555 : vector<16xf32>
      %add3A_1559 = arith.addf %mul3A_1557, %mul3A_1558 : vector<16xf32>
      %mul3A_1560 = arith.mulf %sub3A_1556, %sub3A_1556 : vector<16xf32>
      %add3A_1561 = arith.addf %add3A_1559, %mul3A_1560 : vector<16xf32>
      %bitcast_convert_type3A_1562 = tpu.bitcast %add3A_1561 : vector<16xf32> -> vector<16xi32>
      %shift_right_arithmetic3A_1563 = arith.constant 1 : i32
      %shift_right_arithmetic3A_1564 = vector.broadcast %shift_right_arithmetic3A_1563 : i32 to vector<16xi32>
      %shift_right_arithmetic3A_1565 = arith.shrsi %bitcast_convert_type3A_1562, %shift_right_arithmetic3A_1564 : vector<16xi32>
      %sub3A_1566 = arith.constant 1597463007 : i32
      %sub3A_1567 = vector.broadcast %sub3A_1566 : i32 to vector<16xi32>
      %sub3A_1568 = arith.subi %sub3A_1567, %shift_right_arithmetic3A_1565 : vector<16xi32>
      %bitcast_convert_type3A_1569 = tpu.bitcast %sub3A_1568 : vector<16xi32> -> vector<16xf32>
      %mul3A_1570 = arith.mulf %sub3A_1544, %bitcast_convert_type3A_1569 : vector<16xf32>
      %mul3A_1571 = arith.mulf %mul3A_1570, %sub3A_1554 : vector<16xf32>
      %add3A_1572 = arith.addf %gather3A_1548, %mul3A_1571 : vector<16xf32>
      %swap3A_1573 = arith.constant 0 : i32
      %swap3A_1574 = arith.index_cast %swap3A_1573 : i32 to index
      %swap3A_1575 = arith.index_cast %scan3A_829 : i32 to index
      %swap3A_1576 = arith.constant 96 : index
      %swap3A_1577 = tpu.vector_load %arg13[%swap3A_1574, %swap3A_1575, %swap3A_1576] {strides = array<i32>} : memref<3x128x128xf32, #tpu.memory_space<vmem>>, vector<16xf32>,
      tpu.vector_store %arg13[%swap3A_1574, %swap3A_1575, %swap3A_1576], %add3A_1572 {strides = array<i32>} : memref<3x128x128xf32, #tpu.memory_space<vmem>>, vector<16xf32>,
      %mul3A_1578 = arith.mulf %mul3A_1570, %sub3A_1555 : vector<16xf32>
      %add3A_1579 = arith.addf %gather3A_1549, %mul3A_1578 : vector<16xf32>
      %swap3A_1580 = arith.constant 1 : i32
      %swap3A_1581 = arith.index_cast %swap3A_1580 : i32 to index
      %swap3A_1582 = arith.index_cast %scan3A_829 : i32 to index
      %swap3A_1583 = arith.constant 96 : index
      %swap3A_1584 = tpu.vector_load %arg13[%swap3A_1581, %swap3A_1582, %swap3A_1583] {strides = array<i32>} : memref<3x128x128xf32, #tpu.memory_space<vmem>>, vector<16xf32>,
      tpu.vector_store %arg13[%swap3A_1581, %swap3A_1582, %swap3A_1583], %add3A_1579 {strides = array<i32>} : memref<3x128x128xf32, #tpu.memory_space<vmem>>, vector<16xf32>,
      %mul3A_1585 = arith.mulf %mul3A_1570, %sub3A_1556 : vector<16xf32>
      %add3A_1586 = arith.addf %gather3A_1550, %mul3A_1585 : vector<16xf32>
      %swap3A_1587 = arith.constant 2 : i32
      %swap3A_1588 = arith.index_cast %swap3A_1587 : i32 to index
      %swap3A_1589 = arith.index_cast %scan3A_829 : i32 to index
      %swap3A_1590 = arith.constant 96 : index
      %swap3A_1591 = tpu.vector_load %arg13[%swap3A_1588, %swap3A_1589, %swap3A_1590] {strides = array<i32>} : memref<3x128x128xf32, #tpu.memory_space<vmem>>, vector<16xf32>,
      tpu.vector_store %arg13[%swap3A_1588, %swap3A_1589, %swap3A_1590], %add3A_1586 {strides = array<i32>} : memref<3x128x128xf32, #tpu.memory_space<vmem>>, vector<16xf32>,
      %gather3A_1592 = tpu.vector_load_idx %arg8[%broadcast_in_dim3A_830, %select_n3A_1252] : memref<128x65xf32, #tpu.memory_space<vmem>>[vector<16xi32>, vector<16xi32>], vector<16xf32>,
      %sub3A_1593 = arith.subf %get3A_853, %gather3A_1592 : vector<16xf32>
      %add3A_1594 = arith.constant 1 : i32
      %add3A_1595 = vector.broadcast %add3A_1594 : i32 to vector<16xi32>
      %add3A_1596 = arith.addi %select_n3A_1252, %add3A_1595 : vector<16xi32>
      %gather3A_1597 = tpu.vector_load_idx %arg9[%broadcast_in_dim3A_830, %select_n3A_1252] : memref<128x65xf32, #tpu.memory_space<vmem>>[vector<16xi32>, vector<16xi32>], vector<16xf32>,
      %gather3A_1598 = tpu.vector_load_idx %arg10[%broadcast_in_dim3A_830, %select_n3A_1252] : memref<128x65xf32, #tpu.memory_space<vmem>>[vector<16xi32>, vector<16xi32>], vector<16xf32>,
      %gather3A_1599 = tpu.vector_load_idx %arg11[%broadcast_in_dim3A_830, %select_n3A_1252] : memref<128x65xf32, #tpu.memory_space<vmem>>[vector<16xi32>, vector<16xi32>], vector<16xf32>,
      %gather3A_1600 = tpu.vector_load_idx %arg9[%broadcast_in_dim3A_830, %add3A_1596] : memref<128x65xf32, #tpu.memory_space<vmem>>[vector<16xi32>, vector<16xi32>], vector<16xf32>,
      %gather3A_1601 = tpu.vector_load_idx %arg10[%broadcast_in_dim3A_830, %add3A_1596] : memref<128x65xf32, #tpu.memory_space<vmem>>[vector<16xi32>, vector<16xi32>], vector<16xf32>,
      %gather3A_1602 = tpu.vector_load_idx %arg11[%broadcast_in_dim3A_830, %add3A_1596] : memref<128x65xf32, #tpu.memory_space<vmem>>[vector<16xi32>, vector<16xi32>], vector<16xf32>,
      %sub3A_1603 = arith.subf %gather3A_1600, %gather3A_1597 : vector<16xf32>
      %sub3A_1604 = arith.subf %gather3A_1601, %gather3A_1598 : vector<16xf32>
      %sub3A_1605 = arith.subf %gather3A_1602, %gather3A_1599 : vector<16xf32>
      %mul3A_1606 = arith.mulf %sub3A_1603, %sub3A_1603 : vector<16xf32>
      %mul3A_1607 = arith.mulf %sub3A_1604, %sub3A_1604 : vector<16xf32>
      %add3A_1608 = arith.addf %mul3A_1606, %mul3A_1607 : vector<16xf32>
      %mul3A_1609 = arith.mulf %sub3A_1605, %sub3A_1605 : vector<16xf32>
      %add3A_1610 = arith.addf %add3A_1608, %mul3A_1609 : vector<16xf32>
      %bitcast_convert_type3A_1611 = tpu.bitcast %add3A_1610 : vector<16xf32> -> vector<16xi32>
      %shift_right_arithmetic3A_1612 = arith.constant 1 : i32
      %shift_right_arithmetic3A_1613 = vector.broadcast %shift_right_arithmetic3A_1612 : i32 to vector<16xi32>
      %shift_right_arithmetic3A_1614 = arith.shrsi %bitcast_convert_type3A_1611, %shift_right_arithmetic3A_1613 : vector<16xi32>
      %sub3A_1615 = arith.constant 1597463007 : i32
      %sub3A_1616 = vector.broadcast %sub3A_1615 : i32 to vector<16xi32>
      %sub3A_1617 = arith.subi %sub3A_1616, %shift_right_arithmetic3A_1614 : vector<16xi32>
      %bitcast_convert_type3A_1618 = tpu.bitcast %sub3A_1617 : vector<16xi32> -> vector<16xf32>
      %mul3A_1619 = arith.mulf %sub3A_1593, %bitcast_convert_type3A_1618 : vector<16xf32>
      %mul3A_1620 = arith.mulf %mul3A_1619, %sub3A_1603 : vector<16xf32>
      %add3A_1621 = arith.addf %gather3A_1597, %mul3A_1620 : vector<16xf32>
      %swap3A_1622 = arith.constant 0 : i32
      %swap3A_1623 = arith.index_cast %swap3A_1622 : i32 to index
      %swap3A_1624 = arith.index_cast %scan3A_829 : i32 to index
      %swap3A_1625 = arith.constant 112 : index
      %swap3A_1626 = tpu.vector_load %arg13[%swap3A_1623, %swap3A_1624, %swap3A_1625] {strides = array<i32>} : memref<3x128x128xf32, #tpu.memory_space<vmem>>, vector<16xf32>,
      tpu.vector_store %arg13[%swap3A_1623, %swap3A_1624, %swap3A_1625], %add3A_1621 {strides = array<i32>} : memref<3x128x128xf32, #tpu.memory_space<vmem>>, vector<16xf32>,
      %mul3A_1627 = arith.mulf %mul3A_1619, %sub3A_1604 : vector<16xf32>
      %add3A_1628 = arith.addf %gather3A_1598, %mul3A_1627 : vector<16xf32>
      %swap3A_1629 = arith.constant 1 : i32
      %swap3A_1630 = arith.index_cast %swap3A_1629 : i32 to index
      %swap3A_1631 = arith.index_cast %scan3A_829 : i32 to index
      %swap3A_1632 = arith.constant 112 : index
      %swap3A_1633 = tpu.vector_load %arg13[%swap3A_1630, %swap3A_1631, %swap3A_1632] {strides = array<i32>} : memref<3x128x128xf32, #tpu.memory_space<vmem>>, vector<16xf32>,
      tpu.vector_store %arg13[%swap3A_1630, %swap3A_1631, %swap3A_1632], %add3A_1628 {strides = array<i32>} : memref<3x128x128xf32, #tpu.memory_space<vmem>>, vector<16xf32>,
      %mul3A_1634 = arith.mulf %mul3A_1619, %sub3A_1605 : vector<16xf32>
      %add3A_1635 = arith.addf %gather3A_1599, %mul3A_1634 : vector<16xf32>
      %swap3A_1636 = arith.constant 2 : i32
      %swap3A_1637 = arith.index_cast %swap3A_1636 : i32 to index
      %swap3A_1638 = arith.index_cast %scan3A_829 : i32 to index
      %swap3A_1639 = arith.constant 112 : index
      %swap3A_1640 = tpu.vector_load %arg13[%swap3A_1637, %swap3A_1638, %swap3A_1639] {strides = array<i32>} : memref<3x128x128xf32, #tpu.memory_space<vmem>>, vector<16xf32>,
      tpu.vector_store %arg13[%swap3A_1637, %swap3A_1638, %swap3A_1639], %add3A_1635 {strides = array<i32>} : memref<3x128x128xf32, #tpu.memory_space<vmem>>, vector<16xf32>,
    }
    %scan3A_480 = arith.constant 32 : i32
    %add3A_481 = arith.constant 64 : i32
    %add3A_482 = arith.addi %mul3A_2, %add3A_481 : i32
    %dma_start3A_483 = arith.constant 0 : i32
    %dma_start3A_484 = arith.constant 0 : i32
    %dma_start3A_485 = arith.constant 64 : i32
    %dma_start3A_486 = arith.constant 0 : i32
    %dma_start3A_487 = tpu.memref_slice %arg13[%dma_start3A_483, %dma_start3A_485, %dma_start3A_486] : memref<3x128x128xf32, #tpu.memory_space<vmem>> -> memref<1x32x128xf32, #tpu.memory_space<vmem>>
    %dma_start3A_488 = tpu.memref_squeeze %dma_start3A_487 : memref<1x32x128xf32, #tpu.memory_space<vmem>> -> memref<32x128xf32, #tpu.memory_space<vmem>>
    %dma_start3A_489 = arith.constant 0 : i32
    %dma_start3A_490 = tpu.memref_slice %arg7[%dma_start3A_484, %add3A_482, %dma_start3A_489] : memref<3x4096x128xf32, #tpu.memory_space<hbm>> -> memref<1x32x128xf32, #tpu.memory_space<hbm>>
    %dma_start3A_491 = tpu.memref_squeeze %dma_start3A_490 : memref<1x32x128xf32, #tpu.memory_space<hbm>> -> memref<32x128xf32, #tpu.memory_space<hbm>>
    %dma_start3A_492 = arith.constant 0 : i32
    %dma_start3A_493 = tpu.memref_slice %arg7[%dma_start3A_484, %add3A_482, %dma_start3A_492] : memref<3x4096x128xf32, #tpu.memory_space<hbm>> -> memref<1x32x128xf32, #tpu.memory_space<hbm>>
    %dma_start3A_494 = tpu.memref_squeeze %dma_start3A_493 : memref<1x32x128xf32, #tpu.memory_space<hbm>> -> memref<32x128xf32, #tpu.memory_space<hbm>>
    %dma_start3A_495 = arith.constant 64 : i32
    %dma_start3A_496 = arith.constant 0 : i32
    %dma_start3A_497 = tpu.memref_slice %arg13[%dma_start3A_483, %dma_start3A_495, %dma_start3A_496] : memref<3x128x128xf32, #tpu.memory_space<vmem>> -> memref<1x32x128xf32, #tpu.memory_space<vmem>>
    %dma_start3A_498 = tpu.memref_squeeze %dma_start3A_497 : memref<1x32x128xf32, #tpu.memory_space<vmem>> -> memref<32x128xf32, #tpu.memory_space<vmem>>
    tpu.enqueue_dma source(%dma_start3A_498 : memref<32x128xf32, #tpu.memory_space<vmem>>) target(%dma_start3A_494 : memref<32x128xf32, #tpu.memory_space<hbm>>) target_semaphore(%arg18 : memref<!tpu.dma_semaphore, #tpu.memory_space<semaphore_mem>>)
    %dma_start3A_499 = arith.constant 1 : i32
    %dma_start3A_500 = arith.constant 1 : i32
    %dma_start3A_501 = arith.constant 64 : i32
    %dma_start3A_502 = arith.constant 0 : i32
    %dma_start3A_503 = tpu.memref_slice %arg13[%dma_start3A_499, %dma_start3A_501, %dma_start3A_502] : memref<3x128x128xf32, #tpu.memory_space<vmem>> -> memref<1x32x128xf32, #tpu.memory_space<vmem>>
    %dma_start3A_504 = tpu.memref_squeeze %dma_start3A_503 : memref<1x32x128xf32, #tpu.memory_space<vmem>> -> memref<32x128xf32, #tpu.memory_space<vmem>>
    %dma_start3A_505 = arith.constant 0 : i32
    %dma_start3A_506 = tpu.memref_slice %arg7[%dma_start3A_500, %add3A_482, %dma_start3A_505] : memref<3x4096x128xf32, #tpu.memory_space<hbm>> -> memref<1x32x128xf32, #tpu.memory_space<hbm>>
    %dma_start3A_507 = tpu.memref_squeeze %dma_start3A_506 : memref<1x32x128xf32, #tpu.memory_space<hbm>> -> memref<32x128xf32, #tpu.memory_space<hbm>>
    %dma_start3A_508 = arith.constant 0 : i32
    %dma_start3A_509 = tpu.memref_slice %arg7[%dma_start3A_500, %add3A_482, %dma_start3A_508] : memref<3x4096x128xf32, #tpu.memory_space<hbm>> -> memref<1x32x128xf32, #tpu.memory_space<hbm>>
    %dma_start3A_510 = tpu.memref_squeeze %dma_start3A_509 : memref<1x32x128xf32, #tpu.memory_space<hbm>> -> memref<32x128xf32, #tpu.memory_space<hbm>>
    %dma_start3A_511 = arith.constant 64 : i32
    %dma_start3A_512 = arith.constant 0 : i32
    %dma_start3A_513 = tpu.memref_slice %arg13[%dma_start3A_499, %dma_start3A_511, %dma_start3A_512] : memref<3x128x128xf32, #tpu.memory_space<vmem>> -> memref<1x32x128xf32, #tpu.memory_space<vmem>>
    %dma_start3A_514 = tpu.memref_squeeze %dma_start3A_513 : memref<1x32x128xf32, #tpu.memory_space<vmem>> -> memref<32x128xf32, #tpu.memory_space<vmem>>
    tpu.enqueue_dma source(%dma_start3A_514 : memref<32x128xf32, #tpu.memory_space<vmem>>) target(%dma_start3A_510 : memref<32x128xf32, #tpu.memory_space<hbm>>) target_semaphore(%arg18 : memref<!tpu.dma_semaphore, #tpu.memory_space<semaphore_mem>>)
    %dma_start3A_515 = arith.constant 2 : i32
    %dma_start3A_516 = arith.constant 2 : i32
    %dma_start3A_517 = arith.constant 64 : i32
    %dma_start3A_518 = arith.constant 0 : i32
    %dma_start3A_519 = tpu.memref_slice %arg13[%dma_start3A_515, %dma_start3A_517, %dma_start3A_518] : memref<3x128x128xf32, #tpu.memory_space<vmem>> -> memref<1x32x128xf32, #tpu.memory_space<vmem>>
    %dma_start3A_520 = tpu.memref_squeeze %dma_start3A_519 : memref<1x32x128xf32, #tpu.memory_space<vmem>> -> memref<32x128xf32, #tpu.memory_space<vmem>>
    %dma_start3A_521 = arith.constant 0 : i32
    %dma_start3A_522 = tpu.memref_slice %arg7[%dma_start3A_516, %add3A_482, %dma_start3A_521] : memref<3x4096x128xf32, #tpu.memory_space<hbm>> -> memref<1x32x128xf32, #tpu.memory_space<hbm>>
    %dma_start3A_523 = tpu.memref_squeeze %dma_start3A_522 : memref<1x32x128xf32, #tpu.memory_space<hbm>> -> memref<32x128xf32, #tpu.memory_space<hbm>>
    %dma_start3A_524 = arith.constant 0 : i32
    %dma_start3A_525 = tpu.memref_slice %arg7[%dma_start3A_516, %add3A_482, %dma_start3A_524] : memref<3x4096x128xf32, #tpu.memory_space<hbm>> -> memref<1x32x128xf32, #tpu.memory_space<hbm>>
    %dma_start3A_526 = tpu.memref_squeeze %dma_start3A_525 : memref<1x32x128xf32, #tpu.memory_space<hbm>> -> memref<32x128xf32, #tpu.memory_space<hbm>>
    %dma_start3A_527 = arith.constant 64 : i32
    %dma_start3A_528 = arith.constant 0 : i32
    %dma_start3A_529 = tpu.memref_slice %arg13[%dma_start3A_515, %dma_start3A_527, %dma_start3A_528] : memref<3x128x128xf32, #tpu.memory_space<vmem>> -> memref<1x32x128xf32, #tpu.memory_space<vmem>>
    %dma_start3A_530 = tpu.memref_squeeze %dma_start3A_529 : memref<1x32x128xf32, #tpu.memory_space<vmem>> -> memref<32x128xf32, #tpu.memory_space<vmem>>
    tpu.enqueue_dma source(%dma_start3A_530 : memref<32x128xf32, #tpu.memory_space<vmem>>) target(%dma_start3A_526 : memref<32x128xf32, #tpu.memory_space<hbm>>) target_semaphore(%arg18 : memref<!tpu.dma_semaphore, #tpu.memory_space<semaphore_mem>>)
    %dma_wait3A_531 = arith.constant 96 : i32
    %dma_wait3A_532 = arith.constant 0 : i32
    %dma_wait3A_533 = tpu.memref_slice %arg8[%dma_wait3A_531, %dma_wait3A_532] : memref<128x65xf32, #tpu.memory_space<vmem>> -> memref<32x65xf32, #tpu.memory_space<vmem>>
    %dma_wait3A_534 = arith.constant 0 : i32
    %dma_wait3A_535 = tpu.memref_slice %arg2[%add3A_159, %dma_wait3A_534] : memref<4096x65xf32, #tpu.memory_space<hbm>> -> memref<32x65xf32, #tpu.memory_space<hbm>>
    %dma_wait3A_536 = arith.constant 96 : i32
    %dma_wait3A_537 = arith.constant 0 : i32
    %dma_wait3A_538 = tpu.memref_slice %arg8[%dma_wait3A_536, %dma_wait3A_537] : memref<128x65xf32, #tpu.memory_space<vmem>> -> memref<32x65xf32, #tpu.memory_space<vmem>>
    %dma_wait3A_539 = arith.constant 0 : i32
    %dma_wait3A_540 = tpu.memref_slice %arg2[%add3A_159, %dma_wait3A_539] : memref<4096x65xf32, #tpu.memory_space<hbm>> -> memref<32x65xf32, #tpu.memory_space<hbm>>
    tpu.wait_dma2 semaphore(%arg17 : memref<!tpu.dma_semaphore, #tpu.memory_space<semaphore_mem>>) src(%dma_wait3A_540 : memref<32x65xf32, #tpu.memory_space<hbm>>) dst(%dma_wait3A_538 : memref<32x65xf32, #tpu.memory_space<vmem>>)
    %dma_wait3A_541 = arith.constant 96 : i32
    %dma_wait3A_542 = arith.constant 0 : i32
    %dma_wait3A_543 = tpu.memref_slice %arg9[%dma_wait3A_541, %dma_wait3A_542] : memref<128x65xf32, #tpu.memory_space<vmem>> -> memref<32x65xf32, #tpu.memory_space<vmem>>
    %dma_wait3A_544 = arith.constant 0 : i32
    %dma_wait3A_545 = tpu.memref_slice %arg3[%add3A_159, %dma_wait3A_544] : memref<4096x65xf32, #tpu.memory_space<hbm>> -> memref<32x65xf32, #tpu.memory_space<hbm>>
    %dma_wait3A_546 = arith.constant 96 : i32
    %dma_wait3A_547 = arith.constant 0 : i32
    %dma_wait3A_548 = tpu.memref_slice %arg9[%dma_wait3A_546, %dma_wait3A_547] : memref<128x65xf32, #tpu.memory_space<vmem>> -> memref<32x65xf32, #tpu.memory_space<vmem>>
    %dma_wait3A_549 = arith.constant 0 : i32
    %dma_wait3A_550 = tpu.memref_slice %arg3[%add3A_159, %dma_wait3A_549] : memref<4096x65xf32, #tpu.memory_space<hbm>> -> memref<32x65xf32, #tpu.memory_space<hbm>>
    tpu.wait_dma2 semaphore(%arg17 : memref<!tpu.dma_semaphore, #tpu.memory_space<semaphore_mem>>) src(%dma_wait3A_550 : memref<32x65xf32, #tpu.memory_space<hbm>>) dst(%dma_wait3A_548 : memref<32x65xf32, #tpu.memory_space<vmem>>)
    %dma_wait3A_551 = arith.constant 96 : i32
    %dma_wait3A_552 = arith.constant 0 : i32
    %dma_wait3A_553 = tpu.memref_slice %arg10[%dma_wait3A_551, %dma_wait3A_552] : memref<128x65xf32, #tpu.memory_space<vmem>> -> memref<32x65xf32, #tpu.memory_space<vmem>>
    %dma_wait3A_554 = arith.constant 0 : i32
    %dma_wait3A_555 = tpu.memref_slice %arg4[%add3A_159, %dma_wait3A_554] : memref<4096x65xf32, #tpu.memory_space<hbm>> -> memref<32x65xf32, #tpu.memory_space<hbm>>
    %dma_wait3A_556 = arith.constant 96 : i32
    %dma_wait3A_557 = arith.constant 0 : i32
    %dma_wait3A_558 = tpu.memref_slice %arg10[%dma_wait3A_556, %dma_wait3A_557] : memref<128x65xf32, #tpu.memory_space<vmem>> -> memref<32x65xf32, #tpu.memory_space<vmem>>
    %dma_wait3A_559 = arith.constant 0 : i32
    %dma_wait3A_560 = tpu.memref_slice %arg4[%add3A_159, %dma_wait3A_559] : memref<4096x65xf32, #tpu.memory_space<hbm>> -> memref<32x65xf32, #tpu.memory_space<hbm>>
    tpu.wait_dma2 semaphore(%arg17 : memref<!tpu.dma_semaphore, #tpu.memory_space<semaphore_mem>>) src(%dma_wait3A_560 : memref<32x65xf32, #tpu.memory_space<hbm>>) dst(%dma_wait3A_558 : memref<32x65xf32, #tpu.memory_space<vmem>>)
    %dma_wait3A_561 = arith.constant 96 : i32
    %dma_wait3A_562 = arith.constant 0 : i32
    %dma_wait3A_563 = tpu.memref_slice %arg11[%dma_wait3A_561, %dma_wait3A_562] : memref<128x65xf32, #tpu.memory_space<vmem>> -> memref<32x65xf32, #tpu.memory_space<vmem>>
    %dma_wait3A_564 = arith.constant 0 : i32
    %dma_wait3A_565 = tpu.memref_slice %arg5[%add3A_159, %dma_wait3A_564] : memref<4096x65xf32, #tpu.memory_space<hbm>> -> memref<32x65xf32, #tpu.memory_space<hbm>>
    %dma_wait3A_566 = arith.constant 96 : i32
    %dma_wait3A_567 = arith.constant 0 : i32
    %dma_wait3A_568 = tpu.memref_slice %arg11[%dma_wait3A_566, %dma_wait3A_567] : memref<128x65xf32, #tpu.memory_space<vmem>> -> memref<32x65xf32, #tpu.memory_space<vmem>>
    %dma_wait3A_569 = arith.constant 0 : i32
    %dma_wait3A_570 = tpu.memref_slice %arg5[%add3A_159, %dma_wait3A_569] : memref<4096x65xf32, #tpu.memory_space<hbm>> -> memref<32x65xf32, #tpu.memory_space<hbm>>
    tpu.wait_dma2 semaphore(%arg17 : memref<!tpu.dma_semaphore, #tpu.memory_space<semaphore_mem>>) src(%dma_wait3A_570 : memref<32x65xf32, #tpu.memory_space<hbm>>) dst(%dma_wait3A_568 : memref<32x65xf32, #tpu.memory_space<vmem>>)
    %dma_wait3A_571 = arith.constant 96 : i32
    %dma_wait3A_572 = arith.constant 0 : i32
    %dma_wait3A_573 = tpu.memref_slice %arg12[%dma_wait3A_571, %dma_wait3A_572] : memref<128x128xf32, #tpu.memory_space<vmem>> -> memref<32x128xf32, #tpu.memory_space<vmem>>
    %dma_wait3A_574 = arith.constant 0 : i32
    %dma_wait3A_575 = tpu.memref_slice %arg6[%add3A_159, %dma_wait3A_574] : memref<4096x128xf32, #tpu.memory_space<hbm>> -> memref<32x128xf32, #tpu.memory_space<hbm>>
    %dma_wait3A_576 = arith.constant 96 : i32
    %dma_wait3A_577 = arith.constant 0 : i32
    %dma_wait3A_578 = tpu.memref_slice %arg12[%dma_wait3A_576, %dma_wait3A_577] : memref<128x128xf32, #tpu.memory_space<vmem>> -> memref<32x128xf32, #tpu.memory_space<vmem>>
    %dma_wait3A_579 = arith.constant 0 : i32
    %dma_wait3A_580 = tpu.memref_slice %arg6[%add3A_159, %dma_wait3A_579] : memref<4096x128xf32, #tpu.memory_space<hbm>> -> memref<32x128xf32, #tpu.memory_space<hbm>>
    tpu.wait_dma2 semaphore(%arg17 : memref<!tpu.dma_semaphore, #tpu.memory_space<semaphore_mem>>) src(%dma_wait3A_580 : memref<32x128xf32, #tpu.memory_space<hbm>>) dst(%dma_wait3A_578 : memref<32x128xf32, #tpu.memory_space<vmem>>)
    %scan3A_581 = arith.constant 0 : i32
    %scan3A_582 = arith.constant 96 : i32
    %scan3A_583 = arith.constant 32 : i32
    %scan3A_584 = arith.addi %scan3A_582, %scan3A_583 : i32
    %scan3A_585 = arith.constant 1 : i32
    scf.for %scan3A_829 = %scan3A_582 to %scan3A_584 step %scan3A_585  : i32 {
      %broadcast_in_dim3A_830 = vector.broadcast %scan3A_829 : i32 to vector<16xi32>
      %get3A = arith.index_cast %scan3A_829 : i32 to index
      %get3A_831 = arith.constant 0 : index
      %get3A_832 = tpu.vector_load %arg12[%get3A, %get3A_831] {strides = array<i32>} : memref<128x128xf32, #tpu.memory_space<vmem>>, vector<16xf32>,
      %get3A_833 = arith.index_cast %scan3A_829 : i32 to index
      %get3A_834 = arith.constant 16 : index
      %get3A_835 = tpu.vector_load %arg12[%get3A_833, %get3A_834] {strides = array<i32>} : memref<128x128xf32, #tpu.memory_space<vmem>>, vector<16xf32>,
      %get3A_836 = arith.index_cast %scan3A_829 : i32 to index
      %get3A_837 = arith.constant 32 : index
      %get3A_838 = tpu.vector_load %arg12[%get3A_836, %get3A_837] {strides = array<i32>} : memref<128x128xf32, #tpu.memory_space<vmem>>, vector<16xf32>,
      %get3A_839 = arith.index_cast %scan3A_829 : i32 to index
      %get3A_840 = arith.constant 48 : index
      %get3A_841 = tpu.vector_load %arg12[%get3A_839, %get3A_840] {strides = array<i32>} : memref<128x128xf32, #tpu.memory_space<vmem>>, vector<16xf32>,
      %get3A_842 = arith.index_cast %scan3A_829 : i32 to index
      %get3A_843 = arith.constant 64 : index
      %get3A_844 = tpu.vector_load %arg12[%get3A_842, %get3A_843] {strides = array<i32>} : memref<128x128xf32, #tpu.memory_space<vmem>>, vector<16xf32>,
      %get3A_845 = arith.index_cast %scan3A_829 : i32 to index
      %get3A_846 = arith.constant 80 : index
      %get3A_847 = tpu.vector_load %arg12[%get3A_845, %get3A_846] {strides = array<i32>} : memref<128x128xf32, #tpu.memory_space<vmem>>, vector<16xf32>,
      %get3A_848 = arith.index_cast %scan3A_829 : i32 to index
      %get3A_849 = arith.constant 96 : index
      %get3A_850 = tpu.vector_load %arg12[%get3A_848, %get3A_849] {strides = array<i32>} : memref<128x128xf32, #tpu.memory_space<vmem>>, vector<16xf32>,
      %get3A_851 = arith.index_cast %scan3A_829 : i32 to index
      %get3A_852 = arith.constant 112 : index
      %get3A_853 = tpu.vector_load %arg12[%get3A_851, %get3A_852] {strides = array<i32>} : memref<128x128xf32, #tpu.memory_space<vmem>>, vector<16xf32>,
      %gather3A = tpu.vector_load_idx %arg8[%broadcast_in_dim3A_830, %broadcast_in_dim3A_212] : memref<128x65xf32, #tpu.memory_space<vmem>>[vector<16xi32>, vector<16xi32>], vector<16xf32>,
      %gather3A_854 = tpu.vector_load_idx %arg8[%broadcast_in_dim3A_830, %broadcast_in_dim3A_210] : memref<128x65xf32, #tpu.memory_space<vmem>>[vector<16xi32>, vector<16xi32>], vector<16xf32>,
      %gather3A_855 = tpu.vector_load_idx %arg8[%broadcast_in_dim3A_830, %broadcast_in_dim3A_214] : memref<128x65xf32, #tpu.memory_space<vmem>>[vector<16xi32>, vector<16xi32>], vector<16xf32>,
      %le3A = arith.cmpf ole, %gather3A, %get3A_832 : vector<16xf32>
      %jit3A = arith.constant 32 : i32
      %jit3A_856 = arith.constant 0 : i32
      %broadcast_in_dim3A_857 = vector.broadcast %jit3A : i32 to vector<16xi32>
      %broadcast_in_dim3A_858 = vector.broadcast %jit3A_856 : i32 to vector<16xi32>
      %select_n3A = arith.select %le3A, %broadcast_in_dim3A_857, %broadcast_in_dim3A_858 : vector<16xi1>, vector<16xi32>
      %select_n3A_859 = arith.select %le3A, %gather3A_855, %gather3A_854 : vector<16xi1>, vector<16xf32>
      %le3A_860 = arith.cmpf ole, %select_n3A_859, %get3A_832 : vector<16xf32>
      %jit3A_861 = arith.constant 16 : i32
      %jit3A_862 = arith.constant 0 : i32
      %broadcast_in_dim3A_863 = vector.broadcast %jit3A_861 : i32 to vector<16xi32>
      %broadcast_in_dim3A_864 = vector.broadcast %jit3A_862 : i32 to vector<16xi32>
      %select_n3A_865 = arith.select %le3A_860, %broadcast_in_dim3A_863, %broadcast_in_dim3A_864 : vector<16xi1>, vector<16xi32>
      %add3A_866 = arith.addi %select_n3A, %select_n3A_865 : vector<16xi32>
      %le3A_867 = arith.cmpf ole, %gather3A, %get3A_835 : vector<16xf32>
      %jit3A_868 = arith.constant 32 : i32
      %jit3A_869 = arith.constant 0 : i32
      %broadcast_in_dim3A_870 = vector.broadcast %jit3A_868 : i32 to vector<16xi32>
      %broadcast_in_dim3A_871 = vector.broadcast %jit3A_869 : i32 to vector<16xi32>
      %select_n3A_872 = arith.select %le3A_867, %broadcast_in_dim3A_870, %broadcast_in_dim3A_871 : vector<16xi1>, vector<16xi32>
      %select_n3A_873 = arith.select %le3A_867, %gather3A_855, %gather3A_854 : vector<16xi1>, vector<16xf32>
      %le3A_874 = arith.cmpf ole, %select_n3A_873, %get3A_835 : vector<16xf32>
      %jit3A_875 = arith.constant 16 : i32
      %jit3A_876 = arith.constant 0 : i32
      %broadcast_in_dim3A_877 = vector.broadcast %jit3A_875 : i32 to vector<16xi32>
      %broadcast_in_dim3A_878 = vector.broadcast %jit3A_876 : i32 to vector<16xi32>
      %select_n3A_879 = arith.select %le3A_874, %broadcast_in_dim3A_877, %broadcast_in_dim3A_878 : vector<16xi1>, vector<16xi32>
      %add3A_880 = arith.addi %select_n3A_872, %select_n3A_879 : vector<16xi32>
      %le3A_881 = arith.cmpf ole, %gather3A, %get3A_838 : vector<16xf32>
      %jit3A_882 = arith.constant 32 : i32
      %jit3A_883 = arith.constant 0 : i32
      %broadcast_in_dim3A_884 = vector.broadcast %jit3A_882 : i32 to vector<16xi32>
      %broadcast_in_dim3A_885 = vector.broadcast %jit3A_883 : i32 to vector<16xi32>
      %select_n3A_886 = arith.select %le3A_881, %broadcast_in_dim3A_884, %broadcast_in_dim3A_885 : vector<16xi1>, vector<16xi32>
      %select_n3A_887 = arith.select %le3A_881, %gather3A_855, %gather3A_854 : vector<16xi1>, vector<16xf32>
      %le3A_888 = arith.cmpf ole, %select_n3A_887, %get3A_838 : vector<16xf32>
      %jit3A_889 = arith.constant 16 : i32
      %jit3A_890 = arith.constant 0 : i32
      %broadcast_in_dim3A_891 = vector.broadcast %jit3A_889 : i32 to vector<16xi32>
      %broadcast_in_dim3A_892 = vector.broadcast %jit3A_890 : i32 to vector<16xi32>
      %select_n3A_893 = arith.select %le3A_888, %broadcast_in_dim3A_891, %broadcast_in_dim3A_892 : vector<16xi1>, vector<16xi32>
      %add3A_894 = arith.addi %select_n3A_886, %select_n3A_893 : vector<16xi32>
      %le3A_895 = arith.cmpf ole, %gather3A, %get3A_841 : vector<16xf32>
      %jit3A_896 = arith.constant 32 : i32
      %jit3A_897 = arith.constant 0 : i32
      %broadcast_in_dim3A_898 = vector.broadcast %jit3A_896 : i32 to vector<16xi32>
      %broadcast_in_dim3A_899 = vector.broadcast %jit3A_897 : i32 to vector<16xi32>
      %select_n3A_900 = arith.select %le3A_895, %broadcast_in_dim3A_898, %broadcast_in_dim3A_899 : vector<16xi1>, vector<16xi32>
      %select_n3A_901 = arith.select %le3A_895, %gather3A_855, %gather3A_854 : vector<16xi1>, vector<16xf32>
      %le3A_902 = arith.cmpf ole, %select_n3A_901, %get3A_841 : vector<16xf32>
      %jit3A_903 = arith.constant 16 : i32
      %jit3A_904 = arith.constant 0 : i32
      %broadcast_in_dim3A_905 = vector.broadcast %jit3A_903 : i32 to vector<16xi32>
      %broadcast_in_dim3A_906 = vector.broadcast %jit3A_904 : i32 to vector<16xi32>
      %select_n3A_907 = arith.select %le3A_902, %broadcast_in_dim3A_905, %broadcast_in_dim3A_906 : vector<16xi1>, vector<16xi32>
      %add3A_908 = arith.addi %select_n3A_900, %select_n3A_907 : vector<16xi32>
      %le3A_909 = arith.cmpf ole, %gather3A, %get3A_844 : vector<16xf32>
      %jit3A_910 = arith.constant 32 : i32
      %jit3A_911 = arith.constant 0 : i32
      %broadcast_in_dim3A_912 = vector.broadcast %jit3A_910 : i32 to vector<16xi32>
      %broadcast_in_dim3A_913 = vector.broadcast %jit3A_911 : i32 to vector<16xi32>
      %select_n3A_914 = arith.select %le3A_909, %broadcast_in_dim3A_912, %broadcast_in_dim3A_913 : vector<16xi1>, vector<16xi32>
      %select_n3A_915 = arith.select %le3A_909, %gather3A_855, %gather3A_854 : vector<16xi1>, vector<16xf32>
      %le3A_916 = arith.cmpf ole, %select_n3A_915, %get3A_844 : vector<16xf32>
      %jit3A_917 = arith.constant 16 : i32
      %jit3A_918 = arith.constant 0 : i32
      %broadcast_in_dim3A_919 = vector.broadcast %jit3A_917 : i32 to vector<16xi32>
      %broadcast_in_dim3A_920 = vector.broadcast %jit3A_918 : i32 to vector<16xi32>
      %select_n3A_921 = arith.select %le3A_916, %broadcast_in_dim3A_919, %broadcast_in_dim3A_920 : vector<16xi1>, vector<16xi32>
      %add3A_922 = arith.addi %select_n3A_914, %select_n3A_921 : vector<16xi32>
      %le3A_923 = arith.cmpf ole, %gather3A, %get3A_847 : vector<16xf32>
      %jit3A_924 = arith.constant 32 : i32
      %jit3A_925 = arith.constant 0 : i32
      %broadcast_in_dim3A_926 = vector.broadcast %jit3A_924 : i32 to vector<16xi32>
      %broadcast_in_dim3A_927 = vector.broadcast %jit3A_925 : i32 to vector<16xi32>
      %select_n3A_928 = arith.select %le3A_923, %broadcast_in_dim3A_926, %broadcast_in_dim3A_927 : vector<16xi1>, vector<16xi32>
      %select_n3A_929 = arith.select %le3A_923, %gather3A_855, %gather3A_854 : vector<16xi1>, vector<16xf32>
      %le3A_930 = arith.cmpf ole, %select_n3A_929, %get3A_847 : vector<16xf32>
      %jit3A_931 = arith.constant 16 : i32
      %jit3A_932 = arith.constant 0 : i32
      %broadcast_in_dim3A_933 = vector.broadcast %jit3A_931 : i32 to vector<16xi32>
      %broadcast_in_dim3A_934 = vector.broadcast %jit3A_932 : i32 to vector<16xi32>
      %select_n3A_935 = arith.select %le3A_930, %broadcast_in_dim3A_933, %broadcast_in_dim3A_934 : vector<16xi1>, vector<16xi32>
      %add3A_936 = arith.addi %select_n3A_928, %select_n3A_935 : vector<16xi32>
      %le3A_937 = arith.cmpf ole, %gather3A, %get3A_850 : vector<16xf32>
      %jit3A_938 = arith.constant 32 : i32
      %jit3A_939 = arith.constant 0 : i32
      %broadcast_in_dim3A_940 = vector.broadcast %jit3A_938 : i32 to vector<16xi32>
      %broadcast_in_dim3A_941 = vector.broadcast %jit3A_939 : i32 to vector<16xi32>
      %select_n3A_942 = arith.select %le3A_937, %broadcast_in_dim3A_940, %broadcast_in_dim3A_941 : vector<16xi1>, vector<16xi32>
      %select_n3A_943 = arith.select %le3A_937, %gather3A_855, %gather3A_854 : vector<16xi1>, vector<16xf32>
      %le3A_944 = arith.cmpf ole, %select_n3A_943, %get3A_850 : vector<16xf32>
      %jit3A_945 = arith.constant 16 : i32
      %jit3A_946 = arith.constant 0 : i32
      %broadcast_in_dim3A_947 = vector.broadcast %jit3A_945 : i32 to vector<16xi32>
      %broadcast_in_dim3A_948 = vector.broadcast %jit3A_946 : i32 to vector<16xi32>
      %select_n3A_949 = arith.select %le3A_944, %broadcast_in_dim3A_947, %broadcast_in_dim3A_948 : vector<16xi1>, vector<16xi32>
      %add3A_950 = arith.addi %select_n3A_942, %select_n3A_949 : vector<16xi32>
      %le3A_951 = arith.cmpf ole, %gather3A, %get3A_853 : vector<16xf32>
      %jit3A_952 = arith.constant 32 : i32
      %jit3A_953 = arith.constant 0 : i32
      %broadcast_in_dim3A_954 = vector.broadcast %jit3A_952 : i32 to vector<16xi32>
      %broadcast_in_dim3A_955 = vector.broadcast %jit3A_953 : i32 to vector<16xi32>
      %select_n3A_956 = arith.select %le3A_951, %broadcast_in_dim3A_954, %broadcast_in_dim3A_955 : vector<16xi1>, vector<16xi32>
      %select_n3A_957 = arith.select %le3A_951, %gather3A_855, %gather3A_854 : vector<16xi1>, vector<16xf32>
      %le3A_958 = arith.cmpf ole, %select_n3A_957, %get3A_853 : vector<16xf32>
      %jit3A_959 = arith.constant 16 : i32
      %jit3A_960 = arith.constant 0 : i32
      %broadcast_in_dim3A_961 = vector.broadcast %jit3A_959 : i32 to vector<16xi32>
      %broadcast_in_dim3A_962 = vector.broadcast %jit3A_960 : i32 to vector<16xi32>
      %select_n3A_963 = arith.select %le3A_958, %broadcast_in_dim3A_961, %broadcast_in_dim3A_962 : vector<16xi1>, vector<16xi32>
      %add3A_964 = arith.addi %select_n3A_956, %select_n3A_963 : vector<16xi32>
      %add3A_965 = arith.constant 8 : i32
      %add3A_966 = vector.broadcast %add3A_965 : i32 to vector<16xi32>
      %add3A_967 = arith.addi %add3A_866, %add3A_966 : vector<16xi32>
      %gather3A_968 = tpu.vector_load_idx %arg8[%broadcast_in_dim3A_830, %add3A_967] : memref<128x65xf32, #tpu.memory_space<vmem>>[vector<16xi32>, vector<16xi32>], vector<16xf32>,
      %add3A_969 = arith.constant 8 : i32
      %add3A_970 = vector.broadcast %add3A_969 : i32 to vector<16xi32>
      %add3A_971 = arith.addi %add3A_880, %add3A_970 : vector<16xi32>
      %gather3A_972 = tpu.vector_load_idx %arg8[%broadcast_in_dim3A_830, %add3A_971] : memref<128x65xf32, #tpu.memory_space<vmem>>[vector<16xi32>, vector<16xi32>], vector<16xf32>,
      %add3A_973 = arith.constant 8 : i32
      %add3A_974 = vector.broadcast %add3A_973 : i32 to vector<16xi32>
      %add3A_975 = arith.addi %add3A_894, %add3A_974 : vector<16xi32>
      %gather3A_976 = tpu.vector_load_idx %arg8[%broadcast_in_dim3A_830, %add3A_975] : memref<128x65xf32, #tpu.memory_space<vmem>>[vector<16xi32>, vector<16xi32>], vector<16xf32>,
      %add3A_977 = arith.constant 8 : i32
      %add3A_978 = vector.broadcast %add3A_977 : i32 to vector<16xi32>
      %add3A_979 = arith.addi %add3A_908, %add3A_978 : vector<16xi32>
      %gather3A_980 = tpu.vector_load_idx %arg8[%broadcast_in_dim3A_830, %add3A_979] : memref<128x65xf32, #tpu.memory_space<vmem>>[vector<16xi32>, vector<16xi32>], vector<16xf32>,
      %add3A_981 = arith.constant 8 : i32
      %add3A_982 = vector.broadcast %add3A_981 : i32 to vector<16xi32>
      %add3A_983 = arith.addi %add3A_922, %add3A_982 : vector<16xi32>
      %gather3A_984 = tpu.vector_load_idx %arg8[%broadcast_in_dim3A_830, %add3A_983] : memref<128x65xf32, #tpu.memory_space<vmem>>[vector<16xi32>, vector<16xi32>], vector<16xf32>,
      %add3A_985 = arith.constant 8 : i32
      %add3A_986 = vector.broadcast %add3A_985 : i32 to vector<16xi32>
      %add3A_987 = arith.addi %add3A_936, %add3A_986 : vector<16xi32>
      %gather3A_988 = tpu.vector_load_idx %arg8[%broadcast_in_dim3A_830, %add3A_987] : memref<128x65xf32, #tpu.memory_space<vmem>>[vector<16xi32>, vector<16xi32>], vector<16xf32>,
      %add3A_989 = arith.constant 8 : i32
      %add3A_990 = vector.broadcast %add3A_989 : i32 to vector<16xi32>
      %add3A_991 = arith.addi %add3A_950, %add3A_990 : vector<16xi32>
      %gather3A_992 = tpu.vector_load_idx %arg8[%broadcast_in_dim3A_830, %add3A_991] : memref<128x65xf32, #tpu.memory_space<vmem>>[vector<16xi32>, vector<16xi32>], vector<16xf32>,
      %add3A_993 = arith.constant 8 : i32
      %add3A_994 = vector.broadcast %add3A_993 : i32 to vector<16xi32>
      %add3A_995 = arith.addi %add3A_964, %add3A_994 : vector<16xi32>
      %gather3A_996 = tpu.vector_load_idx %arg8[%broadcast_in_dim3A_830, %add3A_995] : memref<128x65xf32, #tpu.memory_space<vmem>>[vector<16xi32>, vector<16xi32>], vector<16xf32>,
      %le3A_997 = arith.cmpf ole, %gather3A_968, %get3A_832 : vector<16xf32>
      %add3A_998 = arith.constant 8 : i32
      %add3A_999 = vector.broadcast %add3A_998 : i32 to vector<16xi32>
      %add3A_1000 = arith.addi %add3A_866, %add3A_999 : vector<16xi32>
      %select_n3A_1001 = arith.select %le3A_997, %add3A_1000, %add3A_866 : vector<16xi1>, vector<16xi32>
      %le3A_1002 = arith.cmpf ole, %gather3A_972, %get3A_835 : vector<16xf32>
      %add3A_1003 = arith.constant 8 : i32
      %add3A_1004 = vector.broadcast %add3A_1003 : i32 to vector<16xi32>
      %add3A_1005 = arith.addi %add3A_880, %add3A_1004 : vector<16xi32>
      %select_n3A_1006 = arith.select %le3A_1002, %add3A_1005, %add3A_880 : vector<16xi1>, vector<16xi32>
      %le3A_1007 = arith.cmpf ole, %gather3A_976, %get3A_838 : vector<16xf32>
      %add3A_1008 = arith.constant 8 : i32
      %add3A_1009 = vector.broadcast %add3A_1008 : i32 to vector<16xi32>
      %add3A_1010 = arith.addi %add3A_894, %add3A_1009 : vector<16xi32>
      %select_n3A_1011 = arith.select %le3A_1007, %add3A_1010, %add3A_894 : vector<16xi1>, vector<16xi32>
      %le3A_1012 = arith.cmpf ole, %gather3A_980, %get3A_841 : vector<16xf32>
      %add3A_1013 = arith.constant 8 : i32
      %add3A_1014 = vector.broadcast %add3A_1013 : i32 to vector<16xi32>
      %add3A_1015 = arith.addi %add3A_908, %add3A_1014 : vector<16xi32>
      %select_n3A_1016 = arith.select %le3A_1012, %add3A_1015, %add3A_908 : vector<16xi1>, vector<16xi32>
      %le3A_1017 = arith.cmpf ole, %gather3A_984, %get3A_844 : vector<16xf32>
      %add3A_1018 = arith.constant 8 : i32
      %add3A_1019 = vector.broadcast %add3A_1018 : i32 to vector<16xi32>
      %add3A_1020 = arith.addi %add3A_922, %add3A_1019 : vector<16xi32>
      %select_n3A_1021 = arith.select %le3A_1017, %add3A_1020, %add3A_922 : vector<16xi1>, vector<16xi32>
      %le3A_1022 = arith.cmpf ole, %gather3A_988, %get3A_847 : vector<16xf32>
      %add3A_1023 = arith.constant 8 : i32
      %add3A_1024 = vector.broadcast %add3A_1023 : i32 to vector<16xi32>
      %add3A_1025 = arith.addi %add3A_936, %add3A_1024 : vector<16xi32>
      %select_n3A_1026 = arith.select %le3A_1022, %add3A_1025, %add3A_936 : vector<16xi1>, vector<16xi32>
      %le3A_1027 = arith.cmpf ole, %gather3A_992, %get3A_850 : vector<16xf32>
      %add3A_1028 = arith.constant 8 : i32
      %add3A_1029 = vector.broadcast %add3A_1028 : i32 to vector<16xi32>
      %add3A_1030 = arith.addi %add3A_950, %add3A_1029 : vector<16xi32>
      %select_n3A_1031 = arith.select %le3A_1027, %add3A_1030, %add3A_950 : vector<16xi1>, vector<16xi32>
      %le3A_1032 = arith.cmpf ole, %gather3A_996, %get3A_853 : vector<16xf32>
      %add3A_1033 = arith.constant 8 : i32
      %add3A_1034 = vector.broadcast %add3A_1033 : i32 to vector<16xi32>
      %add3A_1035 = arith.addi %add3A_964, %add3A_1034 : vector<16xi32>
      %select_n3A_1036 = arith.select %le3A_1032, %add3A_1035, %add3A_964 : vector<16xi1>, vector<16xi32>
      %add3A_1037 = arith.constant 4 : i32
      %add3A_1038 = vector.broadcast %add3A_1037 : i32 to vector<16xi32>
      %add3A_1039 = arith.addi %select_n3A_1001, %add3A_1038 : vector<16xi32>
      %gather3A_1040 = tpu.vector_load_idx %arg8[%broadcast_in_dim3A_830, %add3A_1039] : memref<128x65xf32, #tpu.memory_space<vmem>>[vector<16xi32>, vector<16xi32>], vector<16xf32>,
      %add3A_1041 = arith.constant 4 : i32
      %add3A_1042 = vector.broadcast %add3A_1041 : i32 to vector<16xi32>
      %add3A_1043 = arith.addi %select_n3A_1006, %add3A_1042 : vector<16xi32>
      %gather3A_1044 = tpu.vector_load_idx %arg8[%broadcast_in_dim3A_830, %add3A_1043] : memref<128x65xf32, #tpu.memory_space<vmem>>[vector<16xi32>, vector<16xi32>], vector<16xf32>,
      %add3A_1045 = arith.constant 4 : i32
      %add3A_1046 = vector.broadcast %add3A_1045 : i32 to vector<16xi32>
      %add3A_1047 = arith.addi %select_n3A_1011, %add3A_1046 : vector<16xi32>
      %gather3A_1048 = tpu.vector_load_idx %arg8[%broadcast_in_dim3A_830, %add3A_1047] : memref<128x65xf32, #tpu.memory_space<vmem>>[vector<16xi32>, vector<16xi32>], vector<16xf32>,
      %add3A_1049 = arith.constant 4 : i32
      %add3A_1050 = vector.broadcast %add3A_1049 : i32 to vector<16xi32>
      %add3A_1051 = arith.addi %select_n3A_1016, %add3A_1050 : vector<16xi32>
      %gather3A_1052 = tpu.vector_load_idx %arg8[%broadcast_in_dim3A_830, %add3A_1051] : memref<128x65xf32, #tpu.memory_space<vmem>>[vector<16xi32>, vector<16xi32>], vector<16xf32>,
      %add3A_1053 = arith.constant 4 : i32
      %add3A_1054 = vector.broadcast %add3A_1053 : i32 to vector<16xi32>
      %add3A_1055 = arith.addi %select_n3A_1021, %add3A_1054 : vector<16xi32>
      %gather3A_1056 = tpu.vector_load_idx %arg8[%broadcast_in_dim3A_830, %add3A_1055] : memref<128x65xf32, #tpu.memory_space<vmem>>[vector<16xi32>, vector<16xi32>], vector<16xf32>,
      %add3A_1057 = arith.constant 4 : i32
      %add3A_1058 = vector.broadcast %add3A_1057 : i32 to vector<16xi32>
      %add3A_1059 = arith.addi %select_n3A_1026, %add3A_1058 : vector<16xi32>
      %gather3A_1060 = tpu.vector_load_idx %arg8[%broadcast_in_dim3A_830, %add3A_1059] : memref<128x65xf32, #tpu.memory_space<vmem>>[vector<16xi32>, vector<16xi32>], vector<16xf32>,
      %add3A_1061 = arith.constant 4 : i32
      %add3A_1062 = vector.broadcast %add3A_1061 : i32 to vector<16xi32>
      %add3A_1063 = arith.addi %select_n3A_1031, %add3A_1062 : vector<16xi32>
      %gather3A_1064 = tpu.vector_load_idx %arg8[%broadcast_in_dim3A_830, %add3A_1063] : memref<128x65xf32, #tpu.memory_space<vmem>>[vector<16xi32>, vector<16xi32>], vector<16xf32>,
      %add3A_1065 = arith.constant 4 : i32
      %add3A_1066 = vector.broadcast %add3A_1065 : i32 to vector<16xi32>
      %add3A_1067 = arith.addi %select_n3A_1036, %add3A_1066 : vector<16xi32>
      %gather3A_1068 = tpu.vector_load_idx %arg8[%broadcast_in_dim3A_830, %add3A_1067] : memref<128x65xf32, #tpu.memory_space<vmem>>[vector<16xi32>, vector<16xi32>], vector<16xf32>,
      %le3A_1069 = arith.cmpf ole, %gather3A_1040, %get3A_832 : vector<16xf32>
      %add3A_1070 = arith.constant 4 : i32
      %add3A_1071 = vector.broadcast %add3A_1070 : i32 to vector<16xi32>
      %add3A_1072 = arith.addi %select_n3A_1001, %add3A_1071 : vector<16xi32>
      %select_n3A_1073 = arith.select %le3A_1069, %add3A_1072, %select_n3A_1001 : vector<16xi1>, vector<16xi32>
      %le3A_1074 = arith.cmpf ole, %gather3A_1044, %get3A_835 : vector<16xf32>
      %add3A_1075 = arith.constant 4 : i32
      %add3A_1076 = vector.broadcast %add3A_1075 : i32 to vector<16xi32>
      %add3A_1077 = arith.addi %select_n3A_1006, %add3A_1076 : vector<16xi32>
      %select_n3A_1078 = arith.select %le3A_1074, %add3A_1077, %select_n3A_1006 : vector<16xi1>, vector<16xi32>
      %le3A_1079 = arith.cmpf ole, %gather3A_1048, %get3A_838 : vector<16xf32>
      %add3A_1080 = arith.constant 4 : i32
      %add3A_1081 = vector.broadcast %add3A_1080 : i32 to vector<16xi32>
      %add3A_1082 = arith.addi %select_n3A_1011, %add3A_1081 : vector<16xi32>
      %select_n3A_1083 = arith.select %le3A_1079, %add3A_1082, %select_n3A_1011 : vector<16xi1>, vector<16xi32>
      %le3A_1084 = arith.cmpf ole, %gather3A_1052, %get3A_841 : vector<16xf32>
      %add3A_1085 = arith.constant 4 : i32
      %add3A_1086 = vector.broadcast %add3A_1085 : i32 to vector<16xi32>
      %add3A_1087 = arith.addi %select_n3A_1016, %add3A_1086 : vector<16xi32>
      %select_n3A_1088 = arith.select %le3A_1084, %add3A_1087, %select_n3A_1016 : vector<16xi1>, vector<16xi32>
      %le3A_1089 = arith.cmpf ole, %gather3A_1056, %get3A_844 : vector<16xf32>
      %add3A_1090 = arith.constant 4 : i32
      %add3A_1091 = vector.broadcast %add3A_1090 : i32 to vector<16xi32>
      %add3A_1092 = arith.addi %select_n3A_1021, %add3A_1091 : vector<16xi32>
      %select_n3A_1093 = arith.select %le3A_1089, %add3A_1092, %select_n3A_1021 : vector<16xi1>, vector<16xi32>
      %le3A_1094 = arith.cmpf ole, %gather3A_1060, %get3A_847 : vector<16xf32>
      %add3A_1095 = arith.constant 4 : i32
      %add3A_1096 = vector.broadcast %add3A_1095 : i32 to vector<16xi32>
      %add3A_1097 = arith.addi %select_n3A_1026, %add3A_1096 : vector<16xi32>
      %select_n3A_1098 = arith.select %le3A_1094, %add3A_1097, %select_n3A_1026 : vector<16xi1>, vector<16xi32>
      %le3A_1099 = arith.cmpf ole, %gather3A_1064, %get3A_850 : vector<16xf32>
      %add3A_1100 = arith.constant 4 : i32
      %add3A_1101 = vector.broadcast %add3A_1100 : i32 to vector<16xi32>
      %add3A_1102 = arith.addi %select_n3A_1031, %add3A_1101 : vector<16xi32>
      %select_n3A_1103 = arith.select %le3A_1099, %add3A_1102, %select_n3A_1031 : vector<16xi1>, vector<16xi32>
      %le3A_1104 = arith.cmpf ole, %gather3A_1068, %get3A_853 : vector<16xf32>
      %add3A_1105 = arith.constant 4 : i32
      %add3A_1106 = vector.broadcast %add3A_1105 : i32 to vector<16xi32>
      %add3A_1107 = arith.addi %select_n3A_1036, %add3A_1106 : vector<16xi32>
      %select_n3A_1108 = arith.select %le3A_1104, %add3A_1107, %select_n3A_1036 : vector<16xi1>, vector<16xi32>
      %add3A_1109 = arith.constant 2 : i32
      %add3A_1110 = vector.broadcast %add3A_1109 : i32 to vector<16xi32>
      %add3A_1111 = arith.addi %select_n3A_1073, %add3A_1110 : vector<16xi32>
      %gather3A_1112 = tpu.vector_load_idx %arg8[%broadcast_in_dim3A_830, %add3A_1111] : memref<128x65xf32, #tpu.memory_space<vmem>>[vector<16xi32>, vector<16xi32>], vector<16xf32>,
      %add3A_1113 = arith.constant 2 : i32
      %add3A_1114 = vector.broadcast %add3A_1113 : i32 to vector<16xi32>
      %add3A_1115 = arith.addi %select_n3A_1078, %add3A_1114 : vector<16xi32>
      %gather3A_1116 = tpu.vector_load_idx %arg8[%broadcast_in_dim3A_830, %add3A_1115] : memref<128x65xf32, #tpu.memory_space<vmem>>[vector<16xi32>, vector<16xi32>], vector<16xf32>,
      %add3A_1117 = arith.constant 2 : i32
      %add3A_1118 = vector.broadcast %add3A_1117 : i32 to vector<16xi32>
      %add3A_1119 = arith.addi %select_n3A_1083, %add3A_1118 : vector<16xi32>
      %gather3A_1120 = tpu.vector_load_idx %arg8[%broadcast_in_dim3A_830, %add3A_1119] : memref<128x65xf32, #tpu.memory_space<vmem>>[vector<16xi32>, vector<16xi32>], vector<16xf32>,
      %add3A_1121 = arith.constant 2 : i32
      %add3A_1122 = vector.broadcast %add3A_1121 : i32 to vector<16xi32>
      %add3A_1123 = arith.addi %select_n3A_1088, %add3A_1122 : vector<16xi32>
      %gather3A_1124 = tpu.vector_load_idx %arg8[%broadcast_in_dim3A_830, %add3A_1123] : memref<128x65xf32, #tpu.memory_space<vmem>>[vector<16xi32>, vector<16xi32>], vector<16xf32>,
      %add3A_1125 = arith.constant 2 : i32
      %add3A_1126 = vector.broadcast %add3A_1125 : i32 to vector<16xi32>
      %add3A_1127 = arith.addi %select_n3A_1093, %add3A_1126 : vector<16xi32>
      %gather3A_1128 = tpu.vector_load_idx %arg8[%broadcast_in_dim3A_830, %add3A_1127] : memref<128x65xf32, #tpu.memory_space<vmem>>[vector<16xi32>, vector<16xi32>], vector<16xf32>,
      %add3A_1129 = arith.constant 2 : i32
      %add3A_1130 = vector.broadcast %add3A_1129 : i32 to vector<16xi32>
      %add3A_1131 = arith.addi %select_n3A_1098, %add3A_1130 : vector<16xi32>
      %gather3A_1132 = tpu.vector_load_idx %arg8[%broadcast_in_dim3A_830, %add3A_1131] : memref<128x65xf32, #tpu.memory_space<vmem>>[vector<16xi32>, vector<16xi32>], vector<16xf32>,
      %add3A_1133 = arith.constant 2 : i32
      %add3A_1134 = vector.broadcast %add3A_1133 : i32 to vector<16xi32>
      %add3A_1135 = arith.addi %select_n3A_1103, %add3A_1134 : vector<16xi32>
      %gather3A_1136 = tpu.vector_load_idx %arg8[%broadcast_in_dim3A_830, %add3A_1135] : memref<128x65xf32, #tpu.memory_space<vmem>>[vector<16xi32>, vector<16xi32>], vector<16xf32>,
      %add3A_1137 = arith.constant 2 : i32
      %add3A_1138 = vector.broadcast %add3A_1137 : i32 to vector<16xi32>
      %add3A_1139 = arith.addi %select_n3A_1108, %add3A_1138 : vector<16xi32>
      %gather3A_1140 = tpu.vector_load_idx %arg8[%broadcast_in_dim3A_830, %add3A_1139] : memref<128x65xf32, #tpu.memory_space<vmem>>[vector<16xi32>, vector<16xi32>], vector<16xf32>,
      %le3A_1141 = arith.cmpf ole, %gather3A_1112, %get3A_832 : vector<16xf32>
      %add3A_1142 = arith.constant 2 : i32
      %add3A_1143 = vector.broadcast %add3A_1142 : i32 to vector<16xi32>
      %add3A_1144 = arith.addi %select_n3A_1073, %add3A_1143 : vector<16xi32>
      %select_n3A_1145 = arith.select %le3A_1141, %add3A_1144, %select_n3A_1073 : vector<16xi1>, vector<16xi32>
      %le3A_1146 = arith.cmpf ole, %gather3A_1116, %get3A_835 : vector<16xf32>
      %add3A_1147 = arith.constant 2 : i32
      %add3A_1148 = vector.broadcast %add3A_1147 : i32 to vector<16xi32>
      %add3A_1149 = arith.addi %select_n3A_1078, %add3A_1148 : vector<16xi32>
      %select_n3A_1150 = arith.select %le3A_1146, %add3A_1149, %select_n3A_1078 : vector<16xi1>, vector<16xi32>
      %le3A_1151 = arith.cmpf ole, %gather3A_1120, %get3A_838 : vector<16xf32>
      %add3A_1152 = arith.constant 2 : i32
      %add3A_1153 = vector.broadcast %add3A_1152 : i32 to vector<16xi32>
      %add3A_1154 = arith.addi %select_n3A_1083, %add3A_1153 : vector<16xi32>
      %select_n3A_1155 = arith.select %le3A_1151, %add3A_1154, %select_n3A_1083 : vector<16xi1>, vector<16xi32>
      %le3A_1156 = arith.cmpf ole, %gather3A_1124, %get3A_841 : vector<16xf32>
      %add3A_1157 = arith.constant 2 : i32
      %add3A_1158 = vector.broadcast %add3A_1157 : i32 to vector<16xi32>
      %add3A_1159 = arith.addi %select_n3A_1088, %add3A_1158 : vector<16xi32>
      %select_n3A_1160 = arith.select %le3A_1156, %add3A_1159, %select_n3A_1088 : vector<16xi1>, vector<16xi32>
      %le3A_1161 = arith.cmpf ole, %gather3A_1128, %get3A_844 : vector<16xf32>
      %add3A_1162 = arith.constant 2 : i32
      %add3A_1163 = vector.broadcast %add3A_1162 : i32 to vector<16xi32>
      %add3A_1164 = arith.addi %select_n3A_1093, %add3A_1163 : vector<16xi32>
      %select_n3A_1165 = arith.select %le3A_1161, %add3A_1164, %select_n3A_1093 : vector<16xi1>, vector<16xi32>
      %le3A_1166 = arith.cmpf ole, %gather3A_1132, %get3A_847 : vector<16xf32>
      %add3A_1167 = arith.constant 2 : i32
      %add3A_1168 = vector.broadcast %add3A_1167 : i32 to vector<16xi32>
      %add3A_1169 = arith.addi %select_n3A_1098, %add3A_1168 : vector<16xi32>
      %select_n3A_1170 = arith.select %le3A_1166, %add3A_1169, %select_n3A_1098 : vector<16xi1>, vector<16xi32>
      %le3A_1171 = arith.cmpf ole, %gather3A_1136, %get3A_850 : vector<16xf32>
      %add3A_1172 = arith.constant 2 : i32
      %add3A_1173 = vector.broadcast %add3A_1172 : i32 to vector<16xi32>
      %add3A_1174 = arith.addi %select_n3A_1103, %add3A_1173 : vector<16xi32>
      %select_n3A_1175 = arith.select %le3A_1171, %add3A_1174, %select_n3A_1103 : vector<16xi1>, vector<16xi32>
      %le3A_1176 = arith.cmpf ole, %gather3A_1140, %get3A_853 : vector<16xf32>
      %add3A_1177 = arith.constant 2 : i32
      %add3A_1178 = vector.broadcast %add3A_1177 : i32 to vector<16xi32>
      %add3A_1179 = arith.addi %select_n3A_1108, %add3A_1178 : vector<16xi32>
      %select_n3A_1180 = arith.select %le3A_1176, %add3A_1179, %select_n3A_1108 : vector<16xi1>, vector<16xi32>
      %add3A_1181 = arith.constant 1 : i32
      %add3A_1182 = vector.broadcast %add3A_1181 : i32 to vector<16xi32>
      %add3A_1183 = arith.addi %select_n3A_1145, %add3A_1182 : vector<16xi32>
      %gather3A_1184 = tpu.vector_load_idx %arg8[%broadcast_in_dim3A_830, %add3A_1183] : memref<128x65xf32, #tpu.memory_space<vmem>>[vector<16xi32>, vector<16xi32>], vector<16xf32>,
      %add3A_1185 = arith.constant 1 : i32
      %add3A_1186 = vector.broadcast %add3A_1185 : i32 to vector<16xi32>
      %add3A_1187 = arith.addi %select_n3A_1150, %add3A_1186 : vector<16xi32>
      %gather3A_1188 = tpu.vector_load_idx %arg8[%broadcast_in_dim3A_830, %add3A_1187] : memref<128x65xf32, #tpu.memory_space<vmem>>[vector<16xi32>, vector<16xi32>], vector<16xf32>,
      %add3A_1189 = arith.constant 1 : i32
      %add3A_1190 = vector.broadcast %add3A_1189 : i32 to vector<16xi32>
      %add3A_1191 = arith.addi %select_n3A_1155, %add3A_1190 : vector<16xi32>
      %gather3A_1192 = tpu.vector_load_idx %arg8[%broadcast_in_dim3A_830, %add3A_1191] : memref<128x65xf32, #tpu.memory_space<vmem>>[vector<16xi32>, vector<16xi32>], vector<16xf32>,
      %add3A_1193 = arith.constant 1 : i32
      %add3A_1194 = vector.broadcast %add3A_1193 : i32 to vector<16xi32>
      %add3A_1195 = arith.addi %select_n3A_1160, %add3A_1194 : vector<16xi32>
      %gather3A_1196 = tpu.vector_load_idx %arg8[%broadcast_in_dim3A_830, %add3A_1195] : memref<128x65xf32, #tpu.memory_space<vmem>>[vector<16xi32>, vector<16xi32>], vector<16xf32>,
      %add3A_1197 = arith.constant 1 : i32
      %add3A_1198 = vector.broadcast %add3A_1197 : i32 to vector<16xi32>
      %add3A_1199 = arith.addi %select_n3A_1165, %add3A_1198 : vector<16xi32>
      %gather3A_1200 = tpu.vector_load_idx %arg8[%broadcast_in_dim3A_830, %add3A_1199] : memref<128x65xf32, #tpu.memory_space<vmem>>[vector<16xi32>, vector<16xi32>], vector<16xf32>,
      %add3A_1201 = arith.constant 1 : i32
      %add3A_1202 = vector.broadcast %add3A_1201 : i32 to vector<16xi32>
      %add3A_1203 = arith.addi %select_n3A_1170, %add3A_1202 : vector<16xi32>
      %gather3A_1204 = tpu.vector_load_idx %arg8[%broadcast_in_dim3A_830, %add3A_1203] : memref<128x65xf32, #tpu.memory_space<vmem>>[vector<16xi32>, vector<16xi32>], vector<16xf32>,
      %add3A_1205 = arith.constant 1 : i32
      %add3A_1206 = vector.broadcast %add3A_1205 : i32 to vector<16xi32>
      %add3A_1207 = arith.addi %select_n3A_1175, %add3A_1206 : vector<16xi32>
      %gather3A_1208 = tpu.vector_load_idx %arg8[%broadcast_in_dim3A_830, %add3A_1207] : memref<128x65xf32, #tpu.memory_space<vmem>>[vector<16xi32>, vector<16xi32>], vector<16xf32>,
      %add3A_1209 = arith.constant 1 : i32
      %add3A_1210 = vector.broadcast %add3A_1209 : i32 to vector<16xi32>
      %add3A_1211 = arith.addi %select_n3A_1180, %add3A_1210 : vector<16xi32>
      %gather3A_1212 = tpu.vector_load_idx %arg8[%broadcast_in_dim3A_830, %add3A_1211] : memref<128x65xf32, #tpu.memory_space<vmem>>[vector<16xi32>, vector<16xi32>], vector<16xf32>,
      %le3A_1213 = arith.cmpf ole, %gather3A_1184, %get3A_832 : vector<16xf32>
      %add3A_1214 = arith.constant 1 : i32
      %add3A_1215 = vector.broadcast %add3A_1214 : i32 to vector<16xi32>
      %add3A_1216 = arith.addi %select_n3A_1145, %add3A_1215 : vector<16xi32>
      %select_n3A_1217 = arith.select %le3A_1213, %add3A_1216, %select_n3A_1145 : vector<16xi1>, vector<16xi32>
      %le3A_1218 = arith.cmpf ole, %gather3A_1188, %get3A_835 : vector<16xf32>
      %add3A_1219 = arith.constant 1 : i32
      %add3A_1220 = vector.broadcast %add3A_1219 : i32 to vector<16xi32>
      %add3A_1221 = arith.addi %select_n3A_1150, %add3A_1220 : vector<16xi32>
      %select_n3A_1222 = arith.select %le3A_1218, %add3A_1221, %select_n3A_1150 : vector<16xi1>, vector<16xi32>
      %le3A_1223 = arith.cmpf ole, %gather3A_1192, %get3A_838 : vector<16xf32>
      %add3A_1224 = arith.constant 1 : i32
      %add3A_1225 = vector.broadcast %add3A_1224 : i32 to vector<16xi32>
      %add3A_1226 = arith.addi %select_n3A_1155, %add3A_1225 : vector<16xi32>
      %select_n3A_1227 = arith.select %le3A_1223, %add3A_1226, %select_n3A_1155 : vector<16xi1>, vector<16xi32>
      %le3A_1228 = arith.cmpf ole, %gather3A_1196, %get3A_841 : vector<16xf32>
      %add3A_1229 = arith.constant 1 : i32
      %add3A_1230 = vector.broadcast %add3A_1229 : i32 to vector<16xi32>
      %add3A_1231 = arith.addi %select_n3A_1160, %add3A_1230 : vector<16xi32>
      %select_n3A_1232 = arith.select %le3A_1228, %add3A_1231, %select_n3A_1160 : vector<16xi1>, vector<16xi32>
      %le3A_1233 = arith.cmpf ole, %gather3A_1200, %get3A_844 : vector<16xf32>
      %add3A_1234 = arith.constant 1 : i32
      %add3A_1235 = vector.broadcast %add3A_1234 : i32 to vector<16xi32>
      %add3A_1236 = arith.addi %select_n3A_1165, %add3A_1235 : vector<16xi32>
      %select_n3A_1237 = arith.select %le3A_1233, %add3A_1236, %select_n3A_1165 : vector<16xi1>, vector<16xi32>
      %le3A_1238 = arith.cmpf ole, %gather3A_1204, %get3A_847 : vector<16xf32>
      %add3A_1239 = arith.constant 1 : i32
      %add3A_1240 = vector.broadcast %add3A_1239 : i32 to vector<16xi32>
      %add3A_1241 = arith.addi %select_n3A_1170, %add3A_1240 : vector<16xi32>
      %select_n3A_1242 = arith.select %le3A_1238, %add3A_1241, %select_n3A_1170 : vector<16xi1>, vector<16xi32>
      %le3A_1243 = arith.cmpf ole, %gather3A_1208, %get3A_850 : vector<16xf32>
      %add3A_1244 = arith.constant 1 : i32
      %add3A_1245 = vector.broadcast %add3A_1244 : i32 to vector<16xi32>
      %add3A_1246 = arith.addi %select_n3A_1175, %add3A_1245 : vector<16xi32>
      %select_n3A_1247 = arith.select %le3A_1243, %add3A_1246, %select_n3A_1175 : vector<16xi1>, vector<16xi32>
      %le3A_1248 = arith.cmpf ole, %gather3A_1212, %get3A_853 : vector<16xf32>
      %add3A_1249 = arith.constant 1 : i32
      %add3A_1250 = vector.broadcast %add3A_1249 : i32 to vector<16xi32>
      %add3A_1251 = arith.addi %select_n3A_1180, %add3A_1250 : vector<16xi32>
      %select_n3A_1252 = arith.select %le3A_1248, %add3A_1251, %select_n3A_1180 : vector<16xi1>, vector<16xi32>
      %gather3A_1253 = tpu.vector_load_idx %arg8[%broadcast_in_dim3A_830, %select_n3A_1217] : memref<128x65xf32, #tpu.memory_space<vmem>>[vector<16xi32>, vector<16xi32>], vector<16xf32>,
      %sub3A = arith.subf %get3A_832, %gather3A_1253 : vector<16xf32>
      %add3A_1254 = arith.constant 1 : i32
      %add3A_1255 = vector.broadcast %add3A_1254 : i32 to vector<16xi32>
      %add3A_1256 = arith.addi %select_n3A_1217, %add3A_1255 : vector<16xi32>
      %gather3A_1257 = tpu.vector_load_idx %arg9[%broadcast_in_dim3A_830, %select_n3A_1217] : memref<128x65xf32, #tpu.memory_space<vmem>>[vector<16xi32>, vector<16xi32>], vector<16xf32>,
      %gather3A_1258 = tpu.vector_load_idx %arg10[%broadcast_in_dim3A_830, %select_n3A_1217] : memref<128x65xf32, #tpu.memory_space<vmem>>[vector<16xi32>, vector<16xi32>], vector<16xf32>,
      %gather3A_1259 = tpu.vector_load_idx %arg11[%broadcast_in_dim3A_830, %select_n3A_1217] : memref<128x65xf32, #tpu.memory_space<vmem>>[vector<16xi32>, vector<16xi32>], vector<16xf32>,
      %gather3A_1260 = tpu.vector_load_idx %arg9[%broadcast_in_dim3A_830, %add3A_1256] : memref<128x65xf32, #tpu.memory_space<vmem>>[vector<16xi32>, vector<16xi32>], vector<16xf32>,
      %gather3A_1261 = tpu.vector_load_idx %arg10[%broadcast_in_dim3A_830, %add3A_1256] : memref<128x65xf32, #tpu.memory_space<vmem>>[vector<16xi32>, vector<16xi32>], vector<16xf32>,
      %gather3A_1262 = tpu.vector_load_idx %arg11[%broadcast_in_dim3A_830, %add3A_1256] : memref<128x65xf32, #tpu.memory_space<vmem>>[vector<16xi32>, vector<16xi32>], vector<16xf32>,
      %sub3A_1263 = arith.subf %gather3A_1260, %gather3A_1257 : vector<16xf32>
      %sub3A_1264 = arith.subf %gather3A_1261, %gather3A_1258 : vector<16xf32>
      %sub3A_1265 = arith.subf %gather3A_1262, %gather3A_1259 : vector<16xf32>
      %mul3A_1266 = arith.mulf %sub3A_1263, %sub3A_1263 : vector<16xf32>
      %mul3A_1267 = arith.mulf %sub3A_1264, %sub3A_1264 : vector<16xf32>
      %add3A_1268 = arith.addf %mul3A_1266, %mul3A_1267 : vector<16xf32>
      %mul3A_1269 = arith.mulf %sub3A_1265, %sub3A_1265 : vector<16xf32>
      %add3A_1270 = arith.addf %add3A_1268, %mul3A_1269 : vector<16xf32>
      %bitcast_convert_type3A = tpu.bitcast %add3A_1270 : vector<16xf32> -> vector<16xi32>
      %shift_right_arithmetic3A = arith.constant 1 : i32
      %shift_right_arithmetic3A_1271 = vector.broadcast %shift_right_arithmetic3A : i32 to vector<16xi32>
      %shift_right_arithmetic3A_1272 = arith.shrsi %bitcast_convert_type3A, %shift_right_arithmetic3A_1271 : vector<16xi32>
      %sub3A_1273 = arith.constant 1597463007 : i32
      %sub3A_1274 = vector.broadcast %sub3A_1273 : i32 to vector<16xi32>
      %sub3A_1275 = arith.subi %sub3A_1274, %shift_right_arithmetic3A_1272 : vector<16xi32>
      %bitcast_convert_type3A_1276 = tpu.bitcast %sub3A_1275 : vector<16xi32> -> vector<16xf32>
      %mul3A_1277 = arith.mulf %sub3A, %bitcast_convert_type3A_1276 : vector<16xf32>
      %mul3A_1278 = arith.mulf %mul3A_1277, %sub3A_1263 : vector<16xf32>
      %add3A_1279 = arith.addf %gather3A_1257, %mul3A_1278 : vector<16xf32>
      %swap3A = arith.constant 0 : i32
      %swap3A_1280 = arith.index_cast %swap3A : i32 to index
      %swap3A_1281 = arith.index_cast %scan3A_829 : i32 to index
      %swap3A_1282 = arith.constant 0 : index
      %swap3A_1283 = tpu.vector_load %arg13[%swap3A_1280, %swap3A_1281, %swap3A_1282] {strides = array<i32>} : memref<3x128x128xf32, #tpu.memory_space<vmem>>, vector<16xf32>,
      tpu.vector_store %arg13[%swap3A_1280, %swap3A_1281, %swap3A_1282], %add3A_1279 {strides = array<i32>} : memref<3x128x128xf32, #tpu.memory_space<vmem>>, vector<16xf32>,
      %mul3A_1284 = arith.mulf %mul3A_1277, %sub3A_1264 : vector<16xf32>
      %add3A_1285 = arith.addf %gather3A_1258, %mul3A_1284 : vector<16xf32>
      %swap3A_1286 = arith.constant 1 : i32
      %swap3A_1287 = arith.index_cast %swap3A_1286 : i32 to index
      %swap3A_1288 = arith.index_cast %scan3A_829 : i32 to index
      %swap3A_1289 = arith.constant 0 : index
      %swap3A_1290 = tpu.vector_load %arg13[%swap3A_1287, %swap3A_1288, %swap3A_1289] {strides = array<i32>} : memref<3x128x128xf32, #tpu.memory_space<vmem>>, vector<16xf32>,
      tpu.vector_store %arg13[%swap3A_1287, %swap3A_1288, %swap3A_1289], %add3A_1285 {strides = array<i32>} : memref<3x128x128xf32, #tpu.memory_space<vmem>>, vector<16xf32>,
      %mul3A_1291 = arith.mulf %mul3A_1277, %sub3A_1265 : vector<16xf32>
      %add3A_1292 = arith.addf %gather3A_1259, %mul3A_1291 : vector<16xf32>
      %swap3A_1293 = arith.constant 2 : i32
      %swap3A_1294 = arith.index_cast %swap3A_1293 : i32 to index
      %swap3A_1295 = arith.index_cast %scan3A_829 : i32 to index
      %swap3A_1296 = arith.constant 0 : index
      %swap3A_1297 = tpu.vector_load %arg13[%swap3A_1294, %swap3A_1295, %swap3A_1296] {strides = array<i32>} : memref<3x128x128xf32, #tpu.memory_space<vmem>>, vector<16xf32>,
      tpu.vector_store %arg13[%swap3A_1294, %swap3A_1295, %swap3A_1296], %add3A_1292 {strides = array<i32>} : memref<3x128x128xf32, #tpu.memory_space<vmem>>, vector<16xf32>,
      %gather3A_1298 = tpu.vector_load_idx %arg8[%broadcast_in_dim3A_830, %select_n3A_1222] : memref<128x65xf32, #tpu.memory_space<vmem>>[vector<16xi32>, vector<16xi32>], vector<16xf32>,
      %sub3A_1299 = arith.subf %get3A_835, %gather3A_1298 : vector<16xf32>
      %add3A_1300 = arith.constant 1 : i32
      %add3A_1301 = vector.broadcast %add3A_1300 : i32 to vector<16xi32>
      %add3A_1302 = arith.addi %select_n3A_1222, %add3A_1301 : vector<16xi32>
      %gather3A_1303 = tpu.vector_load_idx %arg9[%broadcast_in_dim3A_830, %select_n3A_1222] : memref<128x65xf32, #tpu.memory_space<vmem>>[vector<16xi32>, vector<16xi32>], vector<16xf32>,
      %gather3A_1304 = tpu.vector_load_idx %arg10[%broadcast_in_dim3A_830, %select_n3A_1222] : memref<128x65xf32, #tpu.memory_space<vmem>>[vector<16xi32>, vector<16xi32>], vector<16xf32>,
      %gather3A_1305 = tpu.vector_load_idx %arg11[%broadcast_in_dim3A_830, %select_n3A_1222] : memref<128x65xf32, #tpu.memory_space<vmem>>[vector<16xi32>, vector<16xi32>], vector<16xf32>,
      %gather3A_1306 = tpu.vector_load_idx %arg9[%broadcast_in_dim3A_830, %add3A_1302] : memref<128x65xf32, #tpu.memory_space<vmem>>[vector<16xi32>, vector<16xi32>], vector<16xf32>,
      %gather3A_1307 = tpu.vector_load_idx %arg10[%broadcast_in_dim3A_830, %add3A_1302] : memref<128x65xf32, #tpu.memory_space<vmem>>[vector<16xi32>, vector<16xi32>], vector<16xf32>,
      %gather3A_1308 = tpu.vector_load_idx %arg11[%broadcast_in_dim3A_830, %add3A_1302] : memref<128x65xf32, #tpu.memory_space<vmem>>[vector<16xi32>, vector<16xi32>], vector<16xf32>,
      %sub3A_1309 = arith.subf %gather3A_1306, %gather3A_1303 : vector<16xf32>
      %sub3A_1310 = arith.subf %gather3A_1307, %gather3A_1304 : vector<16xf32>
      %sub3A_1311 = arith.subf %gather3A_1308, %gather3A_1305 : vector<16xf32>
      %mul3A_1312 = arith.mulf %sub3A_1309, %sub3A_1309 : vector<16xf32>
      %mul3A_1313 = arith.mulf %sub3A_1310, %sub3A_1310 : vector<16xf32>
      %add3A_1314 = arith.addf %mul3A_1312, %mul3A_1313 : vector<16xf32>
      %mul3A_1315 = arith.mulf %sub3A_1311, %sub3A_1311 : vector<16xf32>
      %add3A_1316 = arith.addf %add3A_1314, %mul3A_1315 : vector<16xf32>
      %bitcast_convert_type3A_1317 = tpu.bitcast %add3A_1316 : vector<16xf32> -> vector<16xi32>
      %shift_right_arithmetic3A_1318 = arith.constant 1 : i32
      %shift_right_arithmetic3A_1319 = vector.broadcast %shift_right_arithmetic3A_1318 : i32 to vector<16xi32>
      %shift_right_arithmetic3A_1320 = arith.shrsi %bitcast_convert_type3A_1317, %shift_right_arithmetic3A_1319 : vector<16xi32>
      %sub3A_1321 = arith.constant 1597463007 : i32
      %sub3A_1322 = vector.broadcast %sub3A_1321 : i32 to vector<16xi32>
      %sub3A_1323 = arith.subi %sub3A_1322, %shift_right_arithmetic3A_1320 : vector<16xi32>
      %bitcast_convert_type3A_1324 = tpu.bitcast %sub3A_1323 : vector<16xi32> -> vector<16xf32>
      %mul3A_1325 = arith.mulf %sub3A_1299, %bitcast_convert_type3A_1324 : vector<16xf32>
      %mul3A_1326 = arith.mulf %mul3A_1325, %sub3A_1309 : vector<16xf32>
      %add3A_1327 = arith.addf %gather3A_1303, %mul3A_1326 : vector<16xf32>
      %swap3A_1328 = arith.constant 0 : i32
      %swap3A_1329 = arith.index_cast %swap3A_1328 : i32 to index
      %swap3A_1330 = arith.index_cast %scan3A_829 : i32 to index
      %swap3A_1331 = arith.constant 16 : index
      %swap3A_1332 = tpu.vector_load %arg13[%swap3A_1329, %swap3A_1330, %swap3A_1331] {strides = array<i32>} : memref<3x128x128xf32, #tpu.memory_space<vmem>>, vector<16xf32>,
      tpu.vector_store %arg13[%swap3A_1329, %swap3A_1330, %swap3A_1331], %add3A_1327 {strides = array<i32>} : memref<3x128x128xf32, #tpu.memory_space<vmem>>, vector<16xf32>,
      %mul3A_1333 = arith.mulf %mul3A_1325, %sub3A_1310 : vector<16xf32>
      %add3A_1334 = arith.addf %gather3A_1304, %mul3A_1333 : vector<16xf32>
      %swap3A_1335 = arith.constant 1 : i32
      %swap3A_1336 = arith.index_cast %swap3A_1335 : i32 to index
      %swap3A_1337 = arith.index_cast %scan3A_829 : i32 to index
      %swap3A_1338 = arith.constant 16 : index
      %swap3A_1339 = tpu.vector_load %arg13[%swap3A_1336, %swap3A_1337, %swap3A_1338] {strides = array<i32>} : memref<3x128x128xf32, #tpu.memory_space<vmem>>, vector<16xf32>,
      tpu.vector_store %arg13[%swap3A_1336, %swap3A_1337, %swap3A_1338], %add3A_1334 {strides = array<i32>} : memref<3x128x128xf32, #tpu.memory_space<vmem>>, vector<16xf32>,
      %mul3A_1340 = arith.mulf %mul3A_1325, %sub3A_1311 : vector<16xf32>
      %add3A_1341 = arith.addf %gather3A_1305, %mul3A_1340 : vector<16xf32>
      %swap3A_1342 = arith.constant 2 : i32
      %swap3A_1343 = arith.index_cast %swap3A_1342 : i32 to index
      %swap3A_1344 = arith.index_cast %scan3A_829 : i32 to index
      %swap3A_1345 = arith.constant 16 : index
      %swap3A_1346 = tpu.vector_load %arg13[%swap3A_1343, %swap3A_1344, %swap3A_1345] {strides = array<i32>} : memref<3x128x128xf32, #tpu.memory_space<vmem>>, vector<16xf32>,
      tpu.vector_store %arg13[%swap3A_1343, %swap3A_1344, %swap3A_1345], %add3A_1341 {strides = array<i32>} : memref<3x128x128xf32, #tpu.memory_space<vmem>>, vector<16xf32>,
      %gather3A_1347 = tpu.vector_load_idx %arg8[%broadcast_in_dim3A_830, %select_n3A_1227] : memref<128x65xf32, #tpu.memory_space<vmem>>[vector<16xi32>, vector<16xi32>], vector<16xf32>,
      %sub3A_1348 = arith.subf %get3A_838, %gather3A_1347 : vector<16xf32>
      %add3A_1349 = arith.constant 1 : i32
      %add3A_1350 = vector.broadcast %add3A_1349 : i32 to vector<16xi32>
      %add3A_1351 = arith.addi %select_n3A_1227, %add3A_1350 : vector<16xi32>
      %gather3A_1352 = tpu.vector_load_idx %arg9[%broadcast_in_dim3A_830, %select_n3A_1227] : memref<128x65xf32, #tpu.memory_space<vmem>>[vector<16xi32>, vector<16xi32>], vector<16xf32>,
      %gather3A_1353 = tpu.vector_load_idx %arg10[%broadcast_in_dim3A_830, %select_n3A_1227] : memref<128x65xf32, #tpu.memory_space<vmem>>[vector<16xi32>, vector<16xi32>], vector<16xf32>,
      %gather3A_1354 = tpu.vector_load_idx %arg11[%broadcast_in_dim3A_830, %select_n3A_1227] : memref<128x65xf32, #tpu.memory_space<vmem>>[vector<16xi32>, vector<16xi32>], vector<16xf32>,
      %gather3A_1355 = tpu.vector_load_idx %arg9[%broadcast_in_dim3A_830, %add3A_1351] : memref<128x65xf32, #tpu.memory_space<vmem>>[vector<16xi32>, vector<16xi32>], vector<16xf32>,
      %gather3A_1356 = tpu.vector_load_idx %arg10[%broadcast_in_dim3A_830, %add3A_1351] : memref<128x65xf32, #tpu.memory_space<vmem>>[vector<16xi32>, vector<16xi32>], vector<16xf32>,
      %gather3A_1357 = tpu.vector_load_idx %arg11[%broadcast_in_dim3A_830, %add3A_1351] : memref<128x65xf32, #tpu.memory_space<vmem>>[vector<16xi32>, vector<16xi32>], vector<16xf32>,
      %sub3A_1358 = arith.subf %gather3A_1355, %gather3A_1352 : vector<16xf32>
      %sub3A_1359 = arith.subf %gather3A_1356, %gather3A_1353 : vector<16xf32>
      %sub3A_1360 = arith.subf %gather3A_1357, %gather3A_1354 : vector<16xf32>
      %mul3A_1361 = arith.mulf %sub3A_1358, %sub3A_1358 : vector<16xf32>
      %mul3A_1362 = arith.mulf %sub3A_1359, %sub3A_1359 : vector<16xf32>
      %add3A_1363 = arith.addf %mul3A_1361, %mul3A_1362 : vector<16xf32>
      %mul3A_1364 = arith.mulf %sub3A_1360, %sub3A_1360 : vector<16xf32>
      %add3A_1365 = arith.addf %add3A_1363, %mul3A_1364 : vector<16xf32>
      %bitcast_convert_type3A_1366 = tpu.bitcast %add3A_1365 : vector<16xf32> -> vector<16xi32>
      %shift_right_arithmetic3A_1367 = arith.constant 1 : i32
      %shift_right_arithmetic3A_1368 = vector.broadcast %shift_right_arithmetic3A_1367 : i32 to vector<16xi32>
      %shift_right_arithmetic3A_1369 = arith.shrsi %bitcast_convert_type3A_1366, %shift_right_arithmetic3A_1368 : vector<16xi32>
      %sub3A_1370 = arith.constant 1597463007 : i32
      %sub3A_1371 = vector.broadcast %sub3A_1370 : i32 to vector<16xi32>
      %sub3A_1372 = arith.subi %sub3A_1371, %shift_right_arithmetic3A_1369 : vector<16xi32>
      %bitcast_convert_type3A_1373 = tpu.bitcast %sub3A_1372 : vector<16xi32> -> vector<16xf32>
      %mul3A_1374 = arith.mulf %sub3A_1348, %bitcast_convert_type3A_1373 : vector<16xf32>
      %mul3A_1375 = arith.mulf %mul3A_1374, %sub3A_1358 : vector<16xf32>
      %add3A_1376 = arith.addf %gather3A_1352, %mul3A_1375 : vector<16xf32>
      %swap3A_1377 = arith.constant 0 : i32
      %swap3A_1378 = arith.index_cast %swap3A_1377 : i32 to index
      %swap3A_1379 = arith.index_cast %scan3A_829 : i32 to index
      %swap3A_1380 = arith.constant 32 : index
      %swap3A_1381 = tpu.vector_load %arg13[%swap3A_1378, %swap3A_1379, %swap3A_1380] {strides = array<i32>} : memref<3x128x128xf32, #tpu.memory_space<vmem>>, vector<16xf32>,
      tpu.vector_store %arg13[%swap3A_1378, %swap3A_1379, %swap3A_1380], %add3A_1376 {strides = array<i32>} : memref<3x128x128xf32, #tpu.memory_space<vmem>>, vector<16xf32>,
      %mul3A_1382 = arith.mulf %mul3A_1374, %sub3A_1359 : vector<16xf32>
      %add3A_1383 = arith.addf %gather3A_1353, %mul3A_1382 : vector<16xf32>
      %swap3A_1384 = arith.constant 1 : i32
      %swap3A_1385 = arith.index_cast %swap3A_1384 : i32 to index
      %swap3A_1386 = arith.index_cast %scan3A_829 : i32 to index
      %swap3A_1387 = arith.constant 32 : index
      %swap3A_1388 = tpu.vector_load %arg13[%swap3A_1385, %swap3A_1386, %swap3A_1387] {strides = array<i32>} : memref<3x128x128xf32, #tpu.memory_space<vmem>>, vector<16xf32>,
      tpu.vector_store %arg13[%swap3A_1385, %swap3A_1386, %swap3A_1387], %add3A_1383 {strides = array<i32>} : memref<3x128x128xf32, #tpu.memory_space<vmem>>, vector<16xf32>,
      %mul3A_1389 = arith.mulf %mul3A_1374, %sub3A_1360 : vector<16xf32>
      %add3A_1390 = arith.addf %gather3A_1354, %mul3A_1389 : vector<16xf32>
      %swap3A_1391 = arith.constant 2 : i32
      %swap3A_1392 = arith.index_cast %swap3A_1391 : i32 to index
      %swap3A_1393 = arith.index_cast %scan3A_829 : i32 to index
      %swap3A_1394 = arith.constant 32 : index
      %swap3A_1395 = tpu.vector_load %arg13[%swap3A_1392, %swap3A_1393, %swap3A_1394] {strides = array<i32>} : memref<3x128x128xf32, #tpu.memory_space<vmem>>, vector<16xf32>,
      tpu.vector_store %arg13[%swap3A_1392, %swap3A_1393, %swap3A_1394], %add3A_1390 {strides = array<i32>} : memref<3x128x128xf32, #tpu.memory_space<vmem>>, vector<16xf32>,
      %gather3A_1396 = tpu.vector_load_idx %arg8[%broadcast_in_dim3A_830, %select_n3A_1232] : memref<128x65xf32, #tpu.memory_space<vmem>>[vector<16xi32>, vector<16xi32>], vector<16xf32>,
      %sub3A_1397 = arith.subf %get3A_841, %gather3A_1396 : vector<16xf32>
      %add3A_1398 = arith.constant 1 : i32
      %add3A_1399 = vector.broadcast %add3A_1398 : i32 to vector<16xi32>
      %add3A_1400 = arith.addi %select_n3A_1232, %add3A_1399 : vector<16xi32>
      %gather3A_1401 = tpu.vector_load_idx %arg9[%broadcast_in_dim3A_830, %select_n3A_1232] : memref<128x65xf32, #tpu.memory_space<vmem>>[vector<16xi32>, vector<16xi32>], vector<16xf32>,
      %gather3A_1402 = tpu.vector_load_idx %arg10[%broadcast_in_dim3A_830, %select_n3A_1232] : memref<128x65xf32, #tpu.memory_space<vmem>>[vector<16xi32>, vector<16xi32>], vector<16xf32>,
      %gather3A_1403 = tpu.vector_load_idx %arg11[%broadcast_in_dim3A_830, %select_n3A_1232] : memref<128x65xf32, #tpu.memory_space<vmem>>[vector<16xi32>, vector<16xi32>], vector<16xf32>,
      %gather3A_1404 = tpu.vector_load_idx %arg9[%broadcast_in_dim3A_830, %add3A_1400] : memref<128x65xf32, #tpu.memory_space<vmem>>[vector<16xi32>, vector<16xi32>], vector<16xf32>,
      %gather3A_1405 = tpu.vector_load_idx %arg10[%broadcast_in_dim3A_830, %add3A_1400] : memref<128x65xf32, #tpu.memory_space<vmem>>[vector<16xi32>, vector<16xi32>], vector<16xf32>,
      %gather3A_1406 = tpu.vector_load_idx %arg11[%broadcast_in_dim3A_830, %add3A_1400] : memref<128x65xf32, #tpu.memory_space<vmem>>[vector<16xi32>, vector<16xi32>], vector<16xf32>,
      %sub3A_1407 = arith.subf %gather3A_1404, %gather3A_1401 : vector<16xf32>
      %sub3A_1408 = arith.subf %gather3A_1405, %gather3A_1402 : vector<16xf32>
      %sub3A_1409 = arith.subf %gather3A_1406, %gather3A_1403 : vector<16xf32>
      %mul3A_1410 = arith.mulf %sub3A_1407, %sub3A_1407 : vector<16xf32>
      %mul3A_1411 = arith.mulf %sub3A_1408, %sub3A_1408 : vector<16xf32>
      %add3A_1412 = arith.addf %mul3A_1410, %mul3A_1411 : vector<16xf32>
      %mul3A_1413 = arith.mulf %sub3A_1409, %sub3A_1409 : vector<16xf32>
      %add3A_1414 = arith.addf %add3A_1412, %mul3A_1413 : vector<16xf32>
      %bitcast_convert_type3A_1415 = tpu.bitcast %add3A_1414 : vector<16xf32> -> vector<16xi32>
      %shift_right_arithmetic3A_1416 = arith.constant 1 : i32
      %shift_right_arithmetic3A_1417 = vector.broadcast %shift_right_arithmetic3A_1416 : i32 to vector<16xi32>
      %shift_right_arithmetic3A_1418 = arith.shrsi %bitcast_convert_type3A_1415, %shift_right_arithmetic3A_1417 : vector<16xi32>
      %sub3A_1419 = arith.constant 1597463007 : i32
      %sub3A_1420 = vector.broadcast %sub3A_1419 : i32 to vector<16xi32>
      %sub3A_1421 = arith.subi %sub3A_1420, %shift_right_arithmetic3A_1418 : vector<16xi32>
      %bitcast_convert_type3A_1422 = tpu.bitcast %sub3A_1421 : vector<16xi32> -> vector<16xf32>
      %mul3A_1423 = arith.mulf %sub3A_1397, %bitcast_convert_type3A_1422 : vector<16xf32>
      %mul3A_1424 = arith.mulf %mul3A_1423, %sub3A_1407 : vector<16xf32>
      %add3A_1425 = arith.addf %gather3A_1401, %mul3A_1424 : vector<16xf32>
      %swap3A_1426 = arith.constant 0 : i32
      %swap3A_1427 = arith.index_cast %swap3A_1426 : i32 to index
      %swap3A_1428 = arith.index_cast %scan3A_829 : i32 to index
      %swap3A_1429 = arith.constant 48 : index
      %swap3A_1430 = tpu.vector_load %arg13[%swap3A_1427, %swap3A_1428, %swap3A_1429] {strides = array<i32>} : memref<3x128x128xf32, #tpu.memory_space<vmem>>, vector<16xf32>,
      tpu.vector_store %arg13[%swap3A_1427, %swap3A_1428, %swap3A_1429], %add3A_1425 {strides = array<i32>} : memref<3x128x128xf32, #tpu.memory_space<vmem>>, vector<16xf32>,
      %mul3A_1431 = arith.mulf %mul3A_1423, %sub3A_1408 : vector<16xf32>
      %add3A_1432 = arith.addf %gather3A_1402, %mul3A_1431 : vector<16xf32>
      %swap3A_1433 = arith.constant 1 : i32
      %swap3A_1434 = arith.index_cast %swap3A_1433 : i32 to index
      %swap3A_1435 = arith.index_cast %scan3A_829 : i32 to index
      %swap3A_1436 = arith.constant 48 : index
      %swap3A_1437 = tpu.vector_load %arg13[%swap3A_1434, %swap3A_1435, %swap3A_1436] {strides = array<i32>} : memref<3x128x128xf32, #tpu.memory_space<vmem>>, vector<16xf32>,
      tpu.vector_store %arg13[%swap3A_1434, %swap3A_1435, %swap3A_1436], %add3A_1432 {strides = array<i32>} : memref<3x128x128xf32, #tpu.memory_space<vmem>>, vector<16xf32>,
      %mul3A_1438 = arith.mulf %mul3A_1423, %sub3A_1409 : vector<16xf32>
      %add3A_1439 = arith.addf %gather3A_1403, %mul3A_1438 : vector<16xf32>
      %swap3A_1440 = arith.constant 2 : i32
      %swap3A_1441 = arith.index_cast %swap3A_1440 : i32 to index
      %swap3A_1442 = arith.index_cast %scan3A_829 : i32 to index
      %swap3A_1443 = arith.constant 48 : index
      %swap3A_1444 = tpu.vector_load %arg13[%swap3A_1441, %swap3A_1442, %swap3A_1443] {strides = array<i32>} : memref<3x128x128xf32, #tpu.memory_space<vmem>>, vector<16xf32>,
      tpu.vector_store %arg13[%swap3A_1441, %swap3A_1442, %swap3A_1443], %add3A_1439 {strides = array<i32>} : memref<3x128x128xf32, #tpu.memory_space<vmem>>, vector<16xf32>,
      %gather3A_1445 = tpu.vector_load_idx %arg8[%broadcast_in_dim3A_830, %select_n3A_1237] : memref<128x65xf32, #tpu.memory_space<vmem>>[vector<16xi32>, vector<16xi32>], vector<16xf32>,
      %sub3A_1446 = arith.subf %get3A_844, %gather3A_1445 : vector<16xf32>
      %add3A_1447 = arith.constant 1 : i32
      %add3A_1448 = vector.broadcast %add3A_1447 : i32 to vector<16xi32>
      %add3A_1449 = arith.addi %select_n3A_1237, %add3A_1448 : vector<16xi32>
      %gather3A_1450 = tpu.vector_load_idx %arg9[%broadcast_in_dim3A_830, %select_n3A_1237] : memref<128x65xf32, #tpu.memory_space<vmem>>[vector<16xi32>, vector<16xi32>], vector<16xf32>,
      %gather3A_1451 = tpu.vector_load_idx %arg10[%broadcast_in_dim3A_830, %select_n3A_1237] : memref<128x65xf32, #tpu.memory_space<vmem>>[vector<16xi32>, vector<16xi32>], vector<16xf32>,
      %gather3A_1452 = tpu.vector_load_idx %arg11[%broadcast_in_dim3A_830, %select_n3A_1237] : memref<128x65xf32, #tpu.memory_space<vmem>>[vector<16xi32>, vector<16xi32>], vector<16xf32>,
      %gather3A_1453 = tpu.vector_load_idx %arg9[%broadcast_in_dim3A_830, %add3A_1449] : memref<128x65xf32, #tpu.memory_space<vmem>>[vector<16xi32>, vector<16xi32>], vector<16xf32>,
      %gather3A_1454 = tpu.vector_load_idx %arg10[%broadcast_in_dim3A_830, %add3A_1449] : memref<128x65xf32, #tpu.memory_space<vmem>>[vector<16xi32>, vector<16xi32>], vector<16xf32>,
      %gather3A_1455 = tpu.vector_load_idx %arg11[%broadcast_in_dim3A_830, %add3A_1449] : memref<128x65xf32, #tpu.memory_space<vmem>>[vector<16xi32>, vector<16xi32>], vector<16xf32>,
      %sub3A_1456 = arith.subf %gather3A_1453, %gather3A_1450 : vector<16xf32>
      %sub3A_1457 = arith.subf %gather3A_1454, %gather3A_1451 : vector<16xf32>
      %sub3A_1458 = arith.subf %gather3A_1455, %gather3A_1452 : vector<16xf32>
      %mul3A_1459 = arith.mulf %sub3A_1456, %sub3A_1456 : vector<16xf32>
      %mul3A_1460 = arith.mulf %sub3A_1457, %sub3A_1457 : vector<16xf32>
      %add3A_1461 = arith.addf %mul3A_1459, %mul3A_1460 : vector<16xf32>
      %mul3A_1462 = arith.mulf %sub3A_1458, %sub3A_1458 : vector<16xf32>
      %add3A_1463 = arith.addf %add3A_1461, %mul3A_1462 : vector<16xf32>
      %bitcast_convert_type3A_1464 = tpu.bitcast %add3A_1463 : vector<16xf32> -> vector<16xi32>
      %shift_right_arithmetic3A_1465 = arith.constant 1 : i32
      %shift_right_arithmetic3A_1466 = vector.broadcast %shift_right_arithmetic3A_1465 : i32 to vector<16xi32>
      %shift_right_arithmetic3A_1467 = arith.shrsi %bitcast_convert_type3A_1464, %shift_right_arithmetic3A_1466 : vector<16xi32>
      %sub3A_1468 = arith.constant 1597463007 : i32
      %sub3A_1469 = vector.broadcast %sub3A_1468 : i32 to vector<16xi32>
      %sub3A_1470 = arith.subi %sub3A_1469, %shift_right_arithmetic3A_1467 : vector<16xi32>
      %bitcast_convert_type3A_1471 = tpu.bitcast %sub3A_1470 : vector<16xi32> -> vector<16xf32>
      %mul3A_1472 = arith.mulf %sub3A_1446, %bitcast_convert_type3A_1471 : vector<16xf32>
      %mul3A_1473 = arith.mulf %mul3A_1472, %sub3A_1456 : vector<16xf32>
      %add3A_1474 = arith.addf %gather3A_1450, %mul3A_1473 : vector<16xf32>
      %swap3A_1475 = arith.constant 0 : i32
      %swap3A_1476 = arith.index_cast %swap3A_1475 : i32 to index
      %swap3A_1477 = arith.index_cast %scan3A_829 : i32 to index
      %swap3A_1478 = arith.constant 64 : index
      %swap3A_1479 = tpu.vector_load %arg13[%swap3A_1476, %swap3A_1477, %swap3A_1478] {strides = array<i32>} : memref<3x128x128xf32, #tpu.memory_space<vmem>>, vector<16xf32>,
      tpu.vector_store %arg13[%swap3A_1476, %swap3A_1477, %swap3A_1478], %add3A_1474 {strides = array<i32>} : memref<3x128x128xf32, #tpu.memory_space<vmem>>, vector<16xf32>,
      %mul3A_1480 = arith.mulf %mul3A_1472, %sub3A_1457 : vector<16xf32>
      %add3A_1481 = arith.addf %gather3A_1451, %mul3A_1480 : vector<16xf32>
      %swap3A_1482 = arith.constant 1 : i32
      %swap3A_1483 = arith.index_cast %swap3A_1482 : i32 to index
      %swap3A_1484 = arith.index_cast %scan3A_829 : i32 to index
      %swap3A_1485 = arith.constant 64 : index
      %swap3A_1486 = tpu.vector_load %arg13[%swap3A_1483, %swap3A_1484, %swap3A_1485] {strides = array<i32>} : memref<3x128x128xf32, #tpu.memory_space<vmem>>, vector<16xf32>,
      tpu.vector_store %arg13[%swap3A_1483, %swap3A_1484, %swap3A_1485], %add3A_1481 {strides = array<i32>} : memref<3x128x128xf32, #tpu.memory_space<vmem>>, vector<16xf32>,
      %mul3A_1487 = arith.mulf %mul3A_1472, %sub3A_1458 : vector<16xf32>
      %add3A_1488 = arith.addf %gather3A_1452, %mul3A_1487 : vector<16xf32>
      %swap3A_1489 = arith.constant 2 : i32
      %swap3A_1490 = arith.index_cast %swap3A_1489 : i32 to index
      %swap3A_1491 = arith.index_cast %scan3A_829 : i32 to index
      %swap3A_1492 = arith.constant 64 : index
      %swap3A_1493 = tpu.vector_load %arg13[%swap3A_1490, %swap3A_1491, %swap3A_1492] {strides = array<i32>} : memref<3x128x128xf32, #tpu.memory_space<vmem>>, vector<16xf32>,
      tpu.vector_store %arg13[%swap3A_1490, %swap3A_1491, %swap3A_1492], %add3A_1488 {strides = array<i32>} : memref<3x128x128xf32, #tpu.memory_space<vmem>>, vector<16xf32>,
      %gather3A_1494 = tpu.vector_load_idx %arg8[%broadcast_in_dim3A_830, %select_n3A_1242] : memref<128x65xf32, #tpu.memory_space<vmem>>[vector<16xi32>, vector<16xi32>], vector<16xf32>,
      %sub3A_1495 = arith.subf %get3A_847, %gather3A_1494 : vector<16xf32>
      %add3A_1496 = arith.constant 1 : i32
      %add3A_1497 = vector.broadcast %add3A_1496 : i32 to vector<16xi32>
      %add3A_1498 = arith.addi %select_n3A_1242, %add3A_1497 : vector<16xi32>
      %gather3A_1499 = tpu.vector_load_idx %arg9[%broadcast_in_dim3A_830, %select_n3A_1242] : memref<128x65xf32, #tpu.memory_space<vmem>>[vector<16xi32>, vector<16xi32>], vector<16xf32>,
      %gather3A_1500 = tpu.vector_load_idx %arg10[%broadcast_in_dim3A_830, %select_n3A_1242] : memref<128x65xf32, #tpu.memory_space<vmem>>[vector<16xi32>, vector<16xi32>], vector<16xf32>,
      %gather3A_1501 = tpu.vector_load_idx %arg11[%broadcast_in_dim3A_830, %select_n3A_1242] : memref<128x65xf32, #tpu.memory_space<vmem>>[vector<16xi32>, vector<16xi32>], vector<16xf32>,
      %gather3A_1502 = tpu.vector_load_idx %arg9[%broadcast_in_dim3A_830, %add3A_1498] : memref<128x65xf32, #tpu.memory_space<vmem>>[vector<16xi32>, vector<16xi32>], vector<16xf32>,
      %gather3A_1503 = tpu.vector_load_idx %arg10[%broadcast_in_dim3A_830, %add3A_1498] : memref<128x65xf32, #tpu.memory_space<vmem>>[vector<16xi32>, vector<16xi32>], vector<16xf32>,
      %gather3A_1504 = tpu.vector_load_idx %arg11[%broadcast_in_dim3A_830, %add3A_1498] : memref<128x65xf32, #tpu.memory_space<vmem>>[vector<16xi32>, vector<16xi32>], vector<16xf32>,
      %sub3A_1505 = arith.subf %gather3A_1502, %gather3A_1499 : vector<16xf32>
      %sub3A_1506 = arith.subf %gather3A_1503, %gather3A_1500 : vector<16xf32>
      %sub3A_1507 = arith.subf %gather3A_1504, %gather3A_1501 : vector<16xf32>
      %mul3A_1508 = arith.mulf %sub3A_1505, %sub3A_1505 : vector<16xf32>
      %mul3A_1509 = arith.mulf %sub3A_1506, %sub3A_1506 : vector<16xf32>
      %add3A_1510 = arith.addf %mul3A_1508, %mul3A_1509 : vector<16xf32>
      %mul3A_1511 = arith.mulf %sub3A_1507, %sub3A_1507 : vector<16xf32>
      %add3A_1512 = arith.addf %add3A_1510, %mul3A_1511 : vector<16xf32>
      %bitcast_convert_type3A_1513 = tpu.bitcast %add3A_1512 : vector<16xf32> -> vector<16xi32>
      %shift_right_arithmetic3A_1514 = arith.constant 1 : i32
      %shift_right_arithmetic3A_1515 = vector.broadcast %shift_right_arithmetic3A_1514 : i32 to vector<16xi32>
      %shift_right_arithmetic3A_1516 = arith.shrsi %bitcast_convert_type3A_1513, %shift_right_arithmetic3A_1515 : vector<16xi32>
      %sub3A_1517 = arith.constant 1597463007 : i32
      %sub3A_1518 = vector.broadcast %sub3A_1517 : i32 to vector<16xi32>
      %sub3A_1519 = arith.subi %sub3A_1518, %shift_right_arithmetic3A_1516 : vector<16xi32>
      %bitcast_convert_type3A_1520 = tpu.bitcast %sub3A_1519 : vector<16xi32> -> vector<16xf32>
      %mul3A_1521 = arith.mulf %sub3A_1495, %bitcast_convert_type3A_1520 : vector<16xf32>
      %mul3A_1522 = arith.mulf %mul3A_1521, %sub3A_1505 : vector<16xf32>
      %add3A_1523 = arith.addf %gather3A_1499, %mul3A_1522 : vector<16xf32>
      %swap3A_1524 = arith.constant 0 : i32
      %swap3A_1525 = arith.index_cast %swap3A_1524 : i32 to index
      %swap3A_1526 = arith.index_cast %scan3A_829 : i32 to index
      %swap3A_1527 = arith.constant 80 : index
      %swap3A_1528 = tpu.vector_load %arg13[%swap3A_1525, %swap3A_1526, %swap3A_1527] {strides = array<i32>} : memref<3x128x128xf32, #tpu.memory_space<vmem>>, vector<16xf32>,
      tpu.vector_store %arg13[%swap3A_1525, %swap3A_1526, %swap3A_1527], %add3A_1523 {strides = array<i32>} : memref<3x128x128xf32, #tpu.memory_space<vmem>>, vector<16xf32>,
      %mul3A_1529 = arith.mulf %mul3A_1521, %sub3A_1506 : vector<16xf32>
      %add3A_1530 = arith.addf %gather3A_1500, %mul3A_1529 : vector<16xf32>
      %swap3A_1531 = arith.constant 1 : i32
      %swap3A_1532 = arith.index_cast %swap3A_1531 : i32 to index
      %swap3A_1533 = arith.index_cast %scan3A_829 : i32 to index
      %swap3A_1534 = arith.constant 80 : index
      %swap3A_1535 = tpu.vector_load %arg13[%swap3A_1532, %swap3A_1533, %swap3A_1534] {strides = array<i32>} : memref<3x128x128xf32, #tpu.memory_space<vmem>>, vector<16xf32>,
      tpu.vector_store %arg13[%swap3A_1532, %swap3A_1533, %swap3A_1534], %add3A_1530 {strides = array<i32>} : memref<3x128x128xf32, #tpu.memory_space<vmem>>, vector<16xf32>,
      %mul3A_1536 = arith.mulf %mul3A_1521, %sub3A_1507 : vector<16xf32>
      %add3A_1537 = arith.addf %gather3A_1501, %mul3A_1536 : vector<16xf32>
      %swap3A_1538 = arith.constant 2 : i32
      %swap3A_1539 = arith.index_cast %swap3A_1538 : i32 to index
      %swap3A_1540 = arith.index_cast %scan3A_829 : i32 to index
      %swap3A_1541 = arith.constant 80 : index
      %swap3A_1542 = tpu.vector_load %arg13[%swap3A_1539, %swap3A_1540, %swap3A_1541] {strides = array<i32>} : memref<3x128x128xf32, #tpu.memory_space<vmem>>, vector<16xf32>,
      tpu.vector_store %arg13[%swap3A_1539, %swap3A_1540, %swap3A_1541], %add3A_1537 {strides = array<i32>} : memref<3x128x128xf32, #tpu.memory_space<vmem>>, vector<16xf32>,
      %gather3A_1543 = tpu.vector_load_idx %arg8[%broadcast_in_dim3A_830, %select_n3A_1247] : memref<128x65xf32, #tpu.memory_space<vmem>>[vector<16xi32>, vector<16xi32>], vector<16xf32>,
      %sub3A_1544 = arith.subf %get3A_850, %gather3A_1543 : vector<16xf32>
      %add3A_1545 = arith.constant 1 : i32
      %add3A_1546 = vector.broadcast %add3A_1545 : i32 to vector<16xi32>
      %add3A_1547 = arith.addi %select_n3A_1247, %add3A_1546 : vector<16xi32>
      %gather3A_1548 = tpu.vector_load_idx %arg9[%broadcast_in_dim3A_830, %select_n3A_1247] : memref<128x65xf32, #tpu.memory_space<vmem>>[vector<16xi32>, vector<16xi32>], vector<16xf32>,
      %gather3A_1549 = tpu.vector_load_idx %arg10[%broadcast_in_dim3A_830, %select_n3A_1247] : memref<128x65xf32, #tpu.memory_space<vmem>>[vector<16xi32>, vector<16xi32>], vector<16xf32>,
      %gather3A_1550 = tpu.vector_load_idx %arg11[%broadcast_in_dim3A_830, %select_n3A_1247] : memref<128x65xf32, #tpu.memory_space<vmem>>[vector<16xi32>, vector<16xi32>], vector<16xf32>,
      %gather3A_1551 = tpu.vector_load_idx %arg9[%broadcast_in_dim3A_830, %add3A_1547] : memref<128x65xf32, #tpu.memory_space<vmem>>[vector<16xi32>, vector<16xi32>], vector<16xf32>,
      %gather3A_1552 = tpu.vector_load_idx %arg10[%broadcast_in_dim3A_830, %add3A_1547] : memref<128x65xf32, #tpu.memory_space<vmem>>[vector<16xi32>, vector<16xi32>], vector<16xf32>,
      %gather3A_1553 = tpu.vector_load_idx %arg11[%broadcast_in_dim3A_830, %add3A_1547] : memref<128x65xf32, #tpu.memory_space<vmem>>[vector<16xi32>, vector<16xi32>], vector<16xf32>,
      %sub3A_1554 = arith.subf %gather3A_1551, %gather3A_1548 : vector<16xf32>
      %sub3A_1555 = arith.subf %gather3A_1552, %gather3A_1549 : vector<16xf32>
      %sub3A_1556 = arith.subf %gather3A_1553, %gather3A_1550 : vector<16xf32>
      %mul3A_1557 = arith.mulf %sub3A_1554, %sub3A_1554 : vector<16xf32>
      %mul3A_1558 = arith.mulf %sub3A_1555, %sub3A_1555 : vector<16xf32>
      %add3A_1559 = arith.addf %mul3A_1557, %mul3A_1558 : vector<16xf32>
      %mul3A_1560 = arith.mulf %sub3A_1556, %sub3A_1556 : vector<16xf32>
      %add3A_1561 = arith.addf %add3A_1559, %mul3A_1560 : vector<16xf32>
      %bitcast_convert_type3A_1562 = tpu.bitcast %add3A_1561 : vector<16xf32> -> vector<16xi32>
      %shift_right_arithmetic3A_1563 = arith.constant 1 : i32
      %shift_right_arithmetic3A_1564 = vector.broadcast %shift_right_arithmetic3A_1563 : i32 to vector<16xi32>
      %shift_right_arithmetic3A_1565 = arith.shrsi %bitcast_convert_type3A_1562, %shift_right_arithmetic3A_1564 : vector<16xi32>
      %sub3A_1566 = arith.constant 1597463007 : i32
      %sub3A_1567 = vector.broadcast %sub3A_1566 : i32 to vector<16xi32>
      %sub3A_1568 = arith.subi %sub3A_1567, %shift_right_arithmetic3A_1565 : vector<16xi32>
      %bitcast_convert_type3A_1569 = tpu.bitcast %sub3A_1568 : vector<16xi32> -> vector<16xf32>
      %mul3A_1570 = arith.mulf %sub3A_1544, %bitcast_convert_type3A_1569 : vector<16xf32>
      %mul3A_1571 = arith.mulf %mul3A_1570, %sub3A_1554 : vector<16xf32>
      %add3A_1572 = arith.addf %gather3A_1548, %mul3A_1571 : vector<16xf32>
      %swap3A_1573 = arith.constant 0 : i32
      %swap3A_1574 = arith.index_cast %swap3A_1573 : i32 to index
      %swap3A_1575 = arith.index_cast %scan3A_829 : i32 to index
      %swap3A_1576 = arith.constant 96 : index
      %swap3A_1577 = tpu.vector_load %arg13[%swap3A_1574, %swap3A_1575, %swap3A_1576] {strides = array<i32>} : memref<3x128x128xf32, #tpu.memory_space<vmem>>, vector<16xf32>,
      tpu.vector_store %arg13[%swap3A_1574, %swap3A_1575, %swap3A_1576], %add3A_1572 {strides = array<i32>} : memref<3x128x128xf32, #tpu.memory_space<vmem>>, vector<16xf32>,
      %mul3A_1578 = arith.mulf %mul3A_1570, %sub3A_1555 : vector<16xf32>
      %add3A_1579 = arith.addf %gather3A_1549, %mul3A_1578 : vector<16xf32>
      %swap3A_1580 = arith.constant 1 : i32
      %swap3A_1581 = arith.index_cast %swap3A_1580 : i32 to index
      %swap3A_1582 = arith.index_cast %scan3A_829 : i32 to index
      %swap3A_1583 = arith.constant 96 : index
      %swap3A_1584 = tpu.vector_load %arg13[%swap3A_1581, %swap3A_1582, %swap3A_1583] {strides = array<i32>} : memref<3x128x128xf32, #tpu.memory_space<vmem>>, vector<16xf32>,
      tpu.vector_store %arg13[%swap3A_1581, %swap3A_1582, %swap3A_1583], %add3A_1579 {strides = array<i32>} : memref<3x128x128xf32, #tpu.memory_space<vmem>>, vector<16xf32>,
      %mul3A_1585 = arith.mulf %mul3A_1570, %sub3A_1556 : vector<16xf32>
      %add3A_1586 = arith.addf %gather3A_1550, %mul3A_1585 : vector<16xf32>
      %swap3A_1587 = arith.constant 2 : i32
      %swap3A_1588 = arith.index_cast %swap3A_1587 : i32 to index
      %swap3A_1589 = arith.index_cast %scan3A_829 : i32 to index
      %swap3A_1590 = arith.constant 96 : index
      %swap3A_1591 = tpu.vector_load %arg13[%swap3A_1588, %swap3A_1589, %swap3A_1590] {strides = array<i32>} : memref<3x128x128xf32, #tpu.memory_space<vmem>>, vector<16xf32>,
      tpu.vector_store %arg13[%swap3A_1588, %swap3A_1589, %swap3A_1590], %add3A_1586 {strides = array<i32>} : memref<3x128x128xf32, #tpu.memory_space<vmem>>, vector<16xf32>,
      %gather3A_1592 = tpu.vector_load_idx %arg8[%broadcast_in_dim3A_830, %select_n3A_1252] : memref<128x65xf32, #tpu.memory_space<vmem>>[vector<16xi32>, vector<16xi32>], vector<16xf32>,
      %sub3A_1593 = arith.subf %get3A_853, %gather3A_1592 : vector<16xf32>
      %add3A_1594 = arith.constant 1 : i32
      %add3A_1595 = vector.broadcast %add3A_1594 : i32 to vector<16xi32>
      %add3A_1596 = arith.addi %select_n3A_1252, %add3A_1595 : vector<16xi32>
      %gather3A_1597 = tpu.vector_load_idx %arg9[%broadcast_in_dim3A_830, %select_n3A_1252] : memref<128x65xf32, #tpu.memory_space<vmem>>[vector<16xi32>, vector<16xi32>], vector<16xf32>,
      %gather3A_1598 = tpu.vector_load_idx %arg10[%broadcast_in_dim3A_830, %select_n3A_1252] : memref<128x65xf32, #tpu.memory_space<vmem>>[vector<16xi32>, vector<16xi32>], vector<16xf32>,
      %gather3A_1599 = tpu.vector_load_idx %arg11[%broadcast_in_dim3A_830, %select_n3A_1252] : memref<128x65xf32, #tpu.memory_space<vmem>>[vector<16xi32>, vector<16xi32>], vector<16xf32>,
      %gather3A_1600 = tpu.vector_load_idx %arg9[%broadcast_in_dim3A_830, %add3A_1596] : memref<128x65xf32, #tpu.memory_space<vmem>>[vector<16xi32>, vector<16xi32>], vector<16xf32>,
      %gather3A_1601 = tpu.vector_load_idx %arg10[%broadcast_in_dim3A_830, %add3A_1596] : memref<128x65xf32, #tpu.memory_space<vmem>>[vector<16xi32>, vector<16xi32>], vector<16xf32>,
      %gather3A_1602 = tpu.vector_load_idx %arg11[%broadcast_in_dim3A_830, %add3A_1596] : memref<128x65xf32, #tpu.memory_space<vmem>>[vector<16xi32>, vector<16xi32>], vector<16xf32>,
      %sub3A_1603 = arith.subf %gather3A_1600, %gather3A_1597 : vector<16xf32>
      %sub3A_1604 = arith.subf %gather3A_1601, %gather3A_1598 : vector<16xf32>
      %sub3A_1605 = arith.subf %gather3A_1602, %gather3A_1599 : vector<16xf32>
      %mul3A_1606 = arith.mulf %sub3A_1603, %sub3A_1603 : vector<16xf32>
      %mul3A_1607 = arith.mulf %sub3A_1604, %sub3A_1604 : vector<16xf32>
      %add3A_1608 = arith.addf %mul3A_1606, %mul3A_1607 : vector<16xf32>
      %mul3A_1609 = arith.mulf %sub3A_1605, %sub3A_1605 : vector<16xf32>
      %add3A_1610 = arith.addf %add3A_1608, %mul3A_1609 : vector<16xf32>
      %bitcast_convert_type3A_1611 = tpu.bitcast %add3A_1610 : vector<16xf32> -> vector<16xi32>
      %shift_right_arithmetic3A_1612 = arith.constant 1 : i32
      %shift_right_arithmetic3A_1613 = vector.broadcast %shift_right_arithmetic3A_1612 : i32 to vector<16xi32>
      %shift_right_arithmetic3A_1614 = arith.shrsi %bitcast_convert_type3A_1611, %shift_right_arithmetic3A_1613 : vector<16xi32>
      %sub3A_1615 = arith.constant 1597463007 : i32
      %sub3A_1616 = vector.broadcast %sub3A_1615 : i32 to vector<16xi32>
      %sub3A_1617 = arith.subi %sub3A_1616, %shift_right_arithmetic3A_1614 : vector<16xi32>
      %bitcast_convert_type3A_1618 = tpu.bitcast %sub3A_1617 : vector<16xi32> -> vector<16xf32>
      %mul3A_1619 = arith.mulf %sub3A_1593, %bitcast_convert_type3A_1618 : vector<16xf32>
      %mul3A_1620 = arith.mulf %mul3A_1619, %sub3A_1603 : vector<16xf32>
      %add3A_1621 = arith.addf %gather3A_1597, %mul3A_1620 : vector<16xf32>
      %swap3A_1622 = arith.constant 0 : i32
      %swap3A_1623 = arith.index_cast %swap3A_1622 : i32 to index
      %swap3A_1624 = arith.index_cast %scan3A_829 : i32 to index
      %swap3A_1625 = arith.constant 112 : index
      %swap3A_1626 = tpu.vector_load %arg13[%swap3A_1623, %swap3A_1624, %swap3A_1625] {strides = array<i32>} : memref<3x128x128xf32, #tpu.memory_space<vmem>>, vector<16xf32>,
      tpu.vector_store %arg13[%swap3A_1623, %swap3A_1624, %swap3A_1625], %add3A_1621 {strides = array<i32>} : memref<3x128x128xf32, #tpu.memory_space<vmem>>, vector<16xf32>,
      %mul3A_1627 = arith.mulf %mul3A_1619, %sub3A_1604 : vector<16xf32>
      %add3A_1628 = arith.addf %gather3A_1598, %mul3A_1627 : vector<16xf32>
      %swap3A_1629 = arith.constant 1 : i32
      %swap3A_1630 = arith.index_cast %swap3A_1629 : i32 to index
      %swap3A_1631 = arith.index_cast %scan3A_829 : i32 to index
      %swap3A_1632 = arith.constant 112 : index
      %swap3A_1633 = tpu.vector_load %arg13[%swap3A_1630, %swap3A_1631, %swap3A_1632] {strides = array<i32>} : memref<3x128x128xf32, #tpu.memory_space<vmem>>, vector<16xf32>,
      tpu.vector_store %arg13[%swap3A_1630, %swap3A_1631, %swap3A_1632], %add3A_1628 {strides = array<i32>} : memref<3x128x128xf32, #tpu.memory_space<vmem>>, vector<16xf32>,
      %mul3A_1634 = arith.mulf %mul3A_1619, %sub3A_1605 : vector<16xf32>
      %add3A_1635 = arith.addf %gather3A_1599, %mul3A_1634 : vector<16xf32>
      %swap3A_1636 = arith.constant 2 : i32
      %swap3A_1637 = arith.index_cast %swap3A_1636 : i32 to index
      %swap3A_1638 = arith.index_cast %scan3A_829 : i32 to index
      %swap3A_1639 = arith.constant 112 : index
      %swap3A_1640 = tpu.vector_load %arg13[%swap3A_1637, %swap3A_1638, %swap3A_1639] {strides = array<i32>} : memref<3x128x128xf32, #tpu.memory_space<vmem>>, vector<16xf32>,
      tpu.vector_store %arg13[%swap3A_1637, %swap3A_1638, %swap3A_1639], %add3A_1635 {strides = array<i32>} : memref<3x128x128xf32, #tpu.memory_space<vmem>>, vector<16xf32>,
    }
    %scan3A_586 = arith.constant 32 : i32
    %add3A_587 = arith.constant 96 : i32
    %add3A_588 = arith.addi %mul3A_2, %add3A_587 : i32
    %dma_start3A_589 = arith.constant 0 : i32
    %dma_start3A_590 = arith.constant 0 : i32
    %dma_start3A_591 = arith.constant 96 : i32
    %dma_start3A_592 = arith.constant 0 : i32
    %dma_start3A_593 = tpu.memref_slice %arg13[%dma_start3A_589, %dma_start3A_591, %dma_start3A_592] : memref<3x128x128xf32, #tpu.memory_space<vmem>> -> memref<1x32x128xf32, #tpu.memory_space<vmem>>
    %dma_start3A_594 = tpu.memref_squeeze %dma_start3A_593 : memref<1x32x128xf32, #tpu.memory_space<vmem>> -> memref<32x128xf32, #tpu.memory_space<vmem>>
    %dma_start3A_595 = arith.constant 0 : i32
    %dma_start3A_596 = tpu.memref_slice %arg7[%dma_start3A_590, %add3A_588, %dma_start3A_595] : memref<3x4096x128xf32, #tpu.memory_space<hbm>> -> memref<1x32x128xf32, #tpu.memory_space<hbm>>
    %dma_start3A_597 = tpu.memref_squeeze %dma_start3A_596 : memref<1x32x128xf32, #tpu.memory_space<hbm>> -> memref<32x128xf32, #tpu.memory_space<hbm>>
    %dma_start3A_598 = arith.constant 0 : i32
    %dma_start3A_599 = tpu.memref_slice %arg7[%dma_start3A_590, %add3A_588, %dma_start3A_598] : memref<3x4096x128xf32, #tpu.memory_space<hbm>> -> memref<1x32x128xf32, #tpu.memory_space<hbm>>
    %dma_start3A_600 = tpu.memref_squeeze %dma_start3A_599 : memref<1x32x128xf32, #tpu.memory_space<hbm>> -> memref<32x128xf32, #tpu.memory_space<hbm>>
    %dma_start3A_601 = arith.constant 96 : i32
    %dma_start3A_602 = arith.constant 0 : i32
    %dma_start3A_603 = tpu.memref_slice %arg13[%dma_start3A_589, %dma_start3A_601, %dma_start3A_602] : memref<3x128x128xf32, #tpu.memory_space<vmem>> -> memref<1x32x128xf32, #tpu.memory_space<vmem>>
    %dma_start3A_604 = tpu.memref_squeeze %dma_start3A_603 : memref<1x32x128xf32, #tpu.memory_space<vmem>> -> memref<32x128xf32, #tpu.memory_space<vmem>>
    tpu.enqueue_dma source(%dma_start3A_604 : memref<32x128xf32, #tpu.memory_space<vmem>>) target(%dma_start3A_600 : memref<32x128xf32, #tpu.memory_space<hbm>>) target_semaphore(%arg18 : memref<!tpu.dma_semaphore, #tpu.memory_space<semaphore_mem>>)
    %dma_start3A_605 = arith.constant 1 : i32
    %dma_start3A_606 = arith.constant 1 : i32
    %dma_start3A_607 = arith.constant 96 : i32
    %dma_start3A_608 = arith.constant 0 : i32
    %dma_start3A_609 = tpu.memref_slice %arg13[%dma_start3A_605, %dma_start3A_607, %dma_start3A_608] : memref<3x128x128xf32, #tpu.memory_space<vmem>> -> memref<1x32x128xf32, #tpu.memory_space<vmem>>
    %dma_start3A_610 = tpu.memref_squeeze %dma_start3A_609 : memref<1x32x128xf32, #tpu.memory_space<vmem>> -> memref<32x128xf32, #tpu.memory_space<vmem>>
    %dma_start3A_611 = arith.constant 0 : i32
    %dma_start3A_612 = tpu.memref_slice %arg7[%dma_start3A_606, %add3A_588, %dma_start3A_611] : memref<3x4096x128xf32, #tpu.memory_space<hbm>> -> memref<1x32x128xf32, #tpu.memory_space<hbm>>
    %dma_start3A_613 = tpu.memref_squeeze %dma_start3A_612 : memref<1x32x128xf32, #tpu.memory_space<hbm>> -> memref<32x128xf32, #tpu.memory_space<hbm>>
    %dma_start3A_614 = arith.constant 0 : i32
    %dma_start3A_615 = tpu.memref_slice %arg7[%dma_start3A_606, %add3A_588, %dma_start3A_614] : memref<3x4096x128xf32, #tpu.memory_space<hbm>> -> memref<1x32x128xf32, #tpu.memory_space<hbm>>
    %dma_start3A_616 = tpu.memref_squeeze %dma_start3A_615 : memref<1x32x128xf32, #tpu.memory_space<hbm>> -> memref<32x128xf32, #tpu.memory_space<hbm>>
    %dma_start3A_617 = arith.constant 96 : i32
    %dma_start3A_618 = arith.constant 0 : i32
    %dma_start3A_619 = tpu.memref_slice %arg13[%dma_start3A_605, %dma_start3A_617, %dma_start3A_618] : memref<3x128x128xf32, #tpu.memory_space<vmem>> -> memref<1x32x128xf32, #tpu.memory_space<vmem>>
    %dma_start3A_620 = tpu.memref_squeeze %dma_start3A_619 : memref<1x32x128xf32, #tpu.memory_space<vmem>> -> memref<32x128xf32, #tpu.memory_space<vmem>>
    tpu.enqueue_dma source(%dma_start3A_620 : memref<32x128xf32, #tpu.memory_space<vmem>>) target(%dma_start3A_616 : memref<32x128xf32, #tpu.memory_space<hbm>>) target_semaphore(%arg18 : memref<!tpu.dma_semaphore, #tpu.memory_space<semaphore_mem>>)
    %dma_start3A_621 = arith.constant 2 : i32
    %dma_start3A_622 = arith.constant 2 : i32
    %dma_start3A_623 = arith.constant 96 : i32
    %dma_start3A_624 = arith.constant 0 : i32
    %dma_start3A_625 = tpu.memref_slice %arg13[%dma_start3A_621, %dma_start3A_623, %dma_start3A_624] : memref<3x128x128xf32, #tpu.memory_space<vmem>> -> memref<1x32x128xf32, #tpu.memory_space<vmem>>
    %dma_start3A_626 = tpu.memref_squeeze %dma_start3A_625 : memref<1x32x128xf32, #tpu.memory_space<vmem>> -> memref<32x128xf32, #tpu.memory_space<vmem>>
    %dma_start3A_627 = arith.constant 0 : i32
    %dma_start3A_628 = tpu.memref_slice %arg7[%dma_start3A_622, %add3A_588, %dma_start3A_627] : memref<3x4096x128xf32, #tpu.memory_space<hbm>> -> memref<1x32x128xf32, #tpu.memory_space<hbm>>
    %dma_start3A_629 = tpu.memref_squeeze %dma_start3A_628 : memref<1x32x128xf32, #tpu.memory_space<hbm>> -> memref<32x128xf32, #tpu.memory_space<hbm>>
    %dma_start3A_630 = arith.constant 0 : i32
    %dma_start3A_631 = tpu.memref_slice %arg7[%dma_start3A_622, %add3A_588, %dma_start3A_630] : memref<3x4096x128xf32, #tpu.memory_space<hbm>> -> memref<1x32x128xf32, #tpu.memory_space<hbm>>
    %dma_start3A_632 = tpu.memref_squeeze %dma_start3A_631 : memref<1x32x128xf32, #tpu.memory_space<hbm>> -> memref<32x128xf32, #tpu.memory_space<hbm>>
    %dma_start3A_633 = arith.constant 96 : i32
    %dma_start3A_634 = arith.constant 0 : i32
    %dma_start3A_635 = tpu.memref_slice %arg13[%dma_start3A_621, %dma_start3A_633, %dma_start3A_634] : memref<3x128x128xf32, #tpu.memory_space<vmem>> -> memref<1x32x128xf32, #tpu.memory_space<vmem>>
    %dma_start3A_636 = tpu.memref_squeeze %dma_start3A_635 : memref<1x32x128xf32, #tpu.memory_space<vmem>> -> memref<32x128xf32, #tpu.memory_space<vmem>>
    tpu.enqueue_dma source(%dma_start3A_636 : memref<32x128xf32, #tpu.memory_space<vmem>>) target(%dma_start3A_632 : memref<32x128xf32, #tpu.memory_space<hbm>>) target_semaphore(%arg18 : memref<!tpu.dma_semaphore, #tpu.memory_space<semaphore_mem>>)
    %dma_wait3A_637 = arith.constant 0 : i32
    %dma_wait3A_638 = arith.constant 0 : i32
    %dma_wait3A_639 = arith.constant 0 : i32
    %dma_wait3A_640 = arith.constant 0 : i32
    %dma_wait3A_641 = tpu.memref_slice %arg13[%dma_wait3A_637, %dma_wait3A_639, %dma_wait3A_640] : memref<3x128x128xf32, #tpu.memory_space<vmem>> -> memref<1x32x128xf32, #tpu.memory_space<vmem>>
    %dma_wait3A_642 = tpu.memref_squeeze %dma_wait3A_641 : memref<1x32x128xf32, #tpu.memory_space<vmem>> -> memref<32x128xf32, #tpu.memory_space<vmem>>
    %dma_wait3A_643 = arith.constant 0 : i32
    %dma_wait3A_644 = tpu.memref_slice %arg7[%dma_wait3A_638, %add3A_270, %dma_wait3A_643] : memref<3x4096x128xf32, #tpu.memory_space<hbm>> -> memref<1x32x128xf32, #tpu.memory_space<hbm>>
    %dma_wait3A_645 = tpu.memref_squeeze %dma_wait3A_644 : memref<1x32x128xf32, #tpu.memory_space<hbm>> -> memref<32x128xf32, #tpu.memory_space<hbm>>
    %dma_wait3A_646 = arith.constant 0 : i32
    %dma_wait3A_647 = tpu.memref_slice %arg7[%dma_wait3A_638, %add3A_270, %dma_wait3A_646] : memref<3x4096x128xf32, #tpu.memory_space<hbm>> -> memref<1x32x128xf32, #tpu.memory_space<hbm>>
    %dma_wait3A_648 = tpu.memref_squeeze %dma_wait3A_647 : memref<1x32x128xf32, #tpu.memory_space<hbm>> -> memref<32x128xf32, #tpu.memory_space<hbm>>
    %dma_wait3A_649 = arith.constant 0 : i32
    %dma_wait3A_650 = arith.constant 0 : i32
    %dma_wait3A_651 = tpu.memref_slice %arg13[%dma_wait3A_637, %dma_wait3A_649, %dma_wait3A_650] : memref<3x128x128xf32, #tpu.memory_space<vmem>> -> memref<1x32x128xf32, #tpu.memory_space<vmem>>
    %dma_wait3A_652 = tpu.memref_squeeze %dma_wait3A_651 : memref<1x32x128xf32, #tpu.memory_space<vmem>> -> memref<32x128xf32, #tpu.memory_space<vmem>>
    tpu.wait_dma2 semaphore(%arg18 : memref<!tpu.dma_semaphore, #tpu.memory_space<semaphore_mem>>) src(%dma_wait3A_652 : memref<32x128xf32, #tpu.memory_space<vmem>>) dst(%dma_wait3A_648 : memref<32x128xf32, #tpu.memory_space<hbm>>)
    %dma_wait3A_653 = arith.constant 1 : i32
    %dma_wait3A_654 = arith.constant 1 : i32
    %dma_wait3A_655 = arith.constant 0 : i32
    %dma_wait3A_656 = arith.constant 0 : i32
    %dma_wait3A_657 = tpu.memref_slice %arg13[%dma_wait3A_653, %dma_wait3A_655, %dma_wait3A_656] : memref<3x128x128xf32, #tpu.memory_space<vmem>> -> memref<1x32x128xf32, #tpu.memory_space<vmem>>
    %dma_wait3A_658 = tpu.memref_squeeze %dma_wait3A_657 : memref<1x32x128xf32, #tpu.memory_space<vmem>> -> memref<32x128xf32, #tpu.memory_space<vmem>>
    %dma_wait3A_659 = arith.constant 0 : i32
    %dma_wait3A_660 = tpu.memref_slice %arg7[%dma_wait3A_654, %add3A_270, %dma_wait3A_659] : memref<3x4096x128xf32, #tpu.memory_space<hbm>> -> memref<1x32x128xf32, #tpu.memory_space<hbm>>
    %dma_wait3A_661 = tpu.memref_squeeze %dma_wait3A_660 : memref<1x32x128xf32, #tpu.memory_space<hbm>> -> memref<32x128xf32, #tpu.memory_space<hbm>>
    %dma_wait3A_662 = arith.constant 0 : i32
    %dma_wait3A_663 = tpu.memref_slice %arg7[%dma_wait3A_654, %add3A_270, %dma_wait3A_662] : memref<3x4096x128xf32, #tpu.memory_space<hbm>> -> memref<1x32x128xf32, #tpu.memory_space<hbm>>
    %dma_wait3A_664 = tpu.memref_squeeze %dma_wait3A_663 : memref<1x32x128xf32, #tpu.memory_space<hbm>> -> memref<32x128xf32, #tpu.memory_space<hbm>>
    %dma_wait3A_665 = arith.constant 0 : i32
    %dma_wait3A_666 = arith.constant 0 : i32
    %dma_wait3A_667 = tpu.memref_slice %arg13[%dma_wait3A_653, %dma_wait3A_665, %dma_wait3A_666] : memref<3x128x128xf32, #tpu.memory_space<vmem>> -> memref<1x32x128xf32, #tpu.memory_space<vmem>>
    %dma_wait3A_668 = tpu.memref_squeeze %dma_wait3A_667 : memref<1x32x128xf32, #tpu.memory_space<vmem>> -> memref<32x128xf32, #tpu.memory_space<vmem>>
    tpu.wait_dma2 semaphore(%arg18 : memref<!tpu.dma_semaphore, #tpu.memory_space<semaphore_mem>>) src(%dma_wait3A_668 : memref<32x128xf32, #tpu.memory_space<vmem>>) dst(%dma_wait3A_664 : memref<32x128xf32, #tpu.memory_space<hbm>>)
    %dma_wait3A_669 = arith.constant 2 : i32
    %dma_wait3A_670 = arith.constant 2 : i32
    %dma_wait3A_671 = arith.constant 0 : i32
    %dma_wait3A_672 = arith.constant 0 : i32
    %dma_wait3A_673 = tpu.memref_slice %arg13[%dma_wait3A_669, %dma_wait3A_671, %dma_wait3A_672] : memref<3x128x128xf32, #tpu.memory_space<vmem>> -> memref<1x32x128xf32, #tpu.memory_space<vmem>>
    %dma_wait3A_674 = tpu.memref_squeeze %dma_wait3A_673 : memref<1x32x128xf32, #tpu.memory_space<vmem>> -> memref<32x128xf32, #tpu.memory_space<vmem>>
    %dma_wait3A_675 = arith.constant 0 : i32
    %dma_wait3A_676 = tpu.memref_slice %arg7[%dma_wait3A_670, %add3A_270, %dma_wait3A_675] : memref<3x4096x128xf32, #tpu.memory_space<hbm>> -> memref<1x32x128xf32, #tpu.memory_space<hbm>>
    %dma_wait3A_677 = tpu.memref_squeeze %dma_wait3A_676 : memref<1x32x128xf32, #tpu.memory_space<hbm>> -> memref<32x128xf32, #tpu.memory_space<hbm>>
    %dma_wait3A_678 = arith.constant 0 : i32
    %dma_wait3A_679 = tpu.memref_slice %arg7[%dma_wait3A_670, %add3A_270, %dma_wait3A_678] : memref<3x4096x128xf32, #tpu.memory_space<hbm>> -> memref<1x32x128xf32, #tpu.memory_space<hbm>>
    %dma_wait3A_680 = tpu.memref_squeeze %dma_wait3A_679 : memref<1x32x128xf32, #tpu.memory_space<hbm>> -> memref<32x128xf32, #tpu.memory_space<hbm>>
    %dma_wait3A_681 = arith.constant 0 : i32
    %dma_wait3A_682 = arith.constant 0 : i32
    %dma_wait3A_683 = tpu.memref_slice %arg13[%dma_wait3A_669, %dma_wait3A_681, %dma_wait3A_682] : memref<3x128x128xf32, #tpu.memory_space<vmem>> -> memref<1x32x128xf32, #tpu.memory_space<vmem>>
    %dma_wait3A_684 = tpu.memref_squeeze %dma_wait3A_683 : memref<1x32x128xf32, #tpu.memory_space<vmem>> -> memref<32x128xf32, #tpu.memory_space<vmem>>
    tpu.wait_dma2 semaphore(%arg18 : memref<!tpu.dma_semaphore, #tpu.memory_space<semaphore_mem>>) src(%dma_wait3A_684 : memref<32x128xf32, #tpu.memory_space<vmem>>) dst(%dma_wait3A_680 : memref<32x128xf32, #tpu.memory_space<hbm>>)
    %dma_wait3A_685 = arith.constant 0 : i32
    %dma_wait3A_686 = arith.constant 0 : i32
    %dma_wait3A_687 = arith.constant 32 : i32
    %dma_wait3A_688 = arith.constant 0 : i32
    %dma_wait3A_689 = tpu.memref_slice %arg13[%dma_wait3A_685, %dma_wait3A_687, %dma_wait3A_688] : memref<3x128x128xf32, #tpu.memory_space<vmem>> -> memref<1x32x128xf32, #tpu.memory_space<vmem>>
    %dma_wait3A_690 = tpu.memref_squeeze %dma_wait3A_689 : memref<1x32x128xf32, #tpu.memory_space<vmem>> -> memref<32x128xf32, #tpu.memory_space<vmem>>
    %dma_wait3A_691 = arith.constant 0 : i32
    %dma_wait3A_692 = tpu.memref_slice %arg7[%dma_wait3A_686, %add3A_376, %dma_wait3A_691] : memref<3x4096x128xf32, #tpu.memory_space<hbm>> -> memref<1x32x128xf32, #tpu.memory_space<hbm>>
    %dma_wait3A_693 = tpu.memref_squeeze %dma_wait3A_692 : memref<1x32x128xf32, #tpu.memory_space<hbm>> -> memref<32x128xf32, #tpu.memory_space<hbm>>
    %dma_wait3A_694 = arith.constant 0 : i32
    %dma_wait3A_695 = tpu.memref_slice %arg7[%dma_wait3A_686, %add3A_376, %dma_wait3A_694] : memref<3x4096x128xf32, #tpu.memory_space<hbm>> -> memref<1x32x128xf32, #tpu.memory_space<hbm>>
    %dma_wait3A_696 = tpu.memref_squeeze %dma_wait3A_695 : memref<1x32x128xf32, #tpu.memory_space<hbm>> -> memref<32x128xf32, #tpu.memory_space<hbm>>
    %dma_wait3A_697 = arith.constant 32 : i32
    %dma_wait3A_698 = arith.constant 0 : i32
    %dma_wait3A_699 = tpu.memref_slice %arg13[%dma_wait3A_685, %dma_wait3A_697, %dma_wait3A_698] : memref<3x128x128xf32, #tpu.memory_space<vmem>> -> memref<1x32x128xf32, #tpu.memory_space<vmem>>
    %dma_wait3A_700 = tpu.memref_squeeze %dma_wait3A_699 : memref<1x32x128xf32, #tpu.memory_space<vmem>> -> memref<32x128xf32, #tpu.memory_space<vmem>>
    tpu.wait_dma2 semaphore(%arg18 : memref<!tpu.dma_semaphore, #tpu.memory_space<semaphore_mem>>) src(%dma_wait3A_700 : memref<32x128xf32, #tpu.memory_space<vmem>>) dst(%dma_wait3A_696 : memref<32x128xf32, #tpu.memory_space<hbm>>)
    %dma_wait3A_701 = arith.constant 1 : i32
    %dma_wait3A_702 = arith.constant 1 : i32
    %dma_wait3A_703 = arith.constant 32 : i32
    %dma_wait3A_704 = arith.constant 0 : i32
    %dma_wait3A_705 = tpu.memref_slice %arg13[%dma_wait3A_701, %dma_wait3A_703, %dma_wait3A_704] : memref<3x128x128xf32, #tpu.memory_space<vmem>> -> memref<1x32x128xf32, #tpu.memory_space<vmem>>
    %dma_wait3A_706 = tpu.memref_squeeze %dma_wait3A_705 : memref<1x32x128xf32, #tpu.memory_space<vmem>> -> memref<32x128xf32, #tpu.memory_space<vmem>>
    %dma_wait3A_707 = arith.constant 0 : i32
    %dma_wait3A_708 = tpu.memref_slice %arg7[%dma_wait3A_702, %add3A_376, %dma_wait3A_707] : memref<3x4096x128xf32, #tpu.memory_space<hbm>> -> memref<1x32x128xf32, #tpu.memory_space<hbm>>
    %dma_wait3A_709 = tpu.memref_squeeze %dma_wait3A_708 : memref<1x32x128xf32, #tpu.memory_space<hbm>> -> memref<32x128xf32, #tpu.memory_space<hbm>>
    %dma_wait3A_710 = arith.constant 0 : i32
    %dma_wait3A_711 = tpu.memref_slice %arg7[%dma_wait3A_702, %add3A_376, %dma_wait3A_710] : memref<3x4096x128xf32, #tpu.memory_space<hbm>> -> memref<1x32x128xf32, #tpu.memory_space<hbm>>
    %dma_wait3A_712 = tpu.memref_squeeze %dma_wait3A_711 : memref<1x32x128xf32, #tpu.memory_space<hbm>> -> memref<32x128xf32, #tpu.memory_space<hbm>>
    %dma_wait3A_713 = arith.constant 32 : i32
    %dma_wait3A_714 = arith.constant 0 : i32
    %dma_wait3A_715 = tpu.memref_slice %arg13[%dma_wait3A_701, %dma_wait3A_713, %dma_wait3A_714] : memref<3x128x128xf32, #tpu.memory_space<vmem>> -> memref<1x32x128xf32, #tpu.memory_space<vmem>>
    %dma_wait3A_716 = tpu.memref_squeeze %dma_wait3A_715 : memref<1x32x128xf32, #tpu.memory_space<vmem>> -> memref<32x128xf32, #tpu.memory_space<vmem>>
    tpu.wait_dma2 semaphore(%arg18 : memref<!tpu.dma_semaphore, #tpu.memory_space<semaphore_mem>>) src(%dma_wait3A_716 : memref<32x128xf32, #tpu.memory_space<vmem>>) dst(%dma_wait3A_712 : memref<32x128xf32, #tpu.memory_space<hbm>>)
    %dma_wait3A_717 = arith.constant 2 : i32
    %dma_wait3A_718 = arith.constant 2 : i32
    %dma_wait3A_719 = arith.constant 32 : i32
    %dma_wait3A_720 = arith.constant 0 : i32
    %dma_wait3A_721 = tpu.memref_slice %arg13[%dma_wait3A_717, %dma_wait3A_719, %dma_wait3A_720] : memref<3x128x128xf32, #tpu.memory_space<vmem>> -> memref<1x32x128xf32, #tpu.memory_space<vmem>>
    %dma_wait3A_722 = tpu.memref_squeeze %dma_wait3A_721 : memref<1x32x128xf32, #tpu.memory_space<vmem>> -> memref<32x128xf32, #tpu.memory_space<vmem>>
    %dma_wait3A_723 = arith.constant 0 : i32
    %dma_wait3A_724 = tpu.memref_slice %arg7[%dma_wait3A_718, %add3A_376, %dma_wait3A_723] : memref<3x4096x128xf32, #tpu.memory_space<hbm>> -> memref<1x32x128xf32, #tpu.memory_space<hbm>>
    %dma_wait3A_725 = tpu.memref_squeeze %dma_wait3A_724 : memref<1x32x128xf32, #tpu.memory_space<hbm>> -> memref<32x128xf32, #tpu.memory_space<hbm>>
    %dma_wait3A_726 = arith.constant 0 : i32
    %dma_wait3A_727 = tpu.memref_slice %arg7[%dma_wait3A_718, %add3A_376, %dma_wait3A_726] : memref<3x4096x128xf32, #tpu.memory_space<hbm>> -> memref<1x32x128xf32, #tpu.memory_space<hbm>>
    %dma_wait3A_728 = tpu.memref_squeeze %dma_wait3A_727 : memref<1x32x128xf32, #tpu.memory_space<hbm>> -> memref<32x128xf32, #tpu.memory_space<hbm>>
    %dma_wait3A_729 = arith.constant 32 : i32
    %dma_wait3A_730 = arith.constant 0 : i32
    %dma_wait3A_731 = tpu.memref_slice %arg13[%dma_wait3A_717, %dma_wait3A_729, %dma_wait3A_730] : memref<3x128x128xf32, #tpu.memory_space<vmem>> -> memref<1x32x128xf32, #tpu.memory_space<vmem>>
    %dma_wait3A_732 = tpu.memref_squeeze %dma_wait3A_731 : memref<1x32x128xf32, #tpu.memory_space<vmem>> -> memref<32x128xf32, #tpu.memory_space<vmem>>
    tpu.wait_dma2 semaphore(%arg18 : memref<!tpu.dma_semaphore, #tpu.memory_space<semaphore_mem>>) src(%dma_wait3A_732 : memref<32x128xf32, #tpu.memory_space<vmem>>) dst(%dma_wait3A_728 : memref<32x128xf32, #tpu.memory_space<hbm>>)
    %dma_wait3A_733 = arith.constant 0 : i32
    %dma_wait3A_734 = arith.constant 0 : i32
    %dma_wait3A_735 = arith.constant 64 : i32
    %dma_wait3A_736 = arith.constant 0 : i32
    %dma_wait3A_737 = tpu.memref_slice %arg13[%dma_wait3A_733, %dma_wait3A_735, %dma_wait3A_736] : memref<3x128x128xf32, #tpu.memory_space<vmem>> -> memref<1x32x128xf32, #tpu.memory_space<vmem>>
    %dma_wait3A_738 = tpu.memref_squeeze %dma_wait3A_737 : memref<1x32x128xf32, #tpu.memory_space<vmem>> -> memref<32x128xf32, #tpu.memory_space<vmem>>
    %dma_wait3A_739 = arith.constant 0 : i32
    %dma_wait3A_740 = tpu.memref_slice %arg7[%dma_wait3A_734, %add3A_482, %dma_wait3A_739] : memref<3x4096x128xf32, #tpu.memory_space<hbm>> -> memref<1x32x128xf32, #tpu.memory_space<hbm>>
    %dma_wait3A_741 = tpu.memref_squeeze %dma_wait3A_740 : memref<1x32x128xf32, #tpu.memory_space<hbm>> -> memref<32x128xf32, #tpu.memory_space<hbm>>
    %dma_wait3A_742 = arith.constant 0 : i32
    %dma_wait3A_743 = tpu.memref_slice %arg7[%dma_wait3A_734, %add3A_482, %dma_wait3A_742] : memref<3x4096x128xf32, #tpu.memory_space<hbm>> -> memref<1x32x128xf32, #tpu.memory_space<hbm>>
    %dma_wait3A_744 = tpu.memref_squeeze %dma_wait3A_743 : memref<1x32x128xf32, #tpu.memory_space<hbm>> -> memref<32x128xf32, #tpu.memory_space<hbm>>
    %dma_wait3A_745 = arith.constant 64 : i32
    %dma_wait3A_746 = arith.constant 0 : i32
    %dma_wait3A_747 = tpu.memref_slice %arg13[%dma_wait3A_733, %dma_wait3A_745, %dma_wait3A_746] : memref<3x128x128xf32, #tpu.memory_space<vmem>> -> memref<1x32x128xf32, #tpu.memory_space<vmem>>
    %dma_wait3A_748 = tpu.memref_squeeze %dma_wait3A_747 : memref<1x32x128xf32, #tpu.memory_space<vmem>> -> memref<32x128xf32, #tpu.memory_space<vmem>>
    tpu.wait_dma2 semaphore(%arg18 : memref<!tpu.dma_semaphore, #tpu.memory_space<semaphore_mem>>) src(%dma_wait3A_748 : memref<32x128xf32, #tpu.memory_space<vmem>>) dst(%dma_wait3A_744 : memref<32x128xf32, #tpu.memory_space<hbm>>)
    %dma_wait3A_749 = arith.constant 1 : i32
    %dma_wait3A_750 = arith.constant 1 : i32
    %dma_wait3A_751 = arith.constant 64 : i32
    %dma_wait3A_752 = arith.constant 0 : i32
    %dma_wait3A_753 = tpu.memref_slice %arg13[%dma_wait3A_749, %dma_wait3A_751, %dma_wait3A_752] : memref<3x128x128xf32, #tpu.memory_space<vmem>> -> memref<1x32x128xf32, #tpu.memory_space<vmem>>
    %dma_wait3A_754 = tpu.memref_squeeze %dma_wait3A_753 : memref<1x32x128xf32, #tpu.memory_space<vmem>> -> memref<32x128xf32, #tpu.memory_space<vmem>>
    %dma_wait3A_755 = arith.constant 0 : i32
    %dma_wait3A_756 = tpu.memref_slice %arg7[%dma_wait3A_750, %add3A_482, %dma_wait3A_755] : memref<3x4096x128xf32, #tpu.memory_space<hbm>> -> memref<1x32x128xf32, #tpu.memory_space<hbm>>
    %dma_wait3A_757 = tpu.memref_squeeze %dma_wait3A_756 : memref<1x32x128xf32, #tpu.memory_space<hbm>> -> memref<32x128xf32, #tpu.memory_space<hbm>>
    %dma_wait3A_758 = arith.constant 0 : i32
    %dma_wait3A_759 = tpu.memref_slice %arg7[%dma_wait3A_750, %add3A_482, %dma_wait3A_758] : memref<3x4096x128xf32, #tpu.memory_space<hbm>> -> memref<1x32x128xf32, #tpu.memory_space<hbm>>
    %dma_wait3A_760 = tpu.memref_squeeze %dma_wait3A_759 : memref<1x32x128xf32, #tpu.memory_space<hbm>> -> memref<32x128xf32, #tpu.memory_space<hbm>>
    %dma_wait3A_761 = arith.constant 64 : i32
    %dma_wait3A_762 = arith.constant 0 : i32
    %dma_wait3A_763 = tpu.memref_slice %arg13[%dma_wait3A_749, %dma_wait3A_761, %dma_wait3A_762] : memref<3x128x128xf32, #tpu.memory_space<vmem>> -> memref<1x32x128xf32, #tpu.memory_space<vmem>>
    %dma_wait3A_764 = tpu.memref_squeeze %dma_wait3A_763 : memref<1x32x128xf32, #tpu.memory_space<vmem>> -> memref<32x128xf32, #tpu.memory_space<vmem>>
    tpu.wait_dma2 semaphore(%arg18 : memref<!tpu.dma_semaphore, #tpu.memory_space<semaphore_mem>>) src(%dma_wait3A_764 : memref<32x128xf32, #tpu.memory_space<vmem>>) dst(%dma_wait3A_760 : memref<32x128xf32, #tpu.memory_space<hbm>>)
    %dma_wait3A_765 = arith.constant 2 : i32
    %dma_wait3A_766 = arith.constant 2 : i32
    %dma_wait3A_767 = arith.constant 64 : i32
    %dma_wait3A_768 = arith.constant 0 : i32
    %dma_wait3A_769 = tpu.memref_slice %arg13[%dma_wait3A_765, %dma_wait3A_767, %dma_wait3A_768] : memref<3x128x128xf32, #tpu.memory_space<vmem>> -> memref<1x32x128xf32, #tpu.memory_space<vmem>>
    %dma_wait3A_770 = tpu.memref_squeeze %dma_wait3A_769 : memref<1x32x128xf32, #tpu.memory_space<vmem>> -> memref<32x128xf32, #tpu.memory_space<vmem>>
    %dma_wait3A_771 = arith.constant 0 : i32
    %dma_wait3A_772 = tpu.memref_slice %arg7[%dma_wait3A_766, %add3A_482, %dma_wait3A_771] : memref<3x4096x128xf32, #tpu.memory_space<hbm>> -> memref<1x32x128xf32, #tpu.memory_space<hbm>>
    %dma_wait3A_773 = tpu.memref_squeeze %dma_wait3A_772 : memref<1x32x128xf32, #tpu.memory_space<hbm>> -> memref<32x128xf32, #tpu.memory_space<hbm>>
    %dma_wait3A_774 = arith.constant 0 : i32
    %dma_wait3A_775 = tpu.memref_slice %arg7[%dma_wait3A_766, %add3A_482, %dma_wait3A_774] : memref<3x4096x128xf32, #tpu.memory_space<hbm>> -> memref<1x32x128xf32, #tpu.memory_space<hbm>>
    %dma_wait3A_776 = tpu.memref_squeeze %dma_wait3A_775 : memref<1x32x128xf32, #tpu.memory_space<hbm>> -> memref<32x128xf32, #tpu.memory_space<hbm>>
    %dma_wait3A_777 = arith.constant 64 : i32
    %dma_wait3A_778 = arith.constant 0 : i32
    %dma_wait3A_779 = tpu.memref_slice %arg13[%dma_wait3A_765, %dma_wait3A_777, %dma_wait3A_778] : memref<3x128x128xf32, #tpu.memory_space<vmem>> -> memref<1x32x128xf32, #tpu.memory_space<vmem>>
    %dma_wait3A_780 = tpu.memref_squeeze %dma_wait3A_779 : memref<1x32x128xf32, #tpu.memory_space<vmem>> -> memref<32x128xf32, #tpu.memory_space<vmem>>
    tpu.wait_dma2 semaphore(%arg18 : memref<!tpu.dma_semaphore, #tpu.memory_space<semaphore_mem>>) src(%dma_wait3A_780 : memref<32x128xf32, #tpu.memory_space<vmem>>) dst(%dma_wait3A_776 : memref<32x128xf32, #tpu.memory_space<hbm>>)
    %dma_wait3A_781 = arith.constant 0 : i32
    %dma_wait3A_782 = arith.constant 0 : i32
    %dma_wait3A_783 = arith.constant 96 : i32
    %dma_wait3A_784 = arith.constant 0 : i32
    %dma_wait3A_785 = tpu.memref_slice %arg13[%dma_wait3A_781, %dma_wait3A_783, %dma_wait3A_784] : memref<3x128x128xf32, #tpu.memory_space<vmem>> -> memref<1x32x128xf32, #tpu.memory_space<vmem>>
    %dma_wait3A_786 = tpu.memref_squeeze %dma_wait3A_785 : memref<1x32x128xf32, #tpu.memory_space<vmem>> -> memref<32x128xf32, #tpu.memory_space<vmem>>
    %dma_wait3A_787 = arith.constant 0 : i32
    %dma_wait3A_788 = tpu.memref_slice %arg7[%dma_wait3A_782, %add3A_588, %dma_wait3A_787] : memref<3x4096x128xf32, #tpu.memory_space<hbm>> -> memref<1x32x128xf32, #tpu.memory_space<hbm>>
    %dma_wait3A_789 = tpu.memref_squeeze %dma_wait3A_788 : memref<1x32x128xf32, #tpu.memory_space<hbm>> -> memref<32x128xf32, #tpu.memory_space<hbm>>
    %dma_wait3A_790 = arith.constant 0 : i32
    %dma_wait3A_791 = tpu.memref_slice %arg7[%dma_wait3A_782, %add3A_588, %dma_wait3A_790] : memref<3x4096x128xf32, #tpu.memory_space<hbm>> -> memref<1x32x128xf32, #tpu.memory_space<hbm>>
    %dma_wait3A_792 = tpu.memref_squeeze %dma_wait3A_791 : memref<1x32x128xf32, #tpu.memory_space<hbm>> -> memref<32x128xf32, #tpu.memory_space<hbm>>
    %dma_wait3A_793 = arith.constant 96 : i32
    %dma_wait3A_794 = arith.constant 0 : i32
    %dma_wait3A_795 = tpu.memref_slice %arg13[%dma_wait3A_781, %dma_wait3A_793, %dma_wait3A_794] : memref<3x128x128xf32, #tpu.memory_space<vmem>> -> memref<1x32x128xf32, #tpu.memory_space<vmem>>
    %dma_wait3A_796 = tpu.memref_squeeze %dma_wait3A_795 : memref<1x32x128xf32, #tpu.memory_space<vmem>> -> memref<32x128xf32, #tpu.memory_space<vmem>>
    tpu.wait_dma2 semaphore(%arg18 : memref<!tpu.dma_semaphore, #tpu.memory_space<semaphore_mem>>) src(%dma_wait3A_796 : memref<32x128xf32, #tpu.memory_space<vmem>>) dst(%dma_wait3A_792 : memref<32x128xf32, #tpu.memory_space<hbm>>)
    %dma_wait3A_797 = arith.constant 1 : i32
    %dma_wait3A_798 = arith.constant 1 : i32
    %dma_wait3A_799 = arith.constant 96 : i32
    %dma_wait3A_800 = arith.constant 0 : i32
    %dma_wait3A_801 = tpu.memref_slice %arg13[%dma_wait3A_797, %dma_wait3A_799, %dma_wait3A_800] : memref<3x128x128xf32, #tpu.memory_space<vmem>> -> memref<1x32x128xf32, #tpu.memory_space<vmem>>
    %dma_wait3A_802 = tpu.memref_squeeze %dma_wait3A_801 : memref<1x32x128xf32, #tpu.memory_space<vmem>> -> memref<32x128xf32, #tpu.memory_space<vmem>>
    %dma_wait3A_803 = arith.constant 0 : i32
    %dma_wait3A_804 = tpu.memref_slice %arg7[%dma_wait3A_798, %add3A_588, %dma_wait3A_803] : memref<3x4096x128xf32, #tpu.memory_space<hbm>> -> memref<1x32x128xf32, #tpu.memory_space<hbm>>
    %dma_wait3A_805 = tpu.memref_squeeze %dma_wait3A_804 : memref<1x32x128xf32, #tpu.memory_space<hbm>> -> memref<32x128xf32, #tpu.memory_space<hbm>>
    %dma_wait3A_806 = arith.constant 0 : i32
    %dma_wait3A_807 = tpu.memref_slice %arg7[%dma_wait3A_798, %add3A_588, %dma_wait3A_806] : memref<3x4096x128xf32, #tpu.memory_space<hbm>> -> memref<1x32x128xf32, #tpu.memory_space<hbm>>
    %dma_wait3A_808 = tpu.memref_squeeze %dma_wait3A_807 : memref<1x32x128xf32, #tpu.memory_space<hbm>> -> memref<32x128xf32, #tpu.memory_space<hbm>>
    %dma_wait3A_809 = arith.constant 96 : i32
    %dma_wait3A_810 = arith.constant 0 : i32
    %dma_wait3A_811 = tpu.memref_slice %arg13[%dma_wait3A_797, %dma_wait3A_809, %dma_wait3A_810] : memref<3x128x128xf32, #tpu.memory_space<vmem>> -> memref<1x32x128xf32, #tpu.memory_space<vmem>>
    %dma_wait3A_812 = tpu.memref_squeeze %dma_wait3A_811 : memref<1x32x128xf32, #tpu.memory_space<vmem>> -> memref<32x128xf32, #tpu.memory_space<vmem>>
    tpu.wait_dma2 semaphore(%arg18 : memref<!tpu.dma_semaphore, #tpu.memory_space<semaphore_mem>>) src(%dma_wait3A_812 : memref<32x128xf32, #tpu.memory_space<vmem>>) dst(%dma_wait3A_808 : memref<32x128xf32, #tpu.memory_space<hbm>>)
    %dma_wait3A_813 = arith.constant 2 : i32
    %dma_wait3A_814 = arith.constant 2 : i32
    %dma_wait3A_815 = arith.constant 96 : i32
    %dma_wait3A_816 = arith.constant 0 : i32
    %dma_wait3A_817 = tpu.memref_slice %arg13[%dma_wait3A_813, %dma_wait3A_815, %dma_wait3A_816] : memref<3x128x128xf32, #tpu.memory_space<vmem>> -> memref<1x32x128xf32, #tpu.memory_space<vmem>>
    %dma_wait3A_818 = tpu.memref_squeeze %dma_wait3A_817 : memref<1x32x128xf32, #tpu.memory_space<vmem>> -> memref<32x128xf32, #tpu.memory_space<vmem>>
    %dma_wait3A_819 = arith.constant 0 : i32
    %dma_wait3A_820 = tpu.memref_slice %arg7[%dma_wait3A_814, %add3A_588, %dma_wait3A_819] : memref<3x4096x128xf32, #tpu.memory_space<hbm>> -> memref<1x32x128xf32, #tpu.memory_space<hbm>>
    %dma_wait3A_821 = tpu.memref_squeeze %dma_wait3A_820 : memref<1x32x128xf32, #tpu.memory_space<hbm>> -> memref<32x128xf32, #tpu.memory_space<hbm>>
    %dma_wait3A_822 = arith.constant 0 : i32
    %dma_wait3A_823 = tpu.memref_slice %arg7[%dma_wait3A_814, %add3A_588, %dma_wait3A_822] : memref<3x4096x128xf32, #tpu.memory_space<hbm>> -> memref<1x32x128xf32, #tpu.memory_space<hbm>>
    %dma_wait3A_824 = tpu.memref_squeeze %dma_wait3A_823 : memref<1x32x128xf32, #tpu.memory_space<hbm>> -> memref<32x128xf32, #tpu.memory_space<hbm>>
    %dma_wait3A_825 = arith.constant 96 : i32
    %dma_wait3A_826 = arith.constant 0 : i32
    %dma_wait3A_827 = tpu.memref_slice %arg13[%dma_wait3A_813, %dma_wait3A_825, %dma_wait3A_826] : memref<3x128x128xf32, #tpu.memory_space<vmem>> -> memref<1x32x128xf32, #tpu.memory_space<vmem>>
    %dma_wait3A_828 = tpu.memref_squeeze %dma_wait3A_827 : memref<1x32x128xf32, #tpu.memory_space<vmem>> -> memref<32x128xf32, #tpu.memory_space<vmem>>
    tpu.wait_dma2 semaphore(%arg18 : memref<!tpu.dma_semaphore, #tpu.memory_space<semaphore_mem>>) src(%dma_wait3A_828 : memref<32x128xf32, #tpu.memory_space<vmem>>) dst(%dma_wait3A_824 : memref<32x128xf32, #tpu.memory_space<hbm>>)
    return
  }
}

</mosaic_0001>

<sc_bundles>
// kernel: kernel.3.cloned.1.call-start
scs
__scs_entry_jumppad:
0x0: {  	(pc) =	sbr.rel $0x88, $3  }
0x1: {  	(tag) =	ssettag $0x0;
	lr =	simm.s32 $0x1  }
0x2: {  	[smem:$0x3F9E] =	sst lr;
	_ =	strace $0xD0000000  }
0x3: {  	_ = 	snop  }
0x4: {  	_ = 	snop  }
0x5: {  	_ = 	snop  }
0x6: {  	_ = 	snop  }
0x7: {  	_ = 	snop  }
__scs_overlays_trampoline_lowered:
0x8: {  	[smem:$0x3FAD] =	sst s0  }
0x9: {  	[smem:$0x3FAE] =	sst s1  }
0xa: {  	[smem:$0x3FAF] =	sst s2  }
0xb: {  	[smem:$0x3FB0] =	sst s3  }
0xc: {  	[smem:$0x3FB1] =	sst s4  }
0xd: {  	[smem:$0x3FB2] =	sst s5  }
0xe: {  	[smem:$0x3FB3] =	sst s6  }
0xf: {  	[smem:$0x3FB4] =	sst s7  }
0x10: {  	[smem:$0x3FB5] =	sst s8  }
0x11: {  	[smem:$0x3FB6] =	sst s9;
	s0 =	simm.s32 @!p0 $0x0  }
0x12: {  	s1 =	sld [smem:$0x3F9C];
	s0 =	simm.s32 @p0 $0x1  }
0x13: {  	[smem:$0x3FB7] =	sst s0;
	s0 =	simm.s32 @!p1 $0x0  }
0x14: {  	s2 =	sld [smem:$0x3F9B];
	s0 =	simm.s32 @p1 $0x1  }
0x15: {  	[smem:$0x3FB8] =	sst s0;
	s0 =	simm.s32 @!p2 $0x0  }
0x16: {  	s3 =	sld [smem:$0x3FDB];
	s0 =	simm.s32 @p2 $0x1  }
0x17: {  	s4 =	simm.s32 $0x1BF5;
	[smem:$0x3FBA] =	sst s0  }
0x18: {  	s0 =	sld [smem:$0x3F9D];
	_ =	swait.ge [sflag:s4], $0x0  }
0x19: {  	s7 =	sld [smem:$0x3F9E]  }
0x1a: {  	s8 =	sadd.s32 $0xFFFFE003, lr  }
0x1b: {  	s9 =	sadd.s32 $0xFFFFFEF7, lr;
	s5 =	simm.s32 $0xFFFFFFFF;
	p2 =	slt.u32 s8, $0xFFFFF086  }
0x1c: {  	p1 =	slt.u32 s9, $0xF7A;
	s5 =	simm.s32 @!p2 $0x0  }
0x1d: {  	s5 =	simm.s32 @p1 $0x1;
	p0 =	seq.s32 s7, s2  }
0x1e: {  	s7 =	smul.u32 @!p0 $0xF7A, s2;
	p2 =	seq.s32 @!p0 s5, $0x0  }
0x1f: {  	s9 =	smul.u32 $0xF7A, s1;
	s8 =	simm.s32 @!p0 $0x1BF5;
	p2 =	por !p2, p0  }
0x20: {  	[sflag:s8] =	ssyncset.s32 @!p0 $0xFFFFF086;
	s6 =	sadd.s32 @!p0 s3, s7;
	s7 =	simm.s32 @!p0 $0x108  }
0x21: {  	s3 =	sadd.s32 s3, s9;
	s6 =	sadd.s32 @!p0 $0x88, s6;
	s7 =	simm.s32 @p2 $0x1082  }
0x22: {  	[simem:s7], [sflag:s8] =	dma.local @!p0 [hbm:s6], $0xF7A  }
0x23: {  	s9 =	sor.u32 $0xD0000000, s2;
	s6 =	simm.s32 $0x108;
	_ =	swait.ge @!p0 [sflag:s8], $0x0  }
0x24: {  	s3 =	sadd.s32 $0x88, s3;
	s6 =	simm.s32 @!p1 $0x1082;
	[sflag:s4] =	ssyncset.s32 $0xFFFFF086  }
0x25: {  	[simem:s6], [sflag:s4] =	dma.local [hbm:s3], $0xF7A  }
0x26: {  	[smem:$0x3F9E] =	sst s1;
	(tag) =	ssettag s2;
	_ =	strace s9  }
0x27: {  	s1 =	sld [smem:$0x3FAE]  }
0x28: {  	s2 =	sld [smem:$0x3FAF]  }
0x29: {  	s4 =	sld [smem:$0x3FB1]  }
0x2a: {  	p0 =	seq.s32 s5, $0x0;
	s5 =	sld [smem:$0x3FB2]  }
0x2b: {  	s6 =	sld [smem:$0x3FB3]  }
0x2c: {  	s7 =	sld [smem:$0x3FB4]  }
0x2d: {  	s3 =	simm.s32 $0x108;
	s8 =	sld [smem:$0x3FB5]  }
0x2e: {  	s3 =	simm.s32 @!p0 $0x1082;
	s9 =	sld [smem:$0x3FB6]  }
0x2f: {  	lr =	sadd.s32 s0, s3;
	s0 =	sld [smem:$0x3FAD]  }
0x30: {  	s3 =	sld [smem:$0x3FB0]  }
0x31: {  	[smem:$0x3FB9] =	sst s10  }
0x32: {  	s10 =	sld [smem:$0x3FB7];
	_ =	sdelay $0x3  }
0x33: {  	p0 =	seq.s32 s10, $0x1;
	s10 =	sld [smem:$0x3FB9];
	_ =	sdelay $0x3  }
0x34: {  	[smem:$0x3FB9] =	sst s10  }
0x35: {  	s10 =	sld [smem:$0x3FB8];
	_ =	sdelay $0x3  }
0x36: {  	p1 =	seq.s32 s10, $0x1;
	s10 =	sld [smem:$0x3FB9];
	_ =	sdelay $0x3  }
0x37: {  	[smem:$0x3FB9] =	sst s10  }
0x38: {  	s10 =	sld [smem:$0x3FBA]  }
0x39: {  	_ = 	snop;
	(pc) =	sbr.ind lr, $3  }
0x3a: {  	_ = 	snop  }
0x3b: {  	_ = 	snop  }
0x3c: {  	p2 =	seq.s32 s10, $0x1;
	s10 =	sld [smem:$0x3FB9]  }
0x3d: {  	_ =	shalt  }
0x3e: {  	_ =	shalt  }
0x3f: {  	_ =	shalt  }
0x40: {  	_ =	shalt  }
0x41: {  	_ =	shalt  }
0x42: {  	_ =	shalt  }
0x43: {  	_ =	shalt  }
0x44: {  	_ =	shalt  }
0x45: {  	_ =	shalt  }
0x46: {  	_ =	shalt  }
0x47: {  	_ =	shalt  }
0x48: {  	_ =	shalt  }
0x49: {  	_ =	shalt  }
0x4a: {  	_ =	shalt  }
0x4b: {  	_ =	shalt  }
0x4c: {  	_ =	shalt  }
0x4d: {  	_ =	shalt  }
0x4e: {  	_ =	shalt  }
0x4f: {  	_ =	shalt  }
0x50: {  	_ =	shalt  }
0x51: {  	_ =	shalt  }
0x52: {  	_ =	shalt  }
0x53: {  	_ =	shalt  }
0x54: {  	_ =	shalt  }
0x55: {  	_ =	shalt  }
0x56: {  	_ =	shalt  }
0x57: {  	_ =	shalt  }
0x58: {  	_ =	shalt  }
0x59: {  	_ =	shalt  }
0x5a: {  	_ =	shalt  }
0x5b: {  	_ =	shalt  }
0x5c: {  	_ =	shalt  }
0x5d: {  	_ =	shalt  }
0x5e: {  	_ =	shalt  }
0x5f: {  	_ =	shalt  }
0x60: {  	_ =	shalt  }
0x61: {  	_ =	shalt  }
0x62: {  	_ =	shalt  }
0x63: {  	_ =	shalt  }
0x64: {  	_ =	shalt  }
0x65: {  	_ =	shalt  }
0x66: {  	_ =	shalt  }
0x67: {  	_ =	shalt  }
0x68: {  	_ =	shalt  }
0x69: {  	_ =	shalt  }
0x6a: {  	_ =	shalt  }
0x6b: {  	_ =	shalt  }
0x6c: {  	_ =	shalt  }
0x6d: {  	_ =	shalt  }
0x6e: {  	_ =	shalt  }
0x6f: {  	_ =	shalt  }
0x70: {  	_ =	shalt  }
0x71: {  	_ =	shalt  }
0x72: {  	_ =	shalt  }
0x73: {  	_ =	shalt  }
0x74: {  	_ =	shalt  }
0x75: {  	_ =	shalt  }
0x76: {  	_ =	shalt  }
0x77: {  	_ =	shalt  }
0x78: {  	_ =	shalt  }
0x79: {  	_ =	shalt  }
0x7a: {  	_ =	shalt  }
0x7b: {  	_ =	shalt  }
0x7c: {  	_ =	shalt  }
0x7d: {  	_ =	shalt  }
0x7e: {  	_ =	shalt  }
0x7f: {  	_ =	shalt  }
0x80: {  	_ =	shalt  }
0x81: {  	_ =	shalt  }
0x82: {  	_ =	shalt  }
0x83: {  	_ =	shalt  }
0x84: {  	_ =	shalt  }
0x85: {  	_ =	shalt  }
0x86: {  	_ =	shalt  }
0x87: {  	_ =	shalt  }
.Lfunc_end0:
.L_simem_size_0:
called_computation_lowered:
.L_overlay_start_0:
0x88: {  	s2 =	sld [smem:$0x3FD9]  }
0x89: {  	s3 =	sld [smem:$0x3FFE];
	_ =	sdelay $0x1  }
0x8a: {  	s1 =	srdreg.scid  }
0x8b: {  	s0 =	sand.u32 $0x1, s1  }
0x8c: {  	s17 =	sshll.u32 s0, $0xA;
	s2 =	sadd.s32 s3, s2  }
0x8d: {  	s2 =	sadd.s32 s2, s17  }
0x8e: {  	[smem:$0x3FC5] =	sst s2  }
0x8f: {  	_ = 	snop  }
0x90: {  	s2 =	sld [smem:$0x3FC7]  }
0x91: {  	s18 =	sld [smem:$0x3FD0];
	(tm) =	ssettm $0x1  }
0x92: {  	s4 =	sld [smem:$0x3FFB];
	_ =	sdelay $0x3  }
0x93: {  	_ =	strace s4  }
0x94: {  	s4 =	sld [smem:$0x3FFC];
	_ =	sdelay $0x3  }
0x95: {  	_ =	strace s4  }
0x96: {  	s4 =	sld [smem:$0x3FFD];
	_ =	sdelay $0x3  }
0x97: {  	_ =	strace s4  }
0x98: {  	_ =	strace $0x8FFFFFFF  }
0x99: {  	s19 =	sld [smem:$0x3FDB];
	_ =	sdelay $0x1  }
0x9a: {  	s5 =	simm.s32 $_scs_section_size  }
0x9b: {  	s6 =	simm.s32 $_size__tile_overlayer_lowered;
	s7 =	simm.s32 $_tile_overlayer_lowered  }
0x9c: {  	s22 =	simm.s32 $0x1BFF;
	s21 =	sshll.u32 s7, $0x1;
	s4 =	sadd.s32 s5, s19  }
0x9d: {  	s8 =	simm.s32 $0x0;
	s20 =	sshll.u32 s6, $0x1;
	s6 =	sadd.s32 s21, s4  }
0x9e: {  	[timem:s8], [sflag:s22] =	dma.local [hbm:s6], s20  }
0x9f: {  	_ =	swait.ge [sflag:s22], s20  }
0xa0: {  	s5 =	ssub.s32 $0x0, s20;
	[sflag:s22] =	ssyncset.done $0x0  }
0xa1: {  	[sflag:s22] =	ssyncadd.s32 s5;
	_ =	sdelay $0x1  }
0xa2: {  	s23 =	simm.s32 $0x1B8B  }
0xa3: {  	_ =	swait.ge [sflag:s23], $0x1  }
0xa4: {  	[sflag:s23] =	ssyncset.done $0x0  }
0xa5: {  	s25 =	simm.s32 $0x1B8E;
	s24 =	sld [smem:$0x3FFE];
	[sflag:s23] =	ssyncadd.s32 $0xFFFFFFFF  }
0xa6: {  	s26 =	simm.s32 $execute0_lowered;
	[smem:$0x3FD2] =	sst s25  }
0xa7: {  	s6 =	sshll.u32 s26, $0x1;
	_ =	strace $0x80000046;
	[dreg:$0x1] =	wrdreg $0xFFFFFFFF  }
0xa8: {  	s28 =	simm.s32 $_size_execute0_lowered;
	s4 =	sadd.s32 s4, s6;
	[dreg:$0x0] =	wrdreg $0x0  }
0xa9: {  	s6 =	sshll.u32 s28, $0x1;
	[dreg:$0x2] =	wrdreg s4  }
0xaa: {  	[dreg:$0x3] =	wrdreg s6  }
0xab: {  	[dreg:$0x4] =	wrdreg $0xC0  }
0xac: {  	_ =	task [dreg:s8], $0x5FFFF  }
0xad: {  	[dreg:$0x1] =	wrdreg $0xFFFFFFFF  }
0xae: {  	[dreg:$0x0] =	wrdreg $0x60  }
0xaf: {  	[dreg:$0x2] =	wrdreg s24  }
0xb0: {  	[dreg:$0x3] =	wrdreg s2  }
0xb1: {  	[dreg:$0x4] =	wrdreg s18  }
0xb2: {  	[dreg:$0x5] =	wrdreg $0x9  }
0xb3: {  	_ =	task.clear_ibuf [dreg:s8], $0x6FFFF;
	_ =	strace $0x90000046  }
0xb4: {  	s29 =	simm.s32 $0x9;
	_ =	strace $0x80000048  }
0xb5: {  	_ =	swait.ge [sflag:s29], $0x1  }
0xb6: {  	[sflag:s29] =	ssyncadd.s32 $0xFFFFFFFF  }
0xb7: {  	_ =	strace $0x90000048  }
0xb8: {  	_ =	sfence  }
0xb9: {  	s30 =	sld [smem:$0x0];
	_ =	sdelay $0x2  }
0xba: {  	s31 =	sshll.u32 s1, $0xD;
	s1 =	sshrl.u32 s1, $0x2  }
0xbb: {  	s3 =	sand.u32 $0x4000, s31;
	s1 =	sadd.s32 s1, s30  }
0xbc: {  	s0 =	sor.u32 s3, s0;
	s1 =	sshll.u32 s1, $0x11  }
0xbd: {  	s0 =	sor.u32 s1, s0  }
0xbe: {  	s0 =	sadd.s32 $0x8F2B, s0  }
0xbf: {  	[sflag:s0] =	ssyncadd.remote.s32 $0x1  }
0xc0: {  	_ =	sfence.sel $0xFFFF  }
0xc1: {  	[dreg:$0x0] =	wrdreg $0xFFFFFFFF;
	(pc) =	sbr.abs _section_cstart, $3  }
0xc2: {  	[dreg:$0x1] =	wrdreg $0xFFFFFFFF  }
0xc3: {  	_ =	task.clear_ibuf [dreg:s8], $0x2FFFF;
	_ =	strace $0x9FFFFFFF  }
0xc4: {  	(tm) =	ssettm $0x7FFFFFFF  }
0xc5: {  	_ =	shalt  }
tec
execute0_lowered:
.L_overlay_start_1:
0x0: {  	(tag) =	ssettag $0x1  }
0x1: {  	s1 =	rddreg [dreg:$0x0]  }
0x2: {  	s2 =	rddreg [dreg:$0x1]  }
0x3: {  	s3 =	rddreg [dreg:$0x2];
	s0 =	simm.s32 $0x0;
	s4 =	srdreg.scid  }
0x4: {  	s10 =	stileid.u32;
	[smem:$0x7FF] =	sst s0;
	s4 =	sand.u32 $0x1, s4  }
0x5: {  	s10 =	sshll.u32 s10, $0xC;
	s8 =	ssub.s32 $0x2, s4;
	s4 =	sshll.u32 s4, $0xB  }
0x6: {  	s5 =	sadd.s32 $0x600, s1;
	s6 =	sadd.s32 $0x30600, s1;
	s4 =	sor.u32 s4, s10  }
0x7: {  	s7 =	sadd.s32 $0x20600, s1;
	s1 =	sadd.s32 $0x10600, s1;
	s19 =	sadd.s32 s5, s4  }
0x8: {  	s9 =	sshrl.u32 s8, $0x1;
	s20 =	sadd.s32 s6, s4;
	[dreg:$0x4] =	wrdreg s19  }
0x9: {  	s10 =	simm.s32 $0x3;
	s21 =	sadd.s32 s7, s4;
	[dreg:$0x5] =	wrdreg s20  }
0xa: {  	s8 =	ssub.s32 s8, s9;
	s22 =	sadd.s32 s1, s4;
	[dreg:$0x6] =	wrdreg s21  }
0xb: {  	s23 =	sadd.s32 s2, s4;
	s24 =	sor.u32 $0x200, s4;
	[dreg:$0x7] =	wrdreg s22  }
0xc: {  	s14 =	sor.u32 $0x400, s4;
	[dreg:$0x8] =	wrdreg s23;
	s12 =	sadd.s32 s5, s24  }
0xd: {  	s9 =	simm.s32 $0x2;
	s13 =	sadd.s32 s6, s24;
	[dreg:$0x9] =	wrdreg s12  }
0xe: {  	s11 =	sadd.s32 s7, s24;
	s15 =	sadd.s32 s1, s24;
	[dreg:$0xa] =	wrdreg s13  }
0xf: {  	s16 =	sadd.s32 s5, s14;
	s17 =	sadd.s32 s6, s14;
	[dreg:$0xb] =	wrdreg s11  }
0x10: {  	s18 =	sadd.s32 s7, s14;
	s19 =	sor.u32 $0x600, s4;
	[dreg:$0xc] =	wrdreg s15  }
0x11: {  	s20 =	sadd.s32 s2, s24;
	s21 =	sadd.s32 s2, s14;
	[dreg:$0xd] =	wrdreg s16  }
0x12: {  	s23 =	sadd.s32 s3, s4;
	s24 =	sadd.s32 s3, s24;
	[dreg:$0xe] =	wrdreg s17  }
0x13: {  	s28 =	smax.u32 s8, $0x1;
	s8 =	simm.s32 $0x1;
	[dreg:$0xf] =	wrdreg s18  }
0x14: {  	s12 =	sadd.s32 s1, s14;
	s5 =	sadd.s32 s5, s19;
	s25 =	sadd.s32 s6, s19  }
0x15: {  	s26 =	sadd.s32 s7, s19;
	s18 =	sadd.s32 s1, s19;
	s22 =	sadd.s32 s2, s19  }
0x16: {  	s29 =	sadd.s32 $0x10000, s23;
	s30 =	sadd.s32 $0x20000, s23;
	s31 =	sadd.s32 $0x10200, s23  }
0x17: {  	s1 =	sadd.s32 $0x10400, s23;
	s2 =	sadd.s32 $0x20400, s23;
	[dreg:$0x10] =	wrdreg s12  }
0x18: {  	s4 =	sadd.s32 $0x20600, s23;
	s6 =	simm.s32 $0x8000;
	[dreg:$0x11] =	wrdreg s5  }
0x19: {  	s7 =	simm.s32 $0xC000;
	s11 =	simm.s32 $0x4;
	[dreg:$0x12] =	wrdreg s25  }
0x1a: {  	s13 =	simm.s32 $0x0;
	[dreg:$0x13] =	wrdreg s26;
	s25 =	sadd.s32 s3, s14  }
0x1b: {  	s26 =	sadd.s32 s3, s19;
	s19 =	sadd.s32 $0x20200, s23;
	s3 =	sadd.s32 $0x10600, s23  }
0x1c: {  	v0 =	vimm.s32 $0x0;
	s5 =	simm.s32 $0x4000;
	s12 =	simm.s32 $0x5;
	_ =	strace $0x80000047  }
.LBB2_1:
0x1d: {  	s14 =	rddreg [dreg:$0x4]  }
0x1e: {  	[tilespmem:s0], [sflag:$0x1] =	stream.linear.gather [hbm4b:s14+s0], $0x1000, $0x38;
	v63 =	vld [tilespmem:$0x0]  }
0x1f: {  	s17 =	rddreg [dreg:$0x5]  }
0x20: {  	[tilespmem:s5], [sflag:$0x1] =	stream.linear.gather [hbm4b:s17+s0], $0x1000, $0x38;
	v63 =	vld [tilespmem:$0x0]  }
0x21: {  	s15 =	rddreg [dreg:$0x6]  }
0x22: {  	[tilespmem:s6], [sflag:$0x1] =	stream.linear.gather [hbm4b:s15+s0], $0x1000, $0x38;
	v63 =	vld [tilespmem:$0x0]  }
0x23: {  	s16 =	rddreg [dreg:$0x7]  }
0x24: {  	[tilespmem:s7], [sflag:$0x1] =	stream.linear.gather [hbm4b:s16+s0], $0x1000, $0x38;
	v63 =	vld [tilespmem:$0x0]  }
0x25: {  	s17 =	rddreg [dreg:$0x8];
	s15 =	simm.s32 $0x10000  }
0x26: {  	[tilespmem:s15], [sflag:$0x1] =	stream.linear.gather [hbm4b:s17+s0], $0x1000, $0x38;
	v63 =	vld [tilespmem:$0x0]  }
0x27: {  	s16 =	rddreg [dreg:$0x9];
	s17 =	simm.s32 $0x1000  }
0x28: {  	[tilespmem:s17], [sflag:$0x2] =	stream.linear.gather [hbm4b:s16+s0], $0x1000, $0x38;
	v63 =	vld [tilespmem:$0x0]  }
0x29: {  	s16 =	rddreg [dreg:$0xa];
	s17 =	simm.s32 $0x5000  }
0x2a: {  	[tilespmem:s17], [sflag:$0x2] =	stream.linear.gather [hbm4b:s16+s0], $0x1000, $0x38;
	v63 =	vld [tilespmem:$0x0]  }
0x2b: {  	s16 =	rddreg [dreg:$0xb];
	s17 =	simm.s32 $0x9000  }
0x2c: {  	[tilespmem:s17], [sflag:$0x2] =	stream.linear.gather [hbm4b:s16+s0], $0x1000, $0x38;
	v63 =	vld [tilespmem:$0x0]  }
0x2d: {  	s16 =	rddreg [dreg:$0xc];
	s17 =	simm.s32 $0xD000  }
0x2e: {  	[tilespmem:s17], [sflag:$0x2] =	stream.linear.gather [hbm4b:s16+s0], $0x1000, $0x38;
	v63 =	vld [tilespmem:$0x0]  }
0x2f: {  	s15 =	simm.s32 $0x11000  }
0x30: {  	[tilespmem:s15], [sflag:$0x2] =	stream.linear.gather [hbm4b:s20+s0], $0x1000, $0x38;
	v63 =	vld [tilespmem:$0x0]  }
0x31: {  	s16 =	rddreg [dreg:$0xd];
	s17 =	simm.s32 $0x2000  }
0x32: {  	[tilespmem:s17], [sflag:$0x3] =	stream.linear.gather [hbm4b:s16+s0], $0x1000, $0x38;
	v63 =	vld [tilespmem:$0x0]  }
0x33: {  	s16 =	rddreg [dreg:$0xe];
	s17 =	simm.s32 $0x6000  }
0x34: {  	[tilespmem:s17], [sflag:$0x3] =	stream.linear.gather [hbm4b:s16+s0], $0x1000, $0x38;
	v63 =	vld [tilespmem:$0x0]  }
0x35: {  	s16 =	rddreg [dreg:$0xf];
	s17 =	simm.s32 $0xA000  }
0x36: {  	[tilespmem:s17], [sflag:$0x3] =	stream.linear.gather [hbm4b:s16+s0], $0x1000, $0x38;
	v63 =	vld [tilespmem:$0x0]  }
0x37: {  	s16 =	rddreg [dreg:$0x10];
	s17 =	simm.s32 $0xE000  }
0x38: {  	[tilespmem:s17], [sflag:$0x3] =	stream.linear.gather [hbm4b:s16+s0], $0x1000, $0x38;
	v63 =	vld [tilespmem:$0x0]  }
0x39: {  	s15 =	simm.s32 $0x12000  }
0x3a: {  	[tilespmem:s15], [sflag:$0x3] =	stream.linear.gather [hbm4b:s21+s0], $0x1000, $0x38;
	v63 =	vld [tilespmem:$0x0]  }
0x3b: {  	s16 =	rddreg [dreg:$0x11];
	s17 =	simm.s32 $0x3000  }
0x3c: {  	[tilespmem:s17], [sflag:$0x4] =	stream.linear.gather [hbm4b:s16+s0], $0x1000, $0x38;
	v63 =	vld [tilespmem:$0x0]  }
0x3d: {  	s16 =	rddreg [dreg:$0x12];
	s17 =	simm.s32 $0x7000  }
0x3e: {  	[tilespmem:s17], [sflag:$0x4] =	stream.linear.gather [hbm4b:s16+s0], $0x1000, $0x38;
	v63 =	vld [tilespmem:$0x0]  }
0x3f: {  	s16 =	rddreg [dreg:$0x13];
	s17 =	simm.s32 $0xB000  }
0x40: {  	[tilespmem:s17], [sflag:$0x4] =	stream.linear.gather [hbm4b:s16+s0], $0x1000, $0x38;
	v63 =	vld [tilespmem:$0x0]  }
0x41: {  	s16 =	simm.s32 $0xF000  }
0x42: {  	[tilespmem:s16], [sflag:$0x4] =	stream.linear.gather [hbm4b:s18+s0], $0x1000, $0x38;
	v63 =	vld [tilespmem:$0x0]  }
0x43: {  	s17 =	simm.s32 $0x13000  }
0x44: {  	[tilespmem:s17], [sflag:$0x4] =	stream.linear.gather [hbm4b:s22+s0], $0x1000, $0x38;
	v63 =	vld [tilespmem:$0x0]  }
0x45: {  	_ =	swait.ge [sflag:s8], $0x1000  }
0x46: {  	[sflag:s8] =	ssyncset.done $0x0  }
0x47: {  	[sflag:s8] =	ssyncadd.s32 $0xFFFFF000  }
0x48: {  	_ =	swait.ge [sflag:s8], $0x1000  }
0x49: {  	[sflag:s8] =	ssyncset.done $0x0  }
0x4a: {  	[sflag:s8] =	ssyncadd.s32 $0xFFFFF000  }
0x4b: {  	_ =	swait.ge [sflag:s8], $0x1000  }
0x4c: {  	[sflag:s8] =	ssyncset.done $0x0  }
0x4d: {  	[sflag:s8] =	ssyncadd.s32 $0xFFFFF000  }
0x4e: {  	_ =	swait.ge [sflag:s8], $0x1000  }
0x4f: {  	[sflag:s8] =	ssyncset.done $0x0  }
0x50: {  	[sflag:s8] =	ssyncadd.s32 $0xFFFFF000  }
0x51: {  	_ =	swait.ge [sflag:s8], $0x1000  }
0x52: {  	[sflag:s8] =	ssyncset.done $0x0  }
0x53: {  	s14 =	simm.s32 $0x0;
	s15 =	simm.s32 $0x0;
	[sflag:s8] =	ssyncadd.s32 $0xFFFFF000  }
.LBB2_2:
0x54: {  	s17 =	sshll.u32 s15, $0x7  }
0x55: {  	v1 =	vmov s17  }
0x56: {  	v2 =	vor.u32 $0x20, v1  }
0x57: {  	v3 =	vor.u32 $0x10, v1  }
0x58: {  	v1 =	vor.u32 $0x30, v1  }
0x59: {  	s16 =	sshra.s32 s14, $0x2  }
0x5a: {  	v9 =	vld [tilespmem:s16+$0x10000]  }
0x5b: {  	v8 =	vld.idx.msk [tilespmem:v2+s0+$0x0], $0xffff  }
0x5c: {  	v10 =	vld.idx.msk [tilespmem:v3+s0+$0x0], $0xffff  }
0x5d: {  	v11 =	vld.idx.msk [tilespmem:v1+s0+$0x0], $0xffff;
	_ =	sdelay $0x3  }
0x5e: {  	vm0 =	vle.f32 v8, v9  }
0x5f: {  	v1 =	vsel vm0, v11, v10  }
0x60: {  	vm1 =	vle.f32 v1, v9  }
0x61: {  	v7 =	vld [tilespmem:s16+$0x10010];
	v1 =	vsel vm0, $0x20, v0;
	v2 =	vsel vm1, $0x10, v0  }
0x62: {  	v4 =	vld [tilespmem:s16+$0x10040];
	v1 =	vor.u32 v1, v2  }
0x63: {  	v2 =	vor.u32 $0x8, v1  }
0x64: {  	v3 =	vor.u32 s17, v2;
	_ =	sdelay $0x1  }
0x65: {  	vm9 =	vle.f32 v8, v7  }
0x66: {  	vm13 =	vle.f32 v8, v4;
	v12 =	vsel vm9, v11, v10  }
0x67: {  	v38 =	vsel vm13, v11, v10;
	vm2 =	vle.f32 v12, v7  }
0x68: {  	v61 =	vsel vm9, $0x20, v0;
	vm4 =	vle.f32 v38, v4;
	v14 =	vsel vm2, $0x10, v0;
	v13 =	vld.idx.msk [tilespmem:v3+s0+$0x0], $0xffff  }
0x69: {  	v17 =	vsel vm13, $0x20, v0;
	v18 =	vsel vm4, $0x10, v0;
	v12 =	vor.u32 v61, v14  }
0x6a: {  	v17 =	vor.u32 v17, v18;
	v21 =	vor.u32 $0x8, v12  }
0x6b: {  	v6 =	vld [tilespmem:s16+$0x10020];
	v43 =	vor.u32 $0x8, v17;
	v42 =	vor.u32 s17, v21  }
0x6c: {  	v29 =	vor.u32 s17, v43  }
0x6d: {  	vm14 =	vle.f32 v13, v9  }
0x6e: {  	v39 =	vsel vm14, v2, v1  }
0x6f: {  	v5 =	vld [tilespmem:s16+$0x10030];
	v40 =	vor.u32 $0x4, v39  }
0x70: {  	vm10 =	vle.f32 v8, v6;
	v45 =	vld.idx.msk [tilespmem:v42+s0+$0x0], $0xffff;
	v19 =	vor.u32 s17, v40  }
0x71: {  	v3 =	vsel vm10, v11, v10;
	v54 =	vld.idx.msk [tilespmem:v29+s0+$0x0], $0xffff  }
0x72: {  	vm11 =	vle.f32 v3, v6;
	v3 =	vld [tilespmem:s16+$0x10050]  }
0x73: {  	v15 =	vsel vm10, $0x20, v0;
	v16 =	vsel vm11, $0x10, v0  }
0x74: {  	vm12 =	vle.f32 v8, v5;
	v62 =	vor.u32 v15, v16  }
0x75: {  	v36 =	vsel vm12, $0x20, v0;
	v37 =	vsel vm12, v11, v10;
	v22 =	vor.u32 $0x8, v62;
	v19 =	vld.idx.msk [tilespmem:v19+s0+$0x0], $0xffff  }
0x76: {  	vm15 =	vle.f32 v37, v5;
	v23 =	vor.u32 s17, v22;
	vm10 =	vle.f32 v45, v7  }
0x77: {  	vm13 =	vle.f32 v54, v4;
	v2 =	vld [tilespmem:s16+$0x10060];
	v1 =	vsel vm15, $0x10, v0;
	vm5 =	vle.f32 v8, v3  }
0x78: {  	v17 =	vsel vm13, v43, v17;
	v15 =	vor.u32 v36, v1;
	v20 =	vsel vm5, v11, v10  }
0x79: {  	v41 =	vsel vm5, $0x20, v0;
	v1 =	vld [tilespmem:s16+$0x10070];
	vm0 =	vle.f32 v20, v3;
	v24 =	vor.u32 $0x8, v15  }
0x7a: {  	v25 =	vsel vm0, $0x10, v0;
	v27 =	vor.u32 s17, v24;
	vm9 =	vle.f32 v19, v9  }
0x7b: {  	v18 =	vor.u32 v41, v25;
	v25 =	vor.u32 $0x4, v17;
	v13 =	vsel vm9, v40, v39  }
0x7c: {  	vm6 =	vle.f32 v8, v2;
	v46 =	vor.u32 $0x8, v18;
	v55 =	vor.u32 $0x2, v13  }
0x7d: {  	v36 =	vor.u32 s17, v25;
	v26 =	vsel vm6, v11, v10;
	v31 =	vor.u32 s17, v55  }
0x7e: {  	v48 =	vld.idx.msk [tilespmem:v23+s0+$0x0], $0xffff;
	v44 =	vsel vm6, $0x20, v0;
	vm8 =	vle.f32 v8, v1;
	vm7 =	vle.f32 v26, v2  }
0x7f: {  	v49 =	vor.u32 s17, v46;
	v10 =	vsel vm8, v11, v10;
	v28 =	vsel vm7, $0x10, v0;
	v50 =	vld.idx.msk [tilespmem:v27+s0+$0x0], $0xffff  }
0x80: {  	v8 =	vsel vm10, v21, v12;
	vm0 =	vle.f32 v10, v1;
	v26 =	vor.u32 v44, v28  }
0x81: {  	v47 =	vsel vm8, $0x20, v0;
	v52 =	vsel vm0, $0x10, v0;
	v51 =	vor.u32 $0x8, v26  }
0x82: {  	v59 =	vor.u32 $0x4, v8;
	v53 =	vor.u32 v47, v52;
	v30 =	vor.u32 s17, v51;
	v34 =	vld.idx.msk [tilespmem:v31+s0+$0x0], $0xffff  }
0x83: {  	v60 =	vor.u32 s17, v59;
	vm11 =	vle.f32 v48, v6;
	v56 =	vor.u32 $0x8, v53  }
0x84: {  	v11 =	vsel vm11, v22, v62;
	v32 =	vor.u32 s17, v56;
	vm12 =	vle.f32 v50, v5  }
0x85: {  	v23 =	vld.idx.msk [tilespmem:v49+s0+$0x0], $0xffff;
	v61 =	vor.u32 $0x4, v11;
	v58 =	vsel vm12, v24, v15  }
0x86: {  	v20 =	vld.idx.msk [tilespmem:v36+s0+$0x0], $0xffff;
	v62 =	vor.u32 s17, v61;
	v33 =	vor.u32 $0x4, v58  }
0x87: {  	v57 =	vld.idx.msk [tilespmem:v30+s0+$0x0], $0xffff;
	v35 =	vor.u32 s17, v33;
	vm4 =	vle.f32 v34, v9  }
0x88: {  	v15 =	vld.idx.msk [tilespmem:v60+s0+$0x0], $0xffff;
	v13 =	vsel vm4, v55, v13  }
0x89: {  	v37 =	vld.idx.msk [tilespmem:v32+s0+$0x0], $0xffff;
	v28 =	vadd.s32 $0x1, v13  }
0x8a: {  	vm14 =	vle.f32 v23, v3;
	v42 =	vor.u32 s17, v28  }
0x8b: {  	v18 =	vsel vm14, v46, v18;
	v21 =	vld.idx.msk [tilespmem:v62+s0+$0x0], $0xffff  }
0x8c: {  	v38 =	vor.u32 $0x4, v18;
	vm15 =	vle.f32 v57, v2;
	v23 =	vld.idx.msk [tilespmem:v35+s0+$0x0], $0xffff  }
0x8d: {  	vm9 =	vle.f32 v20, v4;
	v39 =	vor.u32 s17, v38;
	v26 =	vsel vm15, v51, v26  }
0x8e: {  	vm6 =	vle.f32 v15, v7;
	vm5 =	vle.f32 v37, v1;
	v40 =	vor.u32 $0x4, v26  }
0x8f: {  	v8 =	vsel vm6, v59, v8;
	v16 =	vsel vm5, v56, v53;
	v41 =	vor.u32 s17, v40;
	v47 =	vld.idx.msk [tilespmem:v42+s0+$0x0], $0xffff  }
0x90: {  	v46 =	vor.u32 $0x2, v8;
	vm7 =	vle.f32 v21, v6;
	v29 =	vor.u32 $0x4, v16  }
0x91: {  	v11 =	vsel vm7, v61, v11;
	v44 =	vor.u32 s17, v29;
	vm8 =	vle.f32 v23, v5  }
0x92: {  	v48 =	vor.u32 s17, v46;
	v27 =	vld.idx.msk [tilespmem:v39+s0+$0x0], $0xffff;
	v49 =	vor.u32 $0x2, v11;
	v12 =	vsel vm8, v33, v58  }
0x93: {  	v45 =	vsel vm9, v25, v17;
	v50 =	vor.u32 s17, v49;
	v22 =	vor.u32 $0x2, v12  }
0x94: {  	v52 =	vor.u32 $0x2, v45;
	v43 =	vld.idx.msk [tilespmem:v41+s0+$0x0], $0xffff;
	v51 =	vor.u32 s17, v22;
	vm12 =	vle.f32 v47, v9  }
0x95: {  	v54 =	vor.u32 s17, v52;
	v13 =	vsel vm12, v28, v13  }
0x96: {  	v24 =	vld.idx.msk [tilespmem:v44+s0+$0x0], $0xffff;
	v28 =	vor.u32 s17, v13  }
0x97: {  	v57 =	vld.idx.msk [tilespmem:v48+s0+$0x0], $0xffff;
	vm10 =	vle.f32 v27, v3;
	v13 =	vadd.s32 s17, v13  }
0x98: {  	v10 =	vsel vm10, v38, v18;
	v18 =	vld.idx.msk [tilespmem:v50+s0+$0x0], $0xffff;
	v13 =	vadd.s32 $0x1, v13  }
0x99: {  	vm11 =	vle.f32 v43, v2;
	v15 =	vld.idx.msk [tilespmem:v51+s0+$0x0], $0xffff  }
0x9a: {  	v53 =	vsel vm11, v40, v26;
	v26 =	vld.idx.msk [tilespmem:v54+s0+$0x0], $0xffff  }
0x9b: {  	v55 =	vor.u32 $0x2, v10;
	vm13 =	vle.f32 v24, v1;
	v24 =	vld.idx.msk [tilespmem:v28+s5+$0x0], $0xffff  }
0x9c: {  	v56 =	vor.u32 s17, v55;
	v32 =	vld.idx.msk [tilespmem:v28+s6+$0x0], $0xffff  }
0x9d: {  	v31 =	vor.u32 $0x2, v53;
	v34 =	vld.idx.msk [tilespmem:v13+s5+$0x0], $0xffff  }
0x9e: {  	v29 =	vsel vm13, v29, v16;
	v58 =	vor.u32 s17, v31;
	v36 =	vld.idx.msk [tilespmem:v13+s6+$0x0], $0xffff  }
0x9f: {  	vm14 =	vle.f32 v57, v7;
	v33 =	vor.u32 $0x2, v29;
	v19 =	vld.idx.msk [tilespmem:v28+s7+$0x0], $0xffff  }
0xa0: {  	v17 =	vsel vm14, v46, v8;
	v35 =	vor.u32 s17, v33;
	v59 =	vld.idx.msk [tilespmem:v13+s7+$0x0], $0xffff  }
0xa1: {  	v61 =	vadd.s32 $0x1, v17;
	v30 =	vld.idx.msk [tilespmem:v56+s0+$0x0], $0xffff  }
0xa2: {  	vm15 =	vle.f32 v18, v6;
	v41 =	vor.u32 s17, v61;
	vm4 =	vle.f32 v15, v5  }
0xa3: {  	vm5 =	vle.f32 v26, v4;
	v20 =	vld.idx.msk [tilespmem:v58+s0+$0x0], $0xffff;
	v62 =	vsub.f32 v34, v24;
	v40 =	vsub.f32 v36, v32  }
0xa4: {  	v18 =	vsel vm15, v49, v11;
	v21 =	vsel vm4, v22, v12;
	v16 =	vsel vm5, v52, v45  }
0xa5: {  	v60 =	vld.idx.msk [tilespmem:v35+s0+$0x0], $0xffff;
	v42 =	vsub.f32 v59, v19;
	v43 =	vmul.f32 v62, v62;
	v44 =	vmul.f32 v40, v40  }
0xa6: {  	v45 =	vadd.s32 $0x1, v18;
	v27 =	vadd.s32 $0x1, v21;
	vm6 =	vle.f32 v30, v3;
	v46 =	vld.idx.msk [tilespmem:v28+s0+$0x0], $0xffff  }
0xa7: {  	v48 =	vor.u32 s17, v45;
	v47 =	vmul.f32 v42, v42;
	v8 =	vadd.f32 v44, v43  }
0xa8: {  	v49 =	vor.u32 s17, v27;
	v13 =	vsel vm6, v55, v10;
	vm7 =	vle.f32 v20, v2  }
0xa9: {  	v15 =	vadd.s32 $0x1, v13;
	v10 =	vsel vm7, v31, v53;
	v28 =	vadd.f32 v47, v8  }
0xaa: {  	v50 =	vld.idx.msk [tilespmem:v41+s0+$0x0], $0xffff;
	vm8 =	vle.f32 v60, v1;
	v31 =	vadd.s32 $0x1, v16;
	v52 =	vor.u32 s17, v15  }
0xab: {  	v12 =	vadd.s32 $0x1, v10;
	v26 =	vsub.f32 v9, v46;
	v28 =	vshra.s32 v28, $0x1  }
0xac: {  	v53 =	vor.u32 s17, v12;
	v8 =	vsel vm8, v33, v29;
	v28 =	vsub.s32 $0x5F3759DF, v28  }
0xad: {  	v51 =	vor.u32 s17, v31;
	v9 =	vadd.s32 $0x1, v8;
	v55 =	vmul.f32 v28, v26  }
0xae: {  	v54 =	vld.idx.msk [tilespmem:v48+s0+$0x0], $0xffff;
	v56 =	vor.u32 s17, v9  }
0xaf: {  	vm9 =	vle.f32 v50, v7;
	v57 =	vld.idx.msk [tilespmem:v49+s0+$0x0], $0xffff;
	v22 =	vmul.f32 v55, v62  }
0xb0: {  	v58 =	vsel vm9, v61, v17;
	v17 =	vld.idx.msk [tilespmem:v52+s0+$0x0], $0xffff;
	v23 =	vmul.f32 v55, v40  }
0xb1: {  	v59 =	vor.u32 s17, v58;
	v14 =	vld.idx.msk [tilespmem:v53+s0+$0x0], $0xffff;
	v20 =	vmul.f32 v55, v42;
	v22 =	vadd.f32 v22, v24  }
0xb2: {  	v60 =	vadd.s32 s17, v58;
	v29 =	vld.idx.msk [tilespmem:v51+s0+$0x0], $0xffff;
	v23 =	vadd.f32 v23, v32  }
0xb3: {  	v61 =	vadd.s32 $0x1, v60;
	v11 =	vld.idx.msk [tilespmem:v56+s0+$0x0], $0xffff;
	v19 =	vadd.f32 v20, v19;
	[tilespmem:s16+$0x14000] =	vst v22  }
0xb4: {  	[tilespmem:s16+$0x18000] =	vst v23  }
0xb5: {  	[tilespmem:s16+$0x1C000] =	vst v19  }
0xb6: {  	v19 =	vld.idx.msk [tilespmem:v59+s5+$0x0], $0xffff  }
0xb7: {  	v22 =	vld.idx.msk [tilespmem:v59+s6+$0x0], $0xffff  }
0xb8: {  	v23 =	vld.idx.msk [tilespmem:v61+s5+$0x0], $0xffff  }
0xb9: {  	v26 =	vld.idx.msk [tilespmem:v61+s6+$0x0], $0xffff  }
0xba: {  	v62 =	vld.idx.msk [tilespmem:v59+s7+$0x0], $0xffff  }
0xbb: {  	v20 =	vld.idx.msk [tilespmem:v61+s7+$0x0], $0xffff;
	_ =	sdelay $0x2  }
0xbc: {  	v23 =	vsub.f32 v23, v19;
	v26 =	vsub.f32 v26, v22;
	_ =	sdelay $0x1  }
0xbd: {  	v20 =	vsub.f32 v20, v62;
	v37 =	vmul.f32 v23, v23;
	v38 =	vmul.f32 v26, v26  }
0xbe: {  	v24 =	vld.idx.msk [tilespmem:v59+s0+$0x0], $0xffff  }
0xbf: {  	v39 =	vmul.f32 v20, v20;
	v32 =	vadd.f32 v38, v37;
	_ =	sdelay $0x1  }
0xc0: {  	v32 =	vadd.f32 v39, v32;
	_ =	sdelay $0x1  }
0xc1: {  	v7 =	vsub.f32 v7, v24;
	v40 =	vshra.s32 v32, $0x1  }
0xc2: {  	v24 =	vsub.s32 $0x5F3759DF, v40  }
0xc3: {  	v7 =	vmul.f32 v24, v7;
	_ =	sdelay $0x1  }
0xc4: {  	vm10 =	vle.f32 v54, v6;
	v23 =	vmul.f32 v7, v23  }
0xc5: {  	v18 =	vsel vm10, v45, v18;
	v24 =	vmul.f32 v7, v26  }
0xc6: {  	v41 =	vor.u32 s17, v18;
	v7 =	vmul.f32 v7, v20;
	v19 =	vadd.f32 v23, v19  }
0xc7: {  	v18 =	vadd.s32 s17, v18;
	v22 =	vadd.f32 v24, v22  }
0xc8: {  	v18 =	vadd.s32 $0x1, v18;
	v7 =	vadd.f32 v7, v62;
	[tilespmem:s16+$0x14010] =	vst v19  }
0xc9: {  	[tilespmem:s16+$0x18010] =	vst v22  }
0xca: {  	[tilespmem:s16+$0x1C010] =	vst v7  }
0xcb: {  	v7 =	vld.idx.msk [tilespmem:v41+s5+$0x0], $0xffff  }
0xcc: {  	v19 =	vld.idx.msk [tilespmem:v41+s6+$0x0], $0xffff  }
0xcd: {  	v22 =	vld.idx.msk [tilespmem:v18+s5+$0x0], $0xffff  }
0xce: {  	v42 =	vld.idx.msk [tilespmem:v18+s6+$0x0], $0xffff  }
0xcf: {  	v43 =	vld.idx.msk [tilespmem:v41+s7+$0x0], $0xffff  }
0xd0: {  	v18 =	vld.idx.msk [tilespmem:v18+s7+$0x0], $0xffff;
	_ =	sdelay $0x2  }
0xd1: {  	v22 =	vsub.f32 v22, v7;
	v23 =	vsub.f32 v42, v19;
	_ =	sdelay $0x1  }
0xd2: {  	v18 =	vsub.f32 v18, v43;
	v44 =	vmul.f32 v22, v22;
	v45 =	vmul.f32 v23, v23  }
0xd3: {  	v20 =	vld.idx.msk [tilespmem:v41+s0+$0x0], $0xffff  }
0xd4: {  	v46 =	vmul.f32 v18, v18;
	v25 =	vadd.f32 v45, v44;
	_ =	sdelay $0x1  }
0xd5: {  	v25 =	vadd.f32 v46, v25;
	_ =	sdelay $0x1  }
0xd6: {  	v6 =	vsub.f32 v6, v20;
	v47 =	vshra.s32 v25, $0x1  }
0xd7: {  	v20 =	vsub.s32 $0x5F3759DF, v47  }
0xd8: {  	v6 =	vmul.f32 v20, v6;
	_ =	sdelay $0x1  }
0xd9: {  	vm11 =	vle.f32 v57, v5;
	v20 =	vmul.f32 v6, v22  }
0xda: {  	v21 =	vsel vm11, v27, v21;
	v48 =	vmul.f32 v6, v23  }
0xdb: {  	v49 =	vor.u32 s17, v21;
	v6 =	vmul.f32 v6, v18;
	v7 =	vadd.f32 v20, v7  }
0xdc: {  	v50 =	vadd.s32 s17, v21;
	v19 =	vadd.f32 v48, v19  }
0xdd: {  	v51 =	vadd.s32 $0x1, v50;
	v6 =	vadd.f32 v6, v43;
	[tilespmem:s16+$0x14020] =	vst v7  }
0xde: {  	[tilespmem:s16+$0x18020] =	vst v19  }
0xdf: {  	[tilespmem:s16+$0x1C020] =	vst v6  }
0xe0: {  	v6 =	vld.idx.msk [tilespmem:v49+s5+$0x0], $0xffff  }
0xe1: {  	v19 =	vld.idx.msk [tilespmem:v49+s6+$0x0], $0xffff  }
0xe2: {  	v20 =	vld.idx.msk [tilespmem:v51+s5+$0x0], $0xffff  }
0xe3: {  	v52 =	vld.idx.msk [tilespmem:v51+s6+$0x0], $0xffff  }
0xe4: {  	v53 =	vld.idx.msk [tilespmem:v49+s7+$0x0], $0xffff  }
0xe5: {  	v7 =	vld.idx.msk [tilespmem:v51+s7+$0x0], $0xffff;
	_ =	sdelay $0x2  }
0xe6: {  	v20 =	vsub.f32 v20, v6;
	v21 =	vsub.f32 v52, v19;
	_ =	sdelay $0x1  }
0xe7: {  	v7 =	vsub.f32 v7, v53;
	v54 =	vmul.f32 v20, v20;
	v55 =	vmul.f32 v21, v21  }
0xe8: {  	v18 =	vld.idx.msk [tilespmem:v49+s0+$0x0], $0xffff  }
0xe9: {  	v56 =	vmul.f32 v7, v7;
	v23 =	vadd.f32 v55, v54;
	_ =	sdelay $0x1  }
0xea: {  	v23 =	vadd.f32 v56, v23;
	_ =	sdelay $0x1  }
0xeb: {  	v5 =	vsub.f32 v5, v18;
	v57 =	vshra.s32 v23, $0x1  }
0xec: {  	v18 =	vsub.s32 $0x5F3759DF, v57  }
0xed: {  	v5 =	vmul.f32 v18, v5;
	_ =	sdelay $0x1  }
0xee: {  	vm12 =	vle.f32 v29, v4;
	v18 =	vmul.f32 v5, v20  }
0xef: {  	v16 =	vsel vm12, v31, v16;
	v58 =	vmul.f32 v5, v21  }
0xf0: {  	v59 =	vor.u32 s17, v16;
	v5 =	vmul.f32 v5, v7;
	v6 =	vadd.f32 v18, v6  }
0xf1: {  	v16 =	vadd.s32 s17, v16;
	v60 =	vadd.f32 v58, v19  }
0xf2: {  	v61 =	vadd.s32 $0x1, v16;
	v5 =	vadd.f32 v5, v53;
	[tilespmem:s16+$0x14030] =	vst v6  }
0xf3: {  	[tilespmem:s16+$0x18030] =	vst v60  }
0xf4: {  	[tilespmem:s16+$0x1C030] =	vst v5  }
0xf5: {  	v5 =	vld.idx.msk [tilespmem:v59+s5+$0x0], $0xffff  }
0xf6: {  	v62 =	vld.idx.msk [tilespmem:v59+s6+$0x0], $0xffff  }
0xf7: {  	v18 =	vld.idx.msk [tilespmem:v61+s5+$0x0], $0xffff  }
0xf8: {  	v24 =	vld.idx.msk [tilespmem:v61+s6+$0x0], $0xffff  }
0xf9: {  	v25 =	vld.idx.msk [tilespmem:v59+s7+$0x0], $0xffff  }
0xfa: {  	v6 =	vld.idx.msk [tilespmem:v61+s7+$0x0], $0xffff;
	_ =	sdelay $0x2  }
0xfb: {  	v18 =	vsub.f32 v18, v5;
	v19 =	vsub.f32 v24, v62;
	_ =	sdelay $0x1  }
0xfc: {  	v6 =	vsub.f32 v6, v25;
	v26 =	vmul.f32 v18, v18;
	v27 =	vmul.f32 v19, v19  }
0xfd: {  	v7 =	vld.idx.msk [tilespmem:v59+s0+$0x0], $0xffff  }
0xfe: {  	v28 =	vmul.f32 v6, v6;
	v21 =	vadd.f32 v27, v26;
	_ =	sdelay $0x1  }
0xff: {  	v21 =	vadd.f32 v28, v21;
	_ =	sdelay $0x1  }
0x100: {  	v4 =	vsub.f32 v4, v7;
	v29 =	vshra.s32 v21, $0x1  }
0x101: {  	v7 =	vsub.s32 $0x5F3759DF, v29  }
0x102: {  	v4 =	vmul.f32 v7, v4;
	_ =	sdelay $0x1  }
0x103: {  	vm13 =	vle.f32 v17, v3;
	v7 =	vmul.f32 v4, v18  }
0x104: {  	v13 =	vsel vm13, v15, v13;
	v30 =	vmul.f32 v4, v19  }
0x105: {  	v31 =	vor.u32 s17, v13;
	v4 =	vmul.f32 v4, v6;
	v5 =	vadd.f32 v7, v5  }
0x106: {  	v13 =	vadd.s32 s17, v13;
	v32 =	vadd.f32 v30, v62  }
0x107: {  	v33 =	vadd.s32 $0x1, v13;
	v4 =	vadd.f32 v4, v25;
	[tilespmem:s16+$0x14040] =	vst v5  }
0x108: {  	[tilespmem:s16+$0x18040] =	vst v32  }
0x109: {  	[tilespmem:s16+$0x1C040] =	vst v4  }
0x10a: {  	v4 =	vld.idx.msk [tilespmem:v31+s5+$0x0], $0xffff  }
0x10b: {  	v7 =	vld.idx.msk [tilespmem:v31+s6+$0x0], $0xffff  }
0x10c: {  	v13 =	vld.idx.msk [tilespmem:v33+s5+$0x0], $0xffff  }
0x10d: {  	v34 =	vld.idx.msk [tilespmem:v33+s6+$0x0], $0xffff  }
0x10e: {  	v35 =	vld.idx.msk [tilespmem:v31+s7+$0x0], $0xffff  }
0x10f: {  	v5 =	vld.idx.msk [tilespmem:v33+s7+$0x0], $0xffff;
	_ =	sdelay $0x2  }
0x110: {  	v13 =	vsub.f32 v13, v4;
	v15 =	vsub.f32 v34, v7;
	_ =	sdelay $0x1  }
0x111: {  	v5 =	vsub.f32 v5, v35;
	v36 =	vmul.f32 v13, v13;
	v37 =	vmul.f32 v15, v15  }
0x112: {  	v6 =	vld.idx.msk [tilespmem:v31+s0+$0x0], $0xffff  }
0x113: {  	v38 =	vmul.f32 v5, v5;
	v17 =	vadd.f32 v37, v36;
	_ =	sdelay $0x1  }
0x114: {  	v17 =	vadd.f32 v38, v17;
	_ =	sdelay $0x1  }
0x115: {  	v3 =	vsub.f32 v3, v6;
	v39 =	vshra.s32 v17, $0x1  }
0x116: {  	v6 =	vsub.s32 $0x5F3759DF, v39  }
0x117: {  	v3 =	vmul.f32 v6, v3;
	_ =	sdelay $0x1  }
0x118: {  	vm14 =	vle.f32 v14, v2;
	v6 =	vmul.f32 v3, v13  }
0x119: {  	v10 =	vsel vm14, v12, v10;
	v40 =	vmul.f32 v3, v15  }
0x11a: {  	v41 =	vor.u32 s17, v10;
	v3 =	vmul.f32 v3, v5;
	v4 =	vadd.f32 v6, v4  }
0x11b: {  	v43 =	vadd.s32 s17, v10;
	v42 =	vadd.f32 v40, v7  }
0x11c: {  	v44 =	vadd.s32 $0x1, v43;
	v3 =	vadd.f32 v3, v35;
	[tilespmem:s16+$0x14050] =	vst v4  }
0x11d: {  	[tilespmem:s16+$0x18050] =	vst v42  }
0x11e: {  	[tilespmem:s16+$0x1C050] =	vst v3  }
0x11f: {  	v3 =	vld.idx.msk [tilespmem:v41+s5+$0x0], $0xffff  }
0x120: {  	v6 =	vld.idx.msk [tilespmem:v41+s6+$0x0], $0xffff  }
0x121: {  	v7 =	vld.idx.msk [tilespmem:v44+s5+$0x0], $0xffff  }
0x122: {  	v45 =	vld.idx.msk [tilespmem:v44+s6+$0x0], $0xffff  }
0x123: {  	v46 =	vld.idx.msk [tilespmem:v41+s7+$0x0], $0xffff  }
0x124: {  	v4 =	vld.idx.msk [tilespmem:v44+s7+$0x0], $0xffff;
	_ =	sdelay $0x2  }
0x125: {  	v7 =	vsub.f32 v7, v3;
	v10 =	vsub.f32 v45, v6;
	_ =	sdelay $0x1  }
0x126: {  	v4 =	vsub.f32 v4, v46;
	v47 =	vmul.f32 v7, v7;
	v48 =	vmul.f32 v10, v10  }
0x127: {  	v5 =	vld.idx.msk [tilespmem:v41+s0+$0x0], $0xffff  }
0x128: {  	v49 =	vmul.f32 v4, v4;
	v13 =	vadd.f32 v48, v47;
	_ =	sdelay $0x1  }
0x129: {  	v13 =	vadd.f32 v49, v13;
	_ =	sdelay $0x1  }
0x12a: {  	v2 =	vsub.f32 v2, v5;
	v50 =	vshra.s32 v13, $0x1  }
0x12b: {  	v5 =	vsub.s32 $0x5F3759DF, v50  }
0x12c: {  	v2 =	vmul.f32 v5, v2;
	_ =	sdelay $0x1  }
0x12d: {  	vm15 =	vle.f32 v11, v1;
	v5 =	vmul.f32 v2, v7  }
0x12e: {  	v51 =	vsel vm15, v9, v8;
	v52 =	vmul.f32 v2, v10  }
0x12f: {  	v53 =	vor.u32 s17, v51;
	v2 =	vmul.f32 v2, v4;
	v3 =	vadd.f32 v5, v3  }
0x130: {  	v55 =	vadd.s32 s17, v51;
	v54 =	vadd.f32 v52, v6  }
0x131: {  	v2 =	vadd.f32 v2, v46;
	[tilespmem:s16+$0x14060] =	vst v3;
	v3 =	vadd.s32 $0x1, v55  }
0x132: {  	[tilespmem:s16+$0x18060] =	vst v54  }
0x133: {  	[tilespmem:s16+$0x1C060] =	vst v2  }
0x134: {  	v2 =	vld.idx.msk [tilespmem:v53+s5+$0x0], $0xffff  }
0x135: {  	v5 =	vld.idx.msk [tilespmem:v53+s6+$0x0], $0xffff  }
0x136: {  	v6 =	vld.idx.msk [tilespmem:v3+s5+$0x0], $0xffff  }
0x137: {  	v56 =	vld.idx.msk [tilespmem:v3+s6+$0x0], $0xffff  }
0x138: {  	v57 =	vld.idx.msk [tilespmem:v53+s7+$0x0], $0xffff  }
0x139: {  	v3 =	vld.idx.msk [tilespmem:v3+s7+$0x0], $0xffff;
	_ =	sdelay $0x2  }
0x13a: {  	v6 =	vsub.f32 v6, v2;
	v7 =	vsub.f32 v56, v5;
	_ =	sdelay $0x1  }
0x13b: {  	v3 =	vsub.f32 v3, v57;
	v58 =	vmul.f32 v6, v6;
	v59 =	vmul.f32 v7, v7  }
0x13c: {  	v4 =	vld.idx.msk [tilespmem:v53+s0+$0x0], $0xffff  }
0x13d: {  	v60 =	vmul.f32 v3, v3;
	v9 =	vadd.f32 v59, v58;
	_ =	sdelay $0x1  }
0x13e: {  	v9 =	vadd.f32 v60, v9;
	_ =	sdelay $0x1  }
0x13f: {  	v1 =	vsub.f32 v1, v4;
	v61 =	vshra.s32 v9, $0x1  }
0x140: {  	v4 =	vsub.s32 $0x5F3759DF, v61  }
0x141: {  	v1 =	vmul.f32 v4, v1;
	_ =	sdelay $0x1  }
0x142: {  	v4 =	vmul.f32 v1, v6  }
0x143: {  	p0 =	sne.s32 s14, $0x3E00;
	v62 =	vmul.f32 v1, v7  }
.Ltmp0:
0x144: {  	v1 =	vmul.f32 v1, v3;
	v2 =	vadd.f32 v4, v2;
	(pc) =	sbr.rel @p0 .LBB2_2-.Ltmp0, $4  }
0x145: {  	v3 =	vadd.f32 v62, v5  }
0x146: {  	v1 =	vadd.f32 v1, v57;
	[tilespmem:s16+$0x14070] =	vst v2  }
0x147: {  	[tilespmem:s16+$0x18070] =	vst v3  }
0x148: {  	s15 =	sadd.s32 $0x1, s15;
	s14 =	sadd.s32 $0x200, s14;
	[tilespmem:s16+$0x1C070] =	vst v1  }
0x149: {  	s14 =	simm.s32 $0x0;
	s15 =	simm.s32 $0x14000  }
0x14a: {  	[hbm4b:s23+s14] =	stream.linear.scatter [tilespmem:s15], [sflag:$0x5], $0x1000, $0x38;
	v63 =	vld [tilespmem:$0x0]  }
0x14b: {  	s16 =	simm.s32 $0x18000  }
0x14c: {  	[hbm4b:s29+s14] =	stream.linear.scatter [tilespmem:s16], [sflag:$0x5], $0x1000, $0x38;
	v63 =	vld [tilespmem:$0x0]  }
0x14d: {  	s17 =	simm.s32 $0x1C000  }
0x14e: {  	[hbm4b:s30+s14] =	stream.linear.scatter [tilespmem:s17], [sflag:$0x5], $0x1000, $0x38;
	v63 =	vld [tilespmem:$0x0]  }
0x14f: {  	_ =	swait.ge [sflag:s9], $0x1000  }
0x150: {  	[sflag:s9] =	ssyncset.done $0x0  }
0x151: {  	[sflag:s9] =	ssyncadd.s32 $0xFFFFF000  }
0x152: {  	_ =	swait.ge [sflag:s9], $0x1000  }
0x153: {  	[sflag:s9] =	ssyncset.done $0x0  }
0x154: {  	[sflag:s9] =	ssyncadd.s32 $0xFFFFF000  }
0x155: {  	_ =	swait.ge [sflag:s9], $0x1000  }
0x156: {  	[sflag:s9] =	ssyncset.done $0x0  }
0x157: {  	[sflag:s9] =	ssyncadd.s32 $0xFFFFF000  }
0x158: {  	_ =	swait.ge [sflag:s9], $0x1000  }
0x159: {  	[sflag:s9] =	ssyncset.done $0x0  }
0x15a: {  	[sflag:s9] =	ssyncadd.s32 $0xFFFFF000  }
0x15b: {  	_ =	swait.ge [sflag:s9], $0x1000  }
0x15c: {  	[sflag:s9] =	ssyncset.done $0x0  }
0x15d: {  	s15 =	simm.s32 $0x20;
	[sflag:s9] =	ssyncadd.s32 $0xFFFFF000  }
.LBB2_4:
0x15e: {  	s17 =	sshll.u32 s15, $0x7  }
0x15f: {  	v1 =	vmov s17  }
0x160: {  	v2 =	vor.u32 $0x20, v1  }
0x161: {  	v3 =	vor.u32 $0x10, v1  }
0x162: {  	v1 =	vor.u32 $0x30, v1  }
0x163: {  	s16 =	sshra.s32 s14, $0x2  }
0x164: {  	v9 =	vld [tilespmem:s16+$0x11000]  }
0x165: {  	v8 =	vld.idx.msk [tilespmem:v2+s0+$0x0], $0xffff  }
0x166: {  	v10 =	vld.idx.msk [tilespmem:v3+s0+$0x0], $0xffff  }
0x167: {  	v11 =	vld.idx.msk [tilespmem:v1+s0+$0x0], $0xffff;
	_ =	sdelay $0x3  }
0x168: {  	vm0 =	vle.f32 v8, v9  }
0x169: {  	v1 =	vsel vm0, v11, v10  }
0x16a: {  	vm1 =	vle.f32 v1, v9  }
0x16b: {  	v7 =	vld [tilespmem:s16+$0x11010];
	v1 =	vsel vm0, $0x20, v0;
	v2 =	vsel vm1, $0x10, v0  }
0x16c: {  	v4 =	vld [tilespmem:s16+$0x11040];
	v1 =	vor.u32 v1, v2  }
0x16d: {  	v2 =	vor.u32 $0x8, v1  }
0x16e: {  	v3 =	vor.u32 s17, v2;
	_ =	sdelay $0x1  }
0x16f: {  	vm9 =	vle.f32 v8, v7  }
0x170: {  	vm13 =	vle.f32 v8, v4;
	v12 =	vsel vm9, v11, v10  }
0x171: {  	v38 =	vsel vm13, v11, v10;
	vm2 =	vle.f32 v12, v7  }
0x172: {  	v61 =	vsel vm9, $0x20, v0;
	vm4 =	vle.f32 v38, v4;
	v14 =	vsel vm2, $0x10, v0;
	v13 =	vld.idx.msk [tilespmem:v3+s0+$0x0], $0xffff  }
0x173: {  	v17 =	vsel vm13, $0x20, v0;
	v18 =	vsel vm4, $0x10, v0;
	v12 =	vor.u32 v61, v14  }
0x174: {  	v17 =	vor.u32 v17, v18;
	v21 =	vor.u32 $0x8, v12  }
0x175: {  	v6 =	vld [tilespmem:s16+$0x11020];
	v43 =	vor.u32 $0x8, v17;
	v42 =	vor.u32 s17, v21  }
0x176: {  	v29 =	vor.u32 s17, v43  }
0x177: {  	vm14 =	vle.f32 v13, v9  }
0x178: {  	v39 =	vsel vm14, v2, v1  }
0x179: {  	v5 =	vld [tilespmem:s16+$0x11030];
	v40 =	vor.u32 $0x4, v39  }
0x17a: {  	vm10 =	vle.f32 v8, v6;
	v45 =	vld.idx.msk [tilespmem:v42+s0+$0x0], $0xffff;
	v19 =	vor.u32 s17, v40  }
0x17b: {  	v3 =	vsel vm10, v11, v10;
	v54 =	vld.idx.msk [tilespmem:v29+s0+$0x0], $0xffff  }
0x17c: {  	vm11 =	vle.f32 v3, v6;
	v3 =	vld [tilespmem:s16+$0x11050]  }
0x17d: {  	v15 =	vsel vm10, $0x20, v0;
	v16 =	vsel vm11, $0x10, v0  }
0x17e: {  	vm12 =	vle.f32 v8, v5;
	v62 =	vor.u32 v15, v16  }
0x17f: {  	v36 =	vsel vm12, $0x20, v0;
	v37 =	vsel vm12, v11, v10;
	v22 =	vor.u32 $0x8, v62;
	v19 =	vld.idx.msk [tilespmem:v19+s0+$0x0], $0xffff  }
0x180: {  	vm15 =	vle.f32 v37, v5;
	v23 =	vor.u32 s17, v22;
	vm10 =	vle.f32 v45, v7  }
0x181: {  	vm13 =	vle.f32 v54, v4;
	v2 =	vld [tilespmem:s16+$0x11060];
	v1 =	vsel vm15, $0x10, v0;
	vm5 =	vle.f32 v8, v3  }
0x182: {  	v17 =	vsel vm13, v43, v17;
	v15 =	vor.u32 v36, v1;
	v20 =	vsel vm5, v11, v10  }
0x183: {  	v41 =	vsel vm5, $0x20, v0;
	v1 =	vld [tilespmem:s16+$0x11070];
	vm0 =	vle.f32 v20, v3;
	v24 =	vor.u32 $0x8, v15  }
0x184: {  	v25 =	vsel vm0, $0x10, v0;
	v27 =	vor.u32 s17, v24;
	vm9 =	vle.f32 v19, v9  }
0x185: {  	v18 =	vor.u32 v41, v25;
	v25 =	vor.u32 $0x4, v17;
	v13 =	vsel vm9, v40, v39  }
0x186: {  	vm6 =	vle.f32 v8, v2;
	v46 =	vor.u32 $0x8, v18;
	v55 =	vor.u32 $0x2, v13  }
0x187: {  	v36 =	vor.u32 s17, v25;
	v26 =	vsel vm6, v11, v10;
	v31 =	vor.u32 s17, v55  }
0x188: {  	v48 =	vld.idx.msk [tilespmem:v23+s0+$0x0], $0xffff;
	v44 =	vsel vm6, $0x20, v0;
	vm8 =	vle.f32 v8, v1;
	vm7 =	vle.f32 v26, v2  }
0x189: {  	v49 =	vor.u32 s17, v46;
	v10 =	vsel vm8, v11, v10;
	v28 =	vsel vm7, $0x10, v0;
	v50 =	vld.idx.msk [tilespmem:v27+s0+$0x0], $0xffff  }
0x18a: {  	v8 =	vsel vm10, v21, v12;
	vm0 =	vle.f32 v10, v1;
	v26 =	vor.u32 v44, v28  }
0x18b: {  	v47 =	vsel vm8, $0x20, v0;
	v52 =	vsel vm0, $0x10, v0;
	v51 =	vor.u32 $0x8, v26  }
0x18c: {  	v59 =	vor.u32 $0x4, v8;
	v53 =	vor.u32 v47, v52;
	v30 =	vor.u32 s17, v51;
	v34 =	vld.idx.msk [tilespmem:v31+s0+$0x0], $0xffff  }
0x18d: {  	v60 =	vor.u32 s17, v59;
	vm11 =	vle.f32 v48, v6;
	v56 =	vor.u32 $0x8, v53  }
0x18e: {  	v11 =	vsel vm11, v22, v62;
	v32 =	vor.u32 s17, v56;
	vm12 =	vle.f32 v50, v5  }
0x18f: {  	v23 =	vld.idx.msk [tilespmem:v49+s0+$0x0], $0xffff;
	v61 =	vor.u32 $0x4, v11;
	v58 =	vsel vm12, v24, v15  }
0x190: {  	v20 =	vld.idx.msk [tilespmem:v36+s0+$0x0], $0xffff;
	v62 =	vor.u32 s17, v61;
	v33 =	vor.u32 $0x4, v58  }
0x191: {  	v57 =	vld.idx.msk [tilespmem:v30+s0+$0x0], $0xffff;
	v35 =	vor.u32 s17, v33;
	vm4 =	vle.f32 v34, v9  }
0x192: {  	v15 =	vld.idx.msk [tilespmem:v60+s0+$0x0], $0xffff;
	v13 =	vsel vm4, v55, v13  }
0x193: {  	v37 =	vld.idx.msk [tilespmem:v32+s0+$0x0], $0xffff;
	v28 =	vadd.s32 $0x1, v13  }
0x194: {  	vm14 =	vle.f32 v23, v3;
	v42 =	vor.u32 s17, v28  }
0x195: {  	v18 =	vsel vm14, v46, v18;
	v21 =	vld.idx.msk [tilespmem:v62+s0+$0x0], $0xffff  }
0x196: {  	v38 =	vor.u32 $0x4, v18;
	vm15 =	vle.f32 v57, v2;
	v23 =	vld.idx.msk [tilespmem:v35+s0+$0x0], $0xffff  }
0x197: {  	vm9 =	vle.f32 v20, v4;
	v39 =	vor.u32 s17, v38;
	v26 =	vsel vm15, v51, v26  }
0x198: {  	vm6 =	vle.f32 v15, v7;
	vm5 =	vle.f32 v37, v1;
	v40 =	vor.u32 $0x4, v26  }
0x199: {  	v8 =	vsel vm6, v59, v8;
	v16 =	vsel vm5, v56, v53;
	v41 =	vor.u32 s17, v40;
	v47 =	vld.idx.msk [tilespmem:v42+s0+$0x0], $0xffff  }
0x19a: {  	v46 =	vor.u32 $0x2, v8;
	vm7 =	vle.f32 v21, v6;
	v29 =	vor.u32 $0x4, v16  }
0x19b: {  	v11 =	vsel vm7, v61, v11;
	v44 =	vor.u32 s17, v29;
	vm8 =	vle.f32 v23, v5  }
0x19c: {  	v48 =	vor.u32 s17, v46;
	v27 =	vld.idx.msk [tilespmem:v39+s0+$0x0], $0xffff;
	v49 =	vor.u32 $0x2, v11;
	v12 =	vsel vm8, v33, v58  }
0x19d: {  	v45 =	vsel vm9, v25, v17;
	v50 =	vor.u32 s17, v49;
	v22 =	vor.u32 $0x2, v12  }
0x19e: {  	v52 =	vor.u32 $0x2, v45;
	v43 =	vld.idx.msk [tilespmem:v41+s0+$0x0], $0xffff;
	v51 =	vor.u32 s17, v22;
	vm12 =	vle.f32 v47, v9  }
0x19f: {  	v54 =	vor.u32 s17, v52;
	v13 =	vsel vm12, v28, v13  }
0x1a0: {  	v24 =	vld.idx.msk [tilespmem:v44+s0+$0x0], $0xffff;
	v28 =	vor.u32 s17, v13  }
0x1a1: {  	v57 =	vld.idx.msk [tilespmem:v48+s0+$0x0], $0xffff;
	vm10 =	vle.f32 v27, v3;
	v13 =	vadd.s32 s17, v13  }
0x1a2: {  	v10 =	vsel vm10, v38, v18;
	v18 =	vld.idx.msk [tilespmem:v50+s0+$0x0], $0xffff;
	v13 =	vadd.s32 $0x1, v13  }
0x1a3: {  	vm11 =	vle.f32 v43, v2;
	v15 =	vld.idx.msk [tilespmem:v51+s0+$0x0], $0xffff  }
0x1a4: {  	v53 =	vsel vm11, v40, v26;
	v26 =	vld.idx.msk [tilespmem:v54+s0+$0x0], $0xffff  }
0x1a5: {  	v55 =	vor.u32 $0x2, v10;
	vm13 =	vle.f32 v24, v1;
	v24 =	vld.idx.msk [tilespmem:v28+s5+$0x0], $0xffff  }
0x1a6: {  	v56 =	vor.u32 s17, v55;
	v32 =	vld.idx.msk [tilespmem:v28+s6+$0x0], $0xffff  }
0x1a7: {  	v31 =	vor.u32 $0x2, v53;
	v34 =	vld.idx.msk [tilespmem:v13+s5+$0x0], $0xffff  }
0x1a8: {  	v29 =	vsel vm13, v29, v16;
	v58 =	vor.u32 s17, v31;
	v36 =	vld.idx.msk [tilespmem:v13+s6+$0x0], $0xffff  }
0x1a9: {  	vm14 =	vle.f32 v57, v7;
	v33 =	vor.u32 $0x2, v29;
	v19 =	vld.idx.msk [tilespmem:v28+s7+$0x0], $0xffff  }
0x1aa: {  	v17 =	vsel vm14, v46, v8;
	v35 =	vor.u32 s17, v33;
	v59 =	vld.idx.msk [tilespmem:v13+s7+$0x0], $0xffff  }
0x1ab: {  	v61 =	vadd.s32 $0x1, v17;
	v30 =	vld.idx.msk [tilespmem:v56+s0+$0x0], $0xffff  }
0x1ac: {  	vm15 =	vle.f32 v18, v6;
	v41 =	vor.u32 s17, v61;
	vm4 =	vle.f32 v15, v5  }
0x1ad: {  	vm5 =	vle.f32 v26, v4;
	v20 =	vld.idx.msk [tilespmem:v58+s0+$0x0], $0xffff;
	v62 =	vsub.f32 v34, v24;
	v40 =	vsub.f32 v36, v32  }
0x1ae: {  	v18 =	vsel vm15, v49, v11;
	v21 =	vsel vm4, v22, v12;
	v16 =	vsel vm5, v52, v45  }
0x1af: {  	v60 =	vld.idx.msk [tilespmem:v35+s0+$0x0], $0xffff;
	v42 =	vsub.f32 v59, v19;
	v43 =	vmul.f32 v62, v62;
	v44 =	vmul.f32 v40, v40  }
0x1b0: {  	v45 =	vadd.s32 $0x1, v18;
	v27 =	vadd.s32 $0x1, v21;
	vm6 =	vle.f32 v30, v3;
	v46 =	vld.idx.msk [tilespmem:v28+s0+$0x0], $0xffff  }
0x1b1: {  	v48 =	vor.u32 s17, v45;
	v47 =	vmul.f32 v42, v42;
	v8 =	vadd.f32 v44, v43  }
0x1b2: {  	v49 =	vor.u32 s17, v27;
	v13 =	vsel vm6, v55, v10;
	vm7 =	vle.f32 v20, v2  }
0x1b3: {  	v15 =	vadd.s32 $0x1, v13;
	v10 =	vsel vm7, v31, v53;
	v28 =	vadd.f32 v47, v8  }
0x1b4: {  	v50 =	vld.idx.msk [tilespmem:v41+s0+$0x0], $0xffff;
	vm8 =	vle.f32 v60, v1;
	v31 =	vadd.s32 $0x1, v16;
	v52 =	vor.u32 s17, v15  }
0x1b5: {  	v12 =	vadd.s32 $0x1, v10;
	v26 =	vsub.f32 v9, v46;
	v28 =	vshra.s32 v28, $0x1  }
0x1b6: {  	v53 =	vor.u32 s17, v12;
	v8 =	vsel vm8, v33, v29;
	v28 =	vsub.s32 $0x5F3759DF, v28  }
0x1b7: {  	v51 =	vor.u32 s17, v31;
	v9 =	vadd.s32 $0x1, v8;
	v55 =	vmul.f32 v28, v26  }
0x1b8: {  	v54 =	vld.idx.msk [tilespmem:v48+s0+$0x0], $0xffff;
	v56 =	vor.u32 s17, v9  }
0x1b9: {  	vm9 =	vle.f32 v50, v7;
	v57 =	vld.idx.msk [tilespmem:v49+s0+$0x0], $0xffff;
	v22 =	vmul.f32 v55, v62  }
0x1ba: {  	v58 =	vsel vm9, v61, v17;
	v17 =	vld.idx.msk [tilespmem:v52+s0+$0x0], $0xffff;
	v23 =	vmul.f32 v55, v40  }
0x1bb: {  	v59 =	vor.u32 s17, v58;
	v14 =	vld.idx.msk [tilespmem:v53+s0+$0x0], $0xffff;
	v20 =	vmul.f32 v55, v42;
	v22 =	vadd.f32 v22, v24  }
0x1bc: {  	v60 =	vadd.s32 s17, v58;
	v29 =	vld.idx.msk [tilespmem:v51+s0+$0x0], $0xffff;
	v23 =	vadd.f32 v23, v32  }
0x1bd: {  	v61 =	vadd.s32 $0x1, v60;
	v11 =	vld.idx.msk [tilespmem:v56+s0+$0x0], $0xffff;
	v19 =	vadd.f32 v20, v19;
	[tilespmem:s16+$0x15000] =	vst v22  }
0x1be: {  	[tilespmem:s16+$0x19000] =	vst v23  }
0x1bf: {  	[tilespmem:s16+$0x1D000] =	vst v19  }
0x1c0: {  	v19 =	vld.idx.msk [tilespmem:v59+s5+$0x0], $0xffff  }
0x1c1: {  	v22 =	vld.idx.msk [tilespmem:v59+s6+$0x0], $0xffff  }
0x1c2: {  	v23 =	vld.idx.msk [tilespmem:v61+s5+$0x0], $0xffff  }
0x1c3: {  	v26 =	vld.idx.msk [tilespmem:v61+s6+$0x0], $0xffff  }
0x1c4: {  	v62 =	vld.idx.msk [tilespmem:v59+s7+$0x0], $0xffff  }
0x1c5: {  	v20 =	vld.idx.msk [tilespmem:v61+s7+$0x0], $0xffff;
	_ =	sdelay $0x2  }
0x1c6: {  	v23 =	vsub.f32 v23, v19;
	v26 =	vsub.f32 v26, v22;
	_ =	sdelay $0x1  }
0x1c7: {  	v20 =	vsub.f32 v20, v62;
	v37 =	vmul.f32 v23, v23;
	v38 =	vmul.f32 v26, v26  }
0x1c8: {  	v24 =	vld.idx.msk [tilespmem:v59+s0+$0x0], $0xffff  }
0x1c9: {  	v39 =	vmul.f32 v20, v20;
	v32 =	vadd.f32 v38, v37;
	_ =	sdelay $0x1  }
0x1ca: {  	v32 =	vadd.f32 v39, v32;
	_ =	sdelay $0x1  }
0x1cb: {  	v7 =	vsub.f32 v7, v24;
	v40 =	vshra.s32 v32, $0x1  }
0x1cc: {  	v24 =	vsub.s32 $0x5F3759DF, v40  }
0x1cd: {  	v7 =	vmul.f32 v24, v7;
	_ =	sdelay $0x1  }
0x1ce: {  	vm10 =	vle.f32 v54, v6;
	v23 =	vmul.f32 v7, v23  }
0x1cf: {  	v18 =	vsel vm10, v45, v18;
	v24 =	vmul.f32 v7, v26  }
0x1d0: {  	v41 =	vor.u32 s17, v18;
	v7 =	vmul.f32 v7, v20;
	v19 =	vadd.f32 v23, v19  }
0x1d1: {  	v18 =	vadd.s32 s17, v18;
	v22 =	vadd.f32 v24, v22  }
0x1d2: {  	v18 =	vadd.s32 $0x1, v18;
	v7 =	vadd.f32 v7, v62;
	[tilespmem:s16+$0x15010] =	vst v19  }
0x1d3: {  	[tilespmem:s16+$0x19010] =	vst v22  }
0x1d4: {  	[tilespmem:s16+$0x1D010] =	vst v7  }
0x1d5: {  	v7 =	vld.idx.msk [tilespmem:v41+s5+$0x0], $0xffff  }
0x1d6: {  	v19 =	vld.idx.msk [tilespmem:v41+s6+$0x0], $0xffff  }
0x1d7: {  	v22 =	vld.idx.msk [tilespmem:v18+s5+$0x0], $0xffff  }
0x1d8: {  	v42 =	vld.idx.msk [tilespmem:v18+s6+$0x0], $0xffff  }
0x1d9: {  	v43 =	vld.idx.msk [tilespmem:v41+s7+$0x0], $0xffff  }
0x1da: {  	v18 =	vld.idx.msk [tilespmem:v18+s7+$0x0], $0xffff;
	_ =	sdelay $0x2  }
0x1db: {  	v22 =	vsub.f32 v22, v7;
	v23 =	vsub.f32 v42, v19;
	_ =	sdelay $0x1  }
0x1dc: {  	v18 =	vsub.f32 v18, v43;
	v44 =	vmul.f32 v22, v22;
	v45 =	vmul.f32 v23, v23  }
0x1dd: {  	v20 =	vld.idx.msk [tilespmem:v41+s0+$0x0], $0xffff  }
0x1de: {  	v46 =	vmul.f32 v18, v18;
	v25 =	vadd.f32 v45, v44;
	_ =	sdelay $0x1  }
0x1df: {  	v25 =	vadd.f32 v46, v25;
	_ =	sdelay $0x1  }
0x1e0: {  	v6 =	vsub.f32 v6, v20;
	v47 =	vshra.s32 v25, $0x1  }
0x1e1: {  	v20 =	vsub.s32 $0x5F3759DF, v47  }
0x1e2: {  	v6 =	vmul.f32 v20, v6;
	_ =	sdelay $0x1  }
0x1e3: {  	vm11 =	vle.f32 v57, v5;
	v20 =	vmul.f32 v6, v22  }
0x1e4: {  	v21 =	vsel vm11, v27, v21;
	v48 =	vmul.f32 v6, v23  }
0x1e5: {  	v49 =	vor.u32 s17, v21;
	v6 =	vmul.f32 v6, v18;
	v7 =	vadd.f32 v20, v7  }
0x1e6: {  	v50 =	vadd.s32 s17, v21;
	v19 =	vadd.f32 v48, v19  }
0x1e7: {  	v51 =	vadd.s32 $0x1, v50;
	v6 =	vadd.f32 v6, v43;
	[tilespmem:s16+$0x15020] =	vst v7  }
0x1e8: {  	[tilespmem:s16+$0x19020] =	vst v19  }
0x1e9: {  	[tilespmem:s16+$0x1D020] =	vst v6  }
0x1ea: {  	v6 =	vld.idx.msk [tilespmem:v49+s5+$0x0], $0xffff  }
0x1eb: {  	v19 =	vld.idx.msk [tilespmem:v49+s6+$0x0], $0xffff  }
0x1ec: {  	v20 =	vld.idx.msk [tilespmem:v51+s5+$0x0], $0xffff  }
0x1ed: {  	v52 =	vld.idx.msk [tilespmem:v51+s6+$0x0], $0xffff  }
0x1ee: {  	v53 =	vld.idx.msk [tilespmem:v49+s7+$0x0], $0xffff  }
0x1ef: {  	v7 =	vld.idx.msk [tilespmem:v51+s7+$0x0], $0xffff;
	_ =	sdelay $0x2  }
0x1f0: {  	v20 =	vsub.f32 v20, v6;
	v21 =	vsub.f32 v52, v19;
	_ =	sdelay $0x1  }
0x1f1: {  	v7 =	vsub.f32 v7, v53;
	v54 =	vmul.f32 v20, v20;
	v55 =	vmul.f32 v21, v21  }
0x1f2: {  	v18 =	vld.idx.msk [tilespmem:v49+s0+$0x0], $0xffff  }
0x1f3: {  	v56 =	vmul.f32 v7, v7;
	v23 =	vadd.f32 v55, v54;
	_ =	sdelay $0x1  }
0x1f4: {  	v23 =	vadd.f32 v56, v23;
	_ =	sdelay $0x1  }
0x1f5: {  	v5 =	vsub.f32 v5, v18;
	v57 =	vshra.s32 v23, $0x1  }
0x1f6: {  	v18 =	vsub.s32 $0x5F3759DF, v57  }
0x1f7: {  	v5 =	vmul.f32 v18, v5;
	_ =	sdelay $0x1  }
0x1f8: {  	vm12 =	vle.f32 v29, v4;
	v18 =	vmul.f32 v5, v20  }
0x1f9: {  	v16 =	vsel vm12, v31, v16;
	v58 =	vmul.f32 v5, v21  }
0x1fa: {  	v59 =	vor.u32 s17, v16;
	v5 =	vmul.f32 v5, v7;
	v6 =	vadd.f32 v18, v6  }
0x1fb: {  	v16 =	vadd.s32 s17, v16;
	v60 =	vadd.f32 v58, v19  }
0x1fc: {  	v61 =	vadd.s32 $0x1, v16;
	v5 =	vadd.f32 v5, v53;
	[tilespmem:s16+$0x15030] =	vst v6  }
0x1fd: {  	[tilespmem:s16+$0x19030] =	vst v60  }
0x1fe: {  	[tilespmem:s16+$0x1D030] =	vst v5  }
0x1ff: {  	v5 =	vld.idx.msk [tilespmem:v59+s5+$0x0], $0xffff  }
0x200: {  	v62 =	vld.idx.msk [tilespmem:v59+s6+$0x0], $0xffff  }
0x201: {  	v18 =	vld.idx.msk [tilespmem:v61+s5+$0x0], $0xffff  }
0x202: {  	v24 =	vld.idx.msk [tilespmem:v61+s6+$0x0], $0xffff  }
0x203: {  	v25 =	vld.idx.msk [tilespmem:v59+s7+$0x0], $0xffff  }
0x204: {  	v6 =	vld.idx.msk [tilespmem:v61+s7+$0x0], $0xffff;
	_ =	sdelay $0x2  }
0x205: {  	v18 =	vsub.f32 v18, v5;
	v19 =	vsub.f32 v24, v62;
	_ =	sdelay $0x1  }
0x206: {  	v6 =	vsub.f32 v6, v25;
	v26 =	vmul.f32 v18, v18;
	v27 =	vmul.f32 v19, v19  }
0x207: {  	v7 =	vld.idx.msk [tilespmem:v59+s0+$0x0], $0xffff  }
0x208: {  	v28 =	vmul.f32 v6, v6;
	v21 =	vadd.f32 v27, v26;
	_ =	sdelay $0x1  }
0x209: {  	v21 =	vadd.f32 v28, v21;
	_ =	sdelay $0x1  }
0x20a: {  	v4 =	vsub.f32 v4, v7;
	v29 =	vshra.s32 v21, $0x1  }
0x20b: {  	v7 =	vsub.s32 $0x5F3759DF, v29  }
0x20c: {  	v4 =	vmul.f32 v7, v4;
	_ =	sdelay $0x1  }
0x20d: {  	vm13 =	vle.f32 v17, v3;
	v7 =	vmul.f32 v4, v18  }
0x20e: {  	v13 =	vsel vm13, v15, v13;
	v30 =	vmul.f32 v4, v19  }
0x20f: {  	v31 =	vor.u32 s17, v13;
	v4 =	vmul.f32 v4, v6;
	v5 =	vadd.f32 v7, v5  }
0x210: {  	v13 =	vadd.s32 s17, v13;
	v32 =	vadd.f32 v30, v62  }
0x211: {  	v33 =	vadd.s32 $0x1, v13;
	v4 =	vadd.f32 v4, v25;
	[tilespmem:s16+$0x15040] =	vst v5  }
0x212: {  	[tilespmem:s16+$0x19040] =	vst v32  }
0x213: {  	[tilespmem:s16+$0x1D040] =	vst v4  }
0x214: {  	v4 =	vld.idx.msk [tilespmem:v31+s5+$0x0], $0xffff  }
0x215: {  	v7 =	vld.idx.msk [tilespmem:v31+s6+$0x0], $0xffff  }
0x216: {  	v13 =	vld.idx.msk [tilespmem:v33+s5+$0x0], $0xffff  }
0x217: {  	v34 =	vld.idx.msk [tilespmem:v33+s6+$0x0], $0xffff  }
0x218: {  	v35 =	vld.idx.msk [tilespmem:v31+s7+$0x0], $0xffff  }
0x219: {  	v5 =	vld.idx.msk [tilespmem:v33+s7+$0x0], $0xffff;
	_ =	sdelay $0x2  }
0x21a: {  	v13 =	vsub.f32 v13, v4;
	v15 =	vsub.f32 v34, v7;
	_ =	sdelay $0x1  }
0x21b: {  	v5 =	vsub.f32 v5, v35;
	v36 =	vmul.f32 v13, v13;
	v37 =	vmul.f32 v15, v15  }
0x21c: {  	v6 =	vld.idx.msk [tilespmem:v31+s0+$0x0], $0xffff  }
0x21d: {  	v38 =	vmul.f32 v5, v5;
	v17 =	vadd.f32 v37, v36;
	_ =	sdelay $0x1  }
0x21e: {  	v17 =	vadd.f32 v38, v17;
	_ =	sdelay $0x1  }
0x21f: {  	v3 =	vsub.f32 v3, v6;
	v39 =	vshra.s32 v17, $0x1  }
0x220: {  	v6 =	vsub.s32 $0x5F3759DF, v39  }
0x221: {  	v3 =	vmul.f32 v6, v3;
	_ =	sdelay $0x1  }
0x222: {  	vm14 =	vle.f32 v14, v2;
	v6 =	vmul.f32 v3, v13  }
0x223: {  	v10 =	vsel vm14, v12, v10;
	v40 =	vmul.f32 v3, v15  }
0x224: {  	v41 =	vor.u32 s17, v10;
	v3 =	vmul.f32 v3, v5;
	v4 =	vadd.f32 v6, v4  }
0x225: {  	v43 =	vadd.s32 s17, v10;
	v42 =	vadd.f32 v40, v7  }
0x226: {  	v44 =	vadd.s32 $0x1, v43;
	v3 =	vadd.f32 v3, v35;
	[tilespmem:s16+$0x15050] =	vst v4  }
0x227: {  	[tilespmem:s16+$0x19050] =	vst v42  }
0x228: {  	[tilespmem:s16+$0x1D050] =	vst v3  }
0x229: {  	v3 =	vld.idx.msk [tilespmem:v41+s5+$0x0], $0xffff  }
0x22a: {  	v6 =	vld.idx.msk [tilespmem:v41+s6+$0x0], $0xffff  }
0x22b: {  	v7 =	vld.idx.msk [tilespmem:v44+s5+$0x0], $0xffff  }
0x22c: {  	v45 =	vld.idx.msk [tilespmem:v44+s6+$0x0], $0xffff  }
0x22d: {  	v46 =	vld.idx.msk [tilespmem:v41+s7+$0x0], $0xffff  }
0x22e: {  	v4 =	vld.idx.msk [tilespmem:v44+s7+$0x0], $0xffff;
	_ =	sdelay $0x2  }
0x22f: {  	v7 =	vsub.f32 v7, v3;
	v10 =	vsub.f32 v45, v6;
	_ =	sdelay $0x1  }
0x230: {  	v4 =	vsub.f32 v4, v46;
	v47 =	vmul.f32 v7, v7;
	v48 =	vmul.f32 v10, v10  }
0x231: {  	v5 =	vld.idx.msk [tilespmem:v41+s0+$0x0], $0xffff  }
0x232: {  	v49 =	vmul.f32 v4, v4;
	v13 =	vadd.f32 v48, v47;
	_ =	sdelay $0x1  }
0x233: {  	v13 =	vadd.f32 v49, v13;
	_ =	sdelay $0x1  }
0x234: {  	v2 =	vsub.f32 v2, v5;
	v50 =	vshra.s32 v13, $0x1  }
0x235: {  	v5 =	vsub.s32 $0x5F3759DF, v50  }
0x236: {  	v2 =	vmul.f32 v5, v2;
	_ =	sdelay $0x1  }
0x237: {  	vm15 =	vle.f32 v11, v1;
	v5 =	vmul.f32 v2, v7  }
0x238: {  	v51 =	vsel vm15, v9, v8;
	v52 =	vmul.f32 v2, v10  }
0x239: {  	v53 =	vor.u32 s17, v51;
	v2 =	vmul.f32 v2, v4;
	v3 =	vadd.f32 v5, v3  }
0x23a: {  	v55 =	vadd.s32 s17, v51;
	v54 =	vadd.f32 v52, v6  }
0x23b: {  	v2 =	vadd.f32 v2, v46;
	[tilespmem:s16+$0x15060] =	vst v3;
	v3 =	vadd.s32 $0x1, v55  }
0x23c: {  	[tilespmem:s16+$0x19060] =	vst v54  }
0x23d: {  	[tilespmem:s16+$0x1D060] =	vst v2  }
0x23e: {  	v2 =	vld.idx.msk [tilespmem:v53+s5+$0x0], $0xffff  }
0x23f: {  	v5 =	vld.idx.msk [tilespmem:v53+s6+$0x0], $0xffff  }
0x240: {  	v6 =	vld.idx.msk [tilespmem:v3+s5+$0x0], $0xffff  }
0x241: {  	v56 =	vld.idx.msk [tilespmem:v3+s6+$0x0], $0xffff  }
0x242: {  	v57 =	vld.idx.msk [tilespmem:v53+s7+$0x0], $0xffff  }
0x243: {  	v3 =	vld.idx.msk [tilespmem:v3+s7+$0x0], $0xffff;
	_ =	sdelay $0x2  }
0x244: {  	v6 =	vsub.f32 v6, v2;
	v7 =	vsub.f32 v56, v5;
	_ =	sdelay $0x1  }
0x245: {  	v3 =	vsub.f32 v3, v57;
	v58 =	vmul.f32 v6, v6;
	v59 =	vmul.f32 v7, v7  }
0x246: {  	v4 =	vld.idx.msk [tilespmem:v53+s0+$0x0], $0xffff  }
0x247: {  	v60 =	vmul.f32 v3, v3;
	v9 =	vadd.f32 v59, v58;
	_ =	sdelay $0x1  }
0x248: {  	v9 =	vadd.f32 v60, v9;
	_ =	sdelay $0x1  }
0x249: {  	v1 =	vsub.f32 v1, v4;
	v61 =	vshra.s32 v9, $0x1  }
0x24a: {  	v4 =	vsub.s32 $0x5F3759DF, v61  }
0x24b: {  	v1 =	vmul.f32 v4, v1;
	_ =	sdelay $0x1  }
0x24c: {  	v4 =	vmul.f32 v1, v6  }
0x24d: {  	p0 =	sne.s32 s14, $0x3E00;
	v62 =	vmul.f32 v1, v7  }
.Ltmp1:
0x24e: {  	v1 =	vmul.f32 v1, v3;
	v2 =	vadd.f32 v4, v2;
	(pc) =	sbr.rel @p0 .LBB2_4-.Ltmp1, $4  }
0x24f: {  	v3 =	vadd.f32 v62, v5  }
0x250: {  	v1 =	vadd.f32 v1, v57;
	[tilespmem:s16+$0x15070] =	vst v2  }
0x251: {  	[tilespmem:s16+$0x19070] =	vst v3  }
0x252: {  	s15 =	sadd.s32 $0x1, s15;
	s14 =	sadd.s32 $0x200, s14;
	[tilespmem:s16+$0x1D070] =	vst v1  }
0x253: {  	s14 =	simm.s32 $0x0;
	s15 =	simm.s32 $0x15000  }
0x254: {  	[hbm4b:s24+s14] =	stream.linear.scatter [tilespmem:s15], [sflag:$0x5], $0x1000, $0x38;
	v63 =	vld [tilespmem:$0x0]  }
0x255: {  	s16 =	simm.s32 $0x19000  }
0x256: {  	[hbm4b:s31+s14] =	stream.linear.scatter [tilespmem:s16], [sflag:$0x5], $0x1000, $0x38;
	v63 =	vld [tilespmem:$0x0]  }
0x257: {  	s17 =	simm.s32 $0x1D000  }
0x258: {  	[hbm4b:s19+s14] =	stream.linear.scatter [tilespmem:s17], [sflag:$0x5], $0x1000, $0x38;
	v63 =	vld [tilespmem:$0x0]  }
0x259: {  	_ =	swait.ge [sflag:s10], $0x1000  }
0x25a: {  	[sflag:s10] =	ssyncset.done $0x0  }
0x25b: {  	[sflag:s10] =	ssyncadd.s32 $0xFFFFF000  }
0x25c: {  	_ =	swait.ge [sflag:s10], $0x1000  }
0x25d: {  	[sflag:s10] =	ssyncset.done $0x0  }
0x25e: {  	[sflag:s10] =	ssyncadd.s32 $0xFFFFF000  }
0x25f: {  	_ =	swait.ge [sflag:s10], $0x1000  }
0x260: {  	[sflag:s10] =	ssyncset.done $0x0  }
0x261: {  	[sflag:s10] =	ssyncadd.s32 $0xFFFFF000  }
0x262: {  	_ =	swait.ge [sflag:s10], $0x1000  }
0x263: {  	[sflag:s10] =	ssyncset.done $0x0  }
0x264: {  	[sflag:s10] =	ssyncadd.s32 $0xFFFFF000  }
0x265: {  	_ =	swait.ge [sflag:s10], $0x1000  }
0x266: {  	[sflag:s10] =	ssyncset.done $0x0  }
0x267: {  	s15 =	simm.s32 $0x40;
	[sflag:s10] =	ssyncadd.s32 $0xFFFFF000  }
.LBB2_6:
0x268: {  	s17 =	sshll.u32 s15, $0x7  }
0x269: {  	v1 =	vmov s17  }
0x26a: {  	v2 =	vor.u32 $0x20, v1  }
0x26b: {  	v3 =	vor.u32 $0x10, v1  }
0x26c: {  	v1 =	vor.u32 $0x30, v1  }
0x26d: {  	s16 =	sshra.s32 s14, $0x2  }
0x26e: {  	v9 =	vld [tilespmem:s16+$0x12000]  }
0x26f: {  	v8 =	vld.idx.msk [tilespmem:v2+s0+$0x0], $0xffff  }
0x270: {  	v10 =	vld.idx.msk [tilespmem:v3+s0+$0x0], $0xffff  }
0x271: {  	v11 =	vld.idx.msk [tilespmem:v1+s0+$0x0], $0xffff;
	_ =	sdelay $0x3  }
0x272: {  	vm0 =	vle.f32 v8, v9  }
0x273: {  	v1 =	vsel vm0, v11, v10  }
0x274: {  	vm1 =	vle.f32 v1, v9  }
0x275: {  	v7 =	vld [tilespmem:s16+$0x12010];
	v1 =	vsel vm0, $0x20, v0;
	v2 =	vsel vm1, $0x10, v0  }
0x276: {  	v4 =	vld [tilespmem:s16+$0x12040];
	v1 =	vor.u32 v1, v2  }
0x277: {  	v2 =	vor.u32 $0x8, v1  }
0x278: {  	v3 =	vor.u32 s17, v2;
	_ =	sdelay $0x1  }
0x279: {  	vm9 =	vle.f32 v8, v7  }
0x27a: {  	vm13 =	vle.f32 v8, v4;
	v12 =	vsel vm9, v11, v10  }
0x27b: {  	v38 =	vsel vm13, v11, v10;
	vm2 =	vle.f32 v12, v7  }
0x27c: {  	v61 =	vsel vm9, $0x20, v0;
	vm4 =	vle.f32 v38, v4;
	v14 =	vsel vm2, $0x10, v0;
	v13 =	vld.idx.msk [tilespmem:v3+s0+$0x0], $0xffff  }
0x27d: {  	v17 =	vsel vm13, $0x20, v0;
	v18 =	vsel vm4, $0x10, v0;
	v12 =	vor.u32 v61, v14  }
0x27e: {  	v17 =	vor.u32 v17, v18;
	v21 =	vor.u32 $0x8, v12  }
0x27f: {  	v6 =	vld [tilespmem:s16+$0x12020];
	v43 =	vor.u32 $0x8, v17;
	v42 =	vor.u32 s17, v21  }
0x280: {  	v29 =	vor.u32 s17, v43  }
0x281: {  	vm14 =	vle.f32 v13, v9  }
0x282: {  	v39 =	vsel vm14, v2, v1  }
0x283: {  	v5 =	vld [tilespmem:s16+$0x12030];
	v40 =	vor.u32 $0x4, v39  }
0x284: {  	vm10 =	vle.f32 v8, v6;
	v45 =	vld.idx.msk [tilespmem:v42+s0+$0x0], $0xffff;
	v19 =	vor.u32 s17, v40  }
0x285: {  	v3 =	vsel vm10, v11, v10;
	v54 =	vld.idx.msk [tilespmem:v29+s0+$0x0], $0xffff  }
0x286: {  	vm11 =	vle.f32 v3, v6;
	v3 =	vld [tilespmem:s16+$0x12050]  }
0x287: {  	v15 =	vsel vm10, $0x20, v0;
	v16 =	vsel vm11, $0x10, v0  }
0x288: {  	vm12 =	vle.f32 v8, v5;
	v62 =	vor.u32 v15, v16  }
0x289: {  	v36 =	vsel vm12, $0x20, v0;
	v37 =	vsel vm12, v11, v10;
	v22 =	vor.u32 $0x8, v62;
	v19 =	vld.idx.msk [tilespmem:v19+s0+$0x0], $0xffff  }
0x28a: {  	vm15 =	vle.f32 v37, v5;
	v23 =	vor.u32 s17, v22;
	vm10 =	vle.f32 v45, v7  }
0x28b: {  	vm13 =	vle.f32 v54, v4;
	v2 =	vld [tilespmem:s16+$0x12060];
	v1 =	vsel vm15, $0x10, v0;
	vm5 =	vle.f32 v8, v3  }
0x28c: {  	v17 =	vsel vm13, v43, v17;
	v15 =	vor.u32 v36, v1;
	v20 =	vsel vm5, v11, v10  }
0x28d: {  	v41 =	vsel vm5, $0x20, v0;
	v1 =	vld [tilespmem:s16+$0x12070];
	vm0 =	vle.f32 v20, v3;
	v24 =	vor.u32 $0x8, v15  }
0x28e: {  	v25 =	vsel vm0, $0x10, v0;
	v27 =	vor.u32 s17, v24;
	vm9 =	vle.f32 v19, v9  }
0x28f: {  	v18 =	vor.u32 v41, v25;
	v25 =	vor.u32 $0x4, v17;
	v13 =	vsel vm9, v40, v39  }
0x290: {  	vm6 =	vle.f32 v8, v2;
	v46 =	vor.u32 $0x8, v18;
	v55 =	vor.u32 $0x2, v13  }
0x291: {  	v36 =	vor.u32 s17, v25;
	v26 =	vsel vm6, v11, v10;
	v31 =	vor.u32 s17, v55  }
0x292: {  	v48 =	vld.idx.msk [tilespmem:v23+s0+$0x0], $0xffff;
	v44 =	vsel vm6, $0x20, v0;
	vm8 =	vle.f32 v8, v1;
	vm7 =	vle.f32 v26, v2  }
0x293: {  	v49 =	vor.u32 s17, v46;
	v10 =	vsel vm8, v11, v10;
	v28 =	vsel vm7, $0x10, v0;
	v50 =	vld.idx.msk [tilespmem:v27+s0+$0x0], $0xffff  }
0x294: {  	v8 =	vsel vm10, v21, v12;
	vm0 =	vle.f32 v10, v1;
	v26 =	vor.u32 v44, v28  }
0x295: {  	v47 =	vsel vm8, $0x20, v0;
	v52 =	vsel vm0, $0x10, v0;
	v51 =	vor.u32 $0x8, v26  }
0x296: {  	v59 =	vor.u32 $0x4, v8;
	v53 =	vor.u32 v47, v52;
	v30 =	vor.u32 s17, v51;
	v34 =	vld.idx.msk [tilespmem:v31+s0+$0x0], $0xffff  }
0x297: {  	v60 =	vor.u32 s17, v59;
	vm11 =	vle.f32 v48, v6;
	v56 =	vor.u32 $0x8, v53  }
0x298: {  	v11 =	vsel vm11, v22, v62;
	v32 =	vor.u32 s17, v56;
	vm12 =	vle.f32 v50, v5  }
0x299: {  	v23 =	vld.idx.msk [tilespmem:v49+s0+$0x0], $0xffff;
	v61 =	vor.u32 $0x4, v11;
	v58 =	vsel vm12, v24, v15  }
0x29a: {  	v20 =	vld.idx.msk [tilespmem:v36+s0+$0x0], $0xffff;
	v62 =	vor.u32 s17, v61;
	v33 =	vor.u32 $0x4, v58  }
0x29b: {  	v57 =	vld.idx.msk [tilespmem:v30+s0+$0x0], $0xffff;
	v35 =	vor.u32 s17, v33;
	vm4 =	vle.f32 v34, v9  }
0x29c: {  	v15 =	vld.idx.msk [tilespmem:v60+s0+$0x0], $0xffff;
	v13 =	vsel vm4, v55, v13  }
0x29d: {  	v37 =	vld.idx.msk [tilespmem:v32+s0+$0x0], $0xffff;
	v28 =	vadd.s32 $0x1, v13  }
0x29e: {  	vm14 =	vle.f32 v23, v3;
	v42 =	vor.u32 s17, v28  }
0x29f: {  	v18 =	vsel vm14, v46, v18;
	v21 =	vld.idx.msk [tilespmem:v62+s0+$0x0], $0xffff  }
0x2a0: {  	v38 =	vor.u32 $0x4, v18;
	vm15 =	vle.f32 v57, v2;
	v23 =	vld.idx.msk [tilespmem:v35+s0+$0x0], $0xffff  }
0x2a1: {  	vm9 =	vle.f32 v20, v4;
	v39 =	vor.u32 s17, v38;
	v26 =	vsel vm15, v51, v26  }
0x2a2: {  	vm6 =	vle.f32 v15, v7;
	vm5 =	vle.f32 v37, v1;
	v40 =	vor.u32 $0x4, v26  }
0x2a3: {  	v8 =	vsel vm6, v59, v8;
	v16 =	vsel vm5, v56, v53;
	v41 =	vor.u32 s17, v40;
	v47 =	vld.idx.msk [tilespmem:v42+s0+$0x0], $0xffff  }
0x2a4: {  	v46 =	vor.u32 $0x2, v8;
	vm7 =	vle.f32 v21, v6;
	v29 =	vor.u32 $0x4, v16  }
0x2a5: {  	v11 =	vsel vm7, v61, v11;
	v44 =	vor.u32 s17, v29;
	vm8 =	vle.f32 v23, v5  }
0x2a6: {  	v48 =	vor.u32 s17, v46;
	v27 =	vld.idx.msk [tilespmem:v39+s0+$0x0], $0xffff;
	v49 =	vor.u32 $0x2, v11;
	v12 =	vsel vm8, v33, v58  }
0x2a7: {  	v45 =	vsel vm9, v25, v17;
	v50 =	vor.u32 s17, v49;
	v22 =	vor.u32 $0x2, v12  }
0x2a8: {  	v52 =	vor.u32 $0x2, v45;
	v43 =	vld.idx.msk [tilespmem:v41+s0+$0x0], $0xffff;
	v51 =	vor.u32 s17, v22;
	vm12 =	vle.f32 v47, v9  }
0x2a9: {  	v54 =	vor.u32 s17, v52;
	v13 =	vsel vm12, v28, v13  }
0x2aa: {  	v24 =	vld.idx.msk [tilespmem:v44+s0+$0x0], $0xffff;
	v28 =	vor.u32 s17, v13  }
0x2ab: {  	v57 =	vld.idx.msk [tilespmem:v48+s0+$0x0], $0xffff;
	vm10 =	vle.f32 v27, v3;
	v13 =	vadd.s32 s17, v13  }
0x2ac: {  	v10 =	vsel vm10, v38, v18;
	v18 =	vld.idx.msk [tilespmem:v50+s0+$0x0], $0xffff;
	v13 =	vadd.s32 $0x1, v13  }
0x2ad: {  	vm11 =	vle.f32 v43, v2;
	v15 =	vld.idx.msk [tilespmem:v51+s0+$0x0], $0xffff  }
0x2ae: {  	v53 =	vsel vm11, v40, v26;
	v26 =	vld.idx.msk [tilespmem:v54+s0+$0x0], $0xffff  }
0x2af: {  	v55 =	vor.u32 $0x2, v10;
	vm13 =	vle.f32 v24, v1;
	v24 =	vld.idx.msk [tilespmem:v28+s5+$0x0], $0xffff  }
0x2b0: {  	v56 =	vor.u32 s17, v55;
	v32 =	vld.idx.msk [tilespmem:v28+s6+$0x0], $0xffff  }
0x2b1: {  	v31 =	vor.u32 $0x2, v53;
	v34 =	vld.idx.msk [tilespmem:v13+s5+$0x0], $0xffff  }
0x2b2: {  	v29 =	vsel vm13, v29, v16;
	v58 =	vor.u32 s17, v31;
	v36 =	vld.idx.msk [tilespmem:v13+s6+$0x0], $0xffff  }
0x2b3: {  	vm14 =	vle.f32 v57, v7;
	v33 =	vor.u32 $0x2, v29;
	v19 =	vld.idx.msk [tilespmem:v28+s7+$0x0], $0xffff  }
0x2b4: {  	v17 =	vsel vm14, v46, v8;
	v35 =	vor.u32 s17, v33;
	v59 =	vld.idx.msk [tilespmem:v13+s7+$0x0], $0xffff  }
0x2b5: {  	v61 =	vadd.s32 $0x1, v17;
	v30 =	vld.idx.msk [tilespmem:v56+s0+$0x0], $0xffff  }
0x2b6: {  	vm15 =	vle.f32 v18, v6;
	v41 =	vor.u32 s17, v61;
	vm4 =	vle.f32 v15, v5  }
0x2b7: {  	vm5 =	vle.f32 v26, v4;
	v20 =	vld.idx.msk [tilespmem:v58+s0+$0x0], $0xffff;
	v62 =	vsub.f32 v34, v24;
	v40 =	vsub.f32 v36, v32  }
0x2b8: {  	v18 =	vsel vm15, v49, v11;
	v21 =	vsel vm4, v22, v12;
	v16 =	vsel vm5, v52, v45  }
0x2b9: {  	v60 =	vld.idx.msk [tilespmem:v35+s0+$0x0], $0xffff;
	v42 =	vsub.f32 v59, v19;
	v43 =	vmul.f32 v62, v62;
	v44 =	vmul.f32 v40, v40  }
0x2ba: {  	v45 =	vadd.s32 $0x1, v18;
	v27 =	vadd.s32 $0x1, v21;
	vm6 =	vle.f32 v30, v3;
	v46 =	vld.idx.msk [tilespmem:v28+s0+$0x0], $0xffff  }
0x2bb: {  	v48 =	vor.u32 s17, v45;
	v47 =	vmul.f32 v42, v42;
	v8 =	vadd.f32 v44, v43  }
0x2bc: {  	v49 =	vor.u32 s17, v27;
	v13 =	vsel vm6, v55, v10;
	vm7 =	vle.f32 v20, v2  }
0x2bd: {  	v15 =	vadd.s32 $0x1, v13;
	v10 =	vsel vm7, v31, v53;
	v28 =	vadd.f32 v47, v8  }
0x2be: {  	v50 =	vld.idx.msk [tilespmem:v41+s0+$0x0], $0xffff;
	vm8 =	vle.f32 v60, v1;
	v31 =	vadd.s32 $0x1, v16;
	v52 =	vor.u32 s17, v15  }
0x2bf: {  	v12 =	vadd.s32 $0x1, v10;
	v26 =	vsub.f32 v9, v46;
	v28 =	vshra.s32 v28, $0x1  }
0x2c0: {  	v53 =	vor.u32 s17, v12;
	v8 =	vsel vm8, v33, v29;
	v28 =	vsub.s32 $0x5F3759DF, v28  }
0x2c1: {  	v51 =	vor.u32 s17, v31;
	v9 =	vadd.s32 $0x1, v8;
	v55 =	vmul.f32 v28, v26  }
0x2c2: {  	v54 =	vld.idx.msk [tilespmem:v48+s0+$0x0], $0xffff;
	v56 =	vor.u32 s17, v9  }
0x2c3: {  	vm9 =	vle.f32 v50, v7;
	v57 =	vld.idx.msk [tilespmem:v49+s0+$0x0], $0xffff;
	v22 =	vmul.f32 v55, v62  }
0x2c4: {  	v58 =	vsel vm9, v61, v17;
	v17 =	vld.idx.msk [tilespmem:v52+s0+$0x0], $0xffff;
	v23 =	vmul.f32 v55, v40  }
0x2c5: {  	v59 =	vor.u32 s17, v58;
	v14 =	vld.idx.msk [tilespmem:v53+s0+$0x0], $0xffff;
	v20 =	vmul.f32 v55, v42;
	v22 =	vadd.f32 v22, v24  }
0x2c6: {  	v60 =	vadd.s32 s17, v58;
	v29 =	vld.idx.msk [tilespmem:v51+s0+$0x0], $0xffff;
	v23 =	vadd.f32 v23, v32  }
0x2c7: {  	v61 =	vadd.s32 $0x1, v60;
	v11 =	vld.idx.msk [tilespmem:v56+s0+$0x0], $0xffff;
	v19 =	vadd.f32 v20, v19;
	[tilespmem:s16+$0x16000] =	vst v22  }
0x2c8: {  	[tilespmem:s16+$0x1A000] =	vst v23  }
0x2c9: {  	[tilespmem:s16+$0x1E000] =	vst v19  }
0x2ca: {  	v19 =	vld.idx.msk [tilespmem:v59+s5+$0x0], $0xffff  }
0x2cb: {  	v22 =	vld.idx.msk [tilespmem:v59+s6+$0x0], $0xffff  }
0x2cc: {  	v23 =	vld.idx.msk [tilespmem:v61+s5+$0x0], $0xffff  }
0x2cd: {  	v26 =	vld.idx.msk [tilespmem:v61+s6+$0x0], $0xffff  }
0x2ce: {  	v62 =	vld.idx.msk [tilespmem:v59+s7+$0x0], $0xffff  }
0x2cf: {  	v20 =	vld.idx.msk [tilespmem:v61+s7+$0x0], $0xffff;
	_ =	sdelay $0x2  }
0x2d0: {  	v23 =	vsub.f32 v23, v19;
	v26 =	vsub.f32 v26, v22;
	_ =	sdelay $0x1  }
0x2d1: {  	v20 =	vsub.f32 v20, v62;
	v37 =	vmul.f32 v23, v23;
	v38 =	vmul.f32 v26, v26  }
0x2d2: {  	v24 =	vld.idx.msk [tilespmem:v59+s0+$0x0], $0xffff  }
0x2d3: {  	v39 =	vmul.f32 v20, v20;
	v32 =	vadd.f32 v38, v37;
	_ =	sdelay $0x1  }
0x2d4: {  	v32 =	vadd.f32 v39, v32;
	_ =	sdelay $0x1  }
0x2d5: {  	v7 =	vsub.f32 v7, v24;
	v40 =	vshra.s32 v32, $0x1  }
0x2d6: {  	v24 =	vsub.s32 $0x5F3759DF, v40  }
0x2d7: {  	v7 =	vmul.f32 v24, v7;
	_ =	sdelay $0x1  }
0x2d8: {  	vm10 =	vle.f32 v54, v6;
	v23 =	vmul.f32 v7, v23  }
0x2d9: {  	v18 =	vsel vm10, v45, v18;
	v24 =	vmul.f32 v7, v26  }
0x2da: {  	v41 =	vor.u32 s17, v18;
	v7 =	vmul.f32 v7, v20;
	v19 =	vadd.f32 v23, v19  }
0x2db: {  	v18 =	vadd.s32 s17, v18;
	v22 =	vadd.f32 v24, v22  }
0x2dc: {  	v18 =	vadd.s32 $0x1, v18;
	v7 =	vadd.f32 v7, v62;
	[tilespmem:s16+$0x16010] =	vst v19  }
0x2dd: {  	[tilespmem:s16+$0x1A010] =	vst v22  }
0x2de: {  	[tilespmem:s16+$0x1E010] =	vst v7  }
0x2df: {  	v7 =	vld.idx.msk [tilespmem:v41+s5+$0x0], $0xffff  }
0x2e0: {  	v19 =	vld.idx.msk [tilespmem:v41+s6+$0x0], $0xffff  }
0x2e1: {  	v22 =	vld.idx.msk [tilespmem:v18+s5+$0x0], $0xffff  }
0x2e2: {  	v42 =	vld.idx.msk [tilespmem:v18+s6+$0x0], $0xffff  }
0x2e3: {  	v43 =	vld.idx.msk [tilespmem:v41+s7+$0x0], $0xffff  }
0x2e4: {  	v18 =	vld.idx.msk [tilespmem:v18+s7+$0x0], $0xffff;
	_ =	sdelay $0x2  }
0x2e5: {  	v22 =	vsub.f32 v22, v7;
	v23 =	vsub.f32 v42, v19;
	_ =	sdelay $0x1  }
0x2e6: {  	v18 =	vsub.f32 v18, v43;
	v44 =	vmul.f32 v22, v22;
	v45 =	vmul.f32 v23, v23  }
0x2e7: {  	v20 =	vld.idx.msk [tilespmem:v41+s0+$0x0], $0xffff  }
0x2e8: {  	v46 =	vmul.f32 v18, v18;
	v25 =	vadd.f32 v45, v44;
	_ =	sdelay $0x1  }
0x2e9: {  	v25 =	vadd.f32 v46, v25;
	_ =	sdelay $0x1  }
0x2ea: {  	v6 =	vsub.f32 v6, v20;
	v47 =	vshra.s32 v25, $0x1  }
0x2eb: {  	v20 =	vsub.s32 $0x5F3759DF, v47  }
0x2ec: {  	v6 =	vmul.f32 v20, v6;
	_ =	sdelay $0x1  }
0x2ed: {  	vm11 =	vle.f32 v57, v5;
	v20 =	vmul.f32 v6, v22  }
0x2ee: {  	v21 =	vsel vm11, v27, v21;
	v48 =	vmul.f32 v6, v23  }
0x2ef: {  	v49 =	vor.u32 s17, v21;
	v6 =	vmul.f32 v6, v18;
	v7 =	vadd.f32 v20, v7  }
0x2f0: {  	v50 =	vadd.s32 s17, v21;
	v19 =	vadd.f32 v48, v19  }
0x2f1: {  	v51 =	vadd.s32 $0x1, v50;
	v6 =	vadd.f32 v6, v43;
	[tilespmem:s16+$0x16020] =	vst v7  }
0x2f2: {  	[tilespmem:s16+$0x1A020] =	vst v19  }
0x2f3: {  	[tilespmem:s16+$0x1E020] =	vst v6  }
0x2f4: {  	v6 =	vld.idx.msk [tilespmem:v49+s5+$0x0], $0xffff  }
0x2f5: {  	v19 =	vld.idx.msk [tilespmem:v49+s6+$0x0], $0xffff  }
0x2f6: {  	v20 =	vld.idx.msk [tilespmem:v51+s5+$0x0], $0xffff  }
0x2f7: {  	v52 =	vld.idx.msk [tilespmem:v51+s6+$0x0], $0xffff  }
0x2f8: {  	v53 =	vld.idx.msk [tilespmem:v49+s7+$0x0], $0xffff  }
0x2f9: {  	v7 =	vld.idx.msk [tilespmem:v51+s7+$0x0], $0xffff;
	_ =	sdelay $0x2  }
0x2fa: {  	v20 =	vsub.f32 v20, v6;
	v21 =	vsub.f32 v52, v19;
	_ =	sdelay $0x1  }
0x2fb: {  	v7 =	vsub.f32 v7, v53;
	v54 =	vmul.f32 v20, v20;
	v55 =	vmul.f32 v21, v21  }
0x2fc: {  	v18 =	vld.idx.msk [tilespmem:v49+s0+$0x0], $0xffff  }
0x2fd: {  	v56 =	vmul.f32 v7, v7;
	v23 =	vadd.f32 v55, v54;
	_ =	sdelay $0x1  }
0x2fe: {  	v23 =	vadd.f32 v56, v23;
	_ =	sdelay $0x1  }
0x2ff: {  	v5 =	vsub.f32 v5, v18;
	v57 =	vshra.s32 v23, $0x1  }
0x300: {  	v18 =	vsub.s32 $0x5F3759DF, v57  }
0x301: {  	v5 =	vmul.f32 v18, v5;
	_ =	sdelay $0x1  }
0x302: {  	vm12 =	vle.f32 v29, v4;
	v18 =	vmul.f32 v5, v20  }
0x303: {  	v16 =	vsel vm12, v31, v16;
	v58 =	vmul.f32 v5, v21  }
0x304: {  	v59 =	vor.u32 s17, v16;
	v5 =	vmul.f32 v5, v7;
	v6 =	vadd.f32 v18, v6  }
0x305: {  	v16 =	vadd.s32 s17, v16;
	v60 =	vadd.f32 v58, v19  }
0x306: {  	v61 =	vadd.s32 $0x1, v16;
	v5 =	vadd.f32 v5, v53;
	[tilespmem:s16+$0x16030] =	vst v6  }
0x307: {  	[tilespmem:s16+$0x1A030] =	vst v60  }
0x308: {  	[tilespmem:s16+$0x1E030] =	vst v5  }
0x309: {  	v5 =	vld.idx.msk [tilespmem:v59+s5+$0x0], $0xffff  }
0x30a: {  	v62 =	vld.idx.msk [tilespmem:v59+s6+$0x0], $0xffff  }
0x30b: {  	v18 =	vld.idx.msk [tilespmem:v61+s5+$0x0], $0xffff  }
0x30c: {  	v24 =	vld.idx.msk [tilespmem:v61+s6+$0x0], $0xffff  }
0x30d: {  	v25 =	vld.idx.msk [tilespmem:v59+s7+$0x0], $0xffff  }
0x30e: {  	v6 =	vld.idx.msk [tilespmem:v61+s7+$0x0], $0xffff;
	_ =	sdelay $0x2  }
0x30f: {  	v18 =	vsub.f32 v18, v5;
	v19 =	vsub.f32 v24, v62;
	_ =	sdelay $0x1  }
0x310: {  	v6 =	vsub.f32 v6, v25;
	v26 =	vmul.f32 v18, v18;
	v27 =	vmul.f32 v19, v19  }
0x311: {  	v7 =	vld.idx.msk [tilespmem:v59+s0+$0x0], $0xffff  }
0x312: {  	v28 =	vmul.f32 v6, v6;
	v21 =	vadd.f32 v27, v26;
	_ =	sdelay $0x1  }
0x313: {  	v21 =	vadd.f32 v28, v21;
	_ =	sdelay $0x1  }
0x314: {  	v4 =	vsub.f32 v4, v7;
	v29 =	vshra.s32 v21, $0x1  }
0x315: {  	v7 =	vsub.s32 $0x5F3759DF, v29  }
0x316: {  	v4 =	vmul.f32 v7, v4;
	_ =	sdelay $0x1  }
0x317: {  	vm13 =	vle.f32 v17, v3;
	v7 =	vmul.f32 v4, v18  }
0x318: {  	v13 =	vsel vm13, v15, v13;
	v30 =	vmul.f32 v4, v19  }
0x319: {  	v31 =	vor.u32 s17, v13;
	v4 =	vmul.f32 v4, v6;
	v5 =	vadd.f32 v7, v5  }
0x31a: {  	v13 =	vadd.s32 s17, v13;
	v32 =	vadd.f32 v30, v62  }
0x31b: {  	v33 =	vadd.s32 $0x1, v13;
	v4 =	vadd.f32 v4, v25;
	[tilespmem:s16+$0x16040] =	vst v5  }
0x31c: {  	[tilespmem:s16+$0x1A040] =	vst v32  }
0x31d: {  	[tilespmem:s16+$0x1E040] =	vst v4  }
0x31e: {  	v4 =	vld.idx.msk [tilespmem:v31+s5+$0x0], $0xffff  }
0x31f: {  	v7 =	vld.idx.msk [tilespmem:v31+s6+$0x0], $0xffff  }
0x320: {  	v13 =	vld.idx.msk [tilespmem:v33+s5+$0x0], $0xffff  }
0x321: {  	v34 =	vld.idx.msk [tilespmem:v33+s6+$0x0], $0xffff  }
0x322: {  	v35 =	vld.idx.msk [tilespmem:v31+s7+$0x0], $0xffff  }
0x323: {  	v5 =	vld.idx.msk [tilespmem:v33+s7+$0x0], $0xffff;
	_ =	sdelay $0x2  }
0x324: {  	v13 =	vsub.f32 v13, v4;
	v15 =	vsub.f32 v34, v7;
	_ =	sdelay $0x1  }
0x325: {  	v5 =	vsub.f32 v5, v35;
	v36 =	vmul.f32 v13, v13;
	v37 =	vmul.f32 v15, v15  }
0x326: {  	v6 =	vld.idx.msk [tilespmem:v31+s0+$0x0], $0xffff  }
0x327: {  	v38 =	vmul.f32 v5, v5;
	v17 =	vadd.f32 v37, v36;
	_ =	sdelay $0x1  }
0x328: {  	v17 =	vadd.f32 v38, v17;
	_ =	sdelay $0x1  }
0x329: {  	v3 =	vsub.f32 v3, v6;
	v39 =	vshra.s32 v17, $0x1  }
0x32a: {  	v6 =	vsub.s32 $0x5F3759DF, v39  }
0x32b: {  	v3 =	vmul.f32 v6, v3;
	_ =	sdelay $0x1  }
0x32c: {  	vm14 =	vle.f32 v14, v2;
	v6 =	vmul.f32 v3, v13  }
0x32d: {  	v10 =	vsel vm14, v12, v10;
	v40 =	vmul.f32 v3, v15  }
0x32e: {  	v41 =	vor.u32 s17, v10;
	v3 =	vmul.f32 v3, v5;
	v4 =	vadd.f32 v6, v4  }
0x32f: {  	v43 =	vadd.s32 s17, v10;
	v42 =	vadd.f32 v40, v7  }
0x330: {  	v44 =	vadd.s32 $0x1, v43;
	v3 =	vadd.f32 v3, v35;
	[tilespmem:s16+$0x16050] =	vst v4  }
0x331: {  	[tilespmem:s16+$0x1A050] =	vst v42  }
0x332: {  	[tilespmem:s16+$0x1E050] =	vst v3  }
0x333: {  	v3 =	vld.idx.msk [tilespmem:v41+s5+$0x0], $0xffff  }
0x334: {  	v6 =	vld.idx.msk [tilespmem:v41+s6+$0x0], $0xffff  }
0x335: {  	v7 =	vld.idx.msk [tilespmem:v44+s5+$0x0], $0xffff  }
0x336: {  	v45 =	vld.idx.msk [tilespmem:v44+s6+$0x0], $0xffff  }
0x337: {  	v46 =	vld.idx.msk [tilespmem:v41+s7+$0x0], $0xffff  }
0x338: {  	v4 =	vld.idx.msk [tilespmem:v44+s7+$0x0], $0xffff;
	_ =	sdelay $0x2  }
0x339: {  	v7 =	vsub.f32 v7, v3;
	v10 =	vsub.f32 v45, v6;
	_ =	sdelay $0x1  }
0x33a: {  	v4 =	vsub.f32 v4, v46;
	v47 =	vmul.f32 v7, v7;
	v48 =	vmul.f32 v10, v10  }
0x33b: {  	v5 =	vld.idx.msk [tilespmem:v41+s0+$0x0], $0xffff  }
0x33c: {  	v49 =	vmul.f32 v4, v4;
	v13 =	vadd.f32 v48, v47;
	_ =	sdelay $0x1  }
0x33d: {  	v13 =	vadd.f32 v49, v13;
	_ =	sdelay $0x1  }
0x33e: {  	v2 =	vsub.f32 v2, v5;
	v50 =	vshra.s32 v13, $0x1  }
0x33f: {  	v5 =	vsub.s32 $0x5F3759DF, v50  }
0x340: {  	v2 =	vmul.f32 v5, v2;
	_ =	sdelay $0x1  }
0x341: {  	vm15 =	vle.f32 v11, v1;
	v5 =	vmul.f32 v2, v7  }
0x342: {  	v51 =	vsel vm15, v9, v8;
	v52 =	vmul.f32 v2, v10  }
0x343: {  	v53 =	vor.u32 s17, v51;
	v2 =	vmul.f32 v2, v4;
	v3 =	vadd.f32 v5, v3  }
0x344: {  	v55 =	vadd.s32 s17, v51;
	v54 =	vadd.f32 v52, v6  }
0x345: {  	v2 =	vadd.f32 v2, v46;
	[tilespmem:s16+$0x16060] =	vst v3;
	v3 =	vadd.s32 $0x1, v55  }
0x346: {  	[tilespmem:s16+$0x1A060] =	vst v54  }
0x347: {  	[tilespmem:s16+$0x1E060] =	vst v2  }
0x348: {  	v2 =	vld.idx.msk [tilespmem:v53+s5+$0x0], $0xffff  }
0x349: {  	v5 =	vld.idx.msk [tilespmem:v53+s6+$0x0], $0xffff  }
0x34a: {  	v6 =	vld.idx.msk [tilespmem:v3+s5+$0x0], $0xffff  }
0x34b: {  	v56 =	vld.idx.msk [tilespmem:v3+s6+$0x0], $0xffff  }
0x34c: {  	v57 =	vld.idx.msk [tilespmem:v53+s7+$0x0], $0xffff  }
0x34d: {  	v3 =	vld.idx.msk [tilespmem:v3+s7+$0x0], $0xffff;
	_ =	sdelay $0x2  }
0x34e: {  	v6 =	vsub.f32 v6, v2;
	v7 =	vsub.f32 v56, v5;
	_ =	sdelay $0x1  }
0x34f: {  	v3 =	vsub.f32 v3, v57;
	v58 =	vmul.f32 v6, v6;
	v59 =	vmul.f32 v7, v7  }
0x350: {  	v4 =	vld.idx.msk [tilespmem:v53+s0+$0x0], $0xffff  }
0x351: {  	v60 =	vmul.f32 v3, v3;
	v9 =	vadd.f32 v59, v58;
	_ =	sdelay $0x1  }
0x352: {  	v9 =	vadd.f32 v60, v9;
	_ =	sdelay $0x1  }
0x353: {  	v1 =	vsub.f32 v1, v4;
	v61 =	vshra.s32 v9, $0x1  }
0x354: {  	v4 =	vsub.s32 $0x5F3759DF, v61  }
0x355: {  	v1 =	vmul.f32 v4, v1;
	_ =	sdelay $0x1  }
0x356: {  	v4 =	vmul.f32 v1, v6  }
0x357: {  	p0 =	sne.s32 s14, $0x3E00;
	v62 =	vmul.f32 v1, v7  }
.Ltmp2:
0x358: {  	v1 =	vmul.f32 v1, v3;
	v2 =	vadd.f32 v4, v2;
	(pc) =	sbr.rel @p0 .LBB2_6-.Ltmp2, $4  }
0x359: {  	v3 =	vadd.f32 v62, v5  }
0x35a: {  	v1 =	vadd.f32 v1, v57;
	[tilespmem:s16+$0x16070] =	vst v2  }
0x35b: {  	[tilespmem:s16+$0x1A070] =	vst v3  }
0x35c: {  	s15 =	sadd.s32 $0x1, s15;
	s14 =	sadd.s32 $0x200, s14;
	[tilespmem:s16+$0x1E070] =	vst v1  }
0x35d: {  	s14 =	simm.s32 $0x0;
	s15 =	simm.s32 $0x16000  }
0x35e: {  	[hbm4b:s25+s14] =	stream.linear.scatter [tilespmem:s15], [sflag:$0x5], $0x1000, $0x38;
	v63 =	vld [tilespmem:$0x0]  }
0x35f: {  	s16 =	simm.s32 $0x1A000  }
0x360: {  	[hbm4b:s1+s14] =	stream.linear.scatter [tilespmem:s16], [sflag:$0x5], $0x1000, $0x38;
	v63 =	vld [tilespmem:$0x0]  }
0x361: {  	s17 =	simm.s32 $0x1E000  }
0x362: {  	[hbm4b:s2+s14] =	stream.linear.scatter [tilespmem:s17], [sflag:$0x5], $0x1000, $0x38;
	v63 =	vld [tilespmem:$0x0]  }
0x363: {  	_ =	swait.ge [sflag:s11], $0x1000  }
0x364: {  	[sflag:s11] =	ssyncset.done $0x0  }
0x365: {  	[sflag:s11] =	ssyncadd.s32 $0xFFFFF000  }
0x366: {  	_ =	swait.ge [sflag:s11], $0x1000  }
0x367: {  	[sflag:s11] =	ssyncset.done $0x0  }
0x368: {  	[sflag:s11] =	ssyncadd.s32 $0xFFFFF000  }
0x369: {  	_ =	swait.ge [sflag:s11], $0x1000  }
0x36a: {  	[sflag:s11] =	ssyncset.done $0x0  }
0x36b: {  	[sflag:s11] =	ssyncadd.s32 $0xFFFFF000  }
0x36c: {  	_ =	swait.ge [sflag:s11], $0x1000  }
0x36d: {  	[sflag:s11] =	ssyncset.done $0x0  }
0x36e: {  	[sflag:s11] =	ssyncadd.s32 $0xFFFFF000  }
0x36f: {  	_ =	swait.ge [sflag:s11], $0x1000  }
0x370: {  	[sflag:s11] =	ssyncset.done $0x0  }
0x371: {  	s15 =	simm.s32 $0x60;
	[sflag:s11] =	ssyncadd.s32 $0xFFFFF000  }
.LBB2_8:
0x372: {  	s17 =	sshll.u32 s15, $0x7  }
0x373: {  	v1 =	vmov s17  }
0x374: {  	v2 =	vor.u32 $0x20, v1  }
0x375: {  	v3 =	vor.u32 $0x10, v1  }
0x376: {  	v1 =	vor.u32 $0x30, v1  }
0x377: {  	s16 =	sshra.s32 s14, $0x2  }
0x378: {  	v9 =	vld [tilespmem:s16+$0x13000]  }
0x379: {  	v8 =	vld.idx.msk [tilespmem:v2+s0+$0x0], $0xffff  }
0x37a: {  	v10 =	vld.idx.msk [tilespmem:v3+s0+$0x0], $0xffff  }
0x37b: {  	v11 =	vld.idx.msk [tilespmem:v1+s0+$0x0], $0xffff;
	_ =	sdelay $0x3  }
0x37c: {  	vm0 =	vle.f32 v8, v9  }
0x37d: {  	v1 =	vsel vm0, v11, v10  }
0x37e: {  	vm1 =	vle.f32 v1, v9  }
0x37f: {  	v7 =	vld [tilespmem:s16+$0x13010];
	v1 =	vsel vm0, $0x20, v0;
	v2 =	vsel vm1, $0x10, v0  }
0x380: {  	v4 =	vld [tilespmem:s16+$0x13040];
	v1 =	vor.u32 v1, v2  }
0x381: {  	v2 =	vor.u32 $0x8, v1  }
0x382: {  	v3 =	vor.u32 s17, v2;
	_ =	sdelay $0x1  }
0x383: {  	vm9 =	vle.f32 v8, v7  }
0x384: {  	vm13 =	vle.f32 v8, v4;
	v12 =	vsel vm9, v11, v10  }
0x385: {  	v38 =	vsel vm13, v11, v10;
	vm2 =	vle.f32 v12, v7  }
0x386: {  	v61 =	vsel vm9, $0x20, v0;
	vm4 =	vle.f32 v38, v4;
	v14 =	vsel vm2, $0x10, v0;
	v13 =	vld.idx.msk [tilespmem:v3+s0+$0x0], $0xffff  }
0x387: {  	v17 =	vsel vm13, $0x20, v0;
	v18 =	vsel vm4, $0x10, v0;
	v12 =	vor.u32 v61, v14  }
0x388: {  	v17 =	vor.u32 v17, v18;
	v21 =	vor.u32 $0x8, v12  }
0x389: {  	v6 =	vld [tilespmem:s16+$0x13020];
	v43 =	vor.u32 $0x8, v17;
	v42 =	vor.u32 s17, v21  }
0x38a: {  	v29 =	vor.u32 s17, v43  }
0x38b: {  	vm14 =	vle.f32 v13, v9  }
0x38c: {  	v39 =	vsel vm14, v2, v1  }
0x38d: {  	v5 =	vld [tilespmem:s16+$0x13030];
	v40 =	vor.u32 $0x4, v39  }
0x38e: {  	vm10 =	vle.f32 v8, v6;
	v45 =	vld.idx.msk [tilespmem:v42+s0+$0x0], $0xffff;
	v19 =	vor.u32 s17, v40  }
0x38f: {  	v3 =	vsel vm10, v11, v10;
	v54 =	vld.idx.msk [tilespmem:v29+s0+$0x0], $0xffff  }
0x390: {  	vm11 =	vle.f32 v3, v6;
	v3 =	vld [tilespmem:s16+$0x13050]  }
0x391: {  	v15 =	vsel vm10, $0x20, v0;
	v16 =	vsel vm11, $0x10, v0  }
0x392: {  	vm12 =	vle.f32 v8, v5;
	v62 =	vor.u32 v15, v16  }
0x393: {  	v36 =	vsel vm12, $0x20, v0;
	v37 =	vsel vm12, v11, v10;
	v22 =	vor.u32 $0x8, v62;
	v19 =	vld.idx.msk [tilespmem:v19+s0+$0x0], $0xffff  }
0x394: {  	vm15 =	vle.f32 v37, v5;
	v23 =	vor.u32 s17, v22;
	vm10 =	vle.f32 v45, v7  }
0x395: {  	vm13 =	vle.f32 v54, v4;
	v2 =	vld [tilespmem:s16+$0x13060];
	v1 =	vsel vm15, $0x10, v0;
	vm5 =	vle.f32 v8, v3  }
0x396: {  	v17 =	vsel vm13, v43, v17;
	v15 =	vor.u32 v36, v1;
	v20 =	vsel vm5, v11, v10  }
0x397: {  	v41 =	vsel vm5, $0x20, v0;
	v1 =	vld [tilespmem:s16+$0x13070];
	vm0 =	vle.f32 v20, v3;
	v24 =	vor.u32 $0x8, v15  }
0x398: {  	v25 =	vsel vm0, $0x10, v0;
	v27 =	vor.u32 s17, v24;
	vm9 =	vle.f32 v19, v9  }
0x399: {  	v18 =	vor.u32 v41, v25;
	v25 =	vor.u32 $0x4, v17;
	v13 =	vsel vm9, v40, v39  }
0x39a: {  	vm6 =	vle.f32 v8, v2;
	v46 =	vor.u32 $0x8, v18;
	v55 =	vor.u32 $0x2, v13  }
0x39b: {  	v36 =	vor.u32 s17, v25;
	v26 =	vsel vm6, v11, v10;
	v31 =	vor.u32 s17, v55  }
0x39c: {  	v48 =	vld.idx.msk [tilespmem:v23+s0+$0x0], $0xffff;
	v44 =	vsel vm6, $0x20, v0;
	vm8 =	vle.f32 v8, v1;
	vm7 =	vle.f32 v26, v2  }
0x39d: {  	v49 =	vor.u32 s17, v46;
	v10 =	vsel vm8, v11, v10;
	v28 =	vsel vm7, $0x10, v0;
	v50 =	vld.idx.msk [tilespmem:v27+s0+$0x0], $0xffff  }
0x39e: {  	v8 =	vsel vm10, v21, v12;
	vm0 =	vle.f32 v10, v1;
	v26 =	vor.u32 v44, v28  }
0x39f: {  	v47 =	vsel vm8, $0x20, v0;
	v52 =	vsel vm0, $0x10, v0;
	v51 =	vor.u32 $0x8, v26  }
0x3a0: {  	v59 =	vor.u32 $0x4, v8;
	v53 =	vor.u32 v47, v52;
	v30 =	vor.u32 s17, v51;
	v34 =	vld.idx.msk [tilespmem:v31+s0+$0x0], $0xffff  }
0x3a1: {  	v60 =	vor.u32 s17, v59;
	vm11 =	vle.f32 v48, v6;
	v56 =	vor.u32 $0x8, v53  }
0x3a2: {  	v11 =	vsel vm11, v22, v62;
	v32 =	vor.u32 s17, v56;
	vm12 =	vle.f32 v50, v5  }
0x3a3: {  	v23 =	vld.idx.msk [tilespmem:v49+s0+$0x0], $0xffff;
	v61 =	vor.u32 $0x4, v11;
	v58 =	vsel vm12, v24, v15  }
0x3a4: {  	v20 =	vld.idx.msk [tilespmem:v36+s0+$0x0], $0xffff;
	v62 =	vor.u32 s17, v61;
	v33 =	vor.u32 $0x4, v58  }
0x3a5: {  	v57 =	vld.idx.msk [tilespmem:v30+s0+$0x0], $0xffff;
	v35 =	vor.u32 s17, v33;
	vm4 =	vle.f32 v34, v9  }
0x3a6: {  	v15 =	vld.idx.msk [tilespmem:v60+s0+$0x0], $0xffff;
	v13 =	vsel vm4, v55, v13  }
0x3a7: {  	v37 =	vld.idx.msk [tilespmem:v32+s0+$0x0], $0xffff;
	v28 =	vadd.s32 $0x1, v13  }
0x3a8: {  	vm14 =	vle.f32 v23, v3;
	v42 =	vor.u32 s17, v28  }
0x3a9: {  	v18 =	vsel vm14, v46, v18;
	v21 =	vld.idx.msk [tilespmem:v62+s0+$0x0], $0xffff  }
0x3aa: {  	v38 =	vor.u32 $0x4, v18;
	vm15 =	vle.f32 v57, v2;
	v23 =	vld.idx.msk [tilespmem:v35+s0+$0x0], $0xffff  }
0x3ab: {  	vm9 =	vle.f32 v20, v4;
	v39 =	vor.u32 s17, v38;
	v26 =	vsel vm15, v51, v26  }
0x3ac: {  	vm6 =	vle.f32 v15, v7;
	vm5 =	vle.f32 v37, v1;
	v40 =	vor.u32 $0x4, v26  }
0x3ad: {  	v8 =	vsel vm6, v59, v8;
	v16 =	vsel vm5, v56, v53;
	v41 =	vor.u32 s17, v40;
	v47 =	vld.idx.msk [tilespmem:v42+s0+$0x0], $0xffff  }
0x3ae: {  	v46 =	vor.u32 $0x2, v8;
	vm7 =	vle.f32 v21, v6;
	v29 =	vor.u32 $0x4, v16  }
0x3af: {  	v11 =	vsel vm7, v61, v11;
	v44 =	vor.u32 s17, v29;
	vm8 =	vle.f32 v23, v5  }
0x3b0: {  	v48 =	vor.u32 s17, v46;
	v27 =	vld.idx.msk [tilespmem:v39+s0+$0x0], $0xffff;
	v49 =	vor.u32 $0x2, v11;
	v12 =	vsel vm8, v33, v58  }
0x3b1: {  	v45 =	vsel vm9, v25, v17;
	v50 =	vor.u32 s17, v49;
	v22 =	vor.u32 $0x2, v12  }
0x3b2: {  	v52 =	vor.u32 $0x2, v45;
	v43 =	vld.idx.msk [tilespmem:v41+s0+$0x0], $0xffff;
	v51 =	vor.u32 s17, v22;
	vm12 =	vle.f32 v47, v9  }
0x3b3: {  	v54 =	vor.u32 s17, v52;
	v13 =	vsel vm12, v28, v13  }
0x3b4: {  	v24 =	vld.idx.msk [tilespmem:v44+s0+$0x0], $0xffff;
	v28 =	vor.u32 s17, v13  }
0x3b5: {  	v57 =	vld.idx.msk [tilespmem:v48+s0+$0x0], $0xffff;
	vm10 =	vle.f32 v27, v3;
	v13 =	vadd.s32 s17, v13  }
0x3b6: {  	v10 =	vsel vm10, v38, v18;
	v18 =	vld.idx.msk [tilespmem:v50+s0+$0x0], $0xffff;
	v13 =	vadd.s32 $0x1, v13  }
0x3b7: {  	vm11 =	vle.f32 v43, v2;
	v15 =	vld.idx.msk [tilespmem:v51+s0+$0x0], $0xffff  }
0x3b8: {  	v53 =	vsel vm11, v40, v26;
	v26 =	vld.idx.msk [tilespmem:v54+s0+$0x0], $0xffff  }
0x3b9: {  	v55 =	vor.u32 $0x2, v10;
	vm13 =	vle.f32 v24, v1;
	v24 =	vld.idx.msk [tilespmem:v28+s5+$0x0], $0xffff  }
0x3ba: {  	v56 =	vor.u32 s17, v55;
	v32 =	vld.idx.msk [tilespmem:v28+s6+$0x0], $0xffff  }
0x3bb: {  	v31 =	vor.u32 $0x2, v53;
	v34 =	vld.idx.msk [tilespmem:v13+s5+$0x0], $0xffff  }
0x3bc: {  	v29 =	vsel vm13, v29, v16;
	v58 =	vor.u32 s17, v31;
	v36 =	vld.idx.msk [tilespmem:v13+s6+$0x0], $0xffff  }
0x3bd: {  	vm14 =	vle.f32 v57, v7;
	v33 =	vor.u32 $0x2, v29;
	v19 =	vld.idx.msk [tilespmem:v28+s7+$0x0], $0xffff  }
0x3be: {  	v17 =	vsel vm14, v46, v8;
	v35 =	vor.u32 s17, v33;
	v59 =	vld.idx.msk [tilespmem:v13+s7+$0x0], $0xffff  }
0x3bf: {  	v61 =	vadd.s32 $0x1, v17;
	v30 =	vld.idx.msk [tilespmem:v56+s0+$0x0], $0xffff  }
0x3c0: {  	vm15 =	vle.f32 v18, v6;
	v41 =	vor.u32 s17, v61;
	vm4 =	vle.f32 v15, v5  }
0x3c1: {  	vm5 =	vle.f32 v26, v4;
	v20 =	vld.idx.msk [tilespmem:v58+s0+$0x0], $0xffff;
	v62 =	vsub.f32 v34, v24;
	v40 =	vsub.f32 v36, v32  }
0x3c2: {  	v18 =	vsel vm15, v49, v11;
	v21 =	vsel vm4, v22, v12;
	v16 =	vsel vm5, v52, v45  }
0x3c3: {  	v60 =	vld.idx.msk [tilespmem:v35+s0+$0x0], $0xffff;
	v42 =	vsub.f32 v59, v19;
	v43 =	vmul.f32 v62, v62;
	v44 =	vmul.f32 v40, v40  }
0x3c4: {  	v45 =	vadd.s32 $0x1, v18;
	v27 =	vadd.s32 $0x1, v21;
	vm6 =	vle.f32 v30, v3;
	v46 =	vld.idx.msk [tilespmem:v28+s0+$0x0], $0xffff  }
0x3c5: {  	v48 =	vor.u32 s17, v45;
	v47 =	vmul.f32 v42, v42;
	v8 =	vadd.f32 v44, v43  }
0x3c6: {  	v49 =	vor.u32 s17, v27;
	v13 =	vsel vm6, v55, v10;
	vm7 =	vle.f32 v20, v2  }
0x3c7: {  	v15 =	vadd.s32 $0x1, v13;
	v10 =	vsel vm7, v31, v53;
	v28 =	vadd.f32 v47, v8  }
0x3c8: {  	v50 =	vld.idx.msk [tilespmem:v41+s0+$0x0], $0xffff;
	vm8 =	vle.f32 v60, v1;
	v31 =	vadd.s32 $0x1, v16;
	v52 =	vor.u32 s17, v15  }
0x3c9: {  	v12 =	vadd.s32 $0x1, v10;
	v26 =	vsub.f32 v9, v46;
	v28 =	vshra.s32 v28, $0x1  }
0x3ca: {  	v53 =	vor.u32 s17, v12;
	v8 =	vsel vm8, v33, v29;
	v28 =	vsub.s32 $0x5F3759DF, v28  }
0x3cb: {  	v51 =	vor.u32 s17, v31;
	v9 =	vadd.s32 $0x1, v8;
	v55 =	vmul.f32 v28, v26  }
0x3cc: {  	v54 =	vld.idx.msk [tilespmem:v48+s0+$0x0], $0xffff;
	v56 =	vor.u32 s17, v9  }
0x3cd: {  	vm9 =	vle.f32 v50, v7;
	v57 =	vld.idx.msk [tilespmem:v49+s0+$0x0], $0xffff;
	v22 =	vmul.f32 v55, v62  }
0x3ce: {  	v58 =	vsel vm9, v61, v17;
	v17 =	vld.idx.msk [tilespmem:v52+s0+$0x0], $0xffff;
	v23 =	vmul.f32 v55, v40  }
0x3cf: {  	v59 =	vor.u32 s17, v58;
	v14 =	vld.idx.msk [tilespmem:v53+s0+$0x0], $0xffff;
	v20 =	vmul.f32 v55, v42;
	v22 =	vadd.f32 v22, v24  }
0x3d0: {  	v60 =	vadd.s32 s17, v58;
	v29 =	vld.idx.msk [tilespmem:v51+s0+$0x0], $0xffff;
	v23 =	vadd.f32 v23, v32  }
0x3d1: {  	v61 =	vadd.s32 $0x1, v60;
	v11 =	vld.idx.msk [tilespmem:v56+s0+$0x0], $0xffff;
	v19 =	vadd.f32 v20, v19;
	[tilespmem:s16+$0x17000] =	vst v22  }
0x3d2: {  	[tilespmem:s16+$0x1B000] =	vst v23  }
0x3d3: {  	[tilespmem:s16+$0x1F000] =	vst v19  }
0x3d4: {  	v19 =	vld.idx.msk [tilespmem:v59+s5+$0x0], $0xffff  }
0x3d5: {  	v22 =	vld.idx.msk [tilespmem:v59+s6+$0x0], $0xffff  }
0x3d6: {  	v23 =	vld.idx.msk [tilespmem:v61+s5+$0x0], $0xffff  }
0x3d7: {  	v26 =	vld.idx.msk [tilespmem:v61+s6+$0x0], $0xffff  }
0x3d8: {  	v62 =	vld.idx.msk [tilespmem:v59+s7+$0x0], $0xffff  }
0x3d9: {  	v20 =	vld.idx.msk [tilespmem:v61+s7+$0x0], $0xffff;
	_ =	sdelay $0x2  }
0x3da: {  	v23 =	vsub.f32 v23, v19;
	v26 =	vsub.f32 v26, v22;
	_ =	sdelay $0x1  }
0x3db: {  	v20 =	vsub.f32 v20, v62;
	v37 =	vmul.f32 v23, v23;
	v38 =	vmul.f32 v26, v26  }
0x3dc: {  	v24 =	vld.idx.msk [tilespmem:v59+s0+$0x0], $0xffff  }
0x3dd: {  	v39 =	vmul.f32 v20, v20;
	v32 =	vadd.f32 v38, v37;
	_ =	sdelay $0x1  }
0x3de: {  	v32 =	vadd.f32 v39, v32;
	_ =	sdelay $0x1  }
0x3df: {  	v7 =	vsub.f32 v7, v24;
	v40 =	vshra.s32 v32, $0x1  }
0x3e0: {  	v24 =	vsub.s32 $0x5F3759DF, v40  }
0x3e1: {  	v7 =	vmul.f32 v24, v7;
	_ =	sdelay $0x1  }
0x3e2: {  	vm10 =	vle.f32 v54, v6;
	v23 =	vmul.f32 v7, v23  }
0x3e3: {  	v18 =	vsel vm10, v45, v18;
	v24 =	vmul.f32 v7, v26  }
0x3e4: {  	v41 =	vor.u32 s17, v18;
	v7 =	vmul.f32 v7, v20;
	v19 =	vadd.f32 v23, v19  }
0x3e5: {  	v18 =	vadd.s32 s17, v18;
	v22 =	vadd.f32 v24, v22  }
0x3e6: {  	v18 =	vadd.s32 $0x1, v18;
	v7 =	vadd.f32 v7, v62;
	[tilespmem:s16+$0x17010] =	vst v19  }
0x3e7: {  	[tilespmem:s16+$0x1B010] =	vst v22  }
0x3e8: {  	[tilespmem:s16+$0x1F010] =	vst v7  }
0x3e9: {  	v7 =	vld.idx.msk [tilespmem:v41+s5+$0x0], $0xffff  }
0x3ea: {  	v19 =	vld.idx.msk [tilespmem:v41+s6+$0x0], $0xffff  }
0x3eb: {  	v22 =	vld.idx.msk [tilespmem:v18+s5+$0x0], $0xffff  }
0x3ec: {  	v42 =	vld.idx.msk [tilespmem:v18+s6+$0x0], $0xffff  }
0x3ed: {  	v43 =	vld.idx.msk [tilespmem:v41+s7+$0x0], $0xffff  }
0x3ee: {  	v18 =	vld.idx.msk [tilespmem:v18+s7+$0x0], $0xffff;
	_ =	sdelay $0x2  }
0x3ef: {  	v22 =	vsub.f32 v22, v7;
	v23 =	vsub.f32 v42, v19;
	_ =	sdelay $0x1  }
0x3f0: {  	v18 =	vsub.f32 v18, v43;
	v44 =	vmul.f32 v22, v22;
	v45 =	vmul.f32 v23, v23  }
0x3f1: {  	v20 =	vld.idx.msk [tilespmem:v41+s0+$0x0], $0xffff  }
0x3f2: {  	v46 =	vmul.f32 v18, v18;
	v25 =	vadd.f32 v45, v44;
	_ =	sdelay $0x1  }
0x3f3: {  	v25 =	vadd.f32 v46, v25;
	_ =	sdelay $0x1  }
0x3f4: {  	v6 =	vsub.f32 v6, v20;
	v47 =	vshra.s32 v25, $0x1  }
0x3f5: {  	v20 =	vsub.s32 $0x5F3759DF, v47  }
0x3f6: {  	v6 =	vmul.f32 v20, v6;
	_ =	sdelay $0x1  }
0x3f7: {  	vm11 =	vle.f32 v57, v5;
	v20 =	vmul.f32 v6, v22  }
0x3f8: {  	v21 =	vsel vm11, v27, v21;
	v48 =	vmul.f32 v6, v23  }
0x3f9: {  	v49 =	vor.u32 s17, v21;
	v6 =	vmul.f32 v6, v18;
	v7 =	vadd.f32 v20, v7  }
0x3fa: {  	v50 =	vadd.s32 s17, v21;
	v19 =	vadd.f32 v48, v19  }
0x3fb: {  	v51 =	vadd.s32 $0x1, v50;
	v6 =	vadd.f32 v6, v43;
	[tilespmem:s16+$0x17020] =	vst v7  }
0x3fc: {  	[tilespmem:s16+$0x1B020] =	vst v19  }
0x3fd: {  	[tilespmem:s16+$0x1F020] =	vst v6  }
0x3fe: {  	v6 =	vld.idx.msk [tilespmem:v49+s5+$0x0], $0xffff  }
0x3ff: {  	v19 =	vld.idx.msk [tilespmem:v49+s6+$0x0], $0xffff  }
0x400: {  	v20 =	vld.idx.msk [tilespmem:v51+s5+$0x0], $0xffff  }
0x401: {  	v52 =	vld.idx.msk [tilespmem:v51+s6+$0x0], $0xffff  }
0x402: {  	v53 =	vld.idx.msk [tilespmem:v49+s7+$0x0], $0xffff  }
0x403: {  	v7 =	vld.idx.msk [tilespmem:v51+s7+$0x0], $0xffff;
	_ =	sdelay $0x2  }
0x404: {  	v20 =	vsub.f32 v20, v6;
	v21 =	vsub.f32 v52, v19;
	_ =	sdelay $0x1  }
0x405: {  	v7 =	vsub.f32 v7, v53;
	v54 =	vmul.f32 v20, v20;
	v55 =	vmul.f32 v21, v21  }
0x406: {  	v18 =	vld.idx.msk [tilespmem:v49+s0+$0x0], $0xffff  }
0x407: {  	v56 =	vmul.f32 v7, v7;
	v23 =	vadd.f32 v55, v54;
	_ =	sdelay $0x1  }
0x408: {  	v23 =	vadd.f32 v56, v23;
	_ =	sdelay $0x1  }
0x409: {  	v5 =	vsub.f32 v5, v18;
	v57 =	vshra.s32 v23, $0x1  }
0x40a: {  	v18 =	vsub.s32 $0x5F3759DF, v57  }
0x40b: {  	v5 =	vmul.f32 v18, v5;
	_ =	sdelay $0x1  }
0x40c: {  	vm12 =	vle.f32 v29, v4;
	v18 =	vmul.f32 v5, v20  }
0x40d: {  	v16 =	vsel vm12, v31, v16;
	v58 =	vmul.f32 v5, v21  }
0x40e: {  	v59 =	vor.u32 s17, v16;
	v5 =	vmul.f32 v5, v7;
	v6 =	vadd.f32 v18, v6  }
0x40f: {  	v16 =	vadd.s32 s17, v16;
	v60 =	vadd.f32 v58, v19  }
0x410: {  	v61 =	vadd.s32 $0x1, v16;
	v5 =	vadd.f32 v5, v53;
	[tilespmem:s16+$0x17030] =	vst v6  }
0x411: {  	[tilespmem:s16+$0x1B030] =	vst v60  }
0x412: {  	[tilespmem:s16+$0x1F030] =	vst v5  }
0x413: {  	v5 =	vld.idx.msk [tilespmem:v59+s5+$0x0], $0xffff  }
0x414: {  	v62 =	vld.idx.msk [tilespmem:v59+s6+$0x0], $0xffff  }
0x415: {  	v18 =	vld.idx.msk [tilespmem:v61+s5+$0x0], $0xffff  }
0x416: {  	v24 =	vld.idx.msk [tilespmem:v61+s6+$0x0], $0xffff  }
0x417: {  	v25 =	vld.idx.msk [tilespmem:v59+s7+$0x0], $0xffff  }
0x418: {  	v6 =	vld.idx.msk [tilespmem:v61+s7+$0x0], $0xffff;
	_ =	sdelay $0x2  }
0x419: {  	v18 =	vsub.f32 v18, v5;
	v19 =	vsub.f32 v24, v62;
	_ =	sdelay $0x1  }
0x41a: {  	v6 =	vsub.f32 v6, v25;
	v26 =	vmul.f32 v18, v18;
	v27 =	vmul.f32 v19, v19  }
0x41b: {  	v7 =	vld.idx.msk [tilespmem:v59+s0+$0x0], $0xffff  }
0x41c: {  	v28 =	vmul.f32 v6, v6;
	v21 =	vadd.f32 v27, v26;
	_ =	sdelay $0x1  }
0x41d: {  	v21 =	vadd.f32 v28, v21;
	_ =	sdelay $0x1  }
0x41e: {  	v4 =	vsub.f32 v4, v7;
	v29 =	vshra.s32 v21, $0x1  }
0x41f: {  	v7 =	vsub.s32 $0x5F3759DF, v29  }
0x420: {  	v4 =	vmul.f32 v7, v4;
	_ =	sdelay $0x1  }
0x421: {  	vm13 =	vle.f32 v17, v3;
	v7 =	vmul.f32 v4, v18  }
0x422: {  	v13 =	vsel vm13, v15, v13;
	v30 =	vmul.f32 v4, v19  }
0x423: {  	v31 =	vor.u32 s17, v13;
	v4 =	vmul.f32 v4, v6;
	v5 =	vadd.f32 v7, v5  }
0x424: {  	v13 =	vadd.s32 s17, v13;
	v32 =	vadd.f32 v30, v62  }
0x425: {  	v33 =	vadd.s32 $0x1, v13;
	v4 =	vadd.f32 v4, v25;
	[tilespmem:s16+$0x17040] =	vst v5  }
0x426: {  	[tilespmem:s16+$0x1B040] =	vst v32  }
0x427: {  	[tilespmem:s16+$0x1F040] =	vst v4  }
0x428: {  	v4 =	vld.idx.msk [tilespmem:v31+s5+$0x0], $0xffff  }
0x429: {  	v7 =	vld.idx.msk [tilespmem:v31+s6+$0x0], $0xffff  }
0x42a: {  	v13 =	vld.idx.msk [tilespmem:v33+s5+$0x0], $0xffff  }
0x42b: {  	v34 =	vld.idx.msk [tilespmem:v33+s6+$0x0], $0xffff  }
0x42c: {  	v35 =	vld.idx.msk [tilespmem:v31+s7+$0x0], $0xffff  }
0x42d: {  	v5 =	vld.idx.msk [tilespmem:v33+s7+$0x0], $0xffff;
	_ =	sdelay $0x2  }
0x42e: {  	v13 =	vsub.f32 v13, v4;
	v15 =	vsub.f32 v34, v7;
	_ =	sdelay $0x1  }
0x42f: {  	v5 =	vsub.f32 v5, v35;
	v36 =	vmul.f32 v13, v13;
	v37 =	vmul.f32 v15, v15  }
0x430: {  	v6 =	vld.idx.msk [tilespmem:v31+s0+$0x0], $0xffff  }
0x431: {  	v38 =	vmul.f32 v5, v5;
	v17 =	vadd.f32 v37, v36;
	_ =	sdelay $0x1  }
0x432: {  	v17 =	vadd.f32 v38, v17;
	_ =	sdelay $0x1  }
0x433: {  	v3 =	vsub.f32 v3, v6;
	v39 =	vshra.s32 v17, $0x1  }
0x434: {  	v6 =	vsub.s32 $0x5F3759DF, v39  }
0x435: {  	v3 =	vmul.f32 v6, v3;
	_ =	sdelay $0x1  }
0x436: {  	vm14 =	vle.f32 v14, v2;
	v6 =	vmul.f32 v3, v13  }
0x437: {  	v10 =	vsel vm14, v12, v10;
	v40 =	vmul.f32 v3, v15  }
0x438: {  	v41 =	vor.u32 s17, v10;
	v3 =	vmul.f32 v3, v5;
	v4 =	vadd.f32 v6, v4  }
0x439: {  	v43 =	vadd.s32 s17, v10;
	v42 =	vadd.f32 v40, v7  }
0x43a: {  	v44 =	vadd.s32 $0x1, v43;
	v3 =	vadd.f32 v3, v35;
	[tilespmem:s16+$0x17050] =	vst v4  }
0x43b: {  	[tilespmem:s16+$0x1B050] =	vst v42  }
0x43c: {  	[tilespmem:s16+$0x1F050] =	vst v3  }
0x43d: {  	v3 =	vld.idx.msk [tilespmem:v41+s5+$0x0], $0xffff  }
0x43e: {  	v6 =	vld.idx.msk [tilespmem:v41+s6+$0x0], $0xffff  }
0x43f: {  	v7 =	vld.idx.msk [tilespmem:v44+s5+$0x0], $0xffff  }
0x440: {  	v45 =	vld.idx.msk [tilespmem:v44+s6+$0x0], $0xffff  }
0x441: {  	v46 =	vld.idx.msk [tilespmem:v41+s7+$0x0], $0xffff  }
0x442: {  	v4 =	vld.idx.msk [tilespmem:v44+s7+$0x0], $0xffff;
	_ =	sdelay $0x2  }
0x443: {  	v7 =	vsub.f32 v7, v3;
	v10 =	vsub.f32 v45, v6;
	_ =	sdelay $0x1  }
0x444: {  	v4 =	vsub.f32 v4, v46;
	v47 =	vmul.f32 v7, v7;
	v48 =	vmul.f32 v10, v10  }
0x445: {  	v5 =	vld.idx.msk [tilespmem:v41+s0+$0x0], $0xffff  }
0x446: {  	v49 =	vmul.f32 v4, v4;
	v13 =	vadd.f32 v48, v47;
	_ =	sdelay $0x1  }
0x447: {  	v13 =	vadd.f32 v49, v13;
	_ =	sdelay $0x1  }
0x448: {  	v2 =	vsub.f32 v2, v5;
	v50 =	vshra.s32 v13, $0x1  }
0x449: {  	v5 =	vsub.s32 $0x5F3759DF, v50  }
0x44a: {  	v2 =	vmul.f32 v5, v2;
	_ =	sdelay $0x1  }
0x44b: {  	vm15 =	vle.f32 v11, v1;
	v5 =	vmul.f32 v2, v7  }
0x44c: {  	v51 =	vsel vm15, v9, v8;
	v52 =	vmul.f32 v2, v10  }
0x44d: {  	v53 =	vor.u32 s17, v51;
	v2 =	vmul.f32 v2, v4;
	v3 =	vadd.f32 v5, v3  }
0x44e: {  	v55 =	vadd.s32 s17, v51;
	v54 =	vadd.f32 v52, v6  }
0x44f: {  	v2 =	vadd.f32 v2, v46;
	[tilespmem:s16+$0x17060] =	vst v3;
	v3 =	vadd.s32 $0x1, v55  }
0x450: {  	[tilespmem:s16+$0x1B060] =	vst v54  }
0x451: {  	[tilespmem:s16+$0x1F060] =	vst v2  }
0x452: {  	v2 =	vld.idx.msk [tilespmem:v53+s5+$0x0], $0xffff  }
0x453: {  	v5 =	vld.idx.msk [tilespmem:v53+s6+$0x0], $0xffff  }
0x454: {  	v6 =	vld.idx.msk [tilespmem:v3+s5+$0x0], $0xffff  }
0x455: {  	v56 =	vld.idx.msk [tilespmem:v3+s6+$0x0], $0xffff  }
0x456: {  	v57 =	vld.idx.msk [tilespmem:v53+s7+$0x0], $0xffff  }
0x457: {  	v3 =	vld.idx.msk [tilespmem:v3+s7+$0x0], $0xffff;
	_ =	sdelay $0x2  }
0x458: {  	v6 =	vsub.f32 v6, v2;
	v7 =	vsub.f32 v56, v5;
	_ =	sdelay $0x1  }
0x459: {  	v3 =	vsub.f32 v3, v57;
	v58 =	vmul.f32 v6, v6;
	v59 =	vmul.f32 v7, v7  }
0x45a: {  	v4 =	vld.idx.msk [tilespmem:v53+s0+$0x0], $0xffff  }
0x45b: {  	v60 =	vmul.f32 v3, v3;
	v9 =	vadd.f32 v59, v58;
	_ =	sdelay $0x1  }
0x45c: {  	v9 =	vadd.f32 v60, v9;
	_ =	sdelay $0x1  }
0x45d: {  	v1 =	vsub.f32 v1, v4;
	v61 =	vshra.s32 v9, $0x1  }
0x45e: {  	v4 =	vsub.s32 $0x5F3759DF, v61  }
0x45f: {  	v1 =	vmul.f32 v4, v1;
	_ =	sdelay $0x1  }
0x460: {  	v4 =	vmul.f32 v1, v6  }
0x461: {  	p0 =	sne.s32 s14, $0x3E00;
	v62 =	vmul.f32 v1, v7  }
.Ltmp3:
0x462: {  	v1 =	vmul.f32 v1, v3;
	v2 =	vadd.f32 v4, v2;
	(pc) =	sbr.rel @p0 .LBB2_8-.Ltmp3, $4  }
0x463: {  	v3 =	vadd.f32 v62, v5  }
0x464: {  	v1 =	vadd.f32 v1, v57;
	[tilespmem:s16+$0x17070] =	vst v2  }
0x465: {  	[tilespmem:s16+$0x1B070] =	vst v3  }
0x466: {  	s15 =	sadd.s32 $0x1, s15;
	s14 =	sadd.s32 $0x200, s14;
	[tilespmem:s16+$0x1F070] =	vst v1  }
0x467: {  	s14 =	simm.s32 $0x17000  }
0x468: {  	[hbm4b:s26+s0] =	stream.linear.scatter [tilespmem:s14], [sflag:$0x5], $0x1000, $0x38;
	v63 =	vld [tilespmem:$0x0]  }
0x469: {  	s16 =	simm.s32 $0x1B000  }
0x46a: {  	[hbm4b:s3+s0] =	stream.linear.scatter [tilespmem:s16], [sflag:$0x5], $0x1000, $0x38;
	v63 =	vld [tilespmem:$0x0]  }
0x46b: {  	s17 =	simm.s32 $0x1F000  }
0x46c: {  	[hbm4b:s4+s0] =	stream.linear.scatter [tilespmem:s17], [sflag:$0x5], $0x1000, $0x38;
	v63 =	vld [tilespmem:$0x0]  }
0x46d: {  	_ =	swait.ge [sflag:s12], $0x1000  }
0x46e: {  	[sflag:s12] =	ssyncset.done $0x0  }
0x46f: {  	[sflag:s12] =	ssyncadd.s32 $0xFFFFF000  }
0x470: {  	_ =	swait.ge [sflag:s12], $0x1000  }
0x471: {  	[sflag:s12] =	ssyncset.done $0x0  }
0x472: {  	[sflag:s12] =	ssyncadd.s32 $0xFFFFF000  }
0x473: {  	_ =	swait.ge [sflag:s12], $0x1000  }
0x474: {  	[sflag:s12] =	ssyncset.done $0x0  }
0x475: {  	[sflag:s12] =	ssyncadd.s32 $0xFFFFF000  }
0x476: {  	_ =	swait.ge [sflag:s12], $0x1000  }
0x477: {  	[sflag:s12] =	ssyncset.done $0x0  }
0x478: {  	[sflag:s12] =	ssyncadd.s32 $0xFFFFF000  }
0x479: {  	_ =	swait.ge [sflag:s12], $0x1000  }
0x47a: {  	[sflag:s12] =	ssyncset.done $0x0  }
0x47b: {  	[sflag:s12] =	ssyncadd.s32 $0xFFFFF000  }
0x47c: {  	_ =	swait.ge [sflag:s12], $0x1000  }
0x47d: {  	[sflag:s12] =	ssyncset.done $0x0  }
0x47e: {  	[sflag:s12] =	ssyncadd.s32 $0xFFFFF000  }
0x47f: {  	_ =	swait.ge [sflag:s12], $0x1000  }
0x480: {  	[sflag:s12] =	ssyncset.done $0x0  }
0x481: {  	[sflag:s12] =	ssyncadd.s32 $0xFFFFF000  }
0x482: {  	_ =	swait.ge [sflag:s12], $0x1000  }
0x483: {  	[sflag:s12] =	ssyncset.done $0x0  }
0x484: {  	[sflag:s12] =	ssyncadd.s32 $0xFFFFF000  }
0x485: {  	_ =	swait.ge [sflag:s12], $0x1000  }
0x486: {  	[sflag:s12] =	ssyncset.done $0x0  }
0x487: {  	[sflag:s12] =	ssyncadd.s32 $0xFFFFF000  }
0x488: {  	_ =	swait.ge [sflag:s12], $0x1000  }
0x489: {  	[sflag:s12] =	ssyncset.done $0x0  }
0x48a: {  	s13 =	sadd.s32 $0x1, s13;
	[sflag:s12] =	ssyncadd.s32 $0xFFFFF000  }
0x48b: {  	p0 =	sne.s32 s13, s28;
	_ =	swait.ge [sflag:s12], $0x1000  }
.Ltmp4:
0x48c: {  	[sflag:s12] =	ssyncset.done $0x0;
	(pc) =	sbr.rel @p0 .LBB2_1-.Ltmp4, $4  }
0x48d: {  	[sflag:s12] =	ssyncadd.s32 $0xFFFFF000  }
0x48e: {  	_ =	swait.ge [sflag:s12], $0x1000  }
0x48f: {  	[sflag:s12] =	ssyncset.done $0x0  }
0x490: {  	[sflag:s12] =	ssyncadd.s32 $0xFFFFF000  }
0x491: {  	_ =	sfence.sel $0x180000  }
0x492: {  	[bflag:$0x0] =	sbarrier.arrive $0xFFFF  }
0x493: {  	_ =	strace $0x90000047  }
0x494: {  	s0 =	stileid.u32;
	[bflag:$0x2] =	sbarrier.arrive $0xFFFF  }
0x495: {  	p0 =	sne.s32 s0, $0x0;
	s0 =	rddreg [dreg:$0x3]  }
0x496: {  	s0 =	sadd.s32 @!p0 $0x100000, s0  }
0x497: {  	[sflag:s0] =	ssyncadd.tile.s32 @!p0 $0x1;
	_ =	shalt  }
.Lfunc_end2:
_tile_overlayer_lowered:
.L_overlay_start_2:
0x498: {  	(tag) =	ssettag $0x2  }
0x499: {  	s0 =	rddreg [dreg:$0x0];
	s2 =	stileid.u32  }
0x49a: {  	s1 =	rddreg [dreg:$0x1];
	p0 =	sne.s32 s2, $0x0  }
0x49b: {  	s3 =	rddreg [dreg:$0x2];
	[bflag:$0x3] =	sbarrier.arrive $0xFFFF;
	s2 =	simm.s32 @!p0 $0x1C06  }
0x49c: {  	[timem:s3], [sflag:s2] =	dma.local @!p0 [hbm:s0], s1  }
0x49d: {  	s0 =	simm.s32 @!p0 $0x6  }
0x49e: {  	_ =	swait.ge @!p0 [sflag:s0], s1  }
0x49f: {  	s1 =	ssub.s32 @!p0 $0x0, s1;
	[sflag:s0] =	ssyncset.done @!p0 $0x0  }
0x4a0: {  	[sflag:s0] =	ssyncadd.s32 @!p0 s1  }
0x4a1: {  	[bflag:$0x3] =	sbarrier.arrive $0xFFFF  }
0x4a2: {  	_ =	shalt  }

</sc_bundles>
